<compile_context>
chip_gen: v7x
topology: tpu7x:2x2x1
jax: 0.10.2.dev20260603
libtpu: 0.0.44.dev20260713+nightly
codegen_flags: <defaults>
</compile_context>

<pallas_src>
import dataclasses
import functools

import jax
import jax.numpy as jnp
from jax import lax
from jax.experimental import pallas as pl
from jax.experimental.pallas import tpu as pltpu
from jax.experimental.pallas import tpu_sc as plsc

N = 10000
NPAD = 10240
D = 128
NACT = 10000
NC = 2
NS = 16
NW = NC * NS
K = 112
NBUF = 3
CW = 16
RPT = NPAD // NS
BM = 512

_MESH = plsc.VectorSubcoreMesh(core_axis_name="c", subcore_axis_name="s")

_CP = pltpu.CompilerParams()
if "needs_layout_passes" in pltpu.CompilerParams.__dataclass_fields__:
    _CP = dataclasses.replace(_CP, needs_layout_passes=False)



def _deg_call(dst1, eww):

    @functools.partial(
        pl.kernel,
        out_type=jax.ShapeDtypeStruct((NC, NPAD), jnp.float32),
        mesh=_MESH,
        scratch_types=[
            pltpu.VMEM_SHARED((NS, NPAD), jnp.float32),
            pltpu.VMEM((NPAD,), jnp.float32),
            pltpu.VMEM((eww,), jnp.int32),
            pltpu.VMEM((NS, RPT), jnp.float32),
            pltpu.VMEM((RPT,), jnp.float32),
        ],
        compiler_params=_CP,
    )
    def deg_kernel(dst_hbm, out_hbm, acc_sh, degl, idxd_v, stage_v, res_v):
        c = lax.axis_index("c")
        s = lax.axis_index("s")
        wid = c * NS + s

        @pl.loop(0, NPAD // 16)
        def _(i):
            degl[pl.ds(i * 16, 16)] = jnp.zeros((16,), jnp.float32)

        wbase = pl.multiple_of(wid * eww, 8)
        pltpu.sync_copy(dst_hbm.at[pl.ds(wbase, eww)], idxd_v)
        ones16 = jnp.ones((16,), jnp.float32)

        @pl.loop(0, eww // 16)
        def _(i):
            idx16 = idxd_v[pl.ds(i * 16, 16)]
            plsc.addupdate_scatter(degl, [idx16], ones16)

        pltpu.sync_copy(degl, acc_sh.at[s])
        plsc.subcore_barrier()
        pltpu.sync_copy(acc_sh.at[:, pl.ds(s * RPT, RPT)], stage_v)

        @pl.loop(0, RPT // 16)
        def _(i):
            acc = jnp.zeros((16,), jnp.float32)
            for t in range(NS):
                acc = acc + stage_v[t, pl.ds(i * 16, 16)]
            res_v[pl.ds(i * 16, 16)] = acc

        pltpu.sync_copy(res_v, out_hbm.at[c, pl.ds(s * RPT, RPT)])

    return deg_kernel(dst1)


def _agg_call(src2, dst2, ps, nwpw):

    @functools.partial(
        pl.kernel,
        out_type=jax.ShapeDtypeStruct((NC, NPAD, D), jnp.float32),
        mesh=_MESH,
        scratch_types=[
            pltpu.VMEM_SHARED((NPAD, D), jnp.float32),
            pltpu.VMEM((CW, K), jnp.int32),
            pltpu.VMEM((CW, K), jnp.int32),
            pltpu.VMEM((NBUF, K, D), jnp.float32),
            pltpu.SemaphoreType.DMA,
            pltpu.SemaphoreType.DMA,
            pltpu.SemaphoreType.DMA,
        ],
    )
    def agg_kernel(src_hbm, dst_hbm, ps_hbm, out_hbm,
                   acc_sh, idxs_v, idxd_v, bufs, s0, s1, s2):
        sems = [s0, s1, s2]
        c = lax.axis_index("c")
        s = lax.axis_index("s")
        wid = c * NS + s
        wbase = pl.multiple_of(wid * nwpw, 8)

        @pl.loop(0, K)
        def _(i):
            for j in range(0, D, 16):
                bufs[0, i, pl.ds(j, 16)] = jnp.zeros((16,), jnp.float32)

        full, rem = RPT // K, RPT % K
        for r in range(full):
            pltpu.sync_copy(bufs.at[0], acc_sh.at[pl.ds(s * RPT + r * K, K)])
        if rem:
            pltpu.sync_copy(bufs.at[0, pl.ds(0, rem)],
                            acc_sh.at[pl.ds(s * RPT + full * K, rem)])
        plsc.subcore_barrier()

        @pl.loop(0, nwpw // CW)
        def _(kc):
            cbase = pl.multiple_of(wbase + kc * CW, 8)
            pltpu.sync_copy(src_hbm.at[pl.ds(cbase, CW)], idxs_v)
            pltpu.sync_copy(dst_hbm.at[pl.ds(cbase, CW)], idxd_v)
            for b in range(NBUF):
                pltpu.async_copy(ps_hbm.at[idxs_v.at[b]], bufs.at[b], sems[b])

            for w in range(CW):
                b = w % NBUF
                pltpu.make_async_copy(
                    ps_hbm.at[pl.ds(0, K)], bufs.at[b], sems[b]).wait()
                pltpu.sync_copy(bufs.at[b], acc_sh.at[idxd_v.at[w]],
                                add=True)
                wn = w + NBUF
                if wn < CW:
                    pltpu.async_copy(ps_hbm.at[idxs_v.at[wn]], bufs.at[b],
                                     sems[b])

        plsc.subcore_barrier()
        pltpu.sync_copy(acc_sh.at[pl.ds(s * RPT, RPT)],
                        out_hbm.at[c, pl.ds(s * RPT, RPT)])

    return agg_kernel(src2, dst2, ps)



def _mm_scale_body(x_ref, w_ref, d0_ref, d1_ref, dinv_ref, ps_ref):
    p = lax.dot_general(
        x_ref[...], w_ref[...], (((1,), (1,)), ((), ())),
        preferred_element_type=jnp.float32)
    deg = d0_ref[...] + d1_ref[...] + 1.0
    dinv = lax.rsqrt(deg)
    dinv_ref[...] = dinv
    ps_ref[...] = p * dinv


def _mm_scale_call(xp, w, d0, d1):
    return pl.pallas_call(
        _mm_scale_body,
        grid=(NPAD // BM,),
        in_specs=[
            pl.BlockSpec((BM, D), lambda i: (i, 0)),
            pl.BlockSpec((D, D), lambda i: (0, 0)),
            pl.BlockSpec((BM, 1), lambda i: (i, 0)),
            pl.BlockSpec((BM, 1), lambda i: (i, 0)),
        ],
        out_specs=[
            pl.BlockSpec((BM, 1), lambda i: (i, 0)),
            pl.BlockSpec((BM, D), lambda i: (i, 0)),
        ],
        out_shape=[
            jax.ShapeDtypeStruct((NPAD, 1), jnp.float32),
            jax.ShapeDtypeStruct((NPAD, D), jnp.float32),
        ],
    )(xp, w, d0, d1)


def _layer2_body(a0_ref, a1_ref, ps1_ref, dinv_ref, b1_ref, w2_ref, ps2_ref):
    h = dinv_ref[...] * (a0_ref[0] + a1_ref[0] + ps1_ref[...]) + b1_ref[...]
    h = jnp.maximum(h, 0.0)
    p2 = lax.dot_general(h, w2_ref[...], (((1,), (1,)), ((), ())),
                         preferred_element_type=jnp.float32)
    ps2_ref[...] = dinv_ref[...] * p2


def _layer2_call(agg1, ps1, dinv, b1r, w2):
    return pl.pallas_call(
        _layer2_body,
        grid=(NPAD // BM,),
        in_specs=[
            pl.BlockSpec((1, BM, D), lambda i: (0, i, 0)),
            pl.BlockSpec((1, BM, D), lambda i: (1, i, 0)),
            pl.BlockSpec((BM, D), lambda i: (i, 0)),
            pl.BlockSpec((BM, 1), lambda i: (i, 0)),
            pl.BlockSpec((1, D), lambda i: (0, 0)),
            pl.BlockSpec((D, D), lambda i: (0, 0)),
        ],
        out_specs=pl.BlockSpec((BM, D), lambda i: (i, 0)),
        out_shape=jax.ShapeDtypeStruct((NPAD, D), jnp.float32),
    )(agg1, agg1, ps1, dinv, b1r, w2)


def _tail_body(a0_ref, a1_ref, ps2_ref, dinv_ref, b2_ref,
               wg_ref, bg_ref, wq_ref, bq_ref, q_ref, gsum_ref):
    i = pl.program_id(0)
    h = dinv_ref[...] * (a0_ref[0] + a1_ref[0] + ps2_ref[...]) + b2_ref[...]
    h = jnp.maximum(h, 0.0)
    rows = lax.broadcasted_iota(jnp.int32, (BM, 1), 0) + i * BM
    h = jnp.where(rows < N, h, 0.0)

    @pl.when(i == 0)
    def _():
        gsum_ref[...] = jnp.zeros_like(gsum_ref)

    gsum_ref[...] += jnp.sum(h, axis=0, keepdims=True)

    @pl.when(i == NPAD // BM - 1)
    def _():
        g = gsum_ref[...] * (1.0 / N)
        gg = lax.dot_general(g, wg_ref[...], (((1,), (1,)), ((), ())),
                             preferred_element_type=jnp.float32) + bg_ref[...]
        gg = jnp.maximum(gg, 0.0)
        q_ref[...] = lax.dot_general(
            gg, wq_ref[...], (((1,), (1,)), ((), ())),
            preferred_element_type=jnp.float32) + bq_ref[...]


def _tail_call(agg2, ps2, dinv, b2r, wg, bgr, wq, bqr):
    return pl.pallas_call(
        _tail_body,
        grid=(NPAD // BM,),
        in_specs=[
            pl.BlockSpec((1, BM, D), lambda i: (0, i, 0)),
            pl.BlockSpec((1, BM, D), lambda i: (1, i, 0)),
            pl.BlockSpec((BM, D), lambda i: (i, 0)),
            pl.BlockSpec((BM, 1), lambda i: (i, 0)),
            pl.BlockSpec((1, D), lambda i: (0, 0)),
            pl.BlockSpec((D, D), lambda i: (0, 0)),
            pl.BlockSpec((1, D), lambda i: (0, 0)),
            pl.BlockSpec((NACT, D), lambda i: (0, 0)),
            pl.BlockSpec((1, NACT), lambda i: (0, 0)),
        ],
        out_specs=pl.BlockSpec((1, NACT), lambda i: (0, 0)),
        out_shape=jax.ShapeDtypeStruct((1, NACT), jnp.float32),
        scratch_shapes=[pltpu.VMEM((1, D), jnp.float32)],
    )(agg2, agg2, ps2, dinv, b2r, wg, bgr, wq, bqr)



def kernel(x, edge_index, W1, b1, W2, b2, Wg, bg, Wq, bq):
    ei = edge_index.astype(jnp.int32)
    src, dst = ei[0], ei[1]
    e = src.shape[0]
    chunk = NW * K * CW
    epad = -(-e // chunk) * chunk
    nwpw = epad // (NW * K)
    npad_e = epad - e
    if npad_e:
        pidx = jnp.arange(npad_e, dtype=jnp.int32)
        src = jnp.concatenate([src, (pidx * 97) % N])
        dst = jnp.concatenate([dst, N + pidx % (NPAD - N)])
    src2 = src.reshape(epad // K, K)
    dst2 = dst.reshape(epad // K, K)

    xp = jnp.pad(x, ((0, NPAD - N), (0, 0)))

    degparts = _deg_call(dst, epad // NW)
    d0 = degparts[0][:, None]
    d1 = degparts[1][:, None]
    dinv, ps1 = _mm_scale_call(xp, W1, d0, d1)
    agg1 = _agg_call(src2, dst2, ps1, nwpw)
    ps2 = _layer2_call(agg1, ps1, dinv, b1.reshape(1, D), W2)
    agg2 = _agg_call(src2, dst2, ps2, nwpw)
    q = _tail_call(agg2, ps2, dinv, b2.reshape(1, D),
                   Wg, bg.reshape(1, D), Wq, bq.reshape(1, NACT))
    return q[None]

# --- scband reference (transcript-rebuilt; emitter-appended) ---
"""Pipeline reference for scband-gnnqnetwork-87024627351595 (READ-ONLY COPY).

The authoritative reference and input builder live on the scoring server;
editing this copy changes nothing except your own understanding.
"""

import jax, jax.numpy as jnp
import numpy as np

N = 10000
E = 320000
D_IN = 128
D_H = 128
N_ACT = 10000


def gcn_conv(x, edge_index, W, b, num_nodes):
    # PyG GCNConv: linear transform, add self loops, symmetric normalization, sum aggregate, bias
    h = x @ W.T
    src = edge_index[0]
    dst = edge_index[1]
    loop = jnp.arange(num_nodes, dtype=edge_index.dtype)
    src = jnp.concatenate([src, loop])
    dst = jnp.concatenate([dst, loop])
    deg = jnp.zeros((num_nodes,), dtype=h.dtype).at[dst].add(1.0)
    deg_inv_sqrt = jnp.power(deg, -0.5)
    deg_inv_sqrt = jnp.where(jnp.isinf(deg_inv_sqrt), 0.0, deg_inv_sqrt)
    norm = deg_inv_sqrt[src] * deg_inv_sqrt[dst]
    msg = h[src] * norm[:, None]
    out = jnp.zeros_like(h).at[dst].add(msg)
    return out + b


def setup_inputs(seed: int = 0) -> dict:
    key = jax.random.key(seed)
    ks = jax.random.split(key, 10)
    x = jax.random.normal(ks[0], (N, D_IN), dtype=jnp.float32)
    edge_index = jax.random.randint(ks[1], (2, E), 0, N, dtype=jnp.int64)
    s1 = 1.0 / np.sqrt(D_IN)
    s2 = 1.0 / np.sqrt(D_H)
    W1 = jax.random.uniform(ks[2], (D_H, D_IN), jnp.float32, -s1, s1)
    b1 = jnp.zeros((D_H,), jnp.float32)
    W2 = jax.random.uniform(ks[3], (D_H, D_H), jnp.float32, -s2, s2)
    b2 = jnp.zeros((D_H,), jnp.float32)
    Wg = jax.random.uniform(ks[4], (D_H, D_H), jnp.float32, -s2, s2)
    bg = jax.random.uniform(ks[5], (D_H,), jnp.float32, -s2, s2)
    Wq = jax.random.uniform(ks[6], (N_ACT, D_H), jnp.float32, -s2, s2)
    bq = jax.random.uniform(ks[7], (N_ACT,), jnp.float32, -s2, s2)
    return {"x": x, "edge_index": edge_index, "W1": W1, "b1": b1, "W2": W2, "b2": b2, "Wg": Wg, "bg": bg, "Wq": Wq, "bq": bq}


def reference(x, edge_index, W1, b1, W2, b2, Wg, bg, Wq, bq):
    h = gcn_conv(x, edge_index, W1, b1, N)
    h = jax.nn.relu(h)
    h = gcn_conv(h, edge_index, W2, b2, N)
    h = jax.nn.relu(h)
    # batch is all zeros -> global_mean_pool == mean over all nodes, shape [1, D_H]
    g = jnp.mean(h, axis=0, keepdims=True)
    g = jax.nn.relu(g @ Wg.T + bg)
    q = g @ Wq.T + bq  # [1, N_ACT]
    # q.size(0) == 1 -> unsqueeze(0)
    q = q[None, :, :]  # [1, 1, N_ACT]
    return q

if __name__ == "__main__":
    import jax
    _d = setup_inputs()
    print(jax.jit(kernel)(*tuple(_d.values())))

</pallas_src>

<mosaic_0001>
#map = affine_map<(d0, d1) -> (0, 0)>
#map1 = affine_map<(d0, d1) -> (0, 0, 0)>
module attributes {stable_mosaic.version = 14 : i64} {
  func.func @agg_kernel(%arg0: i32, %arg1: i32, %arg2: memref<3072x112xi32, #tpu.memory_space<hbm>>, %arg3: memref<3072x112xi32, #tpu.memory_space<hbm>>, %arg4: memref<10240x128xf32, #tpu.memory_space<hbm>>, %arg5: memref<2x10240x128xf32, #tpu.memory_space<hbm>>, %arg6: memref<10240x128xf32, #tpu.memory_space<vmem_shared>>, %arg7: memref<16x112xi32, #tpu.memory_space<vmem>>, %arg8: memref<16x112xi32, #tpu.memory_space<vmem>>, %arg9: memref<3x112x128xf32, #tpu.memory_space<vmem>>, %arg10: memref<!tpu.dma_semaphore, #tpu.memory_space<semaphore_mem>>, %arg11: memref<!tpu.dma_semaphore, #tpu.memory_space<semaphore_mem>>, %arg12: memref<!tpu.dma_semaphore, #tpu.memory_space<semaphore_mem>>) attributes {dimension_semantics = [#tpu.dimension_semantics<core_parallel>, #tpu.dimension_semantics<subcore_parallel>], iteration_bounds = array<i64: 2, 16>, scalar_prefetch = 0 : i64, scratch_operands = 7 : i64, tpu.core_type = #tpu.core_type<sc_vector_subcore>, window_params = [{transform_indices = #map}, {transform_indices = #map}, {transform_indices = #map}, {transform_indices = #map1}]} {
    %mul3A = arith.constant 16 : i32
    %mul3A_0 = arith.muli %arg0, %mul3A : i32
    %add3A = arith.addi %mul3A_0, %arg1 : i32
    %mul3A_1 = arith.constant 96 : i32
    %mul3A_2 = arith.muli %add3A, %mul3A_1 : i32
    %multiple_of3A = tpu.assume_multiple %mul3A_2, 8 : i32
    %scan3A = arith.constant 0 : i32
    %scan3A_3 = arith.constant 112 : i32
    %scan3A_4 = arith.addi %scan3A, %scan3A_3 : i32
    %scan3A_5 = arith.constant 1 : i32
    scf.for %scan3A_46 = %scan3A to %scan3A_4 step %scan3A_5  : i32 {
      %mul3A_47 = arith.constant 1 : i32
      %mul3A_48 = arith.muli %scan3A_46, %mul3A_47 : i32
      %add3A_49 = arith.constant 0 : i32
      %add3A_50 = arith.addi %add3A_49, %mul3A_48 : i32
      %broadcast_in_dim3A = arith.constant 0.000000e+00 : f32
      %broadcast_in_dim3A_51 = vector.broadcast %broadcast_in_dim3A : f32 to vector<16xf32>
      %swap3A = arith.constant 0 : i32
      %swap3A_52 = arith.index_cast %swap3A : i32 to index
      %swap3A_53 = arith.index_cast %add3A_50 : i32 to index
      %swap3A_54 = arith.constant 0 : index
      %swap3A_55 = tpu.vector_load %arg9[%swap3A_52, %swap3A_53, %swap3A_54] {strides = array<i32>} : memref<3x112x128xf32, #tpu.memory_space<vmem>>, vector<1x1x16xf32>,
      %swap3A_56 = vector.shape_cast %swap3A_55 : vector<1x1x16xf32> to vector<16xf32>
      %swap3A_57 = vector.shape_cast %broadcast_in_dim3A_51 : vector<16xf32> to vector<1x1x16xf32>
      tpu.vector_store %arg9[%swap3A_52, %swap3A_53, %swap3A_54], %swap3A_57 {strides = array<i32>} : memref<3x112x128xf32, #tpu.memory_space<vmem>>, vector<1x1x16xf32>,
      %broadcast_in_dim3A_58 = arith.constant 0.000000e+00 : f32
      %broadcast_in_dim3A_59 = vector.broadcast %broadcast_in_dim3A_58 : f32 to vector<16xf32>
      %swap3A_60 = arith.constant 0 : i32
      %swap3A_61 = arith.index_cast %swap3A_60 : i32 to index
      %swap3A_62 = arith.index_cast %add3A_50 : i32 to index
      %swap3A_63 = arith.constant 16 : index
      %swap3A_64 = tpu.vector_load %arg9[%swap3A_61, %swap3A_62, %swap3A_63] {strides = array<i32>} : memref<3x112x128xf32, #tpu.memory_space<vmem>>, vector<1x1x16xf32>,
      %swap3A_65 = vector.shape_cast %swap3A_64 : vector<1x1x16xf32> to vector<16xf32>
      %swap3A_66 = vector.shape_cast %broadcast_in_dim3A_59 : vector<16xf32> to vector<1x1x16xf32>
      tpu.vector_store %arg9[%swap3A_61, %swap3A_62, %swap3A_63], %swap3A_66 {strides = array<i32>} : memref<3x112x128xf32, #tpu.memory_space<vmem>>, vector<1x1x16xf32>,
      %broadcast_in_dim3A_67 = arith.constant 0.000000e+00 : f32
      %broadcast_in_dim3A_68 = vector.broadcast %broadcast_in_dim3A_67 : f32 to vector<16xf32>
      %swap3A_69 = arith.constant 0 : i32
      %swap3A_70 = arith.index_cast %swap3A_69 : i32 to index
      %swap3A_71 = arith.index_cast %add3A_50 : i32 to index
      %swap3A_72 = arith.constant 32 : index
      %swap3A_73 = tpu.vector_load %arg9[%swap3A_70, %swap3A_71, %swap3A_72] {strides = array<i32>} : memref<3x112x128xf32, #tpu.memory_space<vmem>>, vector<1x1x16xf32>,
      %swap3A_74 = vector.shape_cast %swap3A_73 : vector<1x1x16xf32> to vector<16xf32>
      %swap3A_75 = vector.shape_cast %broadcast_in_dim3A_68 : vector<16xf32> to vector<1x1x16xf32>
      tpu.vector_store %arg9[%swap3A_70, %swap3A_71, %swap3A_72], %swap3A_75 {strides = array<i32>} : memref<3x112x128xf32, #tpu.memory_space<vmem>>, vector<1x1x16xf32>,
      %broadcast_in_dim3A_76 = arith.constant 0.000000e+00 : f32
      %broadcast_in_dim3A_77 = vector.broadcast %broadcast_in_dim3A_76 : f32 to vector<16xf32>
      %swap3A_78 = arith.constant 0 : i32
      %swap3A_79 = arith.index_cast %swap3A_78 : i32 to index
      %swap3A_80 = arith.index_cast %add3A_50 : i32 to index
      %swap3A_81 = arith.constant 48 : index
      %swap3A_82 = tpu.vector_load %arg9[%swap3A_79, %swap3A_80, %swap3A_81] {strides = array<i32>} : memref<3x112x128xf32, #tpu.memory_space<vmem>>, vector<1x1x16xf32>,
      %swap3A_83 = vector.shape_cast %swap3A_82 : vector<1x1x16xf32> to vector<16xf32>
      %swap3A_84 = vector.shape_cast %broadcast_in_dim3A_77 : vector<16xf32> to vector<1x1x16xf32>
      tpu.vector_store %arg9[%swap3A_79, %swap3A_80, %swap3A_81], %swap3A_84 {strides = array<i32>} : memref<3x112x128xf32, #tpu.memory_space<vmem>>, vector<1x1x16xf32>,
      %broadcast_in_dim3A_85 = arith.constant 0.000000e+00 : f32
      %broadcast_in_dim3A_86 = vector.broadcast %broadcast_in_dim3A_85 : f32 to vector<16xf32>
      %swap3A_87 = arith.constant 0 : i32
      %swap3A_88 = arith.index_cast %swap3A_87 : i32 to index
      %swap3A_89 = arith.index_cast %add3A_50 : i32 to index
      %swap3A_90 = arith.constant 64 : index
      %swap3A_91 = tpu.vector_load %arg9[%swap3A_88, %swap3A_89, %swap3A_90] {strides = array<i32>} : memref<3x112x128xf32, #tpu.memory_space<vmem>>, vector<1x1x16xf32>,
      %swap3A_92 = vector.shape_cast %swap3A_91 : vector<1x1x16xf32> to vector<16xf32>
      %swap3A_93 = vector.shape_cast %broadcast_in_dim3A_86 : vector<16xf32> to vector<1x1x16xf32>
      tpu.vector_store %arg9[%swap3A_88, %swap3A_89, %swap3A_90], %swap3A_93 {strides = array<i32>} : memref<3x112x128xf32, #tpu.memory_space<vmem>>, vector<1x1x16xf32>,
      %broadcast_in_dim3A_94 = arith.constant 0.000000e+00 : f32
      %broadcast_in_dim3A_95 = vector.broadcast %broadcast_in_dim3A_94 : f32 to vector<16xf32>
      %swap3A_96 = arith.constant 0 : i32
      %swap3A_97 = arith.index_cast %swap3A_96 : i32 to index
      %swap3A_98 = arith.index_cast %add3A_50 : i32 to index
      %swap3A_99 = arith.constant 80 : index
      %swap3A_100 = tpu.vector_load %arg9[%swap3A_97, %swap3A_98, %swap3A_99] {strides = array<i32>} : memref<3x112x128xf32, #tpu.memory_space<vmem>>, vector<1x1x16xf32>,
      %swap3A_101 = vector.shape_cast %swap3A_100 : vector<1x1x16xf32> to vector<16xf32>
      %swap3A_102 = vector.shape_cast %broadcast_in_dim3A_95 : vector<16xf32> to vector<1x1x16xf32>
      tpu.vector_store %arg9[%swap3A_97, %swap3A_98, %swap3A_99], %swap3A_102 {strides = array<i32>} : memref<3x112x128xf32, #tpu.memory_space<vmem>>, vector<1x1x16xf32>,
      %broadcast_in_dim3A_103 = arith.constant 0.000000e+00 : f32
      %broadcast_in_dim3A_104 = vector.broadcast %broadcast_in_dim3A_103 : f32 to vector<16xf32>
      %swap3A_105 = arith.constant 0 : i32
      %swap3A_106 = arith.index_cast %swap3A_105 : i32 to index
      %swap3A_107 = arith.index_cast %add3A_50 : i32 to index
      %swap3A_108 = arith.constant 96 : index
      %swap3A_109 = tpu.vector_load %arg9[%swap3A_106, %swap3A_107, %swap3A_108] {strides = array<i32>} : memref<3x112x128xf32, #tpu.memory_space<vmem>>, vector<1x1x16xf32>,
      %swap3A_110 = vector.shape_cast %swap3A_109 : vector<1x1x16xf32> to vector<16xf32>
      %swap3A_111 = vector.shape_cast %broadcast_in_dim3A_104 : vector<16xf32> to vector<1x1x16xf32>
      tpu.vector_store %arg9[%swap3A_106, %swap3A_107, %swap3A_108], %swap3A_111 {strides = array<i32>} : memref<3x112x128xf32, #tpu.memory_space<vmem>>, vector<1x1x16xf32>,
      %broadcast_in_dim3A_112 = arith.constant 0.000000e+00 : f32
      %broadcast_in_dim3A_113 = vector.broadcast %broadcast_in_dim3A_112 : f32 to vector<16xf32>
      %swap3A_114 = arith.constant 0 : i32
      %swap3A_115 = arith.index_cast %swap3A_114 : i32 to index
      %swap3A_116 = arith.index_cast %add3A_50 : i32 to index
      %swap3A_117 = arith.constant 112 : index
      %swap3A_118 = tpu.vector_load %arg9[%swap3A_115, %swap3A_116, %swap3A_117] {strides = array<i32>} : memref<3x112x128xf32, #tpu.memory_space<vmem>>, vector<1x1x16xf32>,
      %swap3A_119 = vector.shape_cast %swap3A_118 : vector<1x1x16xf32> to vector<16xf32>
      %swap3A_120 = vector.shape_cast %broadcast_in_dim3A_113 : vector<16xf32> to vector<1x1x16xf32>
      tpu.vector_store %arg9[%swap3A_115, %swap3A_116, %swap3A_117], %swap3A_120 {strides = array<i32>} : memref<3x112x128xf32, #tpu.memory_space<vmem>>, vector<1x1x16xf32>,
    }
    %scan3A_6 = arith.constant 112 : i32
    %mul3A_7 = arith.constant 640 : i32
    %mul3A_8 = arith.muli %arg1, %mul3A_7 : i32
    %add3A_9 = arith.constant 0 : i32
    %add3A_10 = arith.addi %mul3A_8, %add3A_9 : i32
    %run_scoped3A = arith.constant 0 : i32
    "tpu.region"() ({
      %run_scoped3A_46 = tpu.sem_alloc : memref<!tpu.dma_semaphore, #tpu.memory_space<semaphore_mem>>
      %dma_start3A = arith.constant 0 : i32
      %dma_start3A_47 = arith.constant 0 : i32
      %dma_start3A_48 = tpu.memref_slice %arg9[%run_scoped3A, %dma_start3A, %dma_start3A_47] : memref<3x112x128xf32, #tpu.memory_space<vmem>> -> memref<1x112x128xf32, #tpu.memory_space<vmem>>
      %dma_start3A_49 = tpu.memref_squeeze %dma_start3A_48 : memref<1x112x128xf32, #tpu.memory_space<vmem>> -> memref<112x128xf32, #tpu.memory_space<vmem>>
      %dma_start3A_50 = arith.constant 0 : i32
      %dma_start3A_51 = tpu.memref_slice %arg6[%add3A_10, %dma_start3A_50] : memref<10240x128xf32, #tpu.memory_space<vmem_shared>> -> memref<112x128xf32, #tpu.memory_space<vmem_shared>>
      %dma_start3A_52 = arith.constant 0 : i32
      %dma_start3A_53 = tpu.memref_slice %arg6[%add3A_10, %dma_start3A_52] : memref<10240x128xf32, #tpu.memory_space<vmem_shared>> -> memref<112x128xf32, #tpu.memory_space<vmem_shared>>
      %dma_start3A_54 = arith.constant 0 : i32
      %dma_start3A_55 = arith.constant 0 : i32
      %dma_start3A_56 = tpu.memref_slice %arg9[%run_scoped3A, %dma_start3A_54, %dma_start3A_55] : memref<3x112x128xf32, #tpu.memory_space<vmem>> -> memref<1x112x128xf32, #tpu.memory_space<vmem>>
      %dma_start3A_57 = tpu.memref_squeeze %dma_start3A_56 : memref<1x112x128xf32, #tpu.memory_space<vmem>> -> memref<112x128xf32, #tpu.memory_space<vmem>>
      tpu.enqueue_dma source(%dma_start3A_57 : memref<112x128xf32, #tpu.memory_space<vmem>>) target(%dma_start3A_53 : memref<112x128xf32, #tpu.memory_space<vmem_shared>>) target_semaphore(%run_scoped3A_46 : memref<!tpu.dma_semaphore, #tpu.memory_space<semaphore_mem>>)
      %dma_wait3A = arith.constant 0 : i32
      %dma_wait3A_58 = arith.constant 0 : i32
      %dma_wait3A_59 = tpu.memref_slice %arg9[%run_scoped3A, %dma_wait3A, %dma_wait3A_58] : memref<3x112x128xf32, #tpu.memory_space<vmem>> -> memref<1x112x128xf32, #tpu.memory_space<vmem>>
      %dma_wait3A_60 = tpu.memref_squeeze %dma_wait3A_59 : memref<1x112x128xf32, #tpu.memory_space<vmem>> -> memref<112x128xf32, #tpu.memory_space<vmem>>
      %dma_wait3A_61 = arith.constant 0 : i32
      %dma_wait3A_62 = tpu.memref_slice %arg6[%add3A_10, %dma_wait3A_61] : memref<10240x128xf32, #tpu.memory_space<vmem_shared>> -> memref<112x128xf32, #tpu.memory_space<vmem_shared>>
      %dma_wait3A_63 = arith.constant 0 : i32
      %dma_wait3A_64 = tpu.memref_slice %arg6[%add3A_10, %dma_wait3A_63] : memref<10240x128xf32, #tpu.memory_space<vmem_shared>> -> memref<112x128xf32, #tpu.memory_space<vmem_shared>>
      %dma_wait3A_65 = arith.constant 0 : i32
      %dma_wait3A_66 = arith.constant 0 : i32
      %dma_wait3A_67 = tpu.memref_slice %arg9[%run_scoped3A, %dma_wait3A_65, %dma_wait3A_66] : memref<3x112x128xf32, #tpu.memory_space<vmem>> -> memref<1x112x128xf32, #tpu.memory_space<vmem>>
      %dma_wait3A_68 = tpu.memref_squeeze %dma_wait3A_67 : memref<1x112x128xf32, #tpu.memory_space<vmem>> -> memref<112x128xf32, #tpu.memory_space<vmem>>
      tpu.wait_dma2 semaphore(%run_scoped3A_46 : memref<!tpu.dma_semaphore, #tpu.memory_space<semaphore_mem>>) src(%dma_wait3A_68 : memref<112x128xf32, #tpu.memory_space<vmem>>) dst(%dma_wait3A_64 : memref<112x128xf32, #tpu.memory_space<vmem_shared>>)
      tpu.yield
    }) : () -> ()
    %mul3A_11 = arith.constant 640 : i32
    %mul3A_12 = arith.muli %arg1, %mul3A_11 : i32
    %add3A_13 = arith.constant 112 : i32
    %add3A_14 = arith.addi %mul3A_12, %add3A_13 : i32
    %run_scoped3A_15 = arith.constant 0 : i32
    "tpu.region"() ({
      %run_scoped3A_46 = tpu.sem_alloc : memref<!tpu.dma_semaphore, #tpu.memory_space<semaphore_mem>>
      %dma_start3A = arith.constant 0 : i32
      %dma_start3A_47 = arith.constant 0 : i32
      %dma_start3A_48 = tpu.memref_slice %arg9[%run_scoped3A_15, %dma_start3A, %dma_start3A_47] : memref<3x112x128xf32, #tpu.memory_space<vmem>> -> memref<1x112x128xf32, #tpu.memory_space<vmem>>
      %dma_start3A_49 = tpu.memref_squeeze %dma_start3A_48 : memref<1x112x128xf32, #tpu.memory_space<vmem>> -> memref<112x128xf32, #tpu.memory_space<vmem>>
      %dma_start3A_50 = arith.constant 0 : i32
      %dma_start3A_51 = tpu.memref_slice %arg6[%add3A_14, %dma_start3A_50] : memref<10240x128xf32, #tpu.memory_space<vmem_shared>> -> memref<112x128xf32, #tpu.memory_space<vmem_shared>>
      %dma_start3A_52 = arith.constant 0 : i32
      %dma_start3A_53 = tpu.memref_slice %arg6[%add3A_14, %dma_start3A_52] : memref<10240x128xf32, #tpu.memory_space<vmem_shared>> -> memref<112x128xf32, #tpu.memory_space<vmem_shared>>
      %dma_start3A_54 = arith.constant 0 : i32
      %dma_start3A_55 = arith.constant 0 : i32
      %dma_start3A_56 = tpu.memref_slice %arg9[%run_scoped3A_15, %dma_start3A_54, %dma_start3A_55] : memref<3x112x128xf32, #tpu.memory_space<vmem>> -> memref<1x112x128xf32, #tpu.memory_space<vmem>>
      %dma_start3A_57 = tpu.memref_squeeze %dma_start3A_56 : memref<1x112x128xf32, #tpu.memory_space<vmem>> -> memref<112x128xf32, #tpu.memory_space<vmem>>
      tpu.enqueue_dma source(%dma_start3A_57 : memref<112x128xf32, #tpu.memory_space<vmem>>) target(%dma_start3A_53 : memref<112x128xf32, #tpu.memory_space<vmem_shared>>) target_semaphore(%run_scoped3A_46 : memref<!tpu.dma_semaphore, #tpu.memory_space<semaphore_mem>>)
      %dma_wait3A = arith.constant 0 : i32
      %dma_wait3A_58 = arith.constant 0 : i32
      %dma_wait3A_59 = tpu.memref_slice %arg9[%run_scoped3A_15, %dma_wait3A, %dma_wait3A_58] : memref<3x112x128xf32, #tpu.memory_space<vmem>> -> memref<1x112x128xf32, #tpu.memory_space<vmem>>
      %dma_wait3A_60 = tpu.memref_squeeze %dma_wait3A_59 : memref<1x112x128xf32, #tpu.memory_space<vmem>> -> memref<112x128xf32, #tpu.memory_space<vmem>>
      %dma_wait3A_61 = arith.constant 0 : i32
      %dma_wait3A_62 = tpu.memref_slice %arg6[%add3A_14, %dma_wait3A_61] : memref<10240x128xf32, #tpu.memory_space<vmem_shared>> -> memref<112x128xf32, #tpu.memory_space<vmem_shared>>
      %dma_wait3A_63 = arith.constant 0 : i32
      %dma_wait3A_64 = tpu.memref_slice %arg6[%add3A_14, %dma_wait3A_63] : memref<10240x128xf32, #tpu.memory_space<vmem_shared>> -> memref<112x128xf32, #tpu.memory_space<vmem_shared>>
      %dma_wait3A_65 = arith.constant 0 : i32
      %dma_wait3A_66 = arith.constant 0 : i32
      %dma_wait3A_67 = tpu.memref_slice %arg9[%run_scoped3A_15, %dma_wait3A_65, %dma_wait3A_66] : memref<3x112x128xf32, #tpu.memory_space<vmem>> -> memref<1x112x128xf32, #tpu.memory_space<vmem>>
      %dma_wait3A_68 = tpu.memref_squeeze %dma_wait3A_67 : memref<1x112x128xf32, #tpu.memory_space<vmem>> -> memref<112x128xf32, #tpu.memory_space<vmem>>
      tpu.wait_dma2 semaphore(%run_scoped3A_46 : memref<!tpu.dma_semaphore, #tpu.memory_space<semaphore_mem>>) src(%dma_wait3A_68 : memref<112x128xf32, #tpu.memory_space<vmem>>) dst(%dma_wait3A_64 : memref<112x128xf32, #tpu.memory_space<vmem_shared>>)
      tpu.yield
    }) : () -> ()
    %mul3A_16 = arith.constant 640 : i32
    %mul3A_17 = arith.muli %arg1, %mul3A_16 : i32
    %add3A_18 = arith.constant 224 : i32
    %add3A_19 = arith.addi %mul3A_17, %add3A_18 : i32
    %run_scoped3A_20 = arith.constant 0 : i32
    "tpu.region"() ({
      %run_scoped3A_46 = tpu.sem_alloc : memref<!tpu.dma_semaphore, #tpu.memory_space<semaphore_mem>>
      %dma_start3A = arith.constant 0 : i32
      %dma_start3A_47 = arith.constant 0 : i32
      %dma_start3A_48 = tpu.memref_slice %arg9[%run_scoped3A_20, %dma_start3A, %dma_start3A_47] : memref<3x112x128xf32, #tpu.memory_space<vmem>> -> memref<1x112x128xf32, #tpu.memory_space<vmem>>
      %dma_start3A_49 = tpu.memref_squeeze %dma_start3A_48 : memref<1x112x128xf32, #tpu.memory_space<vmem>> -> memref<112x128xf32, #tpu.memory_space<vmem>>
      %dma_start3A_50 = arith.constant 0 : i32
      %dma_start3A_51 = tpu.memref_slice %arg6[%add3A_19, %dma_start3A_50] : memref<10240x128xf32, #tpu.memory_space<vmem_shared>> -> memref<112x128xf32, #tpu.memory_space<vmem_shared>>
      %dma_start3A_52 = arith.constant 0 : i32
      %dma_start3A_53 = tpu.memref_slice %arg6[%add3A_19, %dma_start3A_52] : memref<10240x128xf32, #tpu.memory_space<vmem_shared>> -> memref<112x128xf32, #tpu.memory_space<vmem_shared>>
      %dma_start3A_54 = arith.constant 0 : i32
      %dma_start3A_55 = arith.constant 0 : i32
      %dma_start3A_56 = tpu.memref_slice %arg9[%run_scoped3A_20, %dma_start3A_54, %dma_start3A_55] : memref<3x112x128xf32, #tpu.memory_space<vmem>> -> memref<1x112x128xf32, #tpu.memory_space<vmem>>
      %dma_start3A_57 = tpu.memref_squeeze %dma_start3A_56 : memref<1x112x128xf32, #tpu.memory_space<vmem>> -> memref<112x128xf32, #tpu.memory_space<vmem>>
      tpu.enqueue_dma source(%dma_start3A_57 : memref<112x128xf32, #tpu.memory_space<vmem>>) target(%dma_start3A_53 : memref<112x128xf32, #tpu.memory_space<vmem_shared>>) target_semaphore(%run_scoped3A_46 : memref<!tpu.dma_semaphore, #tpu.memory_space<semaphore_mem>>)
      %dma_wait3A = arith.constant 0 : i32
      %dma_wait3A_58 = arith.constant 0 : i32
      %dma_wait3A_59 = tpu.memref_slice %arg9[%run_scoped3A_20, %dma_wait3A, %dma_wait3A_58] : memref<3x112x128xf32, #tpu.memory_space<vmem>> -> memref<1x112x128xf32, #tpu.memory_space<vmem>>
      %dma_wait3A_60 = tpu.memref_squeeze %dma_wait3A_59 : memref<1x112x128xf32, #tpu.memory_space<vmem>> -> memref<112x128xf32, #tpu.memory_space<vmem>>
      %dma_wait3A_61 = arith.constant 0 : i32
      %dma_wait3A_62 = tpu.memref_slice %arg6[%add3A_19, %dma_wait3A_61] : memref<10240x128xf32, #tpu.memory_space<vmem_shared>> -> memref<112x128xf32, #tpu.memory_space<vmem_shared>>
      %dma_wait3A_63 = arith.constant 0 : i32
      %dma_wait3A_64 = tpu.memref_slice %arg6[%add3A_19, %dma_wait3A_63] : memref<10240x128xf32, #tpu.memory_space<vmem_shared>> -> memref<112x128xf32, #tpu.memory_space<vmem_shared>>
      %dma_wait3A_65 = arith.constant 0 : i32
      %dma_wait3A_66 = arith.constant 0 : i32
      %dma_wait3A_67 = tpu.memref_slice %arg9[%run_scoped3A_20, %dma_wait3A_65, %dma_wait3A_66] : memref<3x112x128xf32, #tpu.memory_space<vmem>> -> memref<1x112x128xf32, #tpu.memory_space<vmem>>
      %dma_wait3A_68 = tpu.memref_squeeze %dma_wait3A_67 : memref<1x112x128xf32, #tpu.memory_space<vmem>> -> memref<112x128xf32, #tpu.memory_space<vmem>>
      tpu.wait_dma2 semaphore(%run_scoped3A_46 : memref<!tpu.dma_semaphore, #tpu.memory_space<semaphore_mem>>) src(%dma_wait3A_68 : memref<112x128xf32, #tpu.memory_space<vmem>>) dst(%dma_wait3A_64 : memref<112x128xf32, #tpu.memory_space<vmem_shared>>)
      tpu.yield
    }) : () -> ()
    %mul3A_21 = arith.constant 640 : i32
    %mul3A_22 = arith.muli %arg1, %mul3A_21 : i32
    %add3A_23 = arith.constant 336 : i32
    %add3A_24 = arith.addi %mul3A_22, %add3A_23 : i32
    %run_scoped3A_25 = arith.constant 0 : i32
    "tpu.region"() ({
      %run_scoped3A_46 = tpu.sem_alloc : memref<!tpu.dma_semaphore, #tpu.memory_space<semaphore_mem>>
      %dma_start3A = arith.constant 0 : i32
      %dma_start3A_47 = arith.constant 0 : i32
      %dma_start3A_48 = tpu.memref_slice %arg9[%run_scoped3A_25, %dma_start3A, %dma_start3A_47] : memref<3x112x128xf32, #tpu.memory_space<vmem>> -> memref<1x112x128xf32, #tpu.memory_space<vmem>>
      %dma_start3A_49 = tpu.memref_squeeze %dma_start3A_48 : memref<1x112x128xf32, #tpu.memory_space<vmem>> -> memref<112x128xf32, #tpu.memory_space<vmem>>
      %dma_start3A_50 = arith.constant 0 : i32
      %dma_start3A_51 = tpu.memref_slice %arg6[%add3A_24, %dma_start3A_50] : memref<10240x128xf32, #tpu.memory_space<vmem_shared>> -> memref<112x128xf32, #tpu.memory_space<vmem_shared>>
      %dma_start3A_52 = arith.constant 0 : i32
      %dma_start3A_53 = tpu.memref_slice %arg6[%add3A_24, %dma_start3A_52] : memref<10240x128xf32, #tpu.memory_space<vmem_shared>> -> memref<112x128xf32, #tpu.memory_space<vmem_shared>>
      %dma_start3A_54 = arith.constant 0 : i32
      %dma_start3A_55 = arith.constant 0 : i32
      %dma_start3A_56 = tpu.memref_slice %arg9[%run_scoped3A_25, %dma_start3A_54, %dma_start3A_55] : memref<3x112x128xf32, #tpu.memory_space<vmem>> -> memref<1x112x128xf32, #tpu.memory_space<vmem>>
      %dma_start3A_57 = tpu.memref_squeeze %dma_start3A_56 : memref<1x112x128xf32, #tpu.memory_space<vmem>> -> memref<112x128xf32, #tpu.memory_space<vmem>>
      tpu.enqueue_dma source(%dma_start3A_57 : memref<112x128xf32, #tpu.memory_space<vmem>>) target(%dma_start3A_53 : memref<112x128xf32, #tpu.memory_space<vmem_shared>>) target_semaphore(%run_scoped3A_46 : memref<!tpu.dma_semaphore, #tpu.memory_space<semaphore_mem>>)
      %dma_wait3A = arith.constant 0 : i32
      %dma_wait3A_58 = arith.constant 0 : i32
      %dma_wait3A_59 = tpu.memref_slice %arg9[%run_scoped3A_25, %dma_wait3A, %dma_wait3A_58] : memref<3x112x128xf32, #tpu.memory_space<vmem>> -> memref<1x112x128xf32, #tpu.memory_space<vmem>>
      %dma_wait3A_60 = tpu.memref_squeeze %dma_wait3A_59 : memref<1x112x128xf32, #tpu.memory_space<vmem>> -> memref<112x128xf32, #tpu.memory_space<vmem>>
      %dma_wait3A_61 = arith.constant 0 : i32
      %dma_wait3A_62 = tpu.memref_slice %arg6[%add3A_24, %dma_wait3A_61] : memref<10240x128xf32, #tpu.memory_space<vmem_shared>> -> memref<112x128xf32, #tpu.memory_space<vmem_shared>>
      %dma_wait3A_63 = arith.constant 0 : i32
      %dma_wait3A_64 = tpu.memref_slice %arg6[%add3A_24, %dma_wait3A_63] : memref<10240x128xf32, #tpu.memory_space<vmem_shared>> -> memref<112x128xf32, #tpu.memory_space<vmem_shared>>
      %dma_wait3A_65 = arith.constant 0 : i32
      %dma_wait3A_66 = arith.constant 0 : i32
      %dma_wait3A_67 = tpu.memref_slice %arg9[%run_scoped3A_25, %dma_wait3A_65, %dma_wait3A_66] : memref<3x112x128xf32, #tpu.memory_space<vmem>> -> memref<1x112x128xf32, #tpu.memory_space<vmem>>
      %dma_wait3A_68 = tpu.memref_squeeze %dma_wait3A_67 : memref<1x112x128xf32, #tpu.memory_space<vmem>> -> memref<112x128xf32, #tpu.memory_space<vmem>>
      tpu.wait_dma2 semaphore(%run_scoped3A_46 : memref<!tpu.dma_semaphore, #tpu.memory_space<semaphore_mem>>) src(%dma_wait3A_68 : memref<112x128xf32, #tpu.memory_space<vmem>>) dst(%dma_wait3A_64 : memref<112x128xf32, #tpu.memory_space<vmem_shared>>)
      tpu.yield
    }) : () -> ()
    %mul3A_26 = arith.constant 640 : i32
    %mul3A_27 = arith.muli %arg1, %mul3A_26 : i32
    %add3A_28 = arith.constant 448 : i32
    %add3A_29 = arith.addi %mul3A_27, %add3A_28 : i32
    %run_scoped3A_30 = arith.constant 0 : i32
    "tpu.region"() ({
      %run_scoped3A_46 = tpu.sem_alloc : memref<!tpu.dma_semaphore, #tpu.memory_space<semaphore_mem>>
      %dma_start3A = arith.constant 0 : i32
      %dma_start3A_47 = arith.constant 0 : i32
      %dma_start3A_48 = tpu.memref_slice %arg9[%run_scoped3A_30, %dma_start3A, %dma_start3A_47] : memref<3x112x128xf32, #tpu.memory_space<vmem>> -> memref<1x112x128xf32, #tpu.memory_space<vmem>>
      %dma_start3A_49 = tpu.memref_squeeze %dma_start3A_48 : memref<1x112x128xf32, #tpu.memory_space<vmem>> -> memref<112x128xf32, #tpu.memory_space<vmem>>
      %dma_start3A_50 = arith.constant 0 : i32
      %dma_start3A_51 = tpu.memref_slice %arg6[%add3A_29, %dma_start3A_50] : memref<10240x128xf32, #tpu.memory_space<vmem_shared>> -> memref<112x128xf32, #tpu.memory_space<vmem_shared>>
      %dma_start3A_52 = arith.constant 0 : i32
      %dma_start3A_53 = tpu.memref_slice %arg6[%add3A_29, %dma_start3A_52] : memref<10240x128xf32, #tpu.memory_space<vmem_shared>> -> memref<112x128xf32, #tpu.memory_space<vmem_shared>>
      %dma_start3A_54 = arith.constant 0 : i32
      %dma_start3A_55 = arith.constant 0 : i32
      %dma_start3A_56 = tpu.memref_slice %arg9[%run_scoped3A_30, %dma_start3A_54, %dma_start3A_55] : memref<3x112x128xf32, #tpu.memory_space<vmem>> -> memref<1x112x128xf32, #tpu.memory_space<vmem>>
      %dma_start3A_57 = tpu.memref_squeeze %dma_start3A_56 : memref<1x112x128xf32, #tpu.memory_space<vmem>> -> memref<112x128xf32, #tpu.memory_space<vmem>>
      tpu.enqueue_dma source(%dma_start3A_57 : memref<112x128xf32, #tpu.memory_space<vmem>>) target(%dma_start3A_53 : memref<112x128xf32, #tpu.memory_space<vmem_shared>>) target_semaphore(%run_scoped3A_46 : memref<!tpu.dma_semaphore, #tpu.memory_space<semaphore_mem>>)
      %dma_wait3A = arith.constant 0 : i32
      %dma_wait3A_58 = arith.constant 0 : i32
      %dma_wait3A_59 = tpu.memref_slice %arg9[%run_scoped3A_30, %dma_wait3A, %dma_wait3A_58] : memref<3x112x128xf32, #tpu.memory_space<vmem>> -> memref<1x112x128xf32, #tpu.memory_space<vmem>>
      %dma_wait3A_60 = tpu.memref_squeeze %dma_wait3A_59 : memref<1x112x128xf32, #tpu.memory_space<vmem>> -> memref<112x128xf32, #tpu.memory_space<vmem>>
      %dma_wait3A_61 = arith.constant 0 : i32
      %dma_wait3A_62 = tpu.memref_slice %arg6[%add3A_29, %dma_wait3A_61] : memref<10240x128xf32, #tpu.memory_space<vmem_shared>> -> memref<112x128xf32, #tpu.memory_space<vmem_shared>>
      %dma_wait3A_63 = arith.constant 0 : i32
      %dma_wait3A_64 = tpu.memref_slice %arg6[%add3A_29, %dma_wait3A_63] : memref<10240x128xf32, #tpu.memory_space<vmem_shared>> -> memref<112x128xf32, #tpu.memory_space<vmem_shared>>
      %dma_wait3A_65 = arith.constant 0 : i32
      %dma_wait3A_66 = arith.constant 0 : i32
      %dma_wait3A_67 = tpu.memref_slice %arg9[%run_scoped3A_30, %dma_wait3A_65, %dma_wait3A_66] : memref<3x112x128xf32, #tpu.memory_space<vmem>> -> memref<1x112x128xf32, #tpu.memory_space<vmem>>
      %dma_wait3A_68 = tpu.memref_squeeze %dma_wait3A_67 : memref<1x112x128xf32, #tpu.memory_space<vmem>> -> memref<112x128xf32, #tpu.memory_space<vmem>>
      tpu.wait_dma2 semaphore(%run_scoped3A_46 : memref<!tpu.dma_semaphore, #tpu.memory_space<semaphore_mem>>) src(%dma_wait3A_68 : memref<112x128xf32, #tpu.memory_space<vmem>>) dst(%dma_wait3A_64 : memref<112x128xf32, #tpu.memory_space<vmem_shared>>)
      tpu.yield
    }) : () -> ()
    %mul3A_31 = arith.constant 640 : i32
    %mul3A_32 = arith.muli %arg1, %mul3A_31 : i32
    %add3A_33 = arith.constant 560 : i32
    %add3A_34 = arith.addi %mul3A_32, %add3A_33 : i32
    %run_scoped3A_35 = arith.constant 0 : i32
    "tpu.region"() ({
      %run_scoped3A_46 = tpu.sem_alloc : memref<!tpu.dma_semaphore, #tpu.memory_space<semaphore_mem>>
      %dma_start3A = arith.constant 0 : i32
      %dma_start3A_47 = arith.constant 0 : i32
      %dma_start3A_48 = tpu.memref_slice %arg9[%run_scoped3A_35, %dma_start3A, %dma_start3A_47] : memref<3x112x128xf32, #tpu.memory_space<vmem>> -> memref<1x80x128xf32, #tpu.memory_space<vmem>>
      %dma_start3A_49 = tpu.memref_squeeze %dma_start3A_48 : memref<1x80x128xf32, #tpu.memory_space<vmem>> -> memref<80x128xf32, #tpu.memory_space<vmem>>
      %dma_start3A_50 = arith.constant 0 : i32
      %dma_start3A_51 = tpu.memref_slice %arg6[%add3A_34, %dma_start3A_50] : memref<10240x128xf32, #tpu.memory_space<vmem_shared>> -> memref<80x128xf32, #tpu.memory_space<vmem_shared>>
      %dma_start3A_52 = arith.constant 0 : i32
      %dma_start3A_53 = tpu.memref_slice %arg6[%add3A_34, %dma_start3A_52] : memref<10240x128xf32, #tpu.memory_space<vmem_shared>> -> memref<80x128xf32, #tpu.memory_space<vmem_shared>>
      %dma_start3A_54 = arith.constant 0 : i32
      %dma_start3A_55 = arith.constant 0 : i32
      %dma_start3A_56 = tpu.memref_slice %arg9[%run_scoped3A_35, %dma_start3A_54, %dma_start3A_55] : memref<3x112x128xf32, #tpu.memory_space<vmem>> -> memref<1x80x128xf32, #tpu.memory_space<vmem>>
      %dma_start3A_57 = tpu.memref_squeeze %dma_start3A_56 : memref<1x80x128xf32, #tpu.memory_space<vmem>> -> memref<80x128xf32, #tpu.memory_space<vmem>>
      tpu.enqueue_dma source(%dma_start3A_57 : memref<80x128xf32, #tpu.memory_space<vmem>>) target(%dma_start3A_53 : memref<80x128xf32, #tpu.memory_space<vmem_shared>>) target_semaphore(%run_scoped3A_46 : memref<!tpu.dma_semaphore, #tpu.memory_space<semaphore_mem>>)
      %dma_wait3A = arith.constant 0 : i32
      %dma_wait3A_58 = arith.constant 0 : i32
      %dma_wait3A_59 = tpu.memref_slice %arg9[%run_scoped3A_35, %dma_wait3A, %dma_wait3A_58] : memref<3x112x128xf32, #tpu.memory_space<vmem>> -> memref<1x80x128xf32, #tpu.memory_space<vmem>>
      %dma_wait3A_60 = tpu.memref_squeeze %dma_wait3A_59 : memref<1x80x128xf32, #tpu.memory_space<vmem>> -> memref<80x128xf32, #tpu.memory_space<vmem>>
      %dma_wait3A_61 = arith.constant 0 : i32
      %dma_wait3A_62 = tpu.memref_slice %arg6[%add3A_34, %dma_wait3A_61] : memref<10240x128xf32, #tpu.memory_space<vmem_shared>> -> memref<80x128xf32, #tpu.memory_space<vmem_shared>>
      %dma_wait3A_63 = arith.constant 0 : i32
      %dma_wait3A_64 = tpu.memref_slice %arg6[%add3A_34, %dma_wait3A_63] : memref<10240x128xf32, #tpu.memory_space<vmem_shared>> -> memref<80x128xf32, #tpu.memory_space<vmem_shared>>
      %dma_wait3A_65 = arith.constant 0 : i32
      %dma_wait3A_66 = arith.constant 0 : i32
      %dma_wait3A_67 = tpu.memref_slice %arg9[%run_scoped3A_35, %dma_wait3A_65, %dma_wait3A_66] : memref<3x112x128xf32, #tpu.memory_space<vmem>> -> memref<1x80x128xf32, #tpu.memory_space<vmem>>
      %dma_wait3A_68 = tpu.memref_squeeze %dma_wait3A_67 : memref<1x80x128xf32, #tpu.memory_space<vmem>> -> memref<80x128xf32, #tpu.memory_space<vmem>>
      tpu.wait_dma2 semaphore(%run_scoped3A_46 : memref<!tpu.dma_semaphore, #tpu.memory_space<semaphore_mem>>) src(%dma_wait3A_68 : memref<80x128xf32, #tpu.memory_space<vmem>>) dst(%dma_wait3A_64 : memref<80x128xf32, #tpu.memory_space<vmem_shared>>)
      tpu.yield
    }) : () -> ()
    %barrier3A = arith.constant 0 : index
    tpu.barrier barrier_id(%barrier3A)
    %scan3A_36 = arith.constant 0 : i32
    %scan3A_37 = arith.constant 6 : i32
    %scan3A_38 = arith.addi %scan3A_36, %scan3A_37 : i32
    %scan3A_39 = arith.constant 1 : i32
    scf.for %scan3A_46 = %scan3A_36 to %scan3A_38 step %scan3A_39  : i32 {
      %mul3A_47 = arith.constant 1 : i32
      %mul3A_48 = arith.muli %scan3A_46, %mul3A_47 : i32
      %add3A_49 = arith.constant 0 : i32
      %add3A_50 = arith.addi %add3A_49, %mul3A_48 : i32
      %mul3A_51 = arith.constant 16 : i32
      %mul3A_52 = arith.muli %add3A_50, %mul3A_51 : i32
      %add3A_53 = arith.addi %multiple_of3A, %mul3A_52 : i32
      %multiple_of3A_54 = tpu.assume_multiple %add3A_53, 8 : i32
      "tpu.region"() ({
        %run_scoped3A_517 = tpu.sem_alloc : memref<!tpu.dma_semaphore, #tpu.memory_space<semaphore_mem>>
        %dma_start3A_518 = arith.constant 0 : i32
        %dma_start3A_519 = tpu.memref_slice %arg2[%multiple_of3A_54, %dma_start3A_518] : memref<3072x112xi32, #tpu.memory_space<hbm>> -> memref<16x112xi32, #tpu.memory_space<hbm>>
        %dma_start3A_520 = arith.constant 0 : i32
        %dma_start3A_521 = tpu.memref_slice %arg2[%multiple_of3A_54, %dma_start3A_520] : memref<3072x112xi32, #tpu.memory_space<hbm>> -> memref<16x112xi32, #tpu.memory_space<hbm>>
        tpu.enqueue_dma source(%dma_start3A_521 : memref<16x112xi32, #tpu.memory_space<hbm>>) target(%arg7 : memref<16x112xi32, #tpu.memory_space<vmem>>) target_semaphore(%run_scoped3A_517 : memref<!tpu.dma_semaphore, #tpu.memory_space<semaphore_mem>>)
        %dma_wait3A_522 = arith.constant 0 : i32
        %dma_wait3A_523 = tpu.memref_slice %arg2[%multiple_of3A_54, %dma_wait3A_522] : memref<3072x112xi32, #tpu.memory_space<hbm>> -> memref<16x112xi32, #tpu.memory_space<hbm>>
        %dma_wait3A_524 = arith.constant 0 : i32
        %dma_wait3A_525 = tpu.memref_slice %arg2[%multiple_of3A_54, %dma_wait3A_524] : memref<3072x112xi32, #tpu.memory_space<hbm>> -> memref<16x112xi32, #tpu.memory_space<hbm>>
        tpu.wait_dma2 semaphore(%run_scoped3A_517 : memref<!tpu.dma_semaphore, #tpu.memory_space<semaphore_mem>>) src(%dma_wait3A_525 : memref<16x112xi32, #tpu.memory_space<hbm>>) dst(%arg7 : memref<16x112xi32, #tpu.memory_space<vmem>>)
        tpu.yield
      }) : () -> ()
      "tpu.region"() ({
        %run_scoped3A_517 = tpu.sem_alloc : memref<!tpu.dma_semaphore, #tpu.memory_space<semaphore_mem>>
        %dma_start3A_518 = arith.constant 0 : i32
        %dma_start3A_519 = tpu.memref_slice %arg3[%multiple_of3A_54, %dma_start3A_518] : memref<3072x112xi32, #tpu.memory_space<hbm>> -> memref<16x112xi32, #tpu.memory_space<hbm>>
        %dma_start3A_520 = arith.constant 0 : i32
        %dma_start3A_521 = tpu.memref_slice %arg3[%multiple_of3A_54, %dma_start3A_520] : memref<3072x112xi32, #tpu.memory_space<hbm>> -> memref<16x112xi32, #tpu.memory_space<hbm>>
        tpu.enqueue_dma source(%dma_start3A_521 : memref<16x112xi32, #tpu.memory_space<hbm>>) target(%arg8 : memref<16x112xi32, #tpu.memory_space<vmem>>) target_semaphore(%run_scoped3A_517 : memref<!tpu.dma_semaphore, #tpu.memory_space<semaphore_mem>>)
        %dma_wait3A_522 = arith.constant 0 : i32
        %dma_wait3A_523 = tpu.memref_slice %arg3[%multiple_of3A_54, %dma_wait3A_522] : memref<3072x112xi32, #tpu.memory_space<hbm>> -> memref<16x112xi32, #tpu.memory_space<hbm>>
        %dma_wait3A_524 = arith.constant 0 : i32
        %dma_wait3A_525 = tpu.memref_slice %arg3[%multiple_of3A_54, %dma_wait3A_524] : memref<3072x112xi32, #tpu.memory_space<hbm>> -> memref<16x112xi32, #tpu.memory_space<hbm>>
        tpu.wait_dma2 semaphore(%run_scoped3A_517 : memref<!tpu.dma_semaphore, #tpu.memory_space<semaphore_mem>>) src(%dma_wait3A_525 : memref<16x112xi32, #tpu.memory_space<hbm>>) dst(%arg8 : memref<16x112xi32, #tpu.memory_space<vmem>>)
        tpu.yield
      }) : () -> ()
      %dma_start3A = arith.constant 0 : i32
      %dma_start3A_55 = arith.constant 0 : i32
      %dma_start3A_56 = arith.constant 0 : i32
      %dma_start3A_57 = arith.constant 0 : i32
      %dma_start3A_58 = tpu.memref_slice %arg9[%dma_start3A_55, %dma_start3A_56, %dma_start3A_57] : memref<3x112x128xf32, #tpu.memory_space<vmem>> -> memref<1x112x128xf32, #tpu.memory_space<vmem>>
      %dma_start3A_59 = tpu.memref_squeeze %dma_start3A_58 : memref<1x112x128xf32, #tpu.memory_space<vmem>> -> memref<112x128xf32, #tpu.memory_space<vmem>>
      %dma_start3A_60 = arith.constant 0 : i32
      %dma_start3A_61 = tpu.memref_slice %arg7[%dma_start3A, %dma_start3A_60] : memref<16x112xi32, #tpu.memory_space<vmem>> -> memref<1x112xi32, #tpu.memory_space<vmem>>
      %dma_start3A_62 = tpu.memref_squeeze %dma_start3A_61 : memref<1x112xi32, #tpu.memory_space<vmem>> -> memref<112xi32, #tpu.memory_space<vmem>>
      %dma_start3A_63 = arith.constant 0 : i32
      %dma_start3A_64 = arith.constant 0 : i32
      %dma_start3A_65 = tpu.memref_slice %arg4[%dma_start3A_63, %dma_start3A_64] : memref<10240x128xf32, #tpu.memory_space<hbm>> -> memref<10240x128xf32, #tpu.memory_space<hbm>>
      tpu.enqueue_indirect_dma source(%dma_start3A_65 : memref<10240x128xf32, #tpu.memory_space<hbm>>) target(%dma_start3A_59 : memref<112x128xf32, #tpu.memory_space<vmem>>) offsets(%dma_start3A_62 : memref<112xi32, #tpu.memory_space<vmem>>) semaphore(%arg10 : memref<!tpu.dma_semaphore, #tpu.memory_space<semaphore_mem>>)
      %dma_start3A_66 = arith.constant 1 : i32
      %dma_start3A_67 = arith.constant 1 : i32
      %dma_start3A_68 = arith.constant 0 : i32
      %dma_start3A_69 = arith.constant 0 : i32
      %dma_start3A_70 = tpu.memref_slice %arg9[%dma_start3A_67, %dma_start3A_68, %dma_start3A_69] : memref<3x112x128xf32, #tpu.memory_space<vmem>> -> memref<1x112x128xf32, #tpu.memory_space<vmem>>
      %dma_start3A_71 = tpu.memref_squeeze %dma_start3A_70 : memref<1x112x128xf32, #tpu.memory_space<vmem>> -> memref<112x128xf32, #tpu.memory_space<vmem>>
      %dma_start3A_72 = arith.constant 0 : i32
      %dma_start3A_73 = tpu.memref_slice %arg7[%dma_start3A_66, %dma_start3A_72] : memref<16x112xi32, #tpu.memory_space<vmem>> -> memref<1x112xi32, #tpu.memory_space<vmem>>
      %dma_start3A_74 = tpu.memref_squeeze %dma_start3A_73 : memref<1x112xi32, #tpu.memory_space<vmem>> -> memref<112xi32, #tpu.memory_space<vmem>>
      %dma_start3A_75 = arith.constant 0 : i32
      %dma_start3A_76 = arith.constant 0 : i32
      %dma_start3A_77 = tpu.memref_slice %arg4[%dma_start3A_75, %dma_start3A_76] : memref<10240x128xf32, #tpu.memory_space<hbm>> -> memref<10240x128xf32, #tpu.memory_space<hbm>>
      tpu.enqueue_indirect_dma source(%dma_start3A_77 : memref<10240x128xf32, #tpu.memory_space<hbm>>) target(%dma_start3A_71 : memref<112x128xf32, #tpu.memory_space<vmem>>) offsets(%dma_start3A_74 : memref<112xi32, #tpu.memory_space<vmem>>) semaphore(%arg11 : memref<!tpu.dma_semaphore, #tpu.memory_space<semaphore_mem>>)
      %dma_start3A_78 = arith.constant 2 : i32
      %dma_start3A_79 = arith.constant 2 : i32
      %dma_start3A_80 = arith.constant 0 : i32
      %dma_start3A_81 = arith.constant 0 : i32
      %dma_start3A_82 = tpu.memref_slice %arg9[%dma_start3A_79, %dma_start3A_80, %dma_start3A_81] : memref<3x112x128xf32, #tpu.memory_space<vmem>> -> memref<1x112x128xf32, #tpu.memory_space<vmem>>
      %dma_start3A_83 = tpu.memref_squeeze %dma_start3A_82 : memref<1x112x128xf32, #tpu.memory_space<vmem>> -> memref<112x128xf32, #tpu.memory_space<vmem>>
      %dma_start3A_84 = arith.constant 0 : i32
      %dma_start3A_85 = tpu.memref_slice %arg7[%dma_start3A_78, %dma_start3A_84] : memref<16x112xi32, #tpu.memory_space<vmem>> -> memref<1x112xi32, #tpu.memory_space<vmem>>
      %dma_start3A_86 = tpu.memref_squeeze %dma_start3A_85 : memref<1x112xi32, #tpu.memory_space<vmem>> -> memref<112xi32, #tpu.memory_space<vmem>>
      %dma_start3A_87 = arith.constant 0 : i32
      %dma_start3A_88 = arith.constant 0 : i32
      %dma_start3A_89 = tpu.memref_slice %arg4[%dma_start3A_87, %dma_start3A_88] : memref<10240x128xf32, #tpu.memory_space<hbm>> -> memref<10240x128xf32, #tpu.memory_space<hbm>>
      tpu.enqueue_indirect_dma source(%dma_start3A_89 : memref<10240x128xf32, #tpu.memory_space<hbm>>) target(%dma_start3A_83 : memref<112x128xf32, #tpu.memory_space<vmem>>) offsets(%dma_start3A_86 : memref<112xi32, #tpu.memory_space<vmem>>) semaphore(%arg12 : memref<!tpu.dma_semaphore, #tpu.memory_space<semaphore_mem>>)
      %dma_wait3A = arith.constant 0 : i32
      %dma_wait3A_90 = arith.constant 0 : i32
      %dma_wait3A_91 = arith.constant 0 : i32
      %dma_wait3A_92 = tpu.memref_slice %arg9[%dma_wait3A, %dma_wait3A_90, %dma_wait3A_91] : memref<3x112x128xf32, #tpu.memory_space<vmem>> -> memref<1x112x128xf32, #tpu.memory_space<vmem>>
      %dma_wait3A_93 = tpu.memref_squeeze %dma_wait3A_92 : memref<1x112x128xf32, #tpu.memory_space<vmem>> -> memref<112x128xf32, #tpu.memory_space<vmem>>
      %dma_wait3A_94 = arith.constant 0 : i32
      %dma_wait3A_95 = arith.constant 0 : i32
      %dma_wait3A_96 = tpu.memref_slice %arg4[%dma_wait3A_94, %dma_wait3A_95] : memref<10240x128xf32, #tpu.memory_space<hbm>> -> memref<112x128xf32, #tpu.memory_space<hbm>>
      %dma_wait3A_97 = arith.constant 0 : i32
      %dma_wait3A_98 = arith.constant 0 : i32
      %dma_wait3A_99 = tpu.memref_slice %arg9[%dma_wait3A, %dma_wait3A_97, %dma_wait3A_98] : memref<3x112x128xf32, #tpu.memory_space<vmem>> -> memref<1x112x128xf32, #tpu.memory_space<vmem>>
      %dma_wait3A_100 = tpu.memref_squeeze %dma_wait3A_99 : memref<1x112x128xf32, #tpu.memory_space<vmem>> -> memref<112x128xf32, #tpu.memory_space<vmem>>
      %dma_wait3A_101 = arith.constant 0 : i32
      %dma_wait3A_102 = arith.constant 0 : i32
      %dma_wait3A_103 = tpu.memref_slice %arg4[%dma_wait3A_101, %dma_wait3A_102] : memref<10240x128xf32, #tpu.memory_space<hbm>> -> memref<112x128xf32, #tpu.memory_space<hbm>>
      tpu.wait_dma2 semaphore(%arg10 : memref<!tpu.dma_semaphore, #tpu.memory_space<semaphore_mem>>) src(%dma_wait3A_103 : memref<112x128xf32, #tpu.memory_space<hbm>>) dst(%dma_wait3A_100 : memref<112x128xf32, #tpu.memory_space<vmem>>)
      %run_scoped3A_104 = arith.constant 0 : i32
      %run_scoped3A_105 = arith.constant 0 : i32
      "tpu.region"() ({
        %run_scoped3A_517 = tpu.sem_alloc : memref<!tpu.dma_semaphore, #tpu.memory_space<semaphore_mem>>
        %dma_start3A_518 = arith.constant 0 : i32
        %dma_start3A_519 = arith.constant 0 : i32
        %dma_start3A_520 = tpu.memref_slice %arg9[%run_scoped3A_104, %dma_start3A_518, %dma_start3A_519] : memref<3x112x128xf32, #tpu.memory_space<vmem>> -> memref<1x112x128xf32, #tpu.memory_space<vmem>>
        %dma_start3A_521 = tpu.memref_squeeze %dma_start3A_520 : memref<1x112x128xf32, #tpu.memory_space<vmem>> -> memref<112x128xf32, #tpu.memory_space<vmem>>
        %dma_start3A_522 = arith.constant 0 : i32
        %dma_start3A_523 = tpu.memref_slice %arg8[%run_scoped3A_105, %dma_start3A_522] : memref<16x112xi32, #tpu.memory_space<vmem>> -> memref<1x112xi32, #tpu.memory_space<vmem>>
        %dma_start3A_524 = tpu.memref_squeeze %dma_start3A_523 : memref<1x112xi32, #tpu.memory_space<vmem>> -> memref<112xi32, #tpu.memory_space<vmem>>
        %dma_start3A_525 = arith.constant 0 : i32
        %dma_start3A_526 = arith.constant 0 : i32
        %dma_start3A_527 = tpu.memref_slice %arg6[%dma_start3A_525, %dma_start3A_526] : memref<10240x128xf32, #tpu.memory_space<vmem_shared>> -> memref<10240x128xf32, #tpu.memory_space<vmem_shared>>
        tpu.enqueue_indirect_dma source(%dma_start3A_521 : memref<112x128xf32, #tpu.memory_space<vmem>>) target(%dma_start3A_527 : memref<10240x128xf32, #tpu.memory_space<vmem_shared>>) offsets(%dma_start3A_524 : memref<112xi32, #tpu.memory_space<vmem>>) semaphore(%run_scoped3A_517 : memref<!tpu.dma_semaphore, #tpu.memory_space<semaphore_mem>>) {add = true}
        %dma_wait3A_528 = arith.constant 0 : i32
        %dma_wait3A_529 = arith.constant 0 : i32
        %dma_wait3A_530 = tpu.memref_slice %arg9[%run_scoped3A_104, %dma_wait3A_528, %dma_wait3A_529] : memref<3x112x128xf32, #tpu.memory_space<vmem>> -> memref<1x112x128xf32, #tpu.memory_space<vmem>>
        %dma_wait3A_531 = tpu.memref_squeeze %dma_wait3A_530 : memref<1x112x128xf32, #tpu.memory_space<vmem>> -> memref<112x128xf32, #tpu.memory_space<vmem>>
        %dma_wait3A_532 = arith.constant 0 : i32
        %dma_wait3A_533 = tpu.memref_slice %arg8[%run_scoped3A_105, %dma_wait3A_532] : memref<16x112xi32, #tpu.memory_space<vmem>> -> memref<1x112xi32, #tpu.memory_space<vmem>>
        %dma_wait3A_534 = tpu.memref_squeeze %dma_wait3A_533 : memref<1x112xi32, #tpu.memory_space<vmem>> -> memref<112xi32, #tpu.memory_space<vmem>>
        %dma_wait3A_535 = arith.constant 0 : i32
        %dma_wait3A_536 = arith.constant 0 : i32
        %dma_wait3A_537 = tpu.memref_slice %arg6[%dma_wait3A_535, %dma_wait3A_536] : memref<10240x128xf32, #tpu.memory_space<vmem_shared>> -> memref<10240x128xf32, #tpu.memory_space<vmem_shared>>
        tpu.wait_indirect_dma semaphore(%run_scoped3A_517 : memref<!tpu.dma_semaphore, #tpu.memory_space<semaphore_mem>>) src(%dma_wait3A_531 : memref<112x128xf32, #tpu.memory_space<vmem>>) dst(%dma_wait3A_537 : memref<10240x128xf32, #tpu.memory_space<vmem_shared>>)
        tpu.yield
      }) : () -> ()
      %dma_start3A_106 = arith.constant 3 : i32
      %dma_start3A_107 = arith.constant 0 : i32
      %dma_start3A_108 = arith.constant 0 : i32
      %dma_start3A_109 = arith.constant 0 : i32
      %dma_start3A_110 = tpu.memref_slice %arg9[%dma_start3A_107, %dma_start3A_108, %dma_start3A_109] : memref<3x112x128xf32, #tpu.memory_space<vmem>> -> memref<1x112x128xf32, #tpu.memory_space<vmem>>
      %dma_start3A_111 = tpu.memref_squeeze %dma_start3A_110 : memref<1x112x128xf32, #tpu.memory_space<vmem>> -> memref<112x128xf32, #tpu.memory_space<vmem>>
      %dma_start3A_112 = arith.constant 0 : i32
      %dma_start3A_113 = tpu.memref_slice %arg7[%dma_start3A_106, %dma_start3A_112] : memref<16x112xi32, #tpu.memory_space<vmem>> -> memref<1x112xi32, #tpu.memory_space<vmem>>
      %dma_start3A_114 = tpu.memref_squeeze %dma_start3A_113 : memref<1x112xi32, #tpu.memory_space<vmem>> -> memref<112xi32, #tpu.memory_space<vmem>>
      %dma_start3A_115 = arith.constant 0 : i32
      %dma_start3A_116 = arith.constant 0 : i32
      %dma_start3A_117 = tpu.memref_slice %arg4[%dma_start3A_115, %dma_start3A_116] : memref<10240x128xf32, #tpu.memory_space<hbm>> -> memref<10240x128xf32, #tpu.memory_space<hbm>>
      tpu.enqueue_indirect_dma source(%dma_start3A_117 : memref<10240x128xf32, #tpu.memory_space<hbm>>) target(%dma_start3A_111 : memref<112x128xf32, #tpu.memory_space<vmem>>) offsets(%dma_start3A_114 : memref<112xi32, #tpu.memory_space<vmem>>) semaphore(%arg10 : memref<!tpu.dma_semaphore, #tpu.memory_space<semaphore_mem>>)
      %dma_wait3A_118 = arith.constant 1 : i32
      %dma_wait3A_119 = arith.constant 0 : i32
      %dma_wait3A_120 = arith.constant 0 : i32
      %dma_wait3A_121 = tpu.memref_slice %arg9[%dma_wait3A_118, %dma_wait3A_119, %dma_wait3A_120] : memref<3x112x128xf32, #tpu.memory_space<vmem>> -> memref<1x112x128xf32, #tpu.memory_space<vmem>>
      %dma_wait3A_122 = tpu.memref_squeeze %dma_wait3A_121 : memref<1x112x128xf32, #tpu.memory_space<vmem>> -> memref<112x128xf32, #tpu.memory_space<vmem>>
      %dma_wait3A_123 = arith.constant 0 : i32
      %dma_wait3A_124 = arith.constant 0 : i32
      %dma_wait3A_125 = tpu.memref_slice %arg4[%dma_wait3A_123, %dma_wait3A_124] : memref<10240x128xf32, #tpu.memory_space<hbm>> -> memref<112x128xf32, #tpu.memory_space<hbm>>
      %dma_wait3A_126 = arith.constant 0 : i32
      %dma_wait3A_127 = arith.constant 0 : i32
      %dma_wait3A_128 = tpu.memref_slice %arg9[%dma_wait3A_118, %dma_wait3A_126, %dma_wait3A_127] : memref<3x112x128xf32, #tpu.memory_space<vmem>> -> memref<1x112x128xf32, #tpu.memory_space<vmem>>
      %dma_wait3A_129 = tpu.memref_squeeze %dma_wait3A_128 : memref<1x112x128xf32, #tpu.memory_space<vmem>> -> memref<112x128xf32, #tpu.memory_space<vmem>>
      %dma_wait3A_130 = arith.constant 0 : i32
      %dma_wait3A_131 = arith.constant 0 : i32
      %dma_wait3A_132 = tpu.memref_slice %arg4[%dma_wait3A_130, %dma_wait3A_131] : memref<10240x128xf32, #tpu.memory_space<hbm>> -> memref<112x128xf32, #tpu.memory_space<hbm>>
      tpu.wait_dma2 semaphore(%arg11 : memref<!tpu.dma_semaphore, #tpu.memory_space<semaphore_mem>>) src(%dma_wait3A_132 : memref<112x128xf32, #tpu.memory_space<hbm>>) dst(%dma_wait3A_129 : memref<112x128xf32, #tpu.memory_space<vmem>>)
      %run_scoped3A_133 = arith.constant 1 : i32
      %run_scoped3A_134 = arith.constant 1 : i32
      "tpu.region"() ({
        %run_scoped3A_517 = tpu.sem_alloc : memref<!tpu.dma_semaphore, #tpu.memory_space<semaphore_mem>>
        %dma_start3A_518 = arith.constant 0 : i32
        %dma_start3A_519 = arith.constant 0 : i32
        %dma_start3A_520 = tpu.memref_slice %arg9[%run_scoped3A_133, %dma_start3A_518, %dma_start3A_519] : memref<3x112x128xf32, #tpu.memory_space<vmem>> -> memref<1x112x128xf32, #tpu.memory_space<vmem>>
        %dma_start3A_521 = tpu.memref_squeeze %dma_start3A_520 : memref<1x112x128xf32, #tpu.memory_space<vmem>> -> memref<112x128xf32, #tpu.memory_space<vmem>>
        %dma_start3A_522 = arith.constant 0 : i32
        %dma_start3A_523 = tpu.memref_slice %arg8[%run_scoped3A_134, %dma_start3A_522] : memref<16x112xi32, #tpu.memory_space<vmem>> -> memref<1x112xi32, #tpu.memory_space<vmem>>
        %dma_start3A_524 = tpu.memref_squeeze %dma_start3A_523 : memref<1x112xi32, #tpu.memory_space<vmem>> -> memref<112xi32, #tpu.memory_space<vmem>>
        %dma_start3A_525 = arith.constant 0 : i32
        %dma_start3A_526 = arith.constant 0 : i32
        %dma_start3A_527 = tpu.memref_slice %arg6[%dma_start3A_525, %dma_start3A_526] : memref<10240x128xf32, #tpu.memory_space<vmem_shared>> -> memref<10240x128xf32, #tpu.memory_space<vmem_shared>>
        tpu.enqueue_indirect_dma source(%dma_start3A_521 : memref<112x128xf32, #tpu.memory_space<vmem>>) target(%dma_start3A_527 : memref<10240x128xf32, #tpu.memory_space<vmem_shared>>) offsets(%dma_start3A_524 : memref<112xi32, #tpu.memory_space<vmem>>) semaphore(%run_scoped3A_517 : memref<!tpu.dma_semaphore, #tpu.memory_space<semaphore_mem>>) {add = true}
        %dma_wait3A_528 = arith.constant 0 : i32
        %dma_wait3A_529 = arith.constant 0 : i32
        %dma_wait3A_530 = tpu.memref_slice %arg9[%run_scoped3A_133, %dma_wait3A_528, %dma_wait3A_529] : memref<3x112x128xf32, #tpu.memory_space<vmem>> -> memref<1x112x128xf32, #tpu.memory_space<vmem>>
        %dma_wait3A_531 = tpu.memref_squeeze %dma_wait3A_530 : memref<1x112x128xf32, #tpu.memory_space<vmem>> -> memref<112x128xf32, #tpu.memory_space<vmem>>
        %dma_wait3A_532 = arith.constant 0 : i32
        %dma_wait3A_533 = tpu.memref_slice %arg8[%run_scoped3A_134, %dma_wait3A_532] : memref<16x112xi32, #tpu.memory_space<vmem>> -> memref<1x112xi32, #tpu.memory_space<vmem>>
        %dma_wait3A_534 = tpu.memref_squeeze %dma_wait3A_533 : memref<1x112xi32, #tpu.memory_space<vmem>> -> memref<112xi32, #tpu.memory_space<vmem>>
        %dma_wait3A_535 = arith.constant 0 : i32
        %dma_wait3A_536 = arith.constant 0 : i32
        %dma_wait3A_537 = tpu.memref_slice %arg6[%dma_wait3A_535, %dma_wait3A_536] : memref<10240x128xf32, #tpu.memory_space<vmem_shared>> -> memref<10240x128xf32, #tpu.memory_space<vmem_shared>>
        tpu.wait_indirect_dma semaphore(%run_scoped3A_517 : memref<!tpu.dma_semaphore, #tpu.memory_space<semaphore_mem>>) src(%dma_wait3A_531 : memref<112x128xf32, #tpu.memory_space<vmem>>) dst(%dma_wait3A_537 : memref<10240x128xf32, #tpu.memory_space<vmem_shared>>)
        tpu.yield
      }) : () -> ()
      %dma_start3A_135 = arith.constant 4 : i32
      %dma_start3A_136 = arith.constant 1 : i32
      %dma_start3A_137 = arith.constant 0 : i32
      %dma_start3A_138 = arith.constant 0 : i32
      %dma_start3A_139 = tpu.memref_slice %arg9[%dma_start3A_136, %dma_start3A_137, %dma_start3A_138] : memref<3x112x128xf32, #tpu.memory_space<vmem>> -> memref<1x112x128xf32, #tpu.memory_space<vmem>>
      %dma_start3A_140 = tpu.memref_squeeze %dma_start3A_139 : memref<1x112x128xf32, #tpu.memory_space<vmem>> -> memref<112x128xf32, #tpu.memory_space<vmem>>
      %dma_start3A_141 = arith.constant 0 : i32
      %dma_start3A_142 = tpu.memref_slice %arg7[%dma_start3A_135, %dma_start3A_141] : memref<16x112xi32, #tpu.memory_space<vmem>> -> memref<1x112xi32, #tpu.memory_space<vmem>>
      %dma_start3A_143 = tpu.memref_squeeze %dma_start3A_142 : memref<1x112xi32, #tpu.memory_space<vmem>> -> memref<112xi32, #tpu.memory_space<vmem>>
      %dma_start3A_144 = arith.constant 0 : i32
      %dma_start3A_145 = arith.constant 0 : i32
      %dma_start3A_146 = tpu.memref_slice %arg4[%dma_start3A_144, %dma_start3A_145] : memref<10240x128xf32, #tpu.memory_space<hbm>> -> memref<10240x128xf32, #tpu.memory_space<hbm>>
      tpu.enqueue_indirect_dma source(%dma_start3A_146 : memref<10240x128xf32, #tpu.memory_space<hbm>>) target(%dma_start3A_140 : memref<112x128xf32, #tpu.memory_space<vmem>>) offsets(%dma_start3A_143 : memref<112xi32, #tpu.memory_space<vmem>>) semaphore(%arg11 : memref<!tpu.dma_semaphore, #tpu.memory_space<semaphore_mem>>)
      %dma_wait3A_147 = arith.constant 2 : i32
      %dma_wait3A_148 = arith.constant 0 : i32
      %dma_wait3A_149 = arith.constant 0 : i32
      %dma_wait3A_150 = tpu.memref_slice %arg9[%dma_wait3A_147, %dma_wait3A_148, %dma_wait3A_149] : memref<3x112x128xf32, #tpu.memory_space<vmem>> -> memref<1x112x128xf32, #tpu.memory_space<vmem>>
      %dma_wait3A_151 = tpu.memref_squeeze %dma_wait3A_150 : memref<1x112x128xf32, #tpu.memory_space<vmem>> -> memref<112x128xf32, #tpu.memory_space<vmem>>
      %dma_wait3A_152 = arith.constant 0 : i32
      %dma_wait3A_153 = arith.constant 0 : i32
      %dma_wait3A_154 = tpu.memref_slice %arg4[%dma_wait3A_152, %dma_wait3A_153] : memref<10240x128xf32, #tpu.memory_space<hbm>> -> memref<112x128xf32, #tpu.memory_space<hbm>>
      %dma_wait3A_155 = arith.constant 0 : i32
      %dma_wait3A_156 = arith.constant 0 : i32
      %dma_wait3A_157 = tpu.memref_slice %arg9[%dma_wait3A_147, %dma_wait3A_155, %dma_wait3A_156] : memref<3x112x128xf32, #tpu.memory_space<vmem>> -> memref<1x112x128xf32, #tpu.memory_space<vmem>>
      %dma_wait3A_158 = tpu.memref_squeeze %dma_wait3A_157 : memref<1x112x128xf32, #tpu.memory_space<vmem>> -> memref<112x128xf32, #tpu.memory_space<vmem>>
      %dma_wait3A_159 = arith.constant 0 : i32
      %dma_wait3A_160 = arith.constant 0 : i32
      %dma_wait3A_161 = tpu.memref_slice %arg4[%dma_wait3A_159, %dma_wait3A_160] : memref<10240x128xf32, #tpu.memory_space<hbm>> -> memref<112x128xf32, #tpu.memory_space<hbm>>
      tpu.wait_dma2 semaphore(%arg12 : memref<!tpu.dma_semaphore, #tpu.memory_space<semaphore_mem>>) src(%dma_wait3A_161 : memref<112x128xf32, #tpu.memory_space<hbm>>) dst(%dma_wait3A_158 : memref<112x128xf32, #tpu.memory_space<vmem>>)
      %run_scoped3A_162 = arith.constant 2 : i32
      %run_scoped3A_163 = arith.constant 2 : i32
      "tpu.region"() ({
        %run_scoped3A_517 = tpu.sem_alloc : memref<!tpu.dma_semaphore, #tpu.memory_space<semaphore_mem>>
        %dma_start3A_518 = arith.constant 0 : i32
        %dma_start3A_519 = arith.constant 0 : i32
        %dma_start3A_520 = tpu.memref_slice %arg9[%run_scoped3A_162, %dma_start3A_518, %dma_start3A_519] : memref<3x112x128xf32, #tpu.memory_space<vmem>> -> memref<1x112x128xf32, #tpu.memory_space<vmem>>
        %dma_start3A_521 = tpu.memref_squeeze %dma_start3A_520 : memref<1x112x128xf32, #tpu.memory_space<vmem>> -> memref<112x128xf32, #tpu.memory_space<vmem>>
        %dma_start3A_522 = arith.constant 0 : i32
        %dma_start3A_523 = tpu.memref_slice %arg8[%run_scoped3A_163, %dma_start3A_522] : memref<16x112xi32, #tpu.memory_space<vmem>> -> memref<1x112xi32, #tpu.memory_space<vmem>>
        %dma_start3A_524 = tpu.memref_squeeze %dma_start3A_523 : memref<1x112xi32, #tpu.memory_space<vmem>> -> memref<112xi32, #tpu.memory_space<vmem>>
        %dma_start3A_525 = arith.constant 0 : i32
        %dma_start3A_526 = arith.constant 0 : i32
        %dma_start3A_527 = tpu.memref_slice %arg6[%dma_start3A_525, %dma_start3A_526] : memref<10240x128xf32, #tpu.memory_space<vmem_shared>> -> memref<10240x128xf32, #tpu.memory_space<vmem_shared>>
        tpu.enqueue_indirect_dma source(%dma_start3A_521 : memref<112x128xf32, #tpu.memory_space<vmem>>) target(%dma_start3A_527 : memref<10240x128xf32, #tpu.memory_space<vmem_shared>>) offsets(%dma_start3A_524 : memref<112xi32, #tpu.memory_space<vmem>>) semaphore(%run_scoped3A_517 : memref<!tpu.dma_semaphore, #tpu.memory_space<semaphore_mem>>) {add = true}
        %dma_wait3A_528 = arith.constant 0 : i32
        %dma_wait3A_529 = arith.constant 0 : i32
        %dma_wait3A_530 = tpu.memref_slice %arg9[%run_scoped3A_162, %dma_wait3A_528, %dma_wait3A_529] : memref<3x112x128xf32, #tpu.memory_space<vmem>> -> memref<1x112x128xf32, #tpu.memory_space<vmem>>
        %dma_wait3A_531 = tpu.memref_squeeze %dma_wait3A_530 : memref<1x112x128xf32, #tpu.memory_space<vmem>> -> memref<112x128xf32, #tpu.memory_space<vmem>>
        %dma_wait3A_532 = arith.constant 0 : i32
        %dma_wait3A_533 = tpu.memref_slice %arg8[%run_scoped3A_163, %dma_wait3A_532] : memref<16x112xi32, #tpu.memory_space<vmem>> -> memref<1x112xi32, #tpu.memory_space<vmem>>
        %dma_wait3A_534 = tpu.memref_squeeze %dma_wait3A_533 : memref<1x112xi32, #tpu.memory_space<vmem>> -> memref<112xi32, #tpu.memory_space<vmem>>
        %dma_wait3A_535 = arith.constant 0 : i32
        %dma_wait3A_536 = arith.constant 0 : i32
        %dma_wait3A_537 = tpu.memref_slice %arg6[%dma_wait3A_535, %dma_wait3A_536] : memref<10240x128xf32, #tpu.memory_space<vmem_shared>> -> memref<10240x128xf32, #tpu.memory_space<vmem_shared>>
        tpu.wait_indirect_dma semaphore(%run_scoped3A_517 : memref<!tpu.dma_semaphore, #tpu.memory_space<semaphore_mem>>) src(%dma_wait3A_531 : memref<112x128xf32, #tpu.memory_space<vmem>>) dst(%dma_wait3A_537 : memref<10240x128xf32, #tpu.memory_space<vmem_shared>>)
        tpu.yield
      }) : () -> ()
      %dma_start3A_164 = arith.constant 5 : i32
      %dma_start3A_165 = arith.constant 2 : i32
      %dma_start3A_166 = arith.constant 0 : i32
      %dma_start3A_167 = arith.constant 0 : i32
      %dma_start3A_168 = tpu.memref_slice %arg9[%dma_start3A_165, %dma_start3A_166, %dma_start3A_167] : memref<3x112x128xf32, #tpu.memory_space<vmem>> -> memref<1x112x128xf32, #tpu.memory_space<vmem>>
      %dma_start3A_169 = tpu.memref_squeeze %dma_start3A_168 : memref<1x112x128xf32, #tpu.memory_space<vmem>> -> memref<112x128xf32, #tpu.memory_space<vmem>>
      %dma_start3A_170 = arith.constant 0 : i32
      %dma_start3A_171 = tpu.memref_slice %arg7[%dma_start3A_164, %dma_start3A_170] : memref<16x112xi32, #tpu.memory_space<vmem>> -> memref<1x112xi32, #tpu.memory_space<vmem>>
      %dma_start3A_172 = tpu.memref_squeeze %dma_start3A_171 : memref<1x112xi32, #tpu.memory_space<vmem>> -> memref<112xi32, #tpu.memory_space<vmem>>
      %dma_start3A_173 = arith.constant 0 : i32
      %dma_start3A_174 = arith.constant 0 : i32
      %dma_start3A_175 = tpu.memref_slice %arg4[%dma_start3A_173, %dma_start3A_174] : memref<10240x128xf32, #tpu.memory_space<hbm>> -> memref<10240x128xf32, #tpu.memory_space<hbm>>
      tpu.enqueue_indirect_dma source(%dma_start3A_175 : memref<10240x128xf32, #tpu.memory_space<hbm>>) target(%dma_start3A_169 : memref<112x128xf32, #tpu.memory_space<vmem>>) offsets(%dma_start3A_172 : memref<112xi32, #tpu.memory_space<vmem>>) semaphore(%arg12 : memref<!tpu.dma_semaphore, #tpu.memory_space<semaphore_mem>>)
      %dma_wait3A_176 = arith.constant 0 : i32
      %dma_wait3A_177 = arith.constant 0 : i32
      %dma_wait3A_178 = arith.constant 0 : i32
      %dma_wait3A_179 = tpu.memref_slice %arg9[%dma_wait3A_176, %dma_wait3A_177, %dma_wait3A_178] : memref<3x112x128xf32, #tpu.memory_space<vmem>> -> memref<1x112x128xf32, #tpu.memory_space<vmem>>
      %dma_wait3A_180 = tpu.memref_squeeze %dma_wait3A_179 : memref<1x112x128xf32, #tpu.memory_space<vmem>> -> memref<112x128xf32, #tpu.memory_space<vmem>>
      %dma_wait3A_181 = arith.constant 0 : i32
      %dma_wait3A_182 = arith.constant 0 : i32
      %dma_wait3A_183 = tpu.memref_slice %arg4[%dma_wait3A_181, %dma_wait3A_182] : memref<10240x128xf32, #tpu.memory_space<hbm>> -> memref<112x128xf32, #tpu.memory_space<hbm>>
      %dma_wait3A_184 = arith.constant 0 : i32
      %dma_wait3A_185 = arith.constant 0 : i32
      %dma_wait3A_186 = tpu.memref_slice %arg9[%dma_wait3A_176, %dma_wait3A_184, %dma_wait3A_185] : memref<3x112x128xf32, #tpu.memory_space<vmem>> -> memref<1x112x128xf32, #tpu.memory_space<vmem>>
      %dma_wait3A_187 = tpu.memref_squeeze %dma_wait3A_186 : memref<1x112x128xf32, #tpu.memory_space<vmem>> -> memref<112x128xf32, #tpu.memory_space<vmem>>
      %dma_wait3A_188 = arith.constant 0 : i32
      %dma_wait3A_189 = arith.constant 0 : i32
      %dma_wait3A_190 = tpu.memref_slice %arg4[%dma_wait3A_188, %dma_wait3A_189] : memref<10240x128xf32, #tpu.memory_space<hbm>> -> memref<112x128xf32, #tpu.memory_space<hbm>>
      tpu.wait_dma2 semaphore(%arg10 : memref<!tpu.dma_semaphore, #tpu.memory_space<semaphore_mem>>) src(%dma_wait3A_190 : memref<112x128xf32, #tpu.memory_space<hbm>>) dst(%dma_wait3A_187 : memref<112x128xf32, #tpu.memory_space<vmem>>)
      %run_scoped3A_191 = arith.constant 0 : i32
      %run_scoped3A_192 = arith.constant 3 : i32
      "tpu.region"() ({
        %run_scoped3A_517 = tpu.sem_alloc : memref<!tpu.dma_semaphore, #tpu.memory_space<semaphore_mem>>
        %dma_start3A_518 = arith.constant 0 : i32
        %dma_start3A_519 = arith.constant 0 : i32
        %dma_start3A_520 = tpu.memref_slice %arg9[%run_scoped3A_191, %dma_start3A_518, %dma_start3A_519] : memref<3x112x128xf32, #tpu.memory_space<vmem>> -> memref<1x112x128xf32, #tpu.memory_space<vmem>>
        %dma_start3A_521 = tpu.memref_squeeze %dma_start3A_520 : memref<1x112x128xf32, #tpu.memory_space<vmem>> -> memref<112x128xf32, #tpu.memory_space<vmem>>
        %dma_start3A_522 = arith.constant 0 : i32
        %dma_start3A_523 = tpu.memref_slice %arg8[%run_scoped3A_192, %dma_start3A_522] : memref<16x112xi32, #tpu.memory_space<vmem>> -> memref<1x112xi32, #tpu.memory_space<vmem>>
        %dma_start3A_524 = tpu.memref_squeeze %dma_start3A_523 : memref<1x112xi32, #tpu.memory_space<vmem>> -> memref<112xi32, #tpu.memory_space<vmem>>
        %dma_start3A_525 = arith.constant 0 : i32
        %dma_start3A_526 = arith.constant 0 : i32
        %dma_start3A_527 = tpu.memref_slice %arg6[%dma_start3A_525, %dma_start3A_526] : memref<10240x128xf32, #tpu.memory_space<vmem_shared>> -> memref<10240x128xf32, #tpu.memory_space<vmem_shared>>
        tpu.enqueue_indirect_dma source(%dma_start3A_521 : memref<112x128xf32, #tpu.memory_space<vmem>>) target(%dma_start3A_527 : memref<10240x128xf32, #tpu.memory_space<vmem_shared>>) offsets(%dma_start3A_524 : memref<112xi32, #tpu.memory_space<vmem>>) semaphore(%run_scoped3A_517 : memref<!tpu.dma_semaphore, #tpu.memory_space<semaphore_mem>>) {add = true}
        %dma_wait3A_528 = arith.constant 0 : i32
        %dma_wait3A_529 = arith.constant 0 : i32
        %dma_wait3A_530 = tpu.memref_slice %arg9[%run_scoped3A_191, %dma_wait3A_528, %dma_wait3A_529] : memref<3x112x128xf32, #tpu.memory_space<vmem>> -> memref<1x112x128xf32, #tpu.memory_space<vmem>>
        %dma_wait3A_531 = tpu.memref_squeeze %dma_wait3A_530 : memref<1x112x128xf32, #tpu.memory_space<vmem>> -> memref<112x128xf32, #tpu.memory_space<vmem>>
        %dma_wait3A_532 = arith.constant 0 : i32
        %dma_wait3A_533 = tpu.memref_slice %arg8[%run_scoped3A_192, %dma_wait3A_532] : memref<16x112xi32, #tpu.memory_space<vmem>> -> memref<1x112xi32, #tpu.memory_space<vmem>>
        %dma_wait3A_534 = tpu.memref_squeeze %dma_wait3A_533 : memref<1x112xi32, #tpu.memory_space<vmem>> -> memref<112xi32, #tpu.memory_space<vmem>>
        %dma_wait3A_535 = arith.constant 0 : i32
        %dma_wait3A_536 = arith.constant 0 : i32
        %dma_wait3A_537 = tpu.memref_slice %arg6[%dma_wait3A_535, %dma_wait3A_536] : memref<10240x128xf32, #tpu.memory_space<vmem_shared>> -> memref<10240x128xf32, #tpu.memory_space<vmem_shared>>
        tpu.wait_indirect_dma semaphore(%run_scoped3A_517 : memref<!tpu.dma_semaphore, #tpu.memory_space<semaphore_mem>>) src(%dma_wait3A_531 : memref<112x128xf32, #tpu.memory_space<vmem>>) dst(%dma_wait3A_537 : memref<10240x128xf32, #tpu.memory_space<vmem_shared>>)
        tpu.yield
      }) : () -> ()
      %dma_start3A_193 = arith.constant 6 : i32
      %dma_start3A_194 = arith.constant 0 : i32
      %dma_start3A_195 = arith.constant 0 : i32
      %dma_start3A_196 = arith.constant 0 : i32
      %dma_start3A_197 = tpu.memref_slice %arg9[%dma_start3A_194, %dma_start3A_195, %dma_start3A_196] : memref<3x112x128xf32, #tpu.memory_space<vmem>> -> memref<1x112x128xf32, #tpu.memory_space<vmem>>
      %dma_start3A_198 = tpu.memref_squeeze %dma_start3A_197 : memref<1x112x128xf32, #tpu.memory_space<vmem>> -> memref<112x128xf32, #tpu.memory_space<vmem>>
      %dma_start3A_199 = arith.constant 0 : i32
      %dma_start3A_200 = tpu.memref_slice %arg7[%dma_start3A_193, %dma_start3A_199] : memref<16x112xi32, #tpu.memory_space<vmem>> -> memref<1x112xi32, #tpu.memory_space<vmem>>
      %dma_start3A_201 = tpu.memref_squeeze %dma_start3A_200 : memref<1x112xi32, #tpu.memory_space<vmem>> -> memref<112xi32, #tpu.memory_space<vmem>>
      %dma_start3A_202 = arith.constant 0 : i32
      %dma_start3A_203 = arith.constant 0 : i32
      %dma_start3A_204 = tpu.memref_slice %arg4[%dma_start3A_202, %dma_start3A_203] : memref<10240x128xf32, #tpu.memory_space<hbm>> -> memref<10240x128xf32, #tpu.memory_space<hbm>>
      tpu.enqueue_indirect_dma source(%dma_start3A_204 : memref<10240x128xf32, #tpu.memory_space<hbm>>) target(%dma_start3A_198 : memref<112x128xf32, #tpu.memory_space<vmem>>) offsets(%dma_start3A_201 : memref<112xi32, #tpu.memory_space<vmem>>) semaphore(%arg10 : memref<!tpu.dma_semaphore, #tpu.memory_space<semaphore_mem>>)
      %dma_wait3A_205 = arith.constant 1 : i32
      %dma_wait3A_206 = arith.constant 0 : i32
      %dma_wait3A_207 = arith.constant 0 : i32
      %dma_wait3A_208 = tpu.memref_slice %arg9[%dma_wait3A_205, %dma_wait3A_206, %dma_wait3A_207] : memref<3x112x128xf32, #tpu.memory_space<vmem>> -> memref<1x112x128xf32, #tpu.memory_space<vmem>>
      %dma_wait3A_209 = tpu.memref_squeeze %dma_wait3A_208 : memref<1x112x128xf32, #tpu.memory_space<vmem>> -> memref<112x128xf32, #tpu.memory_space<vmem>>
      %dma_wait3A_210 = arith.constant 0 : i32
      %dma_wait3A_211 = arith.constant 0 : i32
      %dma_wait3A_212 = tpu.memref_slice %arg4[%dma_wait3A_210, %dma_wait3A_211] : memref<10240x128xf32, #tpu.memory_space<hbm>> -> memref<112x128xf32, #tpu.memory_space<hbm>>
      %dma_wait3A_213 = arith.constant 0 : i32
      %dma_wait3A_214 = arith.constant 0 : i32
      %dma_wait3A_215 = tpu.memref_slice %arg9[%dma_wait3A_205, %dma_wait3A_213, %dma_wait3A_214] : memref<3x112x128xf32, #tpu.memory_space<vmem>> -> memref<1x112x128xf32, #tpu.memory_space<vmem>>
      %dma_wait3A_216 = tpu.memref_squeeze %dma_wait3A_215 : memref<1x112x128xf32, #tpu.memory_space<vmem>> -> memref<112x128xf32, #tpu.memory_space<vmem>>
      %dma_wait3A_217 = arith.constant 0 : i32
      %dma_wait3A_218 = arith.constant 0 : i32
      %dma_wait3A_219 = tpu.memref_slice %arg4[%dma_wait3A_217, %dma_wait3A_218] : memref<10240x128xf32, #tpu.memory_space<hbm>> -> memref<112x128xf32, #tpu.memory_space<hbm>>
      tpu.wait_dma2 semaphore(%arg11 : memref<!tpu.dma_semaphore, #tpu.memory_space<semaphore_mem>>) src(%dma_wait3A_219 : memref<112x128xf32, #tpu.memory_space<hbm>>) dst(%dma_wait3A_216 : memref<112x128xf32, #tpu.memory_space<vmem>>)
      %run_scoped3A_220 = arith.constant 1 : i32
      %run_scoped3A_221 = arith.constant 4 : i32
      "tpu.region"() ({
        %run_scoped3A_517 = tpu.sem_alloc : memref<!tpu.dma_semaphore, #tpu.memory_space<semaphore_mem>>
        %dma_start3A_518 = arith.constant 0 : i32
        %dma_start3A_519 = arith.constant 0 : i32
        %dma_start3A_520 = tpu.memref_slice %arg9[%run_scoped3A_220, %dma_start3A_518, %dma_start3A_519] : memref<3x112x128xf32, #tpu.memory_space<vmem>> -> memref<1x112x128xf32, #tpu.memory_space<vmem>>
        %dma_start3A_521 = tpu.memref_squeeze %dma_start3A_520 : memref<1x112x128xf32, #tpu.memory_space<vmem>> -> memref<112x128xf32, #tpu.memory_space<vmem>>
        %dma_start3A_522 = arith.constant 0 : i32
        %dma_start3A_523 = tpu.memref_slice %arg8[%run_scoped3A_221, %dma_start3A_522] : memref<16x112xi32, #tpu.memory_space<vmem>> -> memref<1x112xi32, #tpu.memory_space<vmem>>
        %dma_start3A_524 = tpu.memref_squeeze %dma_start3A_523 : memref<1x112xi32, #tpu.memory_space<vmem>> -> memref<112xi32, #tpu.memory_space<vmem>>
        %dma_start3A_525 = arith.constant 0 : i32
        %dma_start3A_526 = arith.constant 0 : i32
        %dma_start3A_527 = tpu.memref_slice %arg6[%dma_start3A_525, %dma_start3A_526] : memref<10240x128xf32, #tpu.memory_space<vmem_shared>> -> memref<10240x128xf32, #tpu.memory_space<vmem_shared>>
        tpu.enqueue_indirect_dma source(%dma_start3A_521 : memref<112x128xf32, #tpu.memory_space<vmem>>) target(%dma_start3A_527 : memref<10240x128xf32, #tpu.memory_space<vmem_shared>>) offsets(%dma_start3A_524 : memref<112xi32, #tpu.memory_space<vmem>>) semaphore(%run_scoped3A_517 : memref<!tpu.dma_semaphore, #tpu.memory_space<semaphore_mem>>) {add = true}
        %dma_wait3A_528 = arith.constant 0 : i32
        %dma_wait3A_529 = arith.constant 0 : i32
        %dma_wait3A_530 = tpu.memref_slice %arg9[%run_scoped3A_220, %dma_wait3A_528, %dma_wait3A_529] : memref<3x112x128xf32, #tpu.memory_space<vmem>> -> memref<1x112x128xf32, #tpu.memory_space<vmem>>
        %dma_wait3A_531 = tpu.memref_squeeze %dma_wait3A_530 : memref<1x112x128xf32, #tpu.memory_space<vmem>> -> memref<112x128xf32, #tpu.memory_space<vmem>>
        %dma_wait3A_532 = arith.constant 0 : i32
        %dma_wait3A_533 = tpu.memref_slice %arg8[%run_scoped3A_221, %dma_wait3A_532] : memref<16x112xi32, #tpu.memory_space<vmem>> -> memref<1x112xi32, #tpu.memory_space<vmem>>
        %dma_wait3A_534 = tpu.memref_squeeze %dma_wait3A_533 : memref<1x112xi32, #tpu.memory_space<vmem>> -> memref<112xi32, #tpu.memory_space<vmem>>
        %dma_wait3A_535 = arith.constant 0 : i32
        %dma_wait3A_536 = arith.constant 0 : i32
        %dma_wait3A_537 = tpu.memref_slice %arg6[%dma_wait3A_535, %dma_wait3A_536] : memref<10240x128xf32, #tpu.memory_space<vmem_shared>> -> memref<10240x128xf32, #tpu.memory_space<vmem_shared>>
        tpu.wait_indirect_dma semaphore(%run_scoped3A_517 : memref<!tpu.dma_semaphore, #tpu.memory_space<semaphore_mem>>) src(%dma_wait3A_531 : memref<112x128xf32, #tpu.memory_space<vmem>>) dst(%dma_wait3A_537 : memref<10240x128xf32, #tpu.memory_space<vmem_shared>>)
        tpu.yield
      }) : () -> ()
      %dma_start3A_222 = arith.constant 7 : i32
      %dma_start3A_223 = arith.constant 1 : i32
      %dma_start3A_224 = arith.constant 0 : i32
      %dma_start3A_225 = arith.constant 0 : i32
      %dma_start3A_226 = tpu.memref_slice %arg9[%dma_start3A_223, %dma_start3A_224, %dma_start3A_225] : memref<3x112x128xf32, #tpu.memory_space<vmem>> -> memref<1x112x128xf32, #tpu.memory_space<vmem>>
      %dma_start3A_227 = tpu.memref_squeeze %dma_start3A_226 : memref<1x112x128xf32, #tpu.memory_space<vmem>> -> memref<112x128xf32, #tpu.memory_space<vmem>>
      %dma_start3A_228 = arith.constant 0 : i32
      %dma_start3A_229 = tpu.memref_slice %arg7[%dma_start3A_222, %dma_start3A_228] : memref<16x112xi32, #tpu.memory_space<vmem>> -> memref<1x112xi32, #tpu.memory_space<vmem>>
      %dma_start3A_230 = tpu.memref_squeeze %dma_start3A_229 : memref<1x112xi32, #tpu.memory_space<vmem>> -> memref<112xi32, #tpu.memory_space<vmem>>
      %dma_start3A_231 = arith.constant 0 : i32
      %dma_start3A_232 = arith.constant 0 : i32
      %dma_start3A_233 = tpu.memref_slice %arg4[%dma_start3A_231, %dma_start3A_232] : memref<10240x128xf32, #tpu.memory_space<hbm>> -> memref<10240x128xf32, #tpu.memory_space<hbm>>
      tpu.enqueue_indirect_dma source(%dma_start3A_233 : memref<10240x128xf32, #tpu.memory_space<hbm>>) target(%dma_start3A_227 : memref<112x128xf32, #tpu.memory_space<vmem>>) offsets(%dma_start3A_230 : memref<112xi32, #tpu.memory_space<vmem>>) semaphore(%arg11 : memref<!tpu.dma_semaphore, #tpu.memory_space<semaphore_mem>>)
      %dma_wait3A_234 = arith.constant 2 : i32
      %dma_wait3A_235 = arith.constant 0 : i32
      %dma_wait3A_236 = arith.constant 0 : i32
      %dma_wait3A_237 = tpu.memref_slice %arg9[%dma_wait3A_234, %dma_wait3A_235, %dma_wait3A_236] : memref<3x112x128xf32, #tpu.memory_space<vmem>> -> memref<1x112x128xf32, #tpu.memory_space<vmem>>
      %dma_wait3A_238 = tpu.memref_squeeze %dma_wait3A_237 : memref<1x112x128xf32, #tpu.memory_space<vmem>> -> memref<112x128xf32, #tpu.memory_space<vmem>>
      %dma_wait3A_239 = arith.constant 0 : i32
      %dma_wait3A_240 = arith.constant 0 : i32
      %dma_wait3A_241 = tpu.memref_slice %arg4[%dma_wait3A_239, %dma_wait3A_240] : memref<10240x128xf32, #tpu.memory_space<hbm>> -> memref<112x128xf32, #tpu.memory_space<hbm>>
      %dma_wait3A_242 = arith.constant 0 : i32
      %dma_wait3A_243 = arith.constant 0 : i32
      %dma_wait3A_244 = tpu.memref_slice %arg9[%dma_wait3A_234, %dma_wait3A_242, %dma_wait3A_243] : memref<3x112x128xf32, #tpu.memory_space<vmem>> -> memref<1x112x128xf32, #tpu.memory_space<vmem>>
      %dma_wait3A_245 = tpu.memref_squeeze %dma_wait3A_244 : memref<1x112x128xf32, #tpu.memory_space<vmem>> -> memref<112x128xf32, #tpu.memory_space<vmem>>
      %dma_wait3A_246 = arith.constant 0 : i32
      %dma_wait3A_247 = arith.constant 0 : i32
      %dma_wait3A_248 = tpu.memref_slice %arg4[%dma_wait3A_246, %dma_wait3A_247] : memref<10240x128xf32, #tpu.memory_space<hbm>> -> memref<112x128xf32, #tpu.memory_space<hbm>>
      tpu.wait_dma2 semaphore(%arg12 : memref<!tpu.dma_semaphore, #tpu.memory_space<semaphore_mem>>) src(%dma_wait3A_248 : memref<112x128xf32, #tpu.memory_space<hbm>>) dst(%dma_wait3A_245 : memref<112x128xf32, #tpu.memory_space<vmem>>)
      %run_scoped3A_249 = arith.constant 2 : i32
      %run_scoped3A_250 = arith.constant 5 : i32
      "tpu.region"() ({
        %run_scoped3A_517 = tpu.sem_alloc : memref<!tpu.dma_semaphore, #tpu.memory_space<semaphore_mem>>
        %dma_start3A_518 = arith.constant 0 : i32
        %dma_start3A_519 = arith.constant 0 : i32
        %dma_start3A_520 = tpu.memref_slice %arg9[%run_scoped3A_249, %dma_start3A_518, %dma_start3A_519] : memref<3x112x128xf32, #tpu.memory_space<vmem>> -> memref<1x112x128xf32, #tpu.memory_space<vmem>>
        %dma_start3A_521 = tpu.memref_squeeze %dma_start3A_520 : memref<1x112x128xf32, #tpu.memory_space<vmem>> -> memref<112x128xf32, #tpu.memory_space<vmem>>
        %dma_start3A_522 = arith.constant 0 : i32
        %dma_start3A_523 = tpu.memref_slice %arg8[%run_scoped3A_250, %dma_start3A_522] : memref<16x112xi32, #tpu.memory_space<vmem>> -> memref<1x112xi32, #tpu.memory_space<vmem>>
        %dma_start3A_524 = tpu.memref_squeeze %dma_start3A_523 : memref<1x112xi32, #tpu.memory_space<vmem>> -> memref<112xi32, #tpu.memory_space<vmem>>
        %dma_start3A_525 = arith.constant 0 : i32
        %dma_start3A_526 = arith.constant 0 : i32
        %dma_start3A_527 = tpu.memref_slice %arg6[%dma_start3A_525, %dma_start3A_526] : memref<10240x128xf32, #tpu.memory_space<vmem_shared>> -> memref<10240x128xf32, #tpu.memory_space<vmem_shared>>
        tpu.enqueue_indirect_dma source(%dma_start3A_521 : memref<112x128xf32, #tpu.memory_space<vmem>>) target(%dma_start3A_527 : memref<10240x128xf32, #tpu.memory_space<vmem_shared>>) offsets(%dma_start3A_524 : memref<112xi32, #tpu.memory_space<vmem>>) semaphore(%run_scoped3A_517 : memref<!tpu.dma_semaphore, #tpu.memory_space<semaphore_mem>>) {add = true}
        %dma_wait3A_528 = arith.constant 0 : i32
        %dma_wait3A_529 = arith.constant 0 : i32
        %dma_wait3A_530 = tpu.memref_slice %arg9[%run_scoped3A_249, %dma_wait3A_528, %dma_wait3A_529] : memref<3x112x128xf32, #tpu.memory_space<vmem>> -> memref<1x112x128xf32, #tpu.memory_space<vmem>>
        %dma_wait3A_531 = tpu.memref_squeeze %dma_wait3A_530 : memref<1x112x128xf32, #tpu.memory_space<vmem>> -> memref<112x128xf32, #tpu.memory_space<vmem>>
        %dma_wait3A_532 = arith.constant 0 : i32
        %dma_wait3A_533 = tpu.memref_slice %arg8[%run_scoped3A_250, %dma_wait3A_532] : memref<16x112xi32, #tpu.memory_space<vmem>> -> memref<1x112xi32, #tpu.memory_space<vmem>>
        %dma_wait3A_534 = tpu.memref_squeeze %dma_wait3A_533 : memref<1x112xi32, #tpu.memory_space<vmem>> -> memref<112xi32, #tpu.memory_space<vmem>>
        %dma_wait3A_535 = arith.constant 0 : i32
        %dma_wait3A_536 = arith.constant 0 : i32
        %dma_wait3A_537 = tpu.memref_slice %arg6[%dma_wait3A_535, %dma_wait3A_536] : memref<10240x128xf32, #tpu.memory_space<vmem_shared>> -> memref<10240x128xf32, #tpu.memory_space<vmem_shared>>
        tpu.wait_indirect_dma semaphore(%run_scoped3A_517 : memref<!tpu.dma_semaphore, #tpu.memory_space<semaphore_mem>>) src(%dma_wait3A_531 : memref<112x128xf32, #tpu.memory_space<vmem>>) dst(%dma_wait3A_537 : memref<10240x128xf32, #tpu.memory_space<vmem_shared>>)
        tpu.yield
      }) : () -> ()
      %dma_start3A_251 = arith.constant 8 : i32
      %dma_start3A_252 = arith.constant 2 : i32
      %dma_start3A_253 = arith.constant 0 : i32
      %dma_start3A_254 = arith.constant 0 : i32
      %dma_start3A_255 = tpu.memref_slice %arg9[%dma_start3A_252, %dma_start3A_253, %dma_start3A_254] : memref<3x112x128xf32, #tpu.memory_space<vmem>> -> memref<1x112x128xf32, #tpu.memory_space<vmem>>
      %dma_start3A_256 = tpu.memref_squeeze %dma_start3A_255 : memref<1x112x128xf32, #tpu.memory_space<vmem>> -> memref<112x128xf32, #tpu.memory_space<vmem>>
      %dma_start3A_257 = arith.constant 0 : i32
      %dma_start3A_258 = tpu.memref_slice %arg7[%dma_start3A_251, %dma_start3A_257] : memref<16x112xi32, #tpu.memory_space<vmem>> -> memref<1x112xi32, #tpu.memory_space<vmem>>
      %dma_start3A_259 = tpu.memref_squeeze %dma_start3A_258 : memref<1x112xi32, #tpu.memory_space<vmem>> -> memref<112xi32, #tpu.memory_space<vmem>>
      %dma_start3A_260 = arith.constant 0 : i32
      %dma_start3A_261 = arith.constant 0 : i32
      %dma_start3A_262 = tpu.memref_slice %arg4[%dma_start3A_260, %dma_start3A_261] : memref<10240x128xf32, #tpu.memory_space<hbm>> -> memref<10240x128xf32, #tpu.memory_space<hbm>>
      tpu.enqueue_indirect_dma source(%dma_start3A_262 : memref<10240x128xf32, #tpu.memory_space<hbm>>) target(%dma_start3A_256 : memref<112x128xf32, #tpu.memory_space<vmem>>) offsets(%dma_start3A_259 : memref<112xi32, #tpu.memory_space<vmem>>) semaphore(%arg12 : memref<!tpu.dma_semaphore, #tpu.memory_space<semaphore_mem>>)
      %dma_wait3A_263 = arith.constant 0 : i32
      %dma_wait3A_264 = arith.constant 0 : i32
      %dma_wait3A_265 = arith.constant 0 : i32
      %dma_wait3A_266 = tpu.memref_slice %arg9[%dma_wait3A_263, %dma_wait3A_264, %dma_wait3A_265] : memref<3x112x128xf32, #tpu.memory_space<vmem>> -> memref<1x112x128xf32, #tpu.memory_space<vmem>>
      %dma_wait3A_267 = tpu.memref_squeeze %dma_wait3A_266 : memref<1x112x128xf32, #tpu.memory_space<vmem>> -> memref<112x128xf32, #tpu.memory_space<vmem>>
      %dma_wait3A_268 = arith.constant 0 : i32
      %dma_wait3A_269 = arith.constant 0 : i32
      %dma_wait3A_270 = tpu.memref_slice %arg4[%dma_wait3A_268, %dma_wait3A_269] : memref<10240x128xf32, #tpu.memory_space<hbm>> -> memref<112x128xf32, #tpu.memory_space<hbm>>
      %dma_wait3A_271 = arith.constant 0 : i32
      %dma_wait3A_272 = arith.constant 0 : i32
      %dma_wait3A_273 = tpu.memref_slice %arg9[%dma_wait3A_263, %dma_wait3A_271, %dma_wait3A_272] : memref<3x112x128xf32, #tpu.memory_space<vmem>> -> memref<1x112x128xf32, #tpu.memory_space<vmem>>
      %dma_wait3A_274 = tpu.memref_squeeze %dma_wait3A_273 : memref<1x112x128xf32, #tpu.memory_space<vmem>> -> memref<112x128xf32, #tpu.memory_space<vmem>>
      %dma_wait3A_275 = arith.constant 0 : i32
      %dma_wait3A_276 = arith.constant 0 : i32
      %dma_wait3A_277 = tpu.memref_slice %arg4[%dma_wait3A_275, %dma_wait3A_276] : memref<10240x128xf32, #tpu.memory_space<hbm>> -> memref<112x128xf32, #tpu.memory_space<hbm>>
      tpu.wait_dma2 semaphore(%arg10 : memref<!tpu.dma_semaphore, #tpu.memory_space<semaphore_mem>>) src(%dma_wait3A_277 : memref<112x128xf32, #tpu.memory_space<hbm>>) dst(%dma_wait3A_274 : memref<112x128xf32, #tpu.memory_space<vmem>>)
      %run_scoped3A_278 = arith.constant 0 : i32
      %run_scoped3A_279 = arith.constant 6 : i32
      "tpu.region"() ({
        %run_scoped3A_517 = tpu.sem_alloc : memref<!tpu.dma_semaphore, #tpu.memory_space<semaphore_mem>>
        %dma_start3A_518 = arith.constant 0 : i32
        %dma_start3A_519 = arith.constant 0 : i32
        %dma_start3A_520 = tpu.memref_slice %arg9[%run_scoped3A_278, %dma_start3A_518, %dma_start3A_519] : memref<3x112x128xf32, #tpu.memory_space<vmem>> -> memref<1x112x128xf32, #tpu.memory_space<vmem>>
        %dma_start3A_521 = tpu.memref_squeeze %dma_start3A_520 : memref<1x112x128xf32, #tpu.memory_space<vmem>> -> memref<112x128xf32, #tpu.memory_space<vmem>>
        %dma_start3A_522 = arith.constant 0 : i32
        %dma_start3A_523 = tpu.memref_slice %arg8[%run_scoped3A_279, %dma_start3A_522] : memref<16x112xi32, #tpu.memory_space<vmem>> -> memref<1x112xi32, #tpu.memory_space<vmem>>
        %dma_start3A_524 = tpu.memref_squeeze %dma_start3A_523 : memref<1x112xi32, #tpu.memory_space<vmem>> -> memref<112xi32, #tpu.memory_space<vmem>>
        %dma_start3A_525 = arith.constant 0 : i32
        %dma_start3A_526 = arith.constant 0 : i32
        %dma_start3A_527 = tpu.memref_slice %arg6[%dma_start3A_525, %dma_start3A_526] : memref<10240x128xf32, #tpu.memory_space<vmem_shared>> -> memref<10240x128xf32, #tpu.memory_space<vmem_shared>>
        tpu.enqueue_indirect_dma source(%dma_start3A_521 : memref<112x128xf32, #tpu.memory_space<vmem>>) target(%dma_start3A_527 : memref<10240x128xf32, #tpu.memory_space<vmem_shared>>) offsets(%dma_start3A_524 : memref<112xi32, #tpu.memory_space<vmem>>) semaphore(%run_scoped3A_517 : memref<!tpu.dma_semaphore, #tpu.memory_space<semaphore_mem>>) {add = true}
        %dma_wait3A_528 = arith.constant 0 : i32
        %dma_wait3A_529 = arith.constant 0 : i32
        %dma_wait3A_530 = tpu.memref_slice %arg9[%run_scoped3A_278, %dma_wait3A_528, %dma_wait3A_529] : memref<3x112x128xf32, #tpu.memory_space<vmem>> -> memref<1x112x128xf32, #tpu.memory_space<vmem>>
        %dma_wait3A_531 = tpu.memref_squeeze %dma_wait3A_530 : memref<1x112x128xf32, #tpu.memory_space<vmem>> -> memref<112x128xf32, #tpu.memory_space<vmem>>
        %dma_wait3A_532 = arith.constant 0 : i32
        %dma_wait3A_533 = tpu.memref_slice %arg8[%run_scoped3A_279, %dma_wait3A_532] : memref<16x112xi32, #tpu.memory_space<vmem>> -> memref<1x112xi32, #tpu.memory_space<vmem>>
        %dma_wait3A_534 = tpu.memref_squeeze %dma_wait3A_533 : memref<1x112xi32, #tpu.memory_space<vmem>> -> memref<112xi32, #tpu.memory_space<vmem>>
        %dma_wait3A_535 = arith.constant 0 : i32
        %dma_wait3A_536 = arith.constant 0 : i32
        %dma_wait3A_537 = tpu.memref_slice %arg6[%dma_wait3A_535, %dma_wait3A_536] : memref<10240x128xf32, #tpu.memory_space<vmem_shared>> -> memref<10240x128xf32, #tpu.memory_space<vmem_shared>>
        tpu.wait_indirect_dma semaphore(%run_scoped3A_517 : memref<!tpu.dma_semaphore, #tpu.memory_space<semaphore_mem>>) src(%dma_wait3A_531 : memref<112x128xf32, #tpu.memory_space<vmem>>) dst(%dma_wait3A_537 : memref<10240x128xf32, #tpu.memory_space<vmem_shared>>)
        tpu.yield
      }) : () -> ()
      %dma_start3A_280 = arith.constant 9 : i32
      %dma_start3A_281 = arith.constant 0 : i32
      %dma_start3A_282 = arith.constant 0 : i32
      %dma_start3A_283 = arith.constant 0 : i32
      %dma_start3A_284 = tpu.memref_slice %arg9[%dma_start3A_281, %dma_start3A_282, %dma_start3A_283] : memref<3x112x128xf32, #tpu.memory_space<vmem>> -> memref<1x112x128xf32, #tpu.memory_space<vmem>>
      %dma_start3A_285 = tpu.memref_squeeze %dma_start3A_284 : memref<1x112x128xf32, #tpu.memory_space<vmem>> -> memref<112x128xf32, #tpu.memory_space<vmem>>
      %dma_start3A_286 = arith.constant 0 : i32
      %dma_start3A_287 = tpu.memref_slice %arg7[%dma_start3A_280, %dma_start3A_286] : memref<16x112xi32, #tpu.memory_space<vmem>> -> memref<1x112xi32, #tpu.memory_space<vmem>>
      %dma_start3A_288 = tpu.memref_squeeze %dma_start3A_287 : memref<1x112xi32, #tpu.memory_space<vmem>> -> memref<112xi32, #tpu.memory_space<vmem>>
      %dma_start3A_289 = arith.constant 0 : i32
      %dma_start3A_290 = arith.constant 0 : i32
      %dma_start3A_291 = tpu.memref_slice %arg4[%dma_start3A_289, %dma_start3A_290] : memref<10240x128xf32, #tpu.memory_space<hbm>> -> memref<10240x128xf32, #tpu.memory_space<hbm>>
      tpu.enqueue_indirect_dma source(%dma_start3A_291 : memref<10240x128xf32, #tpu.memory_space<hbm>>) target(%dma_start3A_285 : memref<112x128xf32, #tpu.memory_space<vmem>>) offsets(%dma_start3A_288 : memref<112xi32, #tpu.memory_space<vmem>>) semaphore(%arg10 : memref<!tpu.dma_semaphore, #tpu.memory_space<semaphore_mem>>)
      %dma_wait3A_292 = arith.constant 1 : i32
      %dma_wait3A_293 = arith.constant 0 : i32
      %dma_wait3A_294 = arith.constant 0 : i32
      %dma_wait3A_295 = tpu.memref_slice %arg9[%dma_wait3A_292, %dma_wait3A_293, %dma_wait3A_294] : memref<3x112x128xf32, #tpu.memory_space<vmem>> -> memref<1x112x128xf32, #tpu.memory_space<vmem>>
      %dma_wait3A_296 = tpu.memref_squeeze %dma_wait3A_295 : memref<1x112x128xf32, #tpu.memory_space<vmem>> -> memref<112x128xf32, #tpu.memory_space<vmem>>
      %dma_wait3A_297 = arith.constant 0 : i32
      %dma_wait3A_298 = arith.constant 0 : i32
      %dma_wait3A_299 = tpu.memref_slice %arg4[%dma_wait3A_297, %dma_wait3A_298] : memref<10240x128xf32, #tpu.memory_space<hbm>> -> memref<112x128xf32, #tpu.memory_space<hbm>>
      %dma_wait3A_300 = arith.constant 0 : i32
      %dma_wait3A_301 = arith.constant 0 : i32
      %dma_wait3A_302 = tpu.memref_slice %arg9[%dma_wait3A_292, %dma_wait3A_300, %dma_wait3A_301] : memref<3x112x128xf32, #tpu.memory_space<vmem>> -> memref<1x112x128xf32, #tpu.memory_space<vmem>>
      %dma_wait3A_303 = tpu.memref_squeeze %dma_wait3A_302 : memref<1x112x128xf32, #tpu.memory_space<vmem>> -> memref<112x128xf32, #tpu.memory_space<vmem>>
      %dma_wait3A_304 = arith.constant 0 : i32
      %dma_wait3A_305 = arith.constant 0 : i32
      %dma_wait3A_306 = tpu.memref_slice %arg4[%dma_wait3A_304, %dma_wait3A_305] : memref<10240x128xf32, #tpu.memory_space<hbm>> -> memref<112x128xf32, #tpu.memory_space<hbm>>
      tpu.wait_dma2 semaphore(%arg11 : memref<!tpu.dma_semaphore, #tpu.memory_space<semaphore_mem>>) src(%dma_wait3A_306 : memref<112x128xf32, #tpu.memory_space<hbm>>) dst(%dma_wait3A_303 : memref<112x128xf32, #tpu.memory_space<vmem>>)
      %run_scoped3A_307 = arith.constant 1 : i32
      %run_scoped3A_308 = arith.constant 7 : i32
      "tpu.region"() ({
        %run_scoped3A_517 = tpu.sem_alloc : memref<!tpu.dma_semaphore, #tpu.memory_space<semaphore_mem>>
        %dma_start3A_518 = arith.constant 0 : i32
        %dma_start3A_519 = arith.constant 0 : i32
        %dma_start3A_520 = tpu.memref_slice %arg9[%run_scoped3A_307, %dma_start3A_518, %dma_start3A_519] : memref<3x112x128xf32, #tpu.memory_space<vmem>> -> memref<1x112x128xf32, #tpu.memory_space<vmem>>
        %dma_start3A_521 = tpu.memref_squeeze %dma_start3A_520 : memref<1x112x128xf32, #tpu.memory_space<vmem>> -> memref<112x128xf32, #tpu.memory_space<vmem>>
        %dma_start3A_522 = arith.constant 0 : i32
        %dma_start3A_523 = tpu.memref_slice %arg8[%run_scoped3A_308, %dma_start3A_522] : memref<16x112xi32, #tpu.memory_space<vmem>> -> memref<1x112xi32, #tpu.memory_space<vmem>>
        %dma_start3A_524 = tpu.memref_squeeze %dma_start3A_523 : memref<1x112xi32, #tpu.memory_space<vmem>> -> memref<112xi32, #tpu.memory_space<vmem>>
        %dma_start3A_525 = arith.constant 0 : i32
        %dma_start3A_526 = arith.constant 0 : i32
        %dma_start3A_527 = tpu.memref_slice %arg6[%dma_start3A_525, %dma_start3A_526] : memref<10240x128xf32, #tpu.memory_space<vmem_shared>> -> memref<10240x128xf32, #tpu.memory_space<vmem_shared>>
        tpu.enqueue_indirect_dma source(%dma_start3A_521 : memref<112x128xf32, #tpu.memory_space<vmem>>) target(%dma_start3A_527 : memref<10240x128xf32, #tpu.memory_space<vmem_shared>>) offsets(%dma_start3A_524 : memref<112xi32, #tpu.memory_space<vmem>>) semaphore(%run_scoped3A_517 : memref<!tpu.dma_semaphore, #tpu.memory_space<semaphore_mem>>) {add = true}
        %dma_wait3A_528 = arith.constant 0 : i32
        %dma_wait3A_529 = arith.constant 0 : i32
        %dma_wait3A_530 = tpu.memref_slice %arg9[%run_scoped3A_307, %dma_wait3A_528, %dma_wait3A_529] : memref<3x112x128xf32, #tpu.memory_space<vmem>> -> memref<1x112x128xf32, #tpu.memory_space<vmem>>
        %dma_wait3A_531 = tpu.memref_squeeze %dma_wait3A_530 : memref<1x112x128xf32, #tpu.memory_space<vmem>> -> memref<112x128xf32, #tpu.memory_space<vmem>>
        %dma_wait3A_532 = arith.constant 0 : i32
        %dma_wait3A_533 = tpu.memref_slice %arg8[%run_scoped3A_308, %dma_wait3A_532] : memref<16x112xi32, #tpu.memory_space<vmem>> -> memref<1x112xi32, #tpu.memory_space<vmem>>
        %dma_wait3A_534 = tpu.memref_squeeze %dma_wait3A_533 : memref<1x112xi32, #tpu.memory_space<vmem>> -> memref<112xi32, #tpu.memory_space<vmem>>
        %dma_wait3A_535 = arith.constant 0 : i32
        %dma_wait3A_536 = arith.constant 0 : i32
        %dma_wait3A_537 = tpu.memref_slice %arg6[%dma_wait3A_535, %dma_wait3A_536] : memref<10240x128xf32, #tpu.memory_space<vmem_shared>> -> memref<10240x128xf32, #tpu.memory_space<vmem_shared>>
        tpu.wait_indirect_dma semaphore(%run_scoped3A_517 : memref<!tpu.dma_semaphore, #tpu.memory_space<semaphore_mem>>) src(%dma_wait3A_531 : memref<112x128xf32, #tpu.memory_space<vmem>>) dst(%dma_wait3A_537 : memref<10240x128xf32, #tpu.memory_space<vmem_shared>>)
        tpu.yield
      }) : () -> ()
      %dma_start3A_309 = arith.constant 10 : i32
      %dma_start3A_310 = arith.constant 1 : i32
      %dma_start3A_311 = arith.constant 0 : i32
      %dma_start3A_312 = arith.constant 0 : i32
      %dma_start3A_313 = tpu.memref_slice %arg9[%dma_start3A_310, %dma_start3A_311, %dma_start3A_312] : memref<3x112x128xf32, #tpu.memory_space<vmem>> -> memref<1x112x128xf32, #tpu.memory_space<vmem>>
      %dma_start3A_314 = tpu.memref_squeeze %dma_start3A_313 : memref<1x112x128xf32, #tpu.memory_space<vmem>> -> memref<112x128xf32, #tpu.memory_space<vmem>>
      %dma_start3A_315 = arith.constant 0 : i32
      %dma_start3A_316 = tpu.memref_slice %arg7[%dma_start3A_309, %dma_start3A_315] : memref<16x112xi32, #tpu.memory_space<vmem>> -> memref<1x112xi32, #tpu.memory_space<vmem>>
      %dma_start3A_317 = tpu.memref_squeeze %dma_start3A_316 : memref<1x112xi32, #tpu.memory_space<vmem>> -> memref<112xi32, #tpu.memory_space<vmem>>
      %dma_start3A_318 = arith.constant 0 : i32
      %dma_start3A_319 = arith.constant 0 : i32
      %dma_start3A_320 = tpu.memref_slice %arg4[%dma_start3A_318, %dma_start3A_319] : memref<10240x128xf32, #tpu.memory_space<hbm>> -> memref<10240x128xf32, #tpu.memory_space<hbm>>
      tpu.enqueue_indirect_dma source(%dma_start3A_320 : memref<10240x128xf32, #tpu.memory_space<hbm>>) target(%dma_start3A_314 : memref<112x128xf32, #tpu.memory_space<vmem>>) offsets(%dma_start3A_317 : memref<112xi32, #tpu.memory_space<vmem>>) semaphore(%arg11 : memref<!tpu.dma_semaphore, #tpu.memory_space<semaphore_mem>>)
      %dma_wait3A_321 = arith.constant 2 : i32
      %dma_wait3A_322 = arith.constant 0 : i32
      %dma_wait3A_323 = arith.constant 0 : i32
      %dma_wait3A_324 = tpu.memref_slice %arg9[%dma_wait3A_321, %dma_wait3A_322, %dma_wait3A_323] : memref<3x112x128xf32, #tpu.memory_space<vmem>> -> memref<1x112x128xf32, #tpu.memory_space<vmem>>
      %dma_wait3A_325 = tpu.memref_squeeze %dma_wait3A_324 : memref<1x112x128xf32, #tpu.memory_space<vmem>> -> memref<112x128xf32, #tpu.memory_space<vmem>>
      %dma_wait3A_326 = arith.constant 0 : i32
      %dma_wait3A_327 = arith.constant 0 : i32
      %dma_wait3A_328 = tpu.memref_slice %arg4[%dma_wait3A_326, %dma_wait3A_327] : memref<10240x128xf32, #tpu.memory_space<hbm>> -> memref<112x128xf32, #tpu.memory_space<hbm>>
      %dma_wait3A_329 = arith.constant 0 : i32
      %dma_wait3A_330 = arith.constant 0 : i32
      %dma_wait3A_331 = tpu.memref_slice %arg9[%dma_wait3A_321, %dma_wait3A_329, %dma_wait3A_330] : memref<3x112x128xf32, #tpu.memory_space<vmem>> -> memref<1x112x128xf32, #tpu.memory_space<vmem>>
      %dma_wait3A_332 = tpu.memref_squeeze %dma_wait3A_331 : memref<1x112x128xf32, #tpu.memory_space<vmem>> -> memref<112x128xf32, #tpu.memory_space<vmem>>
      %dma_wait3A_333 = arith.constant 0 : i32
      %dma_wait3A_334 = arith.constant 0 : i32
      %dma_wait3A_335 = tpu.memref_slice %arg4[%dma_wait3A_333, %dma_wait3A_334] : memref<10240x128xf32, #tpu.memory_space<hbm>> -> memref<112x128xf32, #tpu.memory_space<hbm>>
      tpu.wait_dma2 semaphore(%arg12 : memref<!tpu.dma_semaphore, #tpu.memory_space<semaphore_mem>>) src(%dma_wait3A_335 : memref<112x128xf32, #tpu.memory_space<hbm>>) dst(%dma_wait3A_332 : memref<112x128xf32, #tpu.memory_space<vmem>>)
      %run_scoped3A_336 = arith.constant 2 : i32
      %run_scoped3A_337 = arith.constant 8 : i32
      "tpu.region"() ({
        %run_scoped3A_517 = tpu.sem_alloc : memref<!tpu.dma_semaphore, #tpu.memory_space<semaphore_mem>>
        %dma_start3A_518 = arith.constant 0 : i32
        %dma_start3A_519 = arith.constant 0 : i32
        %dma_start3A_520 = tpu.memref_slice %arg9[%run_scoped3A_336, %dma_start3A_518, %dma_start3A_519] : memref<3x112x128xf32, #tpu.memory_space<vmem>> -> memref<1x112x128xf32, #tpu.memory_space<vmem>>
        %dma_start3A_521 = tpu.memref_squeeze %dma_start3A_520 : memref<1x112x128xf32, #tpu.memory_space<vmem>> -> memref<112x128xf32, #tpu.memory_space<vmem>>
        %dma_start3A_522 = arith.constant 0 : i32
        %dma_start3A_523 = tpu.memref_slice %arg8[%run_scoped3A_337, %dma_start3A_522] : memref<16x112xi32, #tpu.memory_space<vmem>> -> memref<1x112xi32, #tpu.memory_space<vmem>>
        %dma_start3A_524 = tpu.memref_squeeze %dma_start3A_523 : memref<1x112xi32, #tpu.memory_space<vmem>> -> memref<112xi32, #tpu.memory_space<vmem>>
        %dma_start3A_525 = arith.constant 0 : i32
        %dma_start3A_526 = arith.constant 0 : i32
        %dma_start3A_527 = tpu.memref_slice %arg6[%dma_start3A_525, %dma_start3A_526] : memref<10240x128xf32, #tpu.memory_space<vmem_shared>> -> memref<10240x128xf32, #tpu.memory_space<vmem_shared>>
        tpu.enqueue_indirect_dma source(%dma_start3A_521 : memref<112x128xf32, #tpu.memory_space<vmem>>) target(%dma_start3A_527 : memref<10240x128xf32, #tpu.memory_space<vmem_shared>>) offsets(%dma_start3A_524 : memref<112xi32, #tpu.memory_space<vmem>>) semaphore(%run_scoped3A_517 : memref<!tpu.dma_semaphore, #tpu.memory_space<semaphore_mem>>) {add = true}
        %dma_wait3A_528 = arith.constant 0 : i32
        %dma_wait3A_529 = arith.constant 0 : i32
        %dma_wait3A_530 = tpu.memref_slice %arg9[%run_scoped3A_336, %dma_wait3A_528, %dma_wait3A_529] : memref<3x112x128xf32, #tpu.memory_space<vmem>> -> memref<1x112x128xf32, #tpu.memory_space<vmem>>
        %dma_wait3A_531 = tpu.memref_squeeze %dma_wait3A_530 : memref<1x112x128xf32, #tpu.memory_space<vmem>> -> memref<112x128xf32, #tpu.memory_space<vmem>>
        %dma_wait3A_532 = arith.constant 0 : i32
        %dma_wait3A_533 = tpu.memref_slice %arg8[%run_scoped3A_337, %dma_wait3A_532] : memref<16x112xi32, #tpu.memory_space<vmem>> -> memref<1x112xi32, #tpu.memory_space<vmem>>
        %dma_wait3A_534 = tpu.memref_squeeze %dma_wait3A_533 : memref<1x112xi32, #tpu.memory_space<vmem>> -> memref<112xi32, #tpu.memory_space<vmem>>
        %dma_wait3A_535 = arith.constant 0 : i32
        %dma_wait3A_536 = arith.constant 0 : i32
        %dma_wait3A_537 = tpu.memref_slice %arg6[%dma_wait3A_535, %dma_wait3A_536] : memref<10240x128xf32, #tpu.memory_space<vmem_shared>> -> memref<10240x128xf32, #tpu.memory_space<vmem_shared>>
        tpu.wait_indirect_dma semaphore(%run_scoped3A_517 : memref<!tpu.dma_semaphore, #tpu.memory_space<semaphore_mem>>) src(%dma_wait3A_531 : memref<112x128xf32, #tpu.memory_space<vmem>>) dst(%dma_wait3A_537 : memref<10240x128xf32, #tpu.memory_space<vmem_shared>>)
        tpu.yield
      }) : () -> ()
      %dma_start3A_338 = arith.constant 11 : i32
      %dma_start3A_339 = arith.constant 2 : i32
      %dma_start3A_340 = arith.constant 0 : i32
      %dma_start3A_341 = arith.constant 0 : i32
      %dma_start3A_342 = tpu.memref_slice %arg9[%dma_start3A_339, %dma_start3A_340, %dma_start3A_341] : memref<3x112x128xf32, #tpu.memory_space<vmem>> -> memref<1x112x128xf32, #tpu.memory_space<vmem>>
      %dma_start3A_343 = tpu.memref_squeeze %dma_start3A_342 : memref<1x112x128xf32, #tpu.memory_space<vmem>> -> memref<112x128xf32, #tpu.memory_space<vmem>>
      %dma_start3A_344 = arith.constant 0 : i32
      %dma_start3A_345 = tpu.memref_slice %arg7[%dma_start3A_338, %dma_start3A_344] : memref<16x112xi32, #tpu.memory_space<vmem>> -> memref<1x112xi32, #tpu.memory_space<vmem>>
      %dma_start3A_346 = tpu.memref_squeeze %dma_start3A_345 : memref<1x112xi32, #tpu.memory_space<vmem>> -> memref<112xi32, #tpu.memory_space<vmem>>
      %dma_start3A_347 = arith.constant 0 : i32
      %dma_start3A_348 = arith.constant 0 : i32
      %dma_start3A_349 = tpu.memref_slice %arg4[%dma_start3A_347, %dma_start3A_348] : memref<10240x128xf32, #tpu.memory_space<hbm>> -> memref<10240x128xf32, #tpu.memory_space<hbm>>
      tpu.enqueue_indirect_dma source(%dma_start3A_349 : memref<10240x128xf32, #tpu.memory_space<hbm>>) target(%dma_start3A_343 : memref<112x128xf32, #tpu.memory_space<vmem>>) offsets(%dma_start3A_346 : memref<112xi32, #tpu.memory_space<vmem>>) semaphore(%arg12 : memref<!tpu.dma_semaphore, #tpu.memory_space<semaphore_mem>>)
      %dma_wait3A_350 = arith.constant 0 : i32
      %dma_wait3A_351 = arith.constant 0 : i32
      %dma_wait3A_352 = arith.constant 0 : i32
      %dma_wait3A_353 = tpu.memref_slice %arg9[%dma_wait3A_350, %dma_wait3A_351, %dma_wait3A_352] : memref<3x112x128xf32, #tpu.memory_space<vmem>> -> memref<1x112x128xf32, #tpu.memory_space<vmem>>
      %dma_wait3A_354 = tpu.memref_squeeze %dma_wait3A_353 : memref<1x112x128xf32, #tpu.memory_space<vmem>> -> memref<112x128xf32, #tpu.memory_space<vmem>>
      %dma_wait3A_355 = arith.constant 0 : i32
      %dma_wait3A_356 = arith.constant 0 : i32
      %dma_wait3A_357 = tpu.memref_slice %arg4[%dma_wait3A_355, %dma_wait3A_356] : memref<10240x128xf32, #tpu.memory_space<hbm>> -> memref<112x128xf32, #tpu.memory_space<hbm>>
      %dma_wait3A_358 = arith.constant 0 : i32
      %dma_wait3A_359 = arith.constant 0 : i32
      %dma_wait3A_360 = tpu.memref_slice %arg9[%dma_wait3A_350, %dma_wait3A_358, %dma_wait3A_359] : memref<3x112x128xf32, #tpu.memory_space<vmem>> -> memref<1x112x128xf32, #tpu.memory_space<vmem>>
      %dma_wait3A_361 = tpu.memref_squeeze %dma_wait3A_360 : memref<1x112x128xf32, #tpu.memory_space<vmem>> -> memref<112x128xf32, #tpu.memory_space<vmem>>
      %dma_wait3A_362 = arith.constant 0 : i32
      %dma_wait3A_363 = arith.constant 0 : i32
      %dma_wait3A_364 = tpu.memref_slice %arg4[%dma_wait3A_362, %dma_wait3A_363] : memref<10240x128xf32, #tpu.memory_space<hbm>> -> memref<112x128xf32, #tpu.memory_space<hbm>>
      tpu.wait_dma2 semaphore(%arg10 : memref<!tpu.dma_semaphore, #tpu.memory_space<semaphore_mem>>) src(%dma_wait3A_364 : memref<112x128xf32, #tpu.memory_space<hbm>>) dst(%dma_wait3A_361 : memref<112x128xf32, #tpu.memory_space<vmem>>)
      %run_scoped3A_365 = arith.constant 0 : i32
      %run_scoped3A_366 = arith.constant 9 : i32
      "tpu.region"() ({
        %run_scoped3A_517 = tpu.sem_alloc : memref<!tpu.dma_semaphore, #tpu.memory_space<semaphore_mem>>
        %dma_start3A_518 = arith.constant 0 : i32
        %dma_start3A_519 = arith.constant 0 : i32
        %dma_start3A_520 = tpu.memref_slice %arg9[%run_scoped3A_365, %dma_start3A_518, %dma_start3A_519] : memref<3x112x128xf32, #tpu.memory_space<vmem>> -> memref<1x112x128xf32, #tpu.memory_space<vmem>>
        %dma_start3A_521 = tpu.memref_squeeze %dma_start3A_520 : memref<1x112x128xf32, #tpu.memory_space<vmem>> -> memref<112x128xf32, #tpu.memory_space<vmem>>
        %dma_start3A_522 = arith.constant 0 : i32
        %dma_start3A_523 = tpu.memref_slice %arg8[%run_scoped3A_366, %dma_start3A_522] : memref<16x112xi32, #tpu.memory_space<vmem>> -> memref<1x112xi32, #tpu.memory_space<vmem>>
        %dma_start3A_524 = tpu.memref_squeeze %dma_start3A_523 : memref<1x112xi32, #tpu.memory_space<vmem>> -> memref<112xi32, #tpu.memory_space<vmem>>
        %dma_start3A_525 = arith.constant 0 : i32
        %dma_start3A_526 = arith.constant 0 : i32
        %dma_start3A_527 = tpu.memref_slice %arg6[%dma_start3A_525, %dma_start3A_526] : memref<10240x128xf32, #tpu.memory_space<vmem_shared>> -> memref<10240x128xf32, #tpu.memory_space<vmem_shared>>
        tpu.enqueue_indirect_dma source(%dma_start3A_521 : memref<112x128xf32, #tpu.memory_space<vmem>>) target(%dma_start3A_527 : memref<10240x128xf32, #tpu.memory_space<vmem_shared>>) offsets(%dma_start3A_524 : memref<112xi32, #tpu.memory_space<vmem>>) semaphore(%run_scoped3A_517 : memref<!tpu.dma_semaphore, #tpu.memory_space<semaphore_mem>>) {add = true}
        %dma_wait3A_528 = arith.constant 0 : i32
        %dma_wait3A_529 = arith.constant 0 : i32
        %dma_wait3A_530 = tpu.memref_slice %arg9[%run_scoped3A_365, %dma_wait3A_528, %dma_wait3A_529] : memref<3x112x128xf32, #tpu.memory_space<vmem>> -> memref<1x112x128xf32, #tpu.memory_space<vmem>>
        %dma_wait3A_531 = tpu.memref_squeeze %dma_wait3A_530 : memref<1x112x128xf32, #tpu.memory_space<vmem>> -> memref<112x128xf32, #tpu.memory_space<vmem>>
        %dma_wait3A_532 = arith.constant 0 : i32
        %dma_wait3A_533 = tpu.memref_slice %arg8[%run_scoped3A_366, %dma_wait3A_532] : memref<16x112xi32, #tpu.memory_space<vmem>> -> memref<1x112xi32, #tpu.memory_space<vmem>>
        %dma_wait3A_534 = tpu.memref_squeeze %dma_wait3A_533 : memref<1x112xi32, #tpu.memory_space<vmem>> -> memref<112xi32, #tpu.memory_space<vmem>>
        %dma_wait3A_535 = arith.constant 0 : i32
        %dma_wait3A_536 = arith.constant 0 : i32
        %dma_wait3A_537 = tpu.memref_slice %arg6[%dma_wait3A_535, %dma_wait3A_536] : memref<10240x128xf32, #tpu.memory_space<vmem_shared>> -> memref<10240x128xf32, #tpu.memory_space<vmem_shared>>
        tpu.wait_indirect_dma semaphore(%run_scoped3A_517 : memref<!tpu.dma_semaphore, #tpu.memory_space<semaphore_mem>>) src(%dma_wait3A_531 : memref<112x128xf32, #tpu.memory_space<vmem>>) dst(%dma_wait3A_537 : memref<10240x128xf32, #tpu.memory_space<vmem_shared>>)
        tpu.yield
      }) : () -> ()
      %dma_start3A_367 = arith.constant 12 : i32
      %dma_start3A_368 = arith.constant 0 : i32
      %dma_start3A_369 = arith.constant 0 : i32
      %dma_start3A_370 = arith.constant 0 : i32
      %dma_start3A_371 = tpu.memref_slice %arg9[%dma_start3A_368, %dma_start3A_369, %dma_start3A_370] : memref<3x112x128xf32, #tpu.memory_space<vmem>> -> memref<1x112x128xf32, #tpu.memory_space<vmem>>
      %dma_start3A_372 = tpu.memref_squeeze %dma_start3A_371 : memref<1x112x128xf32, #tpu.memory_space<vmem>> -> memref<112x128xf32, #tpu.memory_space<vmem>>
      %dma_start3A_373 = arith.constant 0 : i32
      %dma_start3A_374 = tpu.memref_slice %arg7[%dma_start3A_367, %dma_start3A_373] : memref<16x112xi32, #tpu.memory_space<vmem>> -> memref<1x112xi32, #tpu.memory_space<vmem>>
      %dma_start3A_375 = tpu.memref_squeeze %dma_start3A_374 : memref<1x112xi32, #tpu.memory_space<vmem>> -> memref<112xi32, #tpu.memory_space<vmem>>
      %dma_start3A_376 = arith.constant 0 : i32
      %dma_start3A_377 = arith.constant 0 : i32
      %dma_start3A_378 = tpu.memref_slice %arg4[%dma_start3A_376, %dma_start3A_377] : memref<10240x128xf32, #tpu.memory_space<hbm>> -> memref<10240x128xf32, #tpu.memory_space<hbm>>
      tpu.enqueue_indirect_dma source(%dma_start3A_378 : memref<10240x128xf32, #tpu.memory_space<hbm>>) target(%dma_start3A_372 : memref<112x128xf32, #tpu.memory_space<vmem>>) offsets(%dma_start3A_375 : memref<112xi32, #tpu.memory_space<vmem>>) semaphore(%arg10 : memref<!tpu.dma_semaphore, #tpu.memory_space<semaphore_mem>>)
      %dma_wait3A_379 = arith.constant 1 : i32
      %dma_wait3A_380 = arith.constant 0 : i32
      %dma_wait3A_381 = arith.constant 0 : i32
      %dma_wait3A_382 = tpu.memref_slice %arg9[%dma_wait3A_379, %dma_wait3A_380, %dma_wait3A_381] : memref<3x112x128xf32, #tpu.memory_space<vmem>> -> memref<1x112x128xf32, #tpu.memory_space<vmem>>
      %dma_wait3A_383 = tpu.memref_squeeze %dma_wait3A_382 : memref<1x112x128xf32, #tpu.memory_space<vmem>> -> memref<112x128xf32, #tpu.memory_space<vmem>>
      %dma_wait3A_384 = arith.constant 0 : i32
      %dma_wait3A_385 = arith.constant 0 : i32
      %dma_wait3A_386 = tpu.memref_slice %arg4[%dma_wait3A_384, %dma_wait3A_385] : memref<10240x128xf32, #tpu.memory_space<hbm>> -> memref<112x128xf32, #tpu.memory_space<hbm>>
      %dma_wait3A_387 = arith.constant 0 : i32
      %dma_wait3A_388 = arith.constant 0 : i32
      %dma_wait3A_389 = tpu.memref_slice %arg9[%dma_wait3A_379, %dma_wait3A_387, %dma_wait3A_388] : memref<3x112x128xf32, #tpu.memory_space<vmem>> -> memref<1x112x128xf32, #tpu.memory_space<vmem>>
      %dma_wait3A_390 = tpu.memref_squeeze %dma_wait3A_389 : memref<1x112x128xf32, #tpu.memory_space<vmem>> -> memref<112x128xf32, #tpu.memory_space<vmem>>
      %dma_wait3A_391 = arith.constant 0 : i32
      %dma_wait3A_392 = arith.constant 0 : i32
      %dma_wait3A_393 = tpu.memref_slice %arg4[%dma_wait3A_391, %dma_wait3A_392] : memref<10240x128xf32, #tpu.memory_space<hbm>> -> memref<112x128xf32, #tpu.memory_space<hbm>>
      tpu.wait_dma2 semaphore(%arg11 : memref<!tpu.dma_semaphore, #tpu.memory_space<semaphore_mem>>) src(%dma_wait3A_393 : memref<112x128xf32, #tpu.memory_space<hbm>>) dst(%dma_wait3A_390 : memref<112x128xf32, #tpu.memory_space<vmem>>)
      %run_scoped3A_394 = arith.constant 1 : i32
      %run_scoped3A_395 = arith.constant 10 : i32
      "tpu.region"() ({
        %run_scoped3A_517 = tpu.sem_alloc : memref<!tpu.dma_semaphore, #tpu.memory_space<semaphore_mem>>
        %dma_start3A_518 = arith.constant 0 : i32
        %dma_start3A_519 = arith.constant 0 : i32
        %dma_start3A_520 = tpu.memref_slice %arg9[%run_scoped3A_394, %dma_start3A_518, %dma_start3A_519] : memref<3x112x128xf32, #tpu.memory_space<vmem>> -> memref<1x112x128xf32, #tpu.memory_space<vmem>>
        %dma_start3A_521 = tpu.memref_squeeze %dma_start3A_520 : memref<1x112x128xf32, #tpu.memory_space<vmem>> -> memref<112x128xf32, #tpu.memory_space<vmem>>
        %dma_start3A_522 = arith.constant 0 : i32
        %dma_start3A_523 = tpu.memref_slice %arg8[%run_scoped3A_395, %dma_start3A_522] : memref<16x112xi32, #tpu.memory_space<vmem>> -> memref<1x112xi32, #tpu.memory_space<vmem>>
        %dma_start3A_524 = tpu.memref_squeeze %dma_start3A_523 : memref<1x112xi32, #tpu.memory_space<vmem>> -> memref<112xi32, #tpu.memory_space<vmem>>
        %dma_start3A_525 = arith.constant 0 : i32
        %dma_start3A_526 = arith.constant 0 : i32
        %dma_start3A_527 = tpu.memref_slice %arg6[%dma_start3A_525, %dma_start3A_526] : memref<10240x128xf32, #tpu.memory_space<vmem_shared>> -> memref<10240x128xf32, #tpu.memory_space<vmem_shared>>
        tpu.enqueue_indirect_dma source(%dma_start3A_521 : memref<112x128xf32, #tpu.memory_space<vmem>>) target(%dma_start3A_527 : memref<10240x128xf32, #tpu.memory_space<vmem_shared>>) offsets(%dma_start3A_524 : memref<112xi32, #tpu.memory_space<vmem>>) semaphore(%run_scoped3A_517 : memref<!tpu.dma_semaphore, #tpu.memory_space<semaphore_mem>>) {add = true}
        %dma_wait3A_528 = arith.constant 0 : i32
        %dma_wait3A_529 = arith.constant 0 : i32
        %dma_wait3A_530 = tpu.memref_slice %arg9[%run_scoped3A_394, %dma_wait3A_528, %dma_wait3A_529] : memref<3x112x128xf32, #tpu.memory_space<vmem>> -> memref<1x112x128xf32, #tpu.memory_space<vmem>>
        %dma_wait3A_531 = tpu.memref_squeeze %dma_wait3A_530 : memref<1x112x128xf32, #tpu.memory_space<vmem>> -> memref<112x128xf32, #tpu.memory_space<vmem>>
        %dma_wait3A_532 = arith.constant 0 : i32
        %dma_wait3A_533 = tpu.memref_slice %arg8[%run_scoped3A_395, %dma_wait3A_532] : memref<16x112xi32, #tpu.memory_space<vmem>> -> memref<1x112xi32, #tpu.memory_space<vmem>>
        %dma_wait3A_534 = tpu.memref_squeeze %dma_wait3A_533 : memref<1x112xi32, #tpu.memory_space<vmem>> -> memref<112xi32, #tpu.memory_space<vmem>>
        %dma_wait3A_535 = arith.constant 0 : i32
        %dma_wait3A_536 = arith.constant 0 : i32
        %dma_wait3A_537 = tpu.memref_slice %arg6[%dma_wait3A_535, %dma_wait3A_536] : memref<10240x128xf32, #tpu.memory_space<vmem_shared>> -> memref<10240x128xf32, #tpu.memory_space<vmem_shared>>
        tpu.wait_indirect_dma semaphore(%run_scoped3A_517 : memref<!tpu.dma_semaphore, #tpu.memory_space<semaphore_mem>>) src(%dma_wait3A_531 : memref<112x128xf32, #tpu.memory_space<vmem>>) dst(%dma_wait3A_537 : memref<10240x128xf32, #tpu.memory_space<vmem_shared>>)
        tpu.yield
      }) : () -> ()
      %dma_start3A_396 = arith.constant 13 : i32
      %dma_start3A_397 = arith.constant 1 : i32
      %dma_start3A_398 = arith.constant 0 : i32
      %dma_start3A_399 = arith.constant 0 : i32
      %dma_start3A_400 = tpu.memref_slice %arg9[%dma_start3A_397, %dma_start3A_398, %dma_start3A_399] : memref<3x112x128xf32, #tpu.memory_space<vmem>> -> memref<1x112x128xf32, #tpu.memory_space<vmem>>
      %dma_start3A_401 = tpu.memref_squeeze %dma_start3A_400 : memref<1x112x128xf32, #tpu.memory_space<vmem>> -> memref<112x128xf32, #tpu.memory_space<vmem>>
      %dma_start3A_402 = arith.constant 0 : i32
      %dma_start3A_403 = tpu.memref_slice %arg7[%dma_start3A_396, %dma_start3A_402] : memref<16x112xi32, #tpu.memory_space<vmem>> -> memref<1x112xi32, #tpu.memory_space<vmem>>
      %dma_start3A_404 = tpu.memref_squeeze %dma_start3A_403 : memref<1x112xi32, #tpu.memory_space<vmem>> -> memref<112xi32, #tpu.memory_space<vmem>>
      %dma_start3A_405 = arith.constant 0 : i32
      %dma_start3A_406 = arith.constant 0 : i32
      %dma_start3A_407 = tpu.memref_slice %arg4[%dma_start3A_405, %dma_start3A_406] : memref<10240x128xf32, #tpu.memory_space<hbm>> -> memref<10240x128xf32, #tpu.memory_space<hbm>>
      tpu.enqueue_indirect_dma source(%dma_start3A_407 : memref<10240x128xf32, #tpu.memory_space<hbm>>) target(%dma_start3A_401 : memref<112x128xf32, #tpu.memory_space<vmem>>) offsets(%dma_start3A_404 : memref<112xi32, #tpu.memory_space<vmem>>) semaphore(%arg11 : memref<!tpu.dma_semaphore, #tpu.memory_space<semaphore_mem>>)
      %dma_wait3A_408 = arith.constant 2 : i32
      %dma_wait3A_409 = arith.constant 0 : i32
      %dma_wait3A_410 = arith.constant 0 : i32
      %dma_wait3A_411 = tpu.memref_slice %arg9[%dma_wait3A_408, %dma_wait3A_409, %dma_wait3A_410] : memref<3x112x128xf32, #tpu.memory_space<vmem>> -> memref<1x112x128xf32, #tpu.memory_space<vmem>>
      %dma_wait3A_412 = tpu.memref_squeeze %dma_wait3A_411 : memref<1x112x128xf32, #tpu.memory_space<vmem>> -> memref<112x128xf32, #tpu.memory_space<vmem>>
      %dma_wait3A_413 = arith.constant 0 : i32
      %dma_wait3A_414 = arith.constant 0 : i32
      %dma_wait3A_415 = tpu.memref_slice %arg4[%dma_wait3A_413, %dma_wait3A_414] : memref<10240x128xf32, #tpu.memory_space<hbm>> -> memref<112x128xf32, #tpu.memory_space<hbm>>
      %dma_wait3A_416 = arith.constant 0 : i32
      %dma_wait3A_417 = arith.constant 0 : i32
      %dma_wait3A_418 = tpu.memref_slice %arg9[%dma_wait3A_408, %dma_wait3A_416, %dma_wait3A_417] : memref<3x112x128xf32, #tpu.memory_space<vmem>> -> memref<1x112x128xf32, #tpu.memory_space<vmem>>
      %dma_wait3A_419 = tpu.memref_squeeze %dma_wait3A_418 : memref<1x112x128xf32, #tpu.memory_space<vmem>> -> memref<112x128xf32, #tpu.memory_space<vmem>>
      %dma_wait3A_420 = arith.constant 0 : i32
      %dma_wait3A_421 = arith.constant 0 : i32
      %dma_wait3A_422 = tpu.memref_slice %arg4[%dma_wait3A_420, %dma_wait3A_421] : memref<10240x128xf32, #tpu.memory_space<hbm>> -> memref<112x128xf32, #tpu.memory_space<hbm>>
      tpu.wait_dma2 semaphore(%arg12 : memref<!tpu.dma_semaphore, #tpu.memory_space<semaphore_mem>>) src(%dma_wait3A_422 : memref<112x128xf32, #tpu.memory_space<hbm>>) dst(%dma_wait3A_419 : memref<112x128xf32, #tpu.memory_space<vmem>>)
      %run_scoped3A_423 = arith.constant 2 : i32
      %run_scoped3A_424 = arith.constant 11 : i32
      "tpu.region"() ({
        %run_scoped3A_517 = tpu.sem_alloc : memref<!tpu.dma_semaphore, #tpu.memory_space<semaphore_mem>>
        %dma_start3A_518 = arith.constant 0 : i32
        %dma_start3A_519 = arith.constant 0 : i32
        %dma_start3A_520 = tpu.memref_slice %arg9[%run_scoped3A_423, %dma_start3A_518, %dma_start3A_519] : memref<3x112x128xf32, #tpu.memory_space<vmem>> -> memref<1x112x128xf32, #tpu.memory_space<vmem>>
        %dma_start3A_521 = tpu.memref_squeeze %dma_start3A_520 : memref<1x112x128xf32, #tpu.memory_space<vmem>> -> memref<112x128xf32, #tpu.memory_space<vmem>>
        %dma_start3A_522 = arith.constant 0 : i32
        %dma_start3A_523 = tpu.memref_slice %arg8[%run_scoped3A_424, %dma_start3A_522] : memref<16x112xi32, #tpu.memory_space<vmem>> -> memref<1x112xi32, #tpu.memory_space<vmem>>
        %dma_start3A_524 = tpu.memref_squeeze %dma_start3A_523 : memref<1x112xi32, #tpu.memory_space<vmem>> -> memref<112xi32, #tpu.memory_space<vmem>>
        %dma_start3A_525 = arith.constant 0 : i32
        %dma_start3A_526 = arith.constant 0 : i32
        %dma_start3A_527 = tpu.memref_slice %arg6[%dma_start3A_525, %dma_start3A_526] : memref<10240x128xf32, #tpu.memory_space<vmem_shared>> -> memref<10240x128xf32, #tpu.memory_space<vmem_shared>>
        tpu.enqueue_indirect_dma source(%dma_start3A_521 : memref<112x128xf32, #tpu.memory_space<vmem>>) target(%dma_start3A_527 : memref<10240x128xf32, #tpu.memory_space<vmem_shared>>) offsets(%dma_start3A_524 : memref<112xi32, #tpu.memory_space<vmem>>) semaphore(%run_scoped3A_517 : memref<!tpu.dma_semaphore, #tpu.memory_space<semaphore_mem>>) {add = true}
        %dma_wait3A_528 = arith.constant 0 : i32
        %dma_wait3A_529 = arith.constant 0 : i32
        %dma_wait3A_530 = tpu.memref_slice %arg9[%run_scoped3A_423, %dma_wait3A_528, %dma_wait3A_529] : memref<3x112x128xf32, #tpu.memory_space<vmem>> -> memref<1x112x128xf32, #tpu.memory_space<vmem>>
        %dma_wait3A_531 = tpu.memref_squeeze %dma_wait3A_530 : memref<1x112x128xf32, #tpu.memory_space<vmem>> -> memref<112x128xf32, #tpu.memory_space<vmem>>
        %dma_wait3A_532 = arith.constant 0 : i32
        %dma_wait3A_533 = tpu.memref_slice %arg8[%run_scoped3A_424, %dma_wait3A_532] : memref<16x112xi32, #tpu.memory_space<vmem>> -> memref<1x112xi32, #tpu.memory_space<vmem>>
        %dma_wait3A_534 = tpu.memref_squeeze %dma_wait3A_533 : memref<1x112xi32, #tpu.memory_space<vmem>> -> memref<112xi32, #tpu.memory_space<vmem>>
        %dma_wait3A_535 = arith.constant 0 : i32
        %dma_wait3A_536 = arith.constant 0 : i32
        %dma_wait3A_537 = tpu.memref_slice %arg6[%dma_wait3A_535, %dma_wait3A_536] : memref<10240x128xf32, #tpu.memory_space<vmem_shared>> -> memref<10240x128xf32, #tpu.memory_space<vmem_shared>>
        tpu.wait_indirect_dma semaphore(%run_scoped3A_517 : memref<!tpu.dma_semaphore, #tpu.memory_space<semaphore_mem>>) src(%dma_wait3A_531 : memref<112x128xf32, #tpu.memory_space<vmem>>) dst(%dma_wait3A_537 : memref<10240x128xf32, #tpu.memory_space<vmem_shared>>)
        tpu.yield
      }) : () -> ()
      %dma_start3A_425 = arith.constant 14 : i32
      %dma_start3A_426 = arith.constant 2 : i32
      %dma_start3A_427 = arith.constant 0 : i32
      %dma_start3A_428 = arith.constant 0 : i32
      %dma_start3A_429 = tpu.memref_slice %arg9[%dma_start3A_426, %dma_start3A_427, %dma_start3A_428] : memref<3x112x128xf32, #tpu.memory_space<vmem>> -> memref<1x112x128xf32, #tpu.memory_space<vmem>>
      %dma_start3A_430 = tpu.memref_squeeze %dma_start3A_429 : memref<1x112x128xf32, #tpu.memory_space<vmem>> -> memref<112x128xf32, #tpu.memory_space<vmem>>
      %dma_start3A_431 = arith.constant 0 : i32
      %dma_start3A_432 = tpu.memref_slice %arg7[%dma_start3A_425, %dma_start3A_431] : memref<16x112xi32, #tpu.memory_space<vmem>> -> memref<1x112xi32, #tpu.memory_space<vmem>>
      %dma_start3A_433 = tpu.memref_squeeze %dma_start3A_432 : memref<1x112xi32, #tpu.memory_space<vmem>> -> memref<112xi32, #tpu.memory_space<vmem>>
      %dma_start3A_434 = arith.constant 0 : i32
      %dma_start3A_435 = arith.constant 0 : i32
      %dma_start3A_436 = tpu.memref_slice %arg4[%dma_start3A_434, %dma_start3A_435] : memref<10240x128xf32, #tpu.memory_space<hbm>> -> memref<10240x128xf32, #tpu.memory_space<hbm>>
      tpu.enqueue_indirect_dma source(%dma_start3A_436 : memref<10240x128xf32, #tpu.memory_space<hbm>>) target(%dma_start3A_430 : memref<112x128xf32, #tpu.memory_space<vmem>>) offsets(%dma_start3A_433 : memref<112xi32, #tpu.memory_space<vmem>>) semaphore(%arg12 : memref<!tpu.dma_semaphore, #tpu.memory_space<semaphore_mem>>)
      %dma_wait3A_437 = arith.constant 0 : i32
      %dma_wait3A_438 = arith.constant 0 : i32
      %dma_wait3A_439 = arith.constant 0 : i32
      %dma_wait3A_440 = tpu.memref_slice %arg9[%dma_wait3A_437, %dma_wait3A_438, %dma_wait3A_439] : memref<3x112x128xf32, #tpu.memory_space<vmem>> -> memref<1x112x128xf32, #tpu.memory_space<vmem>>
      %dma_wait3A_441 = tpu.memref_squeeze %dma_wait3A_440 : memref<1x112x128xf32, #tpu.memory_space<vmem>> -> memref<112x128xf32, #tpu.memory_space<vmem>>
      %dma_wait3A_442 = arith.constant 0 : i32
      %dma_wait3A_443 = arith.constant 0 : i32
      %dma_wait3A_444 = tpu.memref_slice %arg4[%dma_wait3A_442, %dma_wait3A_443] : memref<10240x128xf32, #tpu.memory_space<hbm>> -> memref<112x128xf32, #tpu.memory_space<hbm>>
      %dma_wait3A_445 = arith.constant 0 : i32
      %dma_wait3A_446 = arith.constant 0 : i32
      %dma_wait3A_447 = tpu.memref_slice %arg9[%dma_wait3A_437, %dma_wait3A_445, %dma_wait3A_446] : memref<3x112x128xf32, #tpu.memory_space<vmem>> -> memref<1x112x128xf32, #tpu.memory_space<vmem>>
      %dma_wait3A_448 = tpu.memref_squeeze %dma_wait3A_447 : memref<1x112x128xf32, #tpu.memory_space<vmem>> -> memref<112x128xf32, #tpu.memory_space<vmem>>
      %dma_wait3A_449 = arith.constant 0 : i32
      %dma_wait3A_450 = arith.constant 0 : i32
      %dma_wait3A_451 = tpu.memref_slice %arg4[%dma_wait3A_449, %dma_wait3A_450] : memref<10240x128xf32, #tpu.memory_space<hbm>> -> memref<112x128xf32, #tpu.memory_space<hbm>>
      tpu.wait_dma2 semaphore(%arg10 : memref<!tpu.dma_semaphore, #tpu.memory_space<semaphore_mem>>) src(%dma_wait3A_451 : memref<112x128xf32, #tpu.memory_space<hbm>>) dst(%dma_wait3A_448 : memref<112x128xf32, #tpu.memory_space<vmem>>)
      %run_scoped3A_452 = arith.constant 0 : i32
      %run_scoped3A_453 = arith.constant 12 : i32
      "tpu.region"() ({
        %run_scoped3A_517 = tpu.sem_alloc : memref<!tpu.dma_semaphore, #tpu.memory_space<semaphore_mem>>
        %dma_start3A_518 = arith.constant 0 : i32
        %dma_start3A_519 = arith.constant 0 : i32
        %dma_start3A_520 = tpu.memref_slice %arg9[%run_scoped3A_452, %dma_start3A_518, %dma_start3A_519] : memref<3x112x128xf32, #tpu.memory_space<vmem>> -> memref<1x112x128xf32, #tpu.memory_space<vmem>>
        %dma_start3A_521 = tpu.memref_squeeze %dma_start3A_520 : memref<1x112x128xf32, #tpu.memory_space<vmem>> -> memref<112x128xf32, #tpu.memory_space<vmem>>
        %dma_start3A_522 = arith.constant 0 : i32
        %dma_start3A_523 = tpu.memref_slice %arg8[%run_scoped3A_453, %dma_start3A_522] : memref<16x112xi32, #tpu.memory_space<vmem>> -> memref<1x112xi32, #tpu.memory_space<vmem>>
        %dma_start3A_524 = tpu.memref_squeeze %dma_start3A_523 : memref<1x112xi32, #tpu.memory_space<vmem>> -> memref<112xi32, #tpu.memory_space<vmem>>
        %dma_start3A_525 = arith.constant 0 : i32
        %dma_start3A_526 = arith.constant 0 : i32
        %dma_start3A_527 = tpu.memref_slice %arg6[%dma_start3A_525, %dma_start3A_526] : memref<10240x128xf32, #tpu.memory_space<vmem_shared>> -> memref<10240x128xf32, #tpu.memory_space<vmem_shared>>
        tpu.enqueue_indirect_dma source(%dma_start3A_521 : memref<112x128xf32, #tpu.memory_space<vmem>>) target(%dma_start3A_527 : memref<10240x128xf32, #tpu.memory_space<vmem_shared>>) offsets(%dma_start3A_524 : memref<112xi32, #tpu.memory_space<vmem>>) semaphore(%run_scoped3A_517 : memref<!tpu.dma_semaphore, #tpu.memory_space<semaphore_mem>>) {add = true}
        %dma_wait3A_528 = arith.constant 0 : i32
        %dma_wait3A_529 = arith.constant 0 : i32
        %dma_wait3A_530 = tpu.memref_slice %arg9[%run_scoped3A_452, %dma_wait3A_528, %dma_wait3A_529] : memref<3x112x128xf32, #tpu.memory_space<vmem>> -> memref<1x112x128xf32, #tpu.memory_space<vmem>>
        %dma_wait3A_531 = tpu.memref_squeeze %dma_wait3A_530 : memref<1x112x128xf32, #tpu.memory_space<vmem>> -> memref<112x128xf32, #tpu.memory_space<vmem>>
        %dma_wait3A_532 = arith.constant 0 : i32
        %dma_wait3A_533 = tpu.memref_slice %arg8[%run_scoped3A_453, %dma_wait3A_532] : memref<16x112xi32, #tpu.memory_space<vmem>> -> memref<1x112xi32, #tpu.memory_space<vmem>>
        %dma_wait3A_534 = tpu.memref_squeeze %dma_wait3A_533 : memref<1x112xi32, #tpu.memory_space<vmem>> -> memref<112xi32, #tpu.memory_space<vmem>>
        %dma_wait3A_535 = arith.constant 0 : i32
        %dma_wait3A_536 = arith.constant 0 : i32
        %dma_wait3A_537 = tpu.memref_slice %arg6[%dma_wait3A_535, %dma_wait3A_536] : memref<10240x128xf32, #tpu.memory_space<vmem_shared>> -> memref<10240x128xf32, #tpu.memory_space<vmem_shared>>
        tpu.wait_indirect_dma semaphore(%run_scoped3A_517 : memref<!tpu.dma_semaphore, #tpu.memory_space<semaphore_mem>>) src(%dma_wait3A_531 : memref<112x128xf32, #tpu.memory_space<vmem>>) dst(%dma_wait3A_537 : memref<10240x128xf32, #tpu.memory_space<vmem_shared>>)
        tpu.yield
      }) : () -> ()
      %dma_start3A_454 = arith.constant 15 : i32
      %dma_start3A_455 = arith.constant 0 : i32
      %dma_start3A_456 = arith.constant 0 : i32
      %dma_start3A_457 = arith.constant 0 : i32
      %dma_start3A_458 = tpu.memref_slice %arg9[%dma_start3A_455, %dma_start3A_456, %dma_start3A_457] : memref<3x112x128xf32, #tpu.memory_space<vmem>> -> memref<1x112x128xf32, #tpu.memory_space<vmem>>
      %dma_start3A_459 = tpu.memref_squeeze %dma_start3A_458 : memref<1x112x128xf32, #tpu.memory_space<vmem>> -> memref<112x128xf32, #tpu.memory_space<vmem>>
      %dma_start3A_460 = arith.constant 0 : i32
      %dma_start3A_461 = tpu.memref_slice %arg7[%dma_start3A_454, %dma_start3A_460] : memref<16x112xi32, #tpu.memory_space<vmem>> -> memref<1x112xi32, #tpu.memory_space<vmem>>
      %dma_start3A_462 = tpu.memref_squeeze %dma_start3A_461 : memref<1x112xi32, #tpu.memory_space<vmem>> -> memref<112xi32, #tpu.memory_space<vmem>>
      %dma_start3A_463 = arith.constant 0 : i32
      %dma_start3A_464 = arith.constant 0 : i32
      %dma_start3A_465 = tpu.memref_slice %arg4[%dma_start3A_463, %dma_start3A_464] : memref<10240x128xf32, #tpu.memory_space<hbm>> -> memref<10240x128xf32, #tpu.memory_space<hbm>>
      tpu.enqueue_indirect_dma source(%dma_start3A_465 : memref<10240x128xf32, #tpu.memory_space<hbm>>) target(%dma_start3A_459 : memref<112x128xf32, #tpu.memory_space<vmem>>) offsets(%dma_start3A_462 : memref<112xi32, #tpu.memory_space<vmem>>) semaphore(%arg10 : memref<!tpu.dma_semaphore, #tpu.memory_space<semaphore_mem>>)
      %dma_wait3A_466 = arith.constant 1 : i32
      %dma_wait3A_467 = arith.constant 0 : i32
      %dma_wait3A_468 = arith.constant 0 : i32
      %dma_wait3A_469 = tpu.memref_slice %arg9[%dma_wait3A_466, %dma_wait3A_467, %dma_wait3A_468] : memref<3x112x128xf32, #tpu.memory_space<vmem>> -> memref<1x112x128xf32, #tpu.memory_space<vmem>>
      %dma_wait3A_470 = tpu.memref_squeeze %dma_wait3A_469 : memref<1x112x128xf32, #tpu.memory_space<vmem>> -> memref<112x128xf32, #tpu.memory_space<vmem>>
      %dma_wait3A_471 = arith.constant 0 : i32
      %dma_wait3A_472 = arith.constant 0 : i32
      %dma_wait3A_473 = tpu.memref_slice %arg4[%dma_wait3A_471, %dma_wait3A_472] : memref<10240x128xf32, #tpu.memory_space<hbm>> -> memref<112x128xf32, #tpu.memory_space<hbm>>
      %dma_wait3A_474 = arith.constant 0 : i32
      %dma_wait3A_475 = arith.constant 0 : i32
      %dma_wait3A_476 = tpu.memref_slice %arg9[%dma_wait3A_466, %dma_wait3A_474, %dma_wait3A_475] : memref<3x112x128xf32, #tpu.memory_space<vmem>> -> memref<1x112x128xf32, #tpu.memory_space<vmem>>
      %dma_wait3A_477 = tpu.memref_squeeze %dma_wait3A_476 : memref<1x112x128xf32, #tpu.memory_space<vmem>> -> memref<112x128xf32, #tpu.memory_space<vmem>>
      %dma_wait3A_478 = arith.constant 0 : i32
      %dma_wait3A_479 = arith.constant 0 : i32
      %dma_wait3A_480 = tpu.memref_slice %arg4[%dma_wait3A_478, %dma_wait3A_479] : memref<10240x128xf32, #tpu.memory_space<hbm>> -> memref<112x128xf32, #tpu.memory_space<hbm>>
      tpu.wait_dma2 semaphore(%arg11 : memref<!tpu.dma_semaphore, #tpu.memory_space<semaphore_mem>>) src(%dma_wait3A_480 : memref<112x128xf32, #tpu.memory_space<hbm>>) dst(%dma_wait3A_477 : memref<112x128xf32, #tpu.memory_space<vmem>>)
      %run_scoped3A_481 = arith.constant 1 : i32
      %run_scoped3A_482 = arith.constant 13 : i32
      "tpu.region"() ({
        %run_scoped3A_517 = tpu.sem_alloc : memref<!tpu.dma_semaphore, #tpu.memory_space<semaphore_mem>>
        %dma_start3A_518 = arith.constant 0 : i32
        %dma_start3A_519 = arith.constant 0 : i32
        %dma_start3A_520 = tpu.memref_slice %arg9[%run_scoped3A_481, %dma_start3A_518, %dma_start3A_519] : memref<3x112x128xf32, #tpu.memory_space<vmem>> -> memref<1x112x128xf32, #tpu.memory_space<vmem>>
        %dma_start3A_521 = tpu.memref_squeeze %dma_start3A_520 : memref<1x112x128xf32, #tpu.memory_space<vmem>> -> memref<112x128xf32, #tpu.memory_space<vmem>>
        %dma_start3A_522 = arith.constant 0 : i32
        %dma_start3A_523 = tpu.memref_slice %arg8[%run_scoped3A_482, %dma_start3A_522] : memref<16x112xi32, #tpu.memory_space<vmem>> -> memref<1x112xi32, #tpu.memory_space<vmem>>
        %dma_start3A_524 = tpu.memref_squeeze %dma_start3A_523 : memref<1x112xi32, #tpu.memory_space<vmem>> -> memref<112xi32, #tpu.memory_space<vmem>>
        %dma_start3A_525 = arith.constant 0 : i32
        %dma_start3A_526 = arith.constant 0 : i32
        %dma_start3A_527 = tpu.memref_slice %arg6[%dma_start3A_525, %dma_start3A_526] : memref<10240x128xf32, #tpu.memory_space<vmem_shared>> -> memref<10240x128xf32, #tpu.memory_space<vmem_shared>>
        tpu.enqueue_indirect_dma source(%dma_start3A_521 : memref<112x128xf32, #tpu.memory_space<vmem>>) target(%dma_start3A_527 : memref<10240x128xf32, #tpu.memory_space<vmem_shared>>) offsets(%dma_start3A_524 : memref<112xi32, #tpu.memory_space<vmem>>) semaphore(%run_scoped3A_517 : memref<!tpu.dma_semaphore, #tpu.memory_space<semaphore_mem>>) {add = true}
        %dma_wait3A_528 = arith.constant 0 : i32
        %dma_wait3A_529 = arith.constant 0 : i32
        %dma_wait3A_530 = tpu.memref_slice %arg9[%run_scoped3A_481, %dma_wait3A_528, %dma_wait3A_529] : memref<3x112x128xf32, #tpu.memory_space<vmem>> -> memref<1x112x128xf32, #tpu.memory_space<vmem>>
        %dma_wait3A_531 = tpu.memref_squeeze %dma_wait3A_530 : memref<1x112x128xf32, #tpu.memory_space<vmem>> -> memref<112x128xf32, #tpu.memory_space<vmem>>
        %dma_wait3A_532 = arith.constant 0 : i32
        %dma_wait3A_533 = tpu.memref_slice %arg8[%run_scoped3A_482, %dma_wait3A_532] : memref<16x112xi32, #tpu.memory_space<vmem>> -> memref<1x112xi32, #tpu.memory_space<vmem>>
        %dma_wait3A_534 = tpu.memref_squeeze %dma_wait3A_533 : memref<1x112xi32, #tpu.memory_space<vmem>> -> memref<112xi32, #tpu.memory_space<vmem>>
        %dma_wait3A_535 = arith.constant 0 : i32
        %dma_wait3A_536 = arith.constant 0 : i32
        %dma_wait3A_537 = tpu.memref_slice %arg6[%dma_wait3A_535, %dma_wait3A_536] : memref<10240x128xf32, #tpu.memory_space<vmem_shared>> -> memref<10240x128xf32, #tpu.memory_space<vmem_shared>>
        tpu.wait_indirect_dma semaphore(%run_scoped3A_517 : memref<!tpu.dma_semaphore, #tpu.memory_space<semaphore_mem>>) src(%dma_wait3A_531 : memref<112x128xf32, #tpu.memory_space<vmem>>) dst(%dma_wait3A_537 : memref<10240x128xf32, #tpu.memory_space<vmem_shared>>)
        tpu.yield
      }) : () -> ()
      %dma_wait3A_483 = arith.constant 2 : i32
      %dma_wait3A_484 = arith.constant 0 : i32
      %dma_wait3A_485 = arith.constant 0 : i32
      %dma_wait3A_486 = tpu.memref_slice %arg9[%dma_wait3A_483, %dma_wait3A_484, %dma_wait3A_485] : memref<3x112x128xf32, #tpu.memory_space<vmem>> -> memref<1x112x128xf32, #tpu.memory_space<vmem>>
      %dma_wait3A_487 = tpu.memref_squeeze %dma_wait3A_486 : memref<1x112x128xf32, #tpu.memory_space<vmem>> -> memref<112x128xf32, #tpu.memory_space<vmem>>
      %dma_wait3A_488 = arith.constant 0 : i32
      %dma_wait3A_489 = arith.constant 0 : i32
      %dma_wait3A_490 = tpu.memref_slice %arg4[%dma_wait3A_488, %dma_wait3A_489] : memref<10240x128xf32, #tpu.memory_space<hbm>> -> memref<112x128xf32, #tpu.memory_space<hbm>>
      %dma_wait3A_491 = arith.constant 0 : i32
      %dma_wait3A_492 = arith.constant 0 : i32
      %dma_wait3A_493 = tpu.memref_slice %arg9[%dma_wait3A_483, %dma_wait3A_491, %dma_wait3A_492] : memref<3x112x128xf32, #tpu.memory_space<vmem>> -> memref<1x112x128xf32, #tpu.memory_space<vmem>>
      %dma_wait3A_494 = tpu.memref_squeeze %dma_wait3A_493 : memref<1x112x128xf32, #tpu.memory_space<vmem>> -> memref<112x128xf32, #tpu.memory_space<vmem>>
      %dma_wait3A_495 = arith.constant 0 : i32
      %dma_wait3A_496 = arith.constant 0 : i32
      %dma_wait3A_497 = tpu.memref_slice %arg4[%dma_wait3A_495, %dma_wait3A_496] : memref<10240x128xf32, #tpu.memory_space<hbm>> -> memref<112x128xf32, #tpu.memory_space<hbm>>
      tpu.wait_dma2 semaphore(%arg12 : memref<!tpu.dma_semaphore, #tpu.memory_space<semaphore_mem>>) src(%dma_wait3A_497 : memref<112x128xf32, #tpu.memory_space<hbm>>) dst(%dma_wait3A_494 : memref<112x128xf32, #tpu.memory_space<vmem>>)
      %run_scoped3A_498 = arith.constant 2 : i32
      %run_scoped3A_499 = arith.constant 14 : i32
      "tpu.region"() ({
        %run_scoped3A_517 = tpu.sem_alloc : memref<!tpu.dma_semaphore, #tpu.memory_space<semaphore_mem>>
        %dma_start3A_518 = arith.constant 0 : i32
        %dma_start3A_519 = arith.constant 0 : i32
        %dma_start3A_520 = tpu.memref_slice %arg9[%run_scoped3A_498, %dma_start3A_518, %dma_start3A_519] : memref<3x112x128xf32, #tpu.memory_space<vmem>> -> memref<1x112x128xf32, #tpu.memory_space<vmem>>
        %dma_start3A_521 = tpu.memref_squeeze %dma_start3A_520 : memref<1x112x128xf32, #tpu.memory_space<vmem>> -> memref<112x128xf32, #tpu.memory_space<vmem>>
        %dma_start3A_522 = arith.constant 0 : i32
        %dma_start3A_523 = tpu.memref_slice %arg8[%run_scoped3A_499, %dma_start3A_522] : memref<16x112xi32, #tpu.memory_space<vmem>> -> memref<1x112xi32, #tpu.memory_space<vmem>>
        %dma_start3A_524 = tpu.memref_squeeze %dma_start3A_523 : memref<1x112xi32, #tpu.memory_space<vmem>> -> memref<112xi32, #tpu.memory_space<vmem>>
        %dma_start3A_525 = arith.constant 0 : i32
        %dma_start3A_526 = arith.constant 0 : i32
        %dma_start3A_527 = tpu.memref_slice %arg6[%dma_start3A_525, %dma_start3A_526] : memref<10240x128xf32, #tpu.memory_space<vmem_shared>> -> memref<10240x128xf32, #tpu.memory_space<vmem_shared>>
        tpu.enqueue_indirect_dma source(%dma_start3A_521 : memref<112x128xf32, #tpu.memory_space<vmem>>) target(%dma_start3A_527 : memref<10240x128xf32, #tpu.memory_space<vmem_shared>>) offsets(%dma_start3A_524 : memref<112xi32, #tpu.memory_space<vmem>>) semaphore(%run_scoped3A_517 : memref<!tpu.dma_semaphore, #tpu.memory_space<semaphore_mem>>) {add = true}
        %dma_wait3A_528 = arith.constant 0 : i32
        %dma_wait3A_529 = arith.constant 0 : i32
        %dma_wait3A_530 = tpu.memref_slice %arg9[%run_scoped3A_498, %dma_wait3A_528, %dma_wait3A_529] : memref<3x112x128xf32, #tpu.memory_space<vmem>> -> memref<1x112x128xf32, #tpu.memory_space<vmem>>
        %dma_wait3A_531 = tpu.memref_squeeze %dma_wait3A_530 : memref<1x112x128xf32, #tpu.memory_space<vmem>> -> memref<112x128xf32, #tpu.memory_space<vmem>>
        %dma_wait3A_532 = arith.constant 0 : i32
        %dma_wait3A_533 = tpu.memref_slice %arg8[%run_scoped3A_499, %dma_wait3A_532] : memref<16x112xi32, #tpu.memory_space<vmem>> -> memref<1x112xi32, #tpu.memory_space<vmem>>
        %dma_wait3A_534 = tpu.memref_squeeze %dma_wait3A_533 : memref<1x112xi32, #tpu.memory_space<vmem>> -> memref<112xi32, #tpu.memory_space<vmem>>
        %dma_wait3A_535 = arith.constant 0 : i32
        %dma_wait3A_536 = arith.constant 0 : i32
        %dma_wait3A_537 = tpu.memref_slice %arg6[%dma_wait3A_535, %dma_wait3A_536] : memref<10240x128xf32, #tpu.memory_space<vmem_shared>> -> memref<10240x128xf32, #tpu.memory_space<vmem_shared>>
        tpu.wait_indirect_dma semaphore(%run_scoped3A_517 : memref<!tpu.dma_semaphore, #tpu.memory_space<semaphore_mem>>) src(%dma_wait3A_531 : memref<112x128xf32, #tpu.memory_space<vmem>>) dst(%dma_wait3A_537 : memref<10240x128xf32, #tpu.memory_space<vmem_shared>>)
        tpu.yield
      }) : () -> ()
      %dma_wait3A_500 = arith.constant 0 : i32
      %dma_wait3A_501 = arith.constant 0 : i32
      %dma_wait3A_502 = arith.constant 0 : i32
      %dma_wait3A_503 = tpu.memref_slice %arg9[%dma_wait3A_500, %dma_wait3A_501, %dma_wait3A_502] : memref<3x112x128xf32, #tpu.memory_space<vmem>> -> memref<1x112x128xf32, #tpu.memory_space<vmem>>
      %dma_wait3A_504 = tpu.memref_squeeze %dma_wait3A_503 : memref<1x112x128xf32, #tpu.memory_space<vmem>> -> memref<112x128xf32, #tpu.memory_space<vmem>>
      %dma_wait3A_505 = arith.constant 0 : i32
      %dma_wait3A_506 = arith.constant 0 : i32
      %dma_wait3A_507 = tpu.memref_slice %arg4[%dma_wait3A_505, %dma_wait3A_506] : memref<10240x128xf32, #tpu.memory_space<hbm>> -> memref<112x128xf32, #tpu.memory_space<hbm>>
      %dma_wait3A_508 = arith.constant 0 : i32
      %dma_wait3A_509 = arith.constant 0 : i32
      %dma_wait3A_510 = tpu.memref_slice %arg9[%dma_wait3A_500, %dma_wait3A_508, %dma_wait3A_509] : memref<3x112x128xf32, #tpu.memory_space<vmem>> -> memref<1x112x128xf32, #tpu.memory_space<vmem>>
      %dma_wait3A_511 = tpu.memref_squeeze %dma_wait3A_510 : memref<1x112x128xf32, #tpu.memory_space<vmem>> -> memref<112x128xf32, #tpu.memory_space<vmem>>
      %dma_wait3A_512 = arith.constant 0 : i32
      %dma_wait3A_513 = arith.constant 0 : i32
      %dma_wait3A_514 = tpu.memref_slice %arg4[%dma_wait3A_512, %dma_wait3A_513] : memref<10240x128xf32, #tpu.memory_space<hbm>> -> memref<112x128xf32, #tpu.memory_space<hbm>>
      tpu.wait_dma2 semaphore(%arg10 : memref<!tpu.dma_semaphore, #tpu.memory_space<semaphore_mem>>) src(%dma_wait3A_514 : memref<112x128xf32, #tpu.memory_space<hbm>>) dst(%dma_wait3A_511 : memref<112x128xf32, #tpu.memory_space<vmem>>)
      %run_scoped3A_515 = arith.constant 0 : i32
      %run_scoped3A_516 = arith.constant 15 : i32
      "tpu.region"() ({
        %run_scoped3A_517 = tpu.sem_alloc : memref<!tpu.dma_semaphore, #tpu.memory_space<semaphore_mem>>
        %dma_start3A_518 = arith.constant 0 : i32
        %dma_start3A_519 = arith.constant 0 : i32
        %dma_start3A_520 = tpu.memref_slice %arg9[%run_scoped3A_515, %dma_start3A_518, %dma_start3A_519] : memref<3x112x128xf32, #tpu.memory_space<vmem>> -> memref<1x112x128xf32, #tpu.memory_space<vmem>>
        %dma_start3A_521 = tpu.memref_squeeze %dma_start3A_520 : memref<1x112x128xf32, #tpu.memory_space<vmem>> -> memref<112x128xf32, #tpu.memory_space<vmem>>
        %dma_start3A_522 = arith.constant 0 : i32
        %dma_start3A_523 = tpu.memref_slice %arg8[%run_scoped3A_516, %dma_start3A_522] : memref<16x112xi32, #tpu.memory_space<vmem>> -> memref<1x112xi32, #tpu.memory_space<vmem>>
        %dma_start3A_524 = tpu.memref_squeeze %dma_start3A_523 : memref<1x112xi32, #tpu.memory_space<vmem>> -> memref<112xi32, #tpu.memory_space<vmem>>
        %dma_start3A_525 = arith.constant 0 : i32
        %dma_start3A_526 = arith.constant 0 : i32
        %dma_start3A_527 = tpu.memref_slice %arg6[%dma_start3A_525, %dma_start3A_526] : memref<10240x128xf32, #tpu.memory_space<vmem_shared>> -> memref<10240x128xf32, #tpu.memory_space<vmem_shared>>
        tpu.enqueue_indirect_dma source(%dma_start3A_521 : memref<112x128xf32, #tpu.memory_space<vmem>>) target(%dma_start3A_527 : memref<10240x128xf32, #tpu.memory_space<vmem_shared>>) offsets(%dma_start3A_524 : memref<112xi32, #tpu.memory_space<vmem>>) semaphore(%run_scoped3A_517 : memref<!tpu.dma_semaphore, #tpu.memory_space<semaphore_mem>>) {add = true}
        %dma_wait3A_528 = arith.constant 0 : i32
        %dma_wait3A_529 = arith.constant 0 : i32
        %dma_wait3A_530 = tpu.memref_slice %arg9[%run_scoped3A_515, %dma_wait3A_528, %dma_wait3A_529] : memref<3x112x128xf32, #tpu.memory_space<vmem>> -> memref<1x112x128xf32, #tpu.memory_space<vmem>>
        %dma_wait3A_531 = tpu.memref_squeeze %dma_wait3A_530 : memref<1x112x128xf32, #tpu.memory_space<vmem>> -> memref<112x128xf32, #tpu.memory_space<vmem>>
        %dma_wait3A_532 = arith.constant 0 : i32
        %dma_wait3A_533 = tpu.memref_slice %arg8[%run_scoped3A_516, %dma_wait3A_532] : memref<16x112xi32, #tpu.memory_space<vmem>> -> memref<1x112xi32, #tpu.memory_space<vmem>>
        %dma_wait3A_534 = tpu.memref_squeeze %dma_wait3A_533 : memref<1x112xi32, #tpu.memory_space<vmem>> -> memref<112xi32, #tpu.memory_space<vmem>>
        %dma_wait3A_535 = arith.constant 0 : i32
        %dma_wait3A_536 = arith.constant 0 : i32
        %dma_wait3A_537 = tpu.memref_slice %arg6[%dma_wait3A_535, %dma_wait3A_536] : memref<10240x128xf32, #tpu.memory_space<vmem_shared>> -> memref<10240x128xf32, #tpu.memory_space<vmem_shared>>
        tpu.wait_indirect_dma semaphore(%run_scoped3A_517 : memref<!tpu.dma_semaphore, #tpu.memory_space<semaphore_mem>>) src(%dma_wait3A_531 : memref<112x128xf32, #tpu.memory_space<vmem>>) dst(%dma_wait3A_537 : memref<10240x128xf32, #tpu.memory_space<vmem_shared>>)
        tpu.yield
      }) : () -> ()
    }
    %scan3A_40 = arith.constant 6 : i32
    %barrier3A_41 = arith.constant 0 : index
    tpu.barrier barrier_id(%barrier3A_41)
    %mul3A_42 = arith.constant 640 : i32
    %mul3A_43 = arith.muli %arg1, %mul3A_42 : i32
    %mul3A_44 = arith.constant 640 : i32
    %mul3A_45 = arith.muli %arg1, %mul3A_44 : i32
    "tpu.region"() ({
      %run_scoped3A_46 = tpu.sem_alloc : memref<!tpu.dma_semaphore, #tpu.memory_space<semaphore_mem>>
      %dma_start3A = arith.constant 0 : i32
      %dma_start3A_47 = tpu.memref_slice %arg5[%arg0, %mul3A_45, %dma_start3A] : memref<2x10240x128xf32, #tpu.memory_space<hbm>> -> memref<1x640x128xf32, #tpu.memory_space<hbm>>
      %dma_start3A_48 = tpu.memref_squeeze %dma_start3A_47 : memref<1x640x128xf32, #tpu.memory_space<hbm>> -> memref<640x128xf32, #tpu.memory_space<hbm>>
      %dma_start3A_49 = arith.constant 0 : i32
      %dma_start3A_50 = tpu.memref_slice %arg6[%mul3A_43, %dma_start3A_49] : memref<10240x128xf32, #tpu.memory_space<vmem_shared>> -> memref<640x128xf32, #tpu.memory_space<vmem_shared>>
      tpu.enqueue_dma source(%dma_start3A_50 : memref<640x128xf32, #tpu.memory_space<vmem_shared>>) target(%dma_start3A_48 : memref<640x128xf32, #tpu.memory_space<hbm>>) target_semaphore(%run_scoped3A_46 : memref<!tpu.dma_semaphore, #tpu.memory_space<semaphore_mem>>)
      %dma_wait3A = arith.constant 0 : i32
      %dma_wait3A_51 = tpu.memref_slice %arg5[%arg0, %mul3A_45, %dma_wait3A] : memref<2x10240x128xf32, #tpu.memory_space<hbm>> -> memref<1x640x128xf32, #tpu.memory_space<hbm>>
      %dma_wait3A_52 = tpu.memref_squeeze %dma_wait3A_51 : memref<1x640x128xf32, #tpu.memory_space<hbm>> -> memref<640x128xf32, #tpu.memory_space<hbm>>
      %dma_wait3A_53 = arith.constant 0 : i32
      %dma_wait3A_54 = tpu.memref_slice %arg6[%mul3A_43, %dma_wait3A_53] : memref<10240x128xf32, #tpu.memory_space<vmem_shared>> -> memref<640x128xf32, #tpu.memory_space<vmem_shared>>
      tpu.wait_dma2 semaphore(%run_scoped3A_46 : memref<!tpu.dma_semaphore, #tpu.memory_space<semaphore_mem>>) src(%dma_wait3A_54 : memref<640x128xf32, #tpu.memory_space<vmem_shared>>) dst(%dma_wait3A_52 : memref<640x128xf32, #tpu.memory_space<hbm>>)
      tpu.yield
    }) : () -> ()
    return
  }
}

#map = affine_map<(d0, d1) -> (0)>
#map1 = affine_map<(d0, d1) -> (0, 0)>
module attributes {stable_mosaic.version = 14 : i64} {
  func.func @deg_kernel(%arg0: i32, %arg1: i32, %arg2: memref<344064xi32, #tpu.memory_space<hbm>>, %arg3: memref<2x10240xf32, #tpu.memory_space<hbm>>, %arg4: memref<16x10240xf32, #tpu.memory_space<vmem_shared>>, %arg5: memref<10240xf32, #tpu.memory_space<vmem>>, %arg6: memref<10752xi32, #tpu.memory_space<vmem>>, %arg7: memref<16x640xf32, #tpu.memory_space<vmem>>, %arg8: memref<640xf32, #tpu.memory_space<vmem>>) attributes {dimension_semantics = [#tpu.dimension_semantics<core_parallel>, #tpu.dimension_semantics<subcore_parallel>], iteration_bounds = array<i64: 2, 16>, scalar_prefetch = 0 : i64, scratch_operands = 5 : i64, tpu.core_type = #tpu.core_type<sc_vector_subcore>, window_params = [{transform_indices = #map}, {transform_indices = #map1}]} {
    %mul3A = arith.constant 16 : i32
    %mul3A_0 = arith.muli %arg0, %mul3A : i32
    %add3A = arith.addi %mul3A_0, %arg1 : i32
    %scan3A = arith.constant 0 : i32
    %scan3A_1 = arith.constant 640 : i32
    %scan3A_2 = arith.addi %scan3A, %scan3A_1 : i32
    %scan3A_3 = arith.constant 1 : i32
    scf.for %scan3A_22 = %scan3A to %scan3A_2 step %scan3A_3  : i32 {
      %mul3A_23 = arith.constant 1 : i32
      %mul3A_24 = arith.muli %scan3A_22, %mul3A_23 : i32
      %add3A_25 = arith.constant 0 : i32
      %add3A_26 = arith.addi %add3A_25, %mul3A_24 : i32
      %broadcast_in_dim3A_27 = arith.constant 0.000000e+00 : f32
      %broadcast_in_dim3A_28 = vector.broadcast %broadcast_in_dim3A_27 : f32 to vector<16xf32>
      %mul3A_29 = arith.constant 16 : i32
      %mul3A_30 = arith.muli %add3A_26, %mul3A_29 : i32
      %swap3A = arith.index_cast %mul3A_30 : i32 to index
      %swap3A_31 = tpu.vector_load %arg5[%swap3A] {strides = array<i32>} : memref<10240xf32, #tpu.memory_space<vmem>>, vector<16xf32>,
      tpu.vector_store %arg5[%swap3A], %broadcast_in_dim3A_28 {strides = array<i32>} : memref<10240xf32, #tpu.memory_space<vmem>>, vector<16xf32>,
    }
    %scan3A_4 = arith.constant 640 : i32
    %mul3A_5 = arith.constant 10752 : i32
    %mul3A_6 = arith.muli %add3A, %mul3A_5 : i32
    %multiple_of3A = tpu.assume_multiple %mul3A_6, 8 : i32
    "tpu.region"() ({
      %run_scoped3A = tpu.sem_alloc : memref<!tpu.dma_semaphore, #tpu.memory_space<semaphore_mem>>
      %dma_start3A = tpu.memref_slice %arg2[%multiple_of3A] : memref<344064xi32, #tpu.memory_space<hbm>> -> memref<10752xi32, #tpu.memory_space<hbm>>
      %dma_start3A_22 = tpu.memref_slice %arg2[%multiple_of3A] : memref<344064xi32, #tpu.memory_space<hbm>> -> memref<10752xi32, #tpu.memory_space<hbm>>
      tpu.enqueue_dma source(%dma_start3A_22 : memref<10752xi32, #tpu.memory_space<hbm>>) target(%arg6 : memref<10752xi32, #tpu.memory_space<vmem>>) target_semaphore(%run_scoped3A : memref<!tpu.dma_semaphore, #tpu.memory_space<semaphore_mem>>)
      %dma_wait3A = tpu.memref_slice %arg2[%multiple_of3A] : memref<344064xi32, #tpu.memory_space<hbm>> -> memref<10752xi32, #tpu.memory_space<hbm>>
      %dma_wait3A_23 = tpu.memref_slice %arg2[%multiple_of3A] : memref<344064xi32, #tpu.memory_space<hbm>> -> memref<10752xi32, #tpu.memory_space<hbm>>
      tpu.wait_dma2 semaphore(%run_scoped3A : memref<!tpu.dma_semaphore, #tpu.memory_space<semaphore_mem>>) src(%dma_wait3A_23 : memref<10752xi32, #tpu.memory_space<hbm>>) dst(%arg6 : memref<10752xi32, #tpu.memory_space<vmem>>)
      tpu.yield
    }) : () -> ()
    %broadcast_in_dim3A = arith.constant 1.000000e+00 : f32
    %broadcast_in_dim3A_7 = vector.broadcast %broadcast_in_dim3A : f32 to vector<16xf32>
    %scan3A_8 = arith.constant 0 : i32
    %scan3A_9 = arith.constant 672 : i32
    %scan3A_10 = arith.addi %scan3A_8, %scan3A_9 : i32
    %scan3A_11 = arith.constant 1 : i32
    scf.for %scan3A_22 = %scan3A_8 to %scan3A_10 step %scan3A_11  : i32 {
      %mul3A_23 = arith.constant 1 : i32
      %mul3A_24 = arith.muli %scan3A_22, %mul3A_23 : i32
      %add3A_25 = arith.constant 0 : i32
      %add3A_26 = arith.addi %add3A_25, %mul3A_24 : i32
      %mul3A_27 = arith.constant 16 : i32
      %mul3A_28 = arith.muli %add3A_26, %mul3A_27 : i32
      %get3A = arith.index_cast %mul3A_28 : i32 to index
      %get3A_29 = tpu.vector_load %arg6[%get3A] {strides = array<i32>} : memref<10752xi32, #tpu.memory_space<vmem>>, vector<16xi32>,
      tpu.vector_store_idx %arg5[%get3A_29], %broadcast_in_dim3A_7 {add = true} : memref<10240xf32, #tpu.memory_space<vmem>>[vector<16xi32>], vector<16xf32>,
    }
    %scan3A_12 = arith.constant 672 : i32
    "tpu.region"() ({
      %run_scoped3A = tpu.sem_alloc : memref<!tpu.dma_semaphore, #tpu.memory_space<semaphore_mem>>
      %dma_start3A = arith.constant 0 : i32
      %dma_start3A_22 = tpu.memref_slice %arg4[%arg1, %dma_start3A] : memref<16x10240xf32, #tpu.memory_space<vmem_shared>> -> memref<1x10240xf32, #tpu.memory_space<vmem_shared>>
      %dma_start3A_23 = tpu.memref_squeeze %dma_start3A_22 : memref<1x10240xf32, #tpu.memory_space<vmem_shared>> -> memref<10240xf32, #tpu.memory_space<vmem_shared>>
      %dma_start3A_24 = arith.constant 0 : i32
      %dma_start3A_25 = tpu.memref_slice %arg4[%arg1, %dma_start3A_24] : memref<16x10240xf32, #tpu.memory_space<vmem_shared>> -> memref<1x10240xf32, #tpu.memory_space<vmem_shared>>
      %dma_start3A_26 = tpu.memref_squeeze %dma_start3A_25 : memref<1x10240xf32, #tpu.memory_space<vmem_shared>> -> memref<10240xf32, #tpu.memory_space<vmem_shared>>
      tpu.enqueue_dma source(%arg5 : memref<10240xf32, #tpu.memory_space<vmem>>) target(%dma_start3A_26 : memref<10240xf32, #tpu.memory_space<vmem_shared>>) target_semaphore(%run_scoped3A : memref<!tpu.dma_semaphore, #tpu.memory_space<semaphore_mem>>)
      %dma_wait3A = arith.constant 0 : i32
      %dma_wait3A_27 = tpu.memref_slice %arg4[%arg1, %dma_wait3A] : memref<16x10240xf32, #tpu.memory_space<vmem_shared>> -> memref<1x10240xf32, #tpu.memory_space<vmem_shared>>
      %dma_wait3A_28 = tpu.memref_squeeze %dma_wait3A_27 : memref<1x10240xf32, #tpu.memory_space<vmem_shared>> -> memref<10240xf32, #tpu.memory_space<vmem_shared>>
      %dma_wait3A_29 = arith.constant 0 : i32
      %dma_wait3A_30 = tpu.memref_slice %arg4[%arg1, %dma_wait3A_29] : memref<16x10240xf32, #tpu.memory_space<vmem_shared>> -> memref<1x10240xf32, #tpu.memory_space<vmem_shared>>
      %dma_wait3A_31 = tpu.memref_squeeze %dma_wait3A_30 : memref<1x10240xf32, #tpu.memory_space<vmem_shared>> -> memref<10240xf32, #tpu.memory_space<vmem_shared>>
      tpu.wait_dma2 semaphore(%run_scoped3A : memref<!tpu.dma_semaphore, #tpu.memory_space<semaphore_mem>>) src(%arg5 : memref<10240xf32, #tpu.memory_space<vmem>>) dst(%dma_wait3A_31 : memref<10240xf32, #tpu.memory_space<vmem_shared>>)
      tpu.yield
    }) : () -> ()
    %barrier3A = arith.constant 0 : index
    tpu.barrier barrier_id(%barrier3A)
    %mul3A_13 = arith.constant 640 : i32
    %mul3A_14 = arith.muli %arg1, %mul3A_13 : i32
    "tpu.region"() ({
      %run_scoped3A = tpu.sem_alloc : memref<!tpu.dma_semaphore, #tpu.memory_space<semaphore_mem>>
      %dma_start3A = arith.constant 0 : i32
      %dma_start3A_22 = tpu.memref_slice %arg4[%dma_start3A, %mul3A_14] : memref<16x10240xf32, #tpu.memory_space<vmem_shared>> -> memref<16x640xf32, #tpu.memory_space<vmem_shared>>
      %dma_start3A_23 = arith.constant 0 : i32
      %dma_start3A_24 = tpu.memref_slice %arg4[%dma_start3A_23, %mul3A_14] : memref<16x10240xf32, #tpu.memory_space<vmem_shared>> -> memref<16x640xf32, #tpu.memory_space<vmem_shared>>
      tpu.enqueue_dma source(%dma_start3A_24 : memref<16x640xf32, #tpu.memory_space<vmem_shared>>) target(%arg7 : memref<16x640xf32, #tpu.memory_space<vmem>>) target_semaphore(%run_scoped3A : memref<!tpu.dma_semaphore, #tpu.memory_space<semaphore_mem>>)
      %dma_wait3A = arith.constant 0 : i32
      %dma_wait3A_25 = tpu.memref_slice %arg4[%dma_wait3A, %mul3A_14] : memref<16x10240xf32, #tpu.memory_space<vmem_shared>> -> memref<16x640xf32, #tpu.memory_space<vmem_shared>>
      %dma_wait3A_26 = arith.constant 0 : i32
      %dma_wait3A_27 = tpu.memref_slice %arg4[%dma_wait3A_26, %mul3A_14] : memref<16x10240xf32, #tpu.memory_space<vmem_shared>> -> memref<16x640xf32, #tpu.memory_space<vmem_shared>>
      tpu.wait_dma2 semaphore(%run_scoped3A : memref<!tpu.dma_semaphore, #tpu.memory_space<semaphore_mem>>) src(%dma_wait3A_27 : memref<16x640xf32, #tpu.memory_space<vmem_shared>>) dst(%arg7 : memref<16x640xf32, #tpu.memory_space<vmem>>)
      tpu.yield
    }) : () -> ()
    %scan3A_15 = arith.constant 0 : i32
    %scan3A_16 = arith.constant 40 : i32
    %scan3A_17 = arith.addi %scan3A_15, %scan3A_16 : i32
    %scan3A_18 = arith.constant 1 : i32
    scf.for %scan3A_22 = %scan3A_15 to %scan3A_17 step %scan3A_18  : i32 {
      %mul3A_23 = arith.constant 1 : i32
      %mul3A_24 = arith.muli %scan3A_22, %mul3A_23 : i32
      %add3A_25 = arith.constant 0 : i32
      %add3A_26 = arith.addi %add3A_25, %mul3A_24 : i32
      %broadcast_in_dim3A_27 = arith.constant 0.000000e+00 : f32
      %broadcast_in_dim3A_28 = vector.broadcast %broadcast_in_dim3A_27 : f32 to vector<16xf32>
      %mul3A_29 = arith.constant 16 : i32
      %mul3A_30 = arith.muli %add3A_26, %mul3A_29 : i32
      %get3A = arith.constant 0 : i32
      %get3A_31 = arith.index_cast %get3A : i32 to index
      %get3A_32 = arith.index_cast %mul3A_30 : i32 to index
      %get3A_33 = tpu.vector_load %arg7[%get3A_31, %get3A_32] {strides = array<i32>} : memref<16x640xf32, #tpu.memory_space<vmem>>, vector<16xf32>,
      %add3A_34 = arith.addf %broadcast_in_dim3A_28, %get3A_33 : vector<16xf32>
      %mul3A_35 = arith.constant 16 : i32
      %mul3A_36 = arith.muli %add3A_26, %mul3A_35 : i32
      %get3A_37 = arith.constant 1 : i32
      %get3A_38 = arith.index_cast %get3A_37 : i32 to index
      %get3A_39 = arith.index_cast %mul3A_36 : i32 to index
      %get3A_40 = tpu.vector_load %arg7[%get3A_38, %get3A_39] {strides = array<i32>} : memref<16x640xf32, #tpu.memory_space<vmem>>, vector<16xf32>,
      %add3A_41 = arith.addf %add3A_34, %get3A_40 : vector<16xf32>
      %mul3A_42 = arith.constant 16 : i32
      %mul3A_43 = arith.muli %add3A_26, %mul3A_42 : i32
      %get3A_44 = arith.constant 2 : i32
      %get3A_45 = arith.index_cast %get3A_44 : i32 to index
      %get3A_46 = arith.index_cast %mul3A_43 : i32 to index
      %get3A_47 = tpu.vector_load %arg7[%get3A_45, %get3A_46] {strides = array<i32>} : memref<16x640xf32, #tpu.memory_space<vmem>>, vector<16xf32>,
      %add3A_48 = arith.addf %add3A_41, %get3A_47 : vector<16xf32>
      %mul3A_49 = arith.constant 16 : i32
      %mul3A_50 = arith.muli %add3A_26, %mul3A_49 : i32
      %get3A_51 = arith.constant 3 : i32
      %get3A_52 = arith.index_cast %get3A_51 : i32 to index
      %get3A_53 = arith.index_cast %mul3A_50 : i32 to index
      %get3A_54 = tpu.vector_load %arg7[%get3A_52, %get3A_53] {strides = array<i32>} : memref<16x640xf32, #tpu.memory_space<vmem>>, vector<16xf32>,
      %add3A_55 = arith.addf %add3A_48, %get3A_54 : vector<16xf32>
      %mul3A_56 = arith.constant 16 : i32
      %mul3A_57 = arith.muli %add3A_26, %mul3A_56 : i32
      %get3A_58 = arith.constant 4 : i32
      %get3A_59 = arith.index_cast %get3A_58 : i32 to index
      %get3A_60 = arith.index_cast %mul3A_57 : i32 to index
      %get3A_61 = tpu.vector_load %arg7[%get3A_59, %get3A_60] {strides = array<i32>} : memref<16x640xf32, #tpu.memory_space<vmem>>, vector<16xf32>,
      %add3A_62 = arith.addf %add3A_55, %get3A_61 : vector<16xf32>
      %mul3A_63 = arith.constant 16 : i32
      %mul3A_64 = arith.muli %add3A_26, %mul3A_63 : i32
      %get3A_65 = arith.constant 5 : i32
      %get3A_66 = arith.index_cast %get3A_65 : i32 to index
      %get3A_67 = arith.index_cast %mul3A_64 : i32 to index
      %get3A_68 = tpu.vector_load %arg7[%get3A_66, %get3A_67] {strides = array<i32>} : memref<16x640xf32, #tpu.memory_space<vmem>>, vector<16xf32>,
      %add3A_69 = arith.addf %add3A_62, %get3A_68 : vector<16xf32>
      %mul3A_70 = arith.constant 16 : i32
      %mul3A_71 = arith.muli %add3A_26, %mul3A_70 : i32
      %get3A_72 = arith.constant 6 : i32
      %get3A_73 = arith.index_cast %get3A_72 : i32 to index
      %get3A_74 = arith.index_cast %mul3A_71 : i32 to index
      %get3A_75 = tpu.vector_load %arg7[%get3A_73, %get3A_74] {strides = array<i32>} : memref<16x640xf32, #tpu.memory_space<vmem>>, vector<16xf32>,
      %add3A_76 = arith.addf %add3A_69, %get3A_75 : vector<16xf32>
      %mul3A_77 = arith.constant 16 : i32
      %mul3A_78 = arith.muli %add3A_26, %mul3A_77 : i32
      %get3A_79 = arith.constant 7 : i32
      %get3A_80 = arith.index_cast %get3A_79 : i32 to index
      %get3A_81 = arith.index_cast %mul3A_78 : i32 to index
      %get3A_82 = tpu.vector_load %arg7[%get3A_80, %get3A_81] {strides = array<i32>} : memref<16x640xf32, #tpu.memory_space<vmem>>, vector<16xf32>,
      %add3A_83 = arith.addf %add3A_76, %get3A_82 : vector<16xf32>
      %mul3A_84 = arith.constant 16 : i32
      %mul3A_85 = arith.muli %add3A_26, %mul3A_84 : i32
      %get3A_86 = arith.constant 8 : i32
      %get3A_87 = arith.index_cast %get3A_86 : i32 to index
      %get3A_88 = arith.index_cast %mul3A_85 : i32 to index
      %get3A_89 = tpu.vector_load %arg7[%get3A_87, %get3A_88] {strides = array<i32>} : memref<16x640xf32, #tpu.memory_space<vmem>>, vector<16xf32>,
      %add3A_90 = arith.addf %add3A_83, %get3A_89 : vector<16xf32>
      %mul3A_91 = arith.constant 16 : i32
      %mul3A_92 = arith.muli %add3A_26, %mul3A_91 : i32
      %get3A_93 = arith.constant 9 : i32
      %get3A_94 = arith.index_cast %get3A_93 : i32 to index
      %get3A_95 = arith.index_cast %mul3A_92 : i32 to index
      %get3A_96 = tpu.vector_load %arg7[%get3A_94, %get3A_95] {strides = array<i32>} : memref<16x640xf32, #tpu.memory_space<vmem>>, vector<16xf32>,
      %add3A_97 = arith.addf %add3A_90, %get3A_96 : vector<16xf32>
      %mul3A_98 = arith.constant 16 : i32
      %mul3A_99 = arith.muli %add3A_26, %mul3A_98 : i32
      %get3A_100 = arith.constant 10 : i32
      %get3A_101 = arith.index_cast %get3A_100 : i32 to index
      %get3A_102 = arith.index_cast %mul3A_99 : i32 to index
      %get3A_103 = tpu.vector_load %arg7[%get3A_101, %get3A_102] {strides = array<i32>} : memref<16x640xf32, #tpu.memory_space<vmem>>, vector<16xf32>,
      %add3A_104 = arith.addf %add3A_97, %get3A_103 : vector<16xf32>
      %mul3A_105 = arith.constant 16 : i32
      %mul3A_106 = arith.muli %add3A_26, %mul3A_105 : i32
      %get3A_107 = arith.constant 11 : i32
      %get3A_108 = arith.index_cast %get3A_107 : i32 to index
      %get3A_109 = arith.index_cast %mul3A_106 : i32 to index
      %get3A_110 = tpu.vector_load %arg7[%get3A_108, %get3A_109] {strides = array<i32>} : memref<16x640xf32, #tpu.memory_space<vmem>>, vector<16xf32>,
      %add3A_111 = arith.addf %add3A_104, %get3A_110 : vector<16xf32>
      %mul3A_112 = arith.constant 16 : i32
      %mul3A_113 = arith.muli %add3A_26, %mul3A_112 : i32
      %get3A_114 = arith.constant 12 : i32
      %get3A_115 = arith.index_cast %get3A_114 : i32 to index
      %get3A_116 = arith.index_cast %mul3A_113 : i32 to index
      %get3A_117 = tpu.vector_load %arg7[%get3A_115, %get3A_116] {strides = array<i32>} : memref<16x640xf32, #tpu.memory_space<vmem>>, vector<16xf32>,
      %add3A_118 = arith.addf %add3A_111, %get3A_117 : vector<16xf32>
      %mul3A_119 = arith.constant 16 : i32
      %mul3A_120 = arith.muli %add3A_26, %mul3A_119 : i32
      %get3A_121 = arith.constant 13 : i32
      %get3A_122 = arith.index_cast %get3A_121 : i32 to index
      %get3A_123 = arith.index_cast %mul3A_120 : i32 to index
      %get3A_124 = tpu.vector_load %arg7[%get3A_122, %get3A_123] {strides = array<i32>} : memref<16x640xf32, #tpu.memory_space<vmem>>, vector<16xf32>,
      %add3A_125 = arith.addf %add3A_118, %get3A_124 : vector<16xf32>
      %mul3A_126 = arith.constant 16 : i32
      %mul3A_127 = arith.muli %add3A_26, %mul3A_126 : i32
      %get3A_128 = arith.constant 14 : i32
      %get3A_129 = arith.index_cast %get3A_128 : i32 to index
      %get3A_130 = arith.index_cast %mul3A_127 : i32 to index
      %get3A_131 = tpu.vector_load %arg7[%get3A_129, %get3A_130] {strides = array<i32>} : memref<16x640xf32, #tpu.memory_space<vmem>>, vector<16xf32>,
      %add3A_132 = arith.addf %add3A_125, %get3A_131 : vector<16xf32>
      %mul3A_133 = arith.constant 16 : i32
      %mul3A_134 = arith.muli %add3A_26, %mul3A_133 : i32
      %get3A_135 = arith.constant 15 : i32
      %get3A_136 = arith.index_cast %get3A_135 : i32 to index
      %get3A_137 = arith.index_cast %mul3A_134 : i32 to index
      %get3A_138 = tpu.vector_load %arg7[%get3A_136, %get3A_137] {strides = array<i32>} : memref<16x640xf32, #tpu.memory_space<vmem>>, vector<16xf32>,
      %add3A_139 = arith.addf %add3A_132, %get3A_138 : vector<16xf32>
      %mul3A_140 = arith.constant 16 : i32
      %mul3A_141 = arith.muli %add3A_26, %mul3A_140 : i32
      %swap3A = arith.index_cast %mul3A_141 : i32 to index
      %swap3A_142 = tpu.vector_load %arg8[%swap3A] {strides = array<i32>} : memref<640xf32, #tpu.memory_space<vmem>>, vector<16xf32>,
      tpu.vector_store %arg8[%swap3A], %add3A_139 {strides = array<i32>} : memref<640xf32, #tpu.memory_space<vmem>>, vector<16xf32>,
    }
    %scan3A_19 = arith.constant 40 : i32
    %mul3A_20 = arith.constant 640 : i32
    %mul3A_21 = arith.muli %arg1, %mul3A_20 : i32
    "tpu.region"() ({
      %run_scoped3A = tpu.sem_alloc : memref<!tpu.dma_semaphore, #tpu.memory_space<semaphore_mem>>
      %dma_start3A = tpu.memref_slice %arg3[%arg0, %mul3A_21] : memref<2x10240xf32, #tpu.memory_space<hbm>> -> memref<1x640xf32, #tpu.memory_space<hbm>>
      %dma_start3A_22 = tpu.memref_squeeze %dma_start3A : memref<1x640xf32, #tpu.memory_space<hbm>> -> memref<640xf32, #tpu.memory_space<hbm>>
      %dma_start3A_23 = tpu.memref_slice %arg3[%arg0, %mul3A_21] : memref<2x10240xf32, #tpu.memory_space<hbm>> -> memref<1x640xf32, #tpu.memory_space<hbm>>
      %dma_start3A_24 = tpu.memref_squeeze %dma_start3A_23 : memref<1x640xf32, #tpu.memory_space<hbm>> -> memref<640xf32, #tpu.memory_space<hbm>>
      tpu.enqueue_dma source(%arg8 : memref<640xf32, #tpu.memory_space<vmem>>) target(%dma_start3A_24 : memref<640xf32, #tpu.memory_space<hbm>>) target_semaphore(%run_scoped3A : memref<!tpu.dma_semaphore, #tpu.memory_space<semaphore_mem>>)
      %dma_wait3A = tpu.memref_slice %arg3[%arg0, %mul3A_21] : memref<2x10240xf32, #tpu.memory_space<hbm>> -> memref<1x640xf32, #tpu.memory_space<hbm>>
      %dma_wait3A_25 = tpu.memref_squeeze %dma_wait3A : memref<1x640xf32, #tpu.memory_space<hbm>> -> memref<640xf32, #tpu.memory_space<hbm>>
      %dma_wait3A_26 = tpu.memref_slice %arg3[%arg0, %mul3A_21] : memref<2x10240xf32, #tpu.memory_space<hbm>> -> memref<1x640xf32, #tpu.memory_space<hbm>>
      %dma_wait3A_27 = tpu.memref_squeeze %dma_wait3A_26 : memref<1x640xf32, #tpu.memory_space<hbm>> -> memref<640xf32, #tpu.memory_space<hbm>>
      tpu.wait_dma2 semaphore(%run_scoped3A : memref<!tpu.dma_semaphore, #tpu.memory_space<semaphore_mem>>) src(%arg8 : memref<640xf32, #tpu.memory_space<vmem>>) dst(%dma_wait3A_27 : memref<640xf32, #tpu.memory_space<hbm>>)
      tpu.yield
    }) : () -> ()
    return
  }
}

#map = affine_map<(d0, d1) -> (0, 0)>
#map1 = affine_map<(d0, d1) -> (0, 0, 0)>
module attributes {stable_mosaic.version = 14 : i64} {
  func.func @agg_kernel(%arg0: i32, %arg1: i32, %arg2: memref<3072x112xi32, #tpu.memory_space<hbm>>, %arg3: memref<3072x112xi32, #tpu.memory_space<hbm>>, %arg4: memref<10240x128xf32, #tpu.memory_space<hbm>>, %arg5: memref<2x10240x128xf32, #tpu.memory_space<hbm>>, %arg6: memref<10240x128xf32, #tpu.memory_space<vmem_shared>>, %arg7: memref<16x112xi32, #tpu.memory_space<vmem>>, %arg8: memref<16x112xi32, #tpu.memory_space<vmem>>, %arg9: memref<3x112x128xf32, #tpu.memory_space<vmem>>, %arg10: memref<!tpu.dma_semaphore, #tpu.memory_space<semaphore_mem>>, %arg11: memref<!tpu.dma_semaphore, #tpu.memory_space<semaphore_mem>>, %arg12: memref<!tpu.dma_semaphore, #tpu.memory_space<semaphore_mem>>) attributes {dimension_semantics = [#tpu.dimension_semantics<core_parallel>, #tpu.dimension_semantics<subcore_parallel>], iteration_bounds = array<i64: 2, 16>, scalar_prefetch = 0 : i64, scratch_operands = 7 : i64, tpu.core_type = #tpu.core_type<sc_vector_subcore>, window_params = [{transform_indices = #map}, {transform_indices = #map}, {transform_indices = #map}, {transform_indices = #map1}]} {
    %mul3A = arith.constant 16 : i32
    %mul3A_0 = arith.muli %arg0, %mul3A : i32
    %add3A = arith.addi %mul3A_0, %arg1 : i32
    %mul3A_1 = arith.constant 96 : i32
    %mul3A_2 = arith.muli %add3A, %mul3A_1 : i32
    %multiple_of3A = tpu.assume_multiple %mul3A_2, 8 : i32
    %scan3A = arith.constant 0 : i32
    %scan3A_3 = arith.constant 112 : i32
    %scan3A_4 = arith.addi %scan3A, %scan3A_3 : i32
    %scan3A_5 = arith.constant 1 : i32
    scf.for %scan3A_46 = %scan3A to %scan3A_4 step %scan3A_5  : i32 {
      %mul3A_47 = arith.constant 1 : i32
      %mul3A_48 = arith.muli %scan3A_46, %mul3A_47 : i32
      %add3A_49 = arith.constant 0 : i32
      %add3A_50 = arith.addi %add3A_49, %mul3A_48 : i32
      %broadcast_in_dim3A = arith.constant 0.000000e+00 : f32
      %broadcast_in_dim3A_51 = vector.broadcast %broadcast_in_dim3A : f32 to vector<16xf32>
      %swap3A = arith.constant 0 : i32
      %swap3A_52 = arith.index_cast %swap3A : i32 to index
      %swap3A_53 = arith.index_cast %add3A_50 : i32 to index
      %swap3A_54 = arith.constant 0 : index
      %swap3A_55 = tpu.vector_load %arg9[%swap3A_52, %swap3A_53, %swap3A_54] {strides = array<i32>} : memref<3x112x128xf32, #tpu.memory_space<vmem>>, vector<1x1x16xf32>,
      %swap3A_56 = vector.shape_cast %swap3A_55 : vector<1x1x16xf32> to vector<16xf32>
      %swap3A_57 = vector.shape_cast %broadcast_in_dim3A_51 : vector<16xf32> to vector<1x1x16xf32>
      tpu.vector_store %arg9[%swap3A_52, %swap3A_53, %swap3A_54], %swap3A_57 {strides = array<i32>} : memref<3x112x128xf32, #tpu.memory_space<vmem>>, vector<1x1x16xf32>,
      %broadcast_in_dim3A_58 = arith.constant 0.000000e+00 : f32
      %broadcast_in_dim3A_59 = vector.broadcast %broadcast_in_dim3A_58 : f32 to vector<16xf32>
      %swap3A_60 = arith.constant 0 : i32
      %swap3A_61 = arith.index_cast %swap3A_60 : i32 to index
      %swap3A_62 = arith.index_cast %add3A_50 : i32 to index
      %swap3A_63 = arith.constant 16 : index
      %swap3A_64 = tpu.vector_load %arg9[%swap3A_61, %swap3A_62, %swap3A_63] {strides = array<i32>} : memref<3x112x128xf32, #tpu.memory_space<vmem>>, vector<1x1x16xf32>,
      %swap3A_65 = vector.shape_cast %swap3A_64 : vector<1x1x16xf32> to vector<16xf32>
      %swap3A_66 = vector.shape_cast %broadcast_in_dim3A_59 : vector<16xf32> to vector<1x1x16xf32>
      tpu.vector_store %arg9[%swap3A_61, %swap3A_62, %swap3A_63], %swap3A_66 {strides = array<i32>} : memref<3x112x128xf32, #tpu.memory_space<vmem>>, vector<1x1x16xf32>,
      %broadcast_in_dim3A_67 = arith.constant 0.000000e+00 : f32
      %broadcast_in_dim3A_68 = vector.broadcast %broadcast_in_dim3A_67 : f32 to vector<16xf32>
      %swap3A_69 = arith.constant 0 : i32
      %swap3A_70 = arith.index_cast %swap3A_69 : i32 to index
      %swap3A_71 = arith.index_cast %add3A_50 : i32 to index
      %swap3A_72 = arith.constant 32 : index
      %swap3A_73 = tpu.vector_load %arg9[%swap3A_70, %swap3A_71, %swap3A_72] {strides = array<i32>} : memref<3x112x128xf32, #tpu.memory_space<vmem>>, vector<1x1x16xf32>,
      %swap3A_74 = vector.shape_cast %swap3A_73 : vector<1x1x16xf32> to vector<16xf32>
      %swap3A_75 = vector.shape_cast %broadcast_in_dim3A_68 : vector<16xf32> to vector<1x1x16xf32>
      tpu.vector_store %arg9[%swap3A_70, %swap3A_71, %swap3A_72], %swap3A_75 {strides = array<i32>} : memref<3x112x128xf32, #tpu.memory_space<vmem>>, vector<1x1x16xf32>,
      %broadcast_in_dim3A_76 = arith.constant 0.000000e+00 : f32
      %broadcast_in_dim3A_77 = vector.broadcast %broadcast_in_dim3A_76 : f32 to vector<16xf32>
      %swap3A_78 = arith.constant 0 : i32
      %swap3A_79 = arith.index_cast %swap3A_78 : i32 to index
      %swap3A_80 = arith.index_cast %add3A_50 : i32 to index
      %swap3A_81 = arith.constant 48 : index
      %swap3A_82 = tpu.vector_load %arg9[%swap3A_79, %swap3A_80, %swap3A_81] {strides = array<i32>} : memref<3x112x128xf32, #tpu.memory_space<vmem>>, vector<1x1x16xf32>,
      %swap3A_83 = vector.shape_cast %swap3A_82 : vector<1x1x16xf32> to vector<16xf32>
      %swap3A_84 = vector.shape_cast %broadcast_in_dim3A_77 : vector<16xf32> to vector<1x1x16xf32>
      tpu.vector_store %arg9[%swap3A_79, %swap3A_80, %swap3A_81], %swap3A_84 {strides = array<i32>} : memref<3x112x128xf32, #tpu.memory_space<vmem>>, vector<1x1x16xf32>,
      %broadcast_in_dim3A_85 = arith.constant 0.000000e+00 : f32
      %broadcast_in_dim3A_86 = vector.broadcast %broadcast_in_dim3A_85 : f32 to vector<16xf32>
      %swap3A_87 = arith.constant 0 : i32
      %swap3A_88 = arith.index_cast %swap3A_87 : i32 to index
      %swap3A_89 = arith.index_cast %add3A_50 : i32 to index
      %swap3A_90 = arith.constant 64 : index
      %swap3A_91 = tpu.vector_load %arg9[%swap3A_88, %swap3A_89, %swap3A_90] {strides = array<i32>} : memref<3x112x128xf32, #tpu.memory_space<vmem>>, vector<1x1x16xf32>,
      %swap3A_92 = vector.shape_cast %swap3A_91 : vector<1x1x16xf32> to vector<16xf32>
      %swap3A_93 = vector.shape_cast %broadcast_in_dim3A_86 : vector<16xf32> to vector<1x1x16xf32>
      tpu.vector_store %arg9[%swap3A_88, %swap3A_89, %swap3A_90], %swap3A_93 {strides = array<i32>} : memref<3x112x128xf32, #tpu.memory_space<vmem>>, vector<1x1x16xf32>,
      %broadcast_in_dim3A_94 = arith.constant 0.000000e+00 : f32
      %broadcast_in_dim3A_95 = vector.broadcast %broadcast_in_dim3A_94 : f32 to vector<16xf32>
      %swap3A_96 = arith.constant 0 : i32
      %swap3A_97 = arith.index_cast %swap3A_96 : i32 to index
      %swap3A_98 = arith.index_cast %add3A_50 : i32 to index
      %swap3A_99 = arith.constant 80 : index
      %swap3A_100 = tpu.vector_load %arg9[%swap3A_97, %swap3A_98, %swap3A_99] {strides = array<i32>} : memref<3x112x128xf32, #tpu.memory_space<vmem>>, vector<1x1x16xf32>,
      %swap3A_101 = vector.shape_cast %swap3A_100 : vector<1x1x16xf32> to vector<16xf32>
      %swap3A_102 = vector.shape_cast %broadcast_in_dim3A_95 : vector<16xf32> to vector<1x1x16xf32>
      tpu.vector_store %arg9[%swap3A_97, %swap3A_98, %swap3A_99], %swap3A_102 {strides = array<i32>} : memref<3x112x128xf32, #tpu.memory_space<vmem>>, vector<1x1x16xf32>,
      %broadcast_in_dim3A_103 = arith.constant 0.000000e+00 : f32
      %broadcast_in_dim3A_104 = vector.broadcast %broadcast_in_dim3A_103 : f32 to vector<16xf32>
      %swap3A_105 = arith.constant 0 : i32
      %swap3A_106 = arith.index_cast %swap3A_105 : i32 to index
      %swap3A_107 = arith.index_cast %add3A_50 : i32 to index
      %swap3A_108 = arith.constant 96 : index
      %swap3A_109 = tpu.vector_load %arg9[%swap3A_106, %swap3A_107, %swap3A_108] {strides = array<i32>} : memref<3x112x128xf32, #tpu.memory_space<vmem>>, vector<1x1x16xf32>,
      %swap3A_110 = vector.shape_cast %swap3A_109 : vector<1x1x16xf32> to vector<16xf32>
      %swap3A_111 = vector.shape_cast %broadcast_in_dim3A_104 : vector<16xf32> to vector<1x1x16xf32>
      tpu.vector_store %arg9[%swap3A_106, %swap3A_107, %swap3A_108], %swap3A_111 {strides = array<i32>} : memref<3x112x128xf32, #tpu.memory_space<vmem>>, vector<1x1x16xf32>,
      %broadcast_in_dim3A_112 = arith.constant 0.000000e+00 : f32
      %broadcast_in_dim3A_113 = vector.broadcast %broadcast_in_dim3A_112 : f32 to vector<16xf32>
      %swap3A_114 = arith.constant 0 : i32
      %swap3A_115 = arith.index_cast %swap3A_114 : i32 to index
      %swap3A_116 = arith.index_cast %add3A_50 : i32 to index
      %swap3A_117 = arith.constant 112 : index
      %swap3A_118 = tpu.vector_load %arg9[%swap3A_115, %swap3A_116, %swap3A_117] {strides = array<i32>} : memref<3x112x128xf32, #tpu.memory_space<vmem>>, vector<1x1x16xf32>,
      %swap3A_119 = vector.shape_cast %swap3A_118 : vector<1x1x16xf32> to vector<16xf32>
      %swap3A_120 = vector.shape_cast %broadcast_in_dim3A_113 : vector<16xf32> to vector<1x1x16xf32>
      tpu.vector_store %arg9[%swap3A_115, %swap3A_116, %swap3A_117], %swap3A_120 {strides = array<i32>} : memref<3x112x128xf32, #tpu.memory_space<vmem>>, vector<1x1x16xf32>,
    }
    %scan3A_6 = arith.constant 112 : i32
    %mul3A_7 = arith.constant 640 : i32
    %mul3A_8 = arith.muli %arg1, %mul3A_7 : i32
    %add3A_9 = arith.constant 0 : i32
    %add3A_10 = arith.addi %mul3A_8, %add3A_9 : i32
    %run_scoped3A = arith.constant 0 : i32
    "tpu.region"() ({
      %run_scoped3A_46 = tpu.sem_alloc : memref<!tpu.dma_semaphore, #tpu.memory_space<semaphore_mem>>
      %dma_start3A = arith.constant 0 : i32
      %dma_start3A_47 = arith.constant 0 : i32
      %dma_start3A_48 = tpu.memref_slice %arg9[%run_scoped3A, %dma_start3A, %dma_start3A_47] : memref<3x112x128xf32, #tpu.memory_space<vmem>> -> memref<1x112x128xf32, #tpu.memory_space<vmem>>
      %dma_start3A_49 = tpu.memref_squeeze %dma_start3A_48 : memref<1x112x128xf32, #tpu.memory_space<vmem>> -> memref<112x128xf32, #tpu.memory_space<vmem>>
      %dma_start3A_50 = arith.constant 0 : i32
      %dma_start3A_51 = tpu.memref_slice %arg6[%add3A_10, %dma_start3A_50] : memref<10240x128xf32, #tpu.memory_space<vmem_shared>> -> memref<112x128xf32, #tpu.memory_space<vmem_shared>>
      %dma_start3A_52 = arith.constant 0 : i32
      %dma_start3A_53 = tpu.memref_slice %arg6[%add3A_10, %dma_start3A_52] : memref<10240x128xf32, #tpu.memory_space<vmem_shared>> -> memref<112x128xf32, #tpu.memory_space<vmem_shared>>
      %dma_start3A_54 = arith.constant 0 : i32
      %dma_start3A_55 = arith.constant 0 : i32
      %dma_start3A_56 = tpu.memref_slice %arg9[%run_scoped3A, %dma_start3A_54, %dma_start3A_55] : memref<3x112x128xf32, #tpu.memory_space<vmem>> -> memref<1x112x128xf32, #tpu.memory_space<vmem>>
      %dma_start3A_57 = tpu.memref_squeeze %dma_start3A_56 : memref<1x112x128xf32, #tpu.memory_space<vmem>> -> memref<112x128xf32, #tpu.memory_space<vmem>>
      tpu.enqueue_dma source(%dma_start3A_57 : memref<112x128xf32, #tpu.memory_space<vmem>>) target(%dma_start3A_53 : memref<112x128xf32, #tpu.memory_space<vmem_shared>>) target_semaphore(%run_scoped3A_46 : memref<!tpu.dma_semaphore, #tpu.memory_space<semaphore_mem>>)
      %dma_wait3A = arith.constant 0 : i32
      %dma_wait3A_58 = arith.constant 0 : i32
      %dma_wait3A_59 = tpu.memref_slice %arg9[%run_scoped3A, %dma_wait3A, %dma_wait3A_58] : memref<3x112x128xf32, #tpu.memory_space<vmem>> -> memref<1x112x128xf32, #tpu.memory_space<vmem>>
      %dma_wait3A_60 = tpu.memref_squeeze %dma_wait3A_59 : memref<1x112x128xf32, #tpu.memory_space<vmem>> -> memref<112x128xf32, #tpu.memory_space<vmem>>
      %dma_wait3A_61 = arith.constant 0 : i32
      %dma_wait3A_62 = tpu.memref_slice %arg6[%add3A_10, %dma_wait3A_61] : memref<10240x128xf32, #tpu.memory_space<vmem_shared>> -> memref<112x128xf32, #tpu.memory_space<vmem_shared>>
      %dma_wait3A_63 = arith.constant 0 : i32
      %dma_wait3A_64 = tpu.memref_slice %arg6[%add3A_10, %dma_wait3A_63] : memref<10240x128xf32, #tpu.memory_space<vmem_shared>> -> memref<112x128xf32, #tpu.memory_space<vmem_shared>>
      %dma_wait3A_65 = arith.constant 0 : i32
      %dma_wait3A_66 = arith.constant 0 : i32
      %dma_wait3A_67 = tpu.memref_slice %arg9[%run_scoped3A, %dma_wait3A_65, %dma_wait3A_66] : memref<3x112x128xf32, #tpu.memory_space<vmem>> -> memref<1x112x128xf32, #tpu.memory_space<vmem>>
      %dma_wait3A_68 = tpu.memref_squeeze %dma_wait3A_67 : memref<1x112x128xf32, #tpu.memory_space<vmem>> -> memref<112x128xf32, #tpu.memory_space<vmem>>
      tpu.wait_dma2 semaphore(%run_scoped3A_46 : memref<!tpu.dma_semaphore, #tpu.memory_space<semaphore_mem>>) src(%dma_wait3A_68 : memref<112x128xf32, #tpu.memory_space<vmem>>) dst(%dma_wait3A_64 : memref<112x128xf32, #tpu.memory_space<vmem_shared>>)
      tpu.yield
    }) : () -> ()
    %mul3A_11 = arith.constant 640 : i32
    %mul3A_12 = arith.muli %arg1, %mul3A_11 : i32
    %add3A_13 = arith.constant 112 : i32
    %add3A_14 = arith.addi %mul3A_12, %add3A_13 : i32
    %run_scoped3A_15 = arith.constant 0 : i32
    "tpu.region"() ({
      %run_scoped3A_46 = tpu.sem_alloc : memref<!tpu.dma_semaphore, #tpu.memory_space<semaphore_mem>>
      %dma_start3A = arith.constant 0 : i32
      %dma_start3A_47 = arith.constant 0 : i32
      %dma_start3A_48 = tpu.memref_slice %arg9[%run_scoped3A_15, %dma_start3A, %dma_start3A_47] : memref<3x112x128xf32, #tpu.memory_space<vmem>> -> memref<1x112x128xf32, #tpu.memory_space<vmem>>
      %dma_start3A_49 = tpu.memref_squeeze %dma_start3A_48 : memref<1x112x128xf32, #tpu.memory_space<vmem>> -> memref<112x128xf32, #tpu.memory_space<vmem>>
      %dma_start3A_50 = arith.constant 0 : i32
      %dma_start3A_51 = tpu.memref_slice %arg6[%add3A_14, %dma_start3A_50] : memref<10240x128xf32, #tpu.memory_space<vmem_shared>> -> memref<112x128xf32, #tpu.memory_space<vmem_shared>>
      %dma_start3A_52 = arith.constant 0 : i32
      %dma_start3A_53 = tpu.memref_slice %arg6[%add3A_14, %dma_start3A_52] : memref<10240x128xf32, #tpu.memory_space<vmem_shared>> -> memref<112x128xf32, #tpu.memory_space<vmem_shared>>
      %dma_start3A_54 = arith.constant 0 : i32
      %dma_start3A_55 = arith.constant 0 : i32
      %dma_start3A_56 = tpu.memref_slice %arg9[%run_scoped3A_15, %dma_start3A_54, %dma_start3A_55] : memref<3x112x128xf32, #tpu.memory_space<vmem>> -> memref<1x112x128xf32, #tpu.memory_space<vmem>>
      %dma_start3A_57 = tpu.memref_squeeze %dma_start3A_56 : memref<1x112x128xf32, #tpu.memory_space<vmem>> -> memref<112x128xf32, #tpu.memory_space<vmem>>
      tpu.enqueue_dma source(%dma_start3A_57 : memref<112x128xf32, #tpu.memory_space<vmem>>) target(%dma_start3A_53 : memref<112x128xf32, #tpu.memory_space<vmem_shared>>) target_semaphore(%run_scoped3A_46 : memref<!tpu.dma_semaphore, #tpu.memory_space<semaphore_mem>>)
      %dma_wait3A = arith.constant 0 : i32
      %dma_wait3A_58 = arith.constant 0 : i32
      %dma_wait3A_59 = tpu.memref_slice %arg9[%run_scoped3A_15, %dma_wait3A, %dma_wait3A_58] : memref<3x112x128xf32, #tpu.memory_space<vmem>> -> memref<1x112x128xf32, #tpu.memory_space<vmem>>
      %dma_wait3A_60 = tpu.memref_squeeze %dma_wait3A_59 : memref<1x112x128xf32, #tpu.memory_space<vmem>> -> memref<112x128xf32, #tpu.memory_space<vmem>>
      %dma_wait3A_61 = arith.constant 0 : i32
      %dma_wait3A_62 = tpu.memref_slice %arg6[%add3A_14, %dma_wait3A_61] : memref<10240x128xf32, #tpu.memory_space<vmem_shared>> -> memref<112x128xf32, #tpu.memory_space<vmem_shared>>
      %dma_wait3A_63 = arith.constant 0 : i32
      %dma_wait3A_64 = tpu.memref_slice %arg6[%add3A_14, %dma_wait3A_63] : memref<10240x128xf32, #tpu.memory_space<vmem_shared>> -> memref<112x128xf32, #tpu.memory_space<vmem_shared>>
      %dma_wait3A_65 = arith.constant 0 : i32
      %dma_wait3A_66 = arith.constant 0 : i32
      %dma_wait3A_67 = tpu.memref_slice %arg9[%run_scoped3A_15, %dma_wait3A_65, %dma_wait3A_66] : memref<3x112x128xf32, #tpu.memory_space<vmem>> -> memref<1x112x128xf32, #tpu.memory_space<vmem>>
      %dma_wait3A_68 = tpu.memref_squeeze %dma_wait3A_67 : memref<1x112x128xf32, #tpu.memory_space<vmem>> -> memref<112x128xf32, #tpu.memory_space<vmem>>
      tpu.wait_dma2 semaphore(%run_scoped3A_46 : memref<!tpu.dma_semaphore, #tpu.memory_space<semaphore_mem>>) src(%dma_wait3A_68 : memref<112x128xf32, #tpu.memory_space<vmem>>) dst(%dma_wait3A_64 : memref<112x128xf32, #tpu.memory_space<vmem_shared>>)
      tpu.yield
    }) : () -> ()
    %mul3A_16 = arith.constant 640 : i32
    %mul3A_17 = arith.muli %arg1, %mul3A_16 : i32
    %add3A_18 = arith.constant 224 : i32
    %add3A_19 = arith.addi %mul3A_17, %add3A_18 : i32
    %run_scoped3A_20 = arith.constant 0 : i32
    "tpu.region"() ({
      %run_scoped3A_46 = tpu.sem_alloc : memref<!tpu.dma_semaphore, #tpu.memory_space<semaphore_mem>>
      %dma_start3A = arith.constant 0 : i32
      %dma_start3A_47 = arith.constant 0 : i32
      %dma_start3A_48 = tpu.memref_slice %arg9[%run_scoped3A_20, %dma_start3A, %dma_start3A_47] : memref<3x112x128xf32, #tpu.memory_space<vmem>> -> memref<1x112x128xf32, #tpu.memory_space<vmem>>
      %dma_start3A_49 = tpu.memref_squeeze %dma_start3A_48 : memref<1x112x128xf32, #tpu.memory_space<vmem>> -> memref<112x128xf32, #tpu.memory_space<vmem>>
      %dma_start3A_50 = arith.constant 0 : i32
      %dma_start3A_51 = tpu.memref_slice %arg6[%add3A_19, %dma_start3A_50] : memref<10240x128xf32, #tpu.memory_space<vmem_shared>> -> memref<112x128xf32, #tpu.memory_space<vmem_shared>>
      %dma_start3A_52 = arith.constant 0 : i32
      %dma_start3A_53 = tpu.memref_slice %arg6[%add3A_19, %dma_start3A_52] : memref<10240x128xf32, #tpu.memory_space<vmem_shared>> -> memref<112x128xf32, #tpu.memory_space<vmem_shared>>
      %dma_start3A_54 = arith.constant 0 : i32
      %dma_start3A_55 = arith.constant 0 : i32
      %dma_start3A_56 = tpu.memref_slice %arg9[%run_scoped3A_20, %dma_start3A_54, %dma_start3A_55] : memref<3x112x128xf32, #tpu.memory_space<vmem>> -> memref<1x112x128xf32, #tpu.memory_space<vmem>>
      %dma_start3A_57 = tpu.memref_squeeze %dma_start3A_56 : memref<1x112x128xf32, #tpu.memory_space<vmem>> -> memref<112x128xf32, #tpu.memory_space<vmem>>
      tpu.enqueue_dma source(%dma_start3A_57 : memref<112x128xf32, #tpu.memory_space<vmem>>) target(%dma_start3A_53 : memref<112x128xf32, #tpu.memory_space<vmem_shared>>) target_semaphore(%run_scoped3A_46 : memref<!tpu.dma_semaphore, #tpu.memory_space<semaphore_mem>>)
      %dma_wait3A = arith.constant 0 : i32
      %dma_wait3A_58 = arith.constant 0 : i32
      %dma_wait3A_59 = tpu.memref_slice %arg9[%run_scoped3A_20, %dma_wait3A, %dma_wait3A_58] : memref<3x112x128xf32, #tpu.memory_space<vmem>> -> memref<1x112x128xf32, #tpu.memory_space<vmem>>
      %dma_wait3A_60 = tpu.memref_squeeze %dma_wait3A_59 : memref<1x112x128xf32, #tpu.memory_space<vmem>> -> memref<112x128xf32, #tpu.memory_space<vmem>>
      %dma_wait3A_61 = arith.constant 0 : i32
      %dma_wait3A_62 = tpu.memref_slice %arg6[%add3A_19, %dma_wait3A_61] : memref<10240x128xf32, #tpu.memory_space<vmem_shared>> -> memref<112x128xf32, #tpu.memory_space<vmem_shared>>
      %dma_wait3A_63 = arith.constant 0 : i32
      %dma_wait3A_64 = tpu.memref_slice %arg6[%add3A_19, %dma_wait3A_63] : memref<10240x128xf32, #tpu.memory_space<vmem_shared>> -> memref<112x128xf32, #tpu.memory_space<vmem_shared>>
      %dma_wait3A_65 = arith.constant 0 : i32
      %dma_wait3A_66 = arith.constant 0 : i32
      %dma_wait3A_67 = tpu.memref_slice %arg9[%run_scoped3A_20, %dma_wait3A_65, %dma_wait3A_66] : memref<3x112x128xf32, #tpu.memory_space<vmem>> -> memref<1x112x128xf32, #tpu.memory_space<vmem>>
      %dma_wait3A_68 = tpu.memref_squeeze %dma_wait3A_67 : memref<1x112x128xf32, #tpu.memory_space<vmem>> -> memref<112x128xf32, #tpu.memory_space<vmem>>
      tpu.wait_dma2 semaphore(%run_scoped3A_46 : memref<!tpu.dma_semaphore, #tpu.memory_space<semaphore_mem>>) src(%dma_wait3A_68 : memref<112x128xf32, #tpu.memory_space<vmem>>) dst(%dma_wait3A_64 : memref<112x128xf32, #tpu.memory_space<vmem_shared>>)
      tpu.yield
    }) : () -> ()
    %mul3A_21 = arith.constant 640 : i32
    %mul3A_22 = arith.muli %arg1, %mul3A_21 : i32
    %add3A_23 = arith.constant 336 : i32
    %add3A_24 = arith.addi %mul3A_22, %add3A_23 : i32
    %run_scoped3A_25 = arith.constant 0 : i32
    "tpu.region"() ({
      %run_scoped3A_46 = tpu.sem_alloc : memref<!tpu.dma_semaphore, #tpu.memory_space<semaphore_mem>>
      %dma_start3A = arith.constant 0 : i32
      %dma_start3A_47 = arith.constant 0 : i32
      %dma_start3A_48 = tpu.memref_slice %arg9[%run_scoped3A_25, %dma_start3A, %dma_start3A_47] : memref<3x112x128xf32, #tpu.memory_space<vmem>> -> memref<1x112x128xf32, #tpu.memory_space<vmem>>
      %dma_start3A_49 = tpu.memref_squeeze %dma_start3A_48 : memref<1x112x128xf32, #tpu.memory_space<vmem>> -> memref<112x128xf32, #tpu.memory_space<vmem>>
      %dma_start3A_50 = arith.constant 0 : i32
      %dma_start3A_51 = tpu.memref_slice %arg6[%add3A_24, %dma_start3A_50] : memref<10240x128xf32, #tpu.memory_space<vmem_shared>> -> memref<112x128xf32, #tpu.memory_space<vmem_shared>>
      %dma_start3A_52 = arith.constant 0 : i32
      %dma_start3A_53 = tpu.memref_slice %arg6[%add3A_24, %dma_start3A_52] : memref<10240x128xf32, #tpu.memory_space<vmem_shared>> -> memref<112x128xf32, #tpu.memory_space<vmem_shared>>
      %dma_start3A_54 = arith.constant 0 : i32
      %dma_start3A_55 = arith.constant 0 : i32
      %dma_start3A_56 = tpu.memref_slice %arg9[%run_scoped3A_25, %dma_start3A_54, %dma_start3A_55] : memref<3x112x128xf32, #tpu.memory_space<vmem>> -> memref<1x112x128xf32, #tpu.memory_space<vmem>>
      %dma_start3A_57 = tpu.memref_squeeze %dma_start3A_56 : memref<1x112x128xf32, #tpu.memory_space<vmem>> -> memref<112x128xf32, #tpu.memory_space<vmem>>
      tpu.enqueue_dma source(%dma_start3A_57 : memref<112x128xf32, #tpu.memory_space<vmem>>) target(%dma_start3A_53 : memref<112x128xf32, #tpu.memory_space<vmem_shared>>) target_semaphore(%run_scoped3A_46 : memref<!tpu.dma_semaphore, #tpu.memory_space<semaphore_mem>>)
      %dma_wait3A = arith.constant 0 : i32
      %dma_wait3A_58 = arith.constant 0 : i32
      %dma_wait3A_59 = tpu.memref_slice %arg9[%run_scoped3A_25, %dma_wait3A, %dma_wait3A_58] : memref<3x112x128xf32, #tpu.memory_space<vmem>> -> memref<1x112x128xf32, #tpu.memory_space<vmem>>
      %dma_wait3A_60 = tpu.memref_squeeze %dma_wait3A_59 : memref<1x112x128xf32, #tpu.memory_space<vmem>> -> memref<112x128xf32, #tpu.memory_space<vmem>>
      %dma_wait3A_61 = arith.constant 0 : i32
      %dma_wait3A_62 = tpu.memref_slice %arg6[%add3A_24, %dma_wait3A_61] : memref<10240x128xf32, #tpu.memory_space<vmem_shared>> -> memref<112x128xf32, #tpu.memory_space<vmem_shared>>
      %dma_wait3A_63 = arith.constant 0 : i32
      %dma_wait3A_64 = tpu.memref_slice %arg6[%add3A_24, %dma_wait3A_63] : memref<10240x128xf32, #tpu.memory_space<vmem_shared>> -> memref<112x128xf32, #tpu.memory_space<vmem_shared>>
      %dma_wait3A_65 = arith.constant 0 : i32
      %dma_wait3A_66 = arith.constant 0 : i32
      %dma_wait3A_67 = tpu.memref_slice %arg9[%run_scoped3A_25, %dma_wait3A_65, %dma_wait3A_66] : memref<3x112x128xf32, #tpu.memory_space<vmem>> -> memref<1x112x128xf32, #tpu.memory_space<vmem>>
      %dma_wait3A_68 = tpu.memref_squeeze %dma_wait3A_67 : memref<1x112x128xf32, #tpu.memory_space<vmem>> -> memref<112x128xf32, #tpu.memory_space<vmem>>
      tpu.wait_dma2 semaphore(%run_scoped3A_46 : memref<!tpu.dma_semaphore, #tpu.memory_space<semaphore_mem>>) src(%dma_wait3A_68 : memref<112x128xf32, #tpu.memory_space<vmem>>) dst(%dma_wait3A_64 : memref<112x128xf32, #tpu.memory_space<vmem_shared>>)
      tpu.yield
    }) : () -> ()
    %mul3A_26 = arith.constant 640 : i32
    %mul3A_27 = arith.muli %arg1, %mul3A_26 : i32
    %add3A_28 = arith.constant 448 : i32
    %add3A_29 = arith.addi %mul3A_27, %add3A_28 : i32
    %run_scoped3A_30 = arith.constant 0 : i32
    "tpu.region"() ({
      %run_scoped3A_46 = tpu.sem_alloc : memref<!tpu.dma_semaphore, #tpu.memory_space<semaphore_mem>>
      %dma_start3A = arith.constant 0 : i32
      %dma_start3A_47 = arith.constant 0 : i32
      %dma_start3A_48 = tpu.memref_slice %arg9[%run_scoped3A_30, %dma_start3A, %dma_start3A_47] : memref<3x112x128xf32, #tpu.memory_space<vmem>> -> memref<1x112x128xf32, #tpu.memory_space<vmem>>
      %dma_start3A_49 = tpu.memref_squeeze %dma_start3A_48 : memref<1x112x128xf32, #tpu.memory_space<vmem>> -> memref<112x128xf32, #tpu.memory_space<vmem>>
      %dma_start3A_50 = arith.constant 0 : i32
      %dma_start3A_51 = tpu.memref_slice %arg6[%add3A_29, %dma_start3A_50] : memref<10240x128xf32, #tpu.memory_space<vmem_shared>> -> memref<112x128xf32, #tpu.memory_space<vmem_shared>>
      %dma_start3A_52 = arith.constant 0 : i32
      %dma_start3A_53 = tpu.memref_slice %arg6[%add3A_29, %dma_start3A_52] : memref<10240x128xf32, #tpu.memory_space<vmem_shared>> -> memref<112x128xf32, #tpu.memory_space<vmem_shared>>
      %dma_start3A_54 = arith.constant 0 : i32
      %dma_start3A_55 = arith.constant 0 : i32
      %dma_start3A_56 = tpu.memref_slice %arg9[%run_scoped3A_30, %dma_start3A_54, %dma_start3A_55] : memref<3x112x128xf32, #tpu.memory_space<vmem>> -> memref<1x112x128xf32, #tpu.memory_space<vmem>>
      %dma_start3A_57 = tpu.memref_squeeze %dma_start3A_56 : memref<1x112x128xf32, #tpu.memory_space<vmem>> -> memref<112x128xf32, #tpu.memory_space<vmem>>
      tpu.enqueue_dma source(%dma_start3A_57 : memref<112x128xf32, #tpu.memory_space<vmem>>) target(%dma_start3A_53 : memref<112x128xf32, #tpu.memory_space<vmem_shared>>) target_semaphore(%run_scoped3A_46 : memref<!tpu.dma_semaphore, #tpu.memory_space<semaphore_mem>>)
      %dma_wait3A = arith.constant 0 : i32
      %dma_wait3A_58 = arith.constant 0 : i32
      %dma_wait3A_59 = tpu.memref_slice %arg9[%run_scoped3A_30, %dma_wait3A, %dma_wait3A_58] : memref<3x112x128xf32, #tpu.memory_space<vmem>> -> memref<1x112x128xf32, #tpu.memory_space<vmem>>
      %dma_wait3A_60 = tpu.memref_squeeze %dma_wait3A_59 : memref<1x112x128xf32, #tpu.memory_space<vmem>> -> memref<112x128xf32, #tpu.memory_space<vmem>>
      %dma_wait3A_61 = arith.constant 0 : i32
      %dma_wait3A_62 = tpu.memref_slice %arg6[%add3A_29, %dma_wait3A_61] : memref<10240x128xf32, #tpu.memory_space<vmem_shared>> -> memref<112x128xf32, #tpu.memory_space<vmem_shared>>
      %dma_wait3A_63 = arith.constant 0 : i32
      %dma_wait3A_64 = tpu.memref_slice %arg6[%add3A_29, %dma_wait3A_63] : memref<10240x128xf32, #tpu.memory_space<vmem_shared>> -> memref<112x128xf32, #tpu.memory_space<vmem_shared>>
      %dma_wait3A_65 = arith.constant 0 : i32
      %dma_wait3A_66 = arith.constant 0 : i32
      %dma_wait3A_67 = tpu.memref_slice %arg9[%run_scoped3A_30, %dma_wait3A_65, %dma_wait3A_66] : memref<3x112x128xf32, #tpu.memory_space<vmem>> -> memref<1x112x128xf32, #tpu.memory_space<vmem>>
      %dma_wait3A_68 = tpu.memref_squeeze %dma_wait3A_67 : memref<1x112x128xf32, #tpu.memory_space<vmem>> -> memref<112x128xf32, #tpu.memory_space<vmem>>
      tpu.wait_dma2 semaphore(%run_scoped3A_46 : memref<!tpu.dma_semaphore, #tpu.memory_space<semaphore_mem>>) src(%dma_wait3A_68 : memref<112x128xf32, #tpu.memory_space<vmem>>) dst(%dma_wait3A_64 : memref<112x128xf32, #tpu.memory_space<vmem_shared>>)
      tpu.yield
    }) : () -> ()
    %mul3A_31 = arith.constant 640 : i32
    %mul3A_32 = arith.muli %arg1, %mul3A_31 : i32
    %add3A_33 = arith.constant 560 : i32
    %add3A_34 = arith.addi %mul3A_32, %add3A_33 : i32
    %run_scoped3A_35 = arith.constant 0 : i32
    "tpu.region"() ({
      %run_scoped3A_46 = tpu.sem_alloc : memref<!tpu.dma_semaphore, #tpu.memory_space<semaphore_mem>>
      %dma_start3A = arith.constant 0 : i32
      %dma_start3A_47 = arith.constant 0 : i32
      %dma_start3A_48 = tpu.memref_slice %arg9[%run_scoped3A_35, %dma_start3A, %dma_start3A_47] : memref<3x112x128xf32, #tpu.memory_space<vmem>> -> memref<1x80x128xf32, #tpu.memory_space<vmem>>
      %dma_start3A_49 = tpu.memref_squeeze %dma_start3A_48 : memref<1x80x128xf32, #tpu.memory_space<vmem>> -> memref<80x128xf32, #tpu.memory_space<vmem>>
      %dma_start3A_50 = arith.constant 0 : i32
      %dma_start3A_51 = tpu.memref_slice %arg6[%add3A_34, %dma_start3A_50] : memref<10240x128xf32, #tpu.memory_space<vmem_shared>> -> memref<80x128xf32, #tpu.memory_space<vmem_shared>>
      %dma_start3A_52 = arith.constant 0 : i32
      %dma_start3A_53 = tpu.memref_slice %arg6[%add3A_34, %dma_start3A_52] : memref<10240x128xf32, #tpu.memory_space<vmem_shared>> -> memref<80x128xf32, #tpu.memory_space<vmem_shared>>
      %dma_start3A_54 = arith.constant 0 : i32
      %dma_start3A_55 = arith.constant 0 : i32
      %dma_start3A_56 = tpu.memref_slice %arg9[%run_scoped3A_35, %dma_start3A_54, %dma_start3A_55] : memref<3x112x128xf32, #tpu.memory_space<vmem>> -> memref<1x80x128xf32, #tpu.memory_space<vmem>>
      %dma_start3A_57 = tpu.memref_squeeze %dma_start3A_56 : memref<1x80x128xf32, #tpu.memory_space<vmem>> -> memref<80x128xf32, #tpu.memory_space<vmem>>
      tpu.enqueue_dma source(%dma_start3A_57 : memref<80x128xf32, #tpu.memory_space<vmem>>) target(%dma_start3A_53 : memref<80x128xf32, #tpu.memory_space<vmem_shared>>) target_semaphore(%run_scoped3A_46 : memref<!tpu.dma_semaphore, #tpu.memory_space<semaphore_mem>>)
      %dma_wait3A = arith.constant 0 : i32
      %dma_wait3A_58 = arith.constant 0 : i32
      %dma_wait3A_59 = tpu.memref_slice %arg9[%run_scoped3A_35, %dma_wait3A, %dma_wait3A_58] : memref<3x112x128xf32, #tpu.memory_space<vmem>> -> memref<1x80x128xf32, #tpu.memory_space<vmem>>
      %dma_wait3A_60 = tpu.memref_squeeze %dma_wait3A_59 : memref<1x80x128xf32, #tpu.memory_space<vmem>> -> memref<80x128xf32, #tpu.memory_space<vmem>>
      %dma_wait3A_61 = arith.constant 0 : i32
      %dma_wait3A_62 = tpu.memref_slice %arg6[%add3A_34, %dma_wait3A_61] : memref<10240x128xf32, #tpu.memory_space<vmem_shared>> -> memref<80x128xf32, #tpu.memory_space<vmem_shared>>
      %dma_wait3A_63 = arith.constant 0 : i32
      %dma_wait3A_64 = tpu.memref_slice %arg6[%add3A_34, %dma_wait3A_63] : memref<10240x128xf32, #tpu.memory_space<vmem_shared>> -> memref<80x128xf32, #tpu.memory_space<vmem_shared>>
      %dma_wait3A_65 = arith.constant 0 : i32
      %dma_wait3A_66 = arith.constant 0 : i32
      %dma_wait3A_67 = tpu.memref_slice %arg9[%run_scoped3A_35, %dma_wait3A_65, %dma_wait3A_66] : memref<3x112x128xf32, #tpu.memory_space<vmem>> -> memref<1x80x128xf32, #tpu.memory_space<vmem>>
      %dma_wait3A_68 = tpu.memref_squeeze %dma_wait3A_67 : memref<1x80x128xf32, #tpu.memory_space<vmem>> -> memref<80x128xf32, #tpu.memory_space<vmem>>
      tpu.wait_dma2 semaphore(%run_scoped3A_46 : memref<!tpu.dma_semaphore, #tpu.memory_space<semaphore_mem>>) src(%dma_wait3A_68 : memref<80x128xf32, #tpu.memory_space<vmem>>) dst(%dma_wait3A_64 : memref<80x128xf32, #tpu.memory_space<vmem_shared>>)
      tpu.yield
    }) : () -> ()
    %barrier3A = arith.constant 0 : index
    tpu.barrier barrier_id(%barrier3A)
    %scan3A_36 = arith.constant 0 : i32
    %scan3A_37 = arith.constant 6 : i32
    %scan3A_38 = arith.addi %scan3A_36, %scan3A_37 : i32
    %scan3A_39 = arith.constant 1 : i32
    scf.for %scan3A_46 = %scan3A_36 to %scan3A_38 step %scan3A_39  : i32 {
      %mul3A_47 = arith.constant 1 : i32
      %mul3A_48 = arith.muli %scan3A_46, %mul3A_47 : i32
      %add3A_49 = arith.constant 0 : i32
      %add3A_50 = arith.addi %add3A_49, %mul3A_48 : i32
      %mul3A_51 = arith.constant 16 : i32
      %mul3A_52 = arith.muli %add3A_50, %mul3A_51 : i32
      %add3A_53 = arith.addi %multiple_of3A, %mul3A_52 : i32
      %multiple_of3A_54 = tpu.assume_multiple %add3A_53, 8 : i32
      "tpu.region"() ({
        %run_scoped3A_517 = tpu.sem_alloc : memref<!tpu.dma_semaphore, #tpu.memory_space<semaphore_mem>>
        %dma_start3A_518 = arith.constant 0 : i32
        %dma_start3A_519 = tpu.memref_slice %arg2[%multiple_of3A_54, %dma_start3A_518] : memref<3072x112xi32, #tpu.memory_space<hbm>> -> memref<16x112xi32, #tpu.memory_space<hbm>>
        %dma_start3A_520 = arith.constant 0 : i32
        %dma_start3A_521 = tpu.memref_slice %arg2[%multiple_of3A_54, %dma_start3A_520] : memref<3072x112xi32, #tpu.memory_space<hbm>> -> memref<16x112xi32, #tpu.memory_space<hbm>>
        tpu.enqueue_dma source(%dma_start3A_521 : memref<16x112xi32, #tpu.memory_space<hbm>>) target(%arg7 : memref<16x112xi32, #tpu.memory_space<vmem>>) target_semaphore(%run_scoped3A_517 : memref<!tpu.dma_semaphore, #tpu.memory_space<semaphore_mem>>)
        %dma_wait3A_522 = arith.constant 0 : i32
        %dma_wait3A_523 = tpu.memref_slice %arg2[%multiple_of3A_54, %dma_wait3A_522] : memref<3072x112xi32, #tpu.memory_space<hbm>> -> memref<16x112xi32, #tpu.memory_space<hbm>>
        %dma_wait3A_524 = arith.constant 0 : i32
        %dma_wait3A_525 = tpu.memref_slice %arg2[%multiple_of3A_54, %dma_wait3A_524] : memref<3072x112xi32, #tpu.memory_space<hbm>> -> memref<16x112xi32, #tpu.memory_space<hbm>>
        tpu.wait_dma2 semaphore(%run_scoped3A_517 : memref<!tpu.dma_semaphore, #tpu.memory_space<semaphore_mem>>) src(%dma_wait3A_525 : memref<16x112xi32, #tpu.memory_space<hbm>>) dst(%arg7 : memref<16x112xi32, #tpu.memory_space<vmem>>)
        tpu.yield
      }) : () -> ()
      "tpu.region"() ({
        %run_scoped3A_517 = tpu.sem_alloc : memref<!tpu.dma_semaphore, #tpu.memory_space<semaphore_mem>>
        %dma_start3A_518 = arith.constant 0 : i32
        %dma_start3A_519 = tpu.memref_slice %arg3[%multiple_of3A_54, %dma_start3A_518] : memref<3072x112xi32, #tpu.memory_space<hbm>> -> memref<16x112xi32, #tpu.memory_space<hbm>>
        %dma_start3A_520 = arith.constant 0 : i32
        %dma_start3A_521 = tpu.memref_slice %arg3[%multiple_of3A_54, %dma_start3A_520] : memref<3072x112xi32, #tpu.memory_space<hbm>> -> memref<16x112xi32, #tpu.memory_space<hbm>>
        tpu.enqueue_dma source(%dma_start3A_521 : memref<16x112xi32, #tpu.memory_space<hbm>>) target(%arg8 : memref<16x112xi32, #tpu.memory_space<vmem>>) target_semaphore(%run_scoped3A_517 : memref<!tpu.dma_semaphore, #tpu.memory_space<semaphore_mem>>)
        %dma_wait3A_522 = arith.constant 0 : i32
        %dma_wait3A_523 = tpu.memref_slice %arg3[%multiple_of3A_54, %dma_wait3A_522] : memref<3072x112xi32, #tpu.memory_space<hbm>> -> memref<16x112xi32, #tpu.memory_space<hbm>>
        %dma_wait3A_524 = arith.constant 0 : i32
        %dma_wait3A_525 = tpu.memref_slice %arg3[%multiple_of3A_54, %dma_wait3A_524] : memref<3072x112xi32, #tpu.memory_space<hbm>> -> memref<16x112xi32, #tpu.memory_space<hbm>>
        tpu.wait_dma2 semaphore(%run_scoped3A_517 : memref<!tpu.dma_semaphore, #tpu.memory_space<semaphore_mem>>) src(%dma_wait3A_525 : memref<16x112xi32, #tpu.memory_space<hbm>>) dst(%arg8 : memref<16x112xi32, #tpu.memory_space<vmem>>)
        tpu.yield
      }) : () -> ()
      %dma_start3A = arith.constant 0 : i32
      %dma_start3A_55 = arith.constant 0 : i32
      %dma_start3A_56 = arith.constant 0 : i32
      %dma_start3A_57 = arith.constant 0 : i32
      %dma_start3A_58 = tpu.memref_slice %arg9[%dma_start3A_55, %dma_start3A_56, %dma_start3A_57] : memref<3x112x128xf32, #tpu.memory_space<vmem>> -> memref<1x112x128xf32, #tpu.memory_space<vmem>>
      %dma_start3A_59 = tpu.memref_squeeze %dma_start3A_58 : memref<1x112x128xf32, #tpu.memory_space<vmem>> -> memref<112x128xf32, #tpu.memory_space<vmem>>
      %dma_start3A_60 = arith.constant 0 : i32
      %dma_start3A_61 = tpu.memref_slice %arg7[%dma_start3A, %dma_start3A_60] : memref<16x112xi32, #tpu.memory_space<vmem>> -> memref<1x112xi32, #tpu.memory_space<vmem>>
      %dma_start3A_62 = tpu.memref_squeeze %dma_start3A_61 : memref<1x112xi32, #tpu.memory_space<vmem>> -> memref<112xi32, #tpu.memory_space<vmem>>
      %dma_start3A_63 = arith.constant 0 : i32
      %dma_start3A_64 = arith.constant 0 : i32
      %dma_start3A_65 = tpu.memref_slice %arg4[%dma_start3A_63, %dma_start3A_64] : memref<10240x128xf32, #tpu.memory_space<hbm>> -> memref<10240x128xf32, #tpu.memory_space<hbm>>
      tpu.enqueue_indirect_dma source(%dma_start3A_65 : memref<10240x128xf32, #tpu.memory_space<hbm>>) target(%dma_start3A_59 : memref<112x128xf32, #tpu.memory_space<vmem>>) offsets(%dma_start3A_62 : memref<112xi32, #tpu.memory_space<vmem>>) semaphore(%arg10 : memref<!tpu.dma_semaphore, #tpu.memory_space<semaphore_mem>>)
      %dma_start3A_66 = arith.constant 1 : i32
      %dma_start3A_67 = arith.constant 1 : i32
      %dma_start3A_68 = arith.constant 0 : i32
      %dma_start3A_69 = arith.constant 0 : i32
      %dma_start3A_70 = tpu.memref_slice %arg9[%dma_start3A_67, %dma_start3A_68, %dma_start3A_69] : memref<3x112x128xf32, #tpu.memory_space<vmem>> -> memref<1x112x128xf32, #tpu.memory_space<vmem>>
      %dma_start3A_71 = tpu.memref_squeeze %dma_start3A_70 : memref<1x112x128xf32, #tpu.memory_space<vmem>> -> memref<112x128xf32, #tpu.memory_space<vmem>>
      %dma_start3A_72 = arith.constant 0 : i32
      %dma_start3A_73 = tpu.memref_slice %arg7[%dma_start3A_66, %dma_start3A_72] : memref<16x112xi32, #tpu.memory_space<vmem>> -> memref<1x112xi32, #tpu.memory_space<vmem>>
      %dma_start3A_74 = tpu.memref_squeeze %dma_start3A_73 : memref<1x112xi32, #tpu.memory_space<vmem>> -> memref<112xi32, #tpu.memory_space<vmem>>
      %dma_start3A_75 = arith.constant 0 : i32
      %dma_start3A_76 = arith.constant 0 : i32
      %dma_start3A_77 = tpu.memref_slice %arg4[%dma_start3A_75, %dma_start3A_76] : memref<10240x128xf32, #tpu.memory_space<hbm>> -> memref<10240x128xf32, #tpu.memory_space<hbm>>
      tpu.enqueue_indirect_dma source(%dma_start3A_77 : memref<10240x128xf32, #tpu.memory_space<hbm>>) target(%dma_start3A_71 : memref<112x128xf32, #tpu.memory_space<vmem>>) offsets(%dma_start3A_74 : memref<112xi32, #tpu.memory_space<vmem>>) semaphore(%arg11 : memref<!tpu.dma_semaphore, #tpu.memory_space<semaphore_mem>>)
      %dma_start3A_78 = arith.constant 2 : i32
      %dma_start3A_79 = arith.constant 2 : i32
      %dma_start3A_80 = arith.constant 0 : i32
      %dma_start3A_81 = arith.constant 0 : i32
      %dma_start3A_82 = tpu.memref_slice %arg9[%dma_start3A_79, %dma_start3A_80, %dma_start3A_81] : memref<3x112x128xf32, #tpu.memory_space<vmem>> -> memref<1x112x128xf32, #tpu.memory_space<vmem>>
      %dma_start3A_83 = tpu.memref_squeeze %dma_start3A_82 : memref<1x112x128xf32, #tpu.memory_space<vmem>> -> memref<112x128xf32, #tpu.memory_space<vmem>>
      %dma_start3A_84 = arith.constant 0 : i32
      %dma_start3A_85 = tpu.memref_slice %arg7[%dma_start3A_78, %dma_start3A_84] : memref<16x112xi32, #tpu.memory_space<vmem>> -> memref<1x112xi32, #tpu.memory_space<vmem>>
      %dma_start3A_86 = tpu.memref_squeeze %dma_start3A_85 : memref<1x112xi32, #tpu.memory_space<vmem>> -> memref<112xi32, #tpu.memory_space<vmem>>
      %dma_start3A_87 = arith.constant 0 : i32
      %dma_start3A_88 = arith.constant 0 : i32
      %dma_start3A_89 = tpu.memref_slice %arg4[%dma_start3A_87, %dma_start3A_88] : memref<10240x128xf32, #tpu.memory_space<hbm>> -> memref<10240x128xf32, #tpu.memory_space<hbm>>
      tpu.enqueue_indirect_dma source(%dma_start3A_89 : memref<10240x128xf32, #tpu.memory_space<hbm>>) target(%dma_start3A_83 : memref<112x128xf32, #tpu.memory_space<vmem>>) offsets(%dma_start3A_86 : memref<112xi32, #tpu.memory_space<vmem>>) semaphore(%arg12 : memref<!tpu.dma_semaphore, #tpu.memory_space<semaphore_mem>>)
      %dma_wait3A = arith.constant 0 : i32
      %dma_wait3A_90 = arith.constant 0 : i32
      %dma_wait3A_91 = arith.constant 0 : i32
      %dma_wait3A_92 = tpu.memref_slice %arg9[%dma_wait3A, %dma_wait3A_90, %dma_wait3A_91] : memref<3x112x128xf32, #tpu.memory_space<vmem>> -> memref<1x112x128xf32, #tpu.memory_space<vmem>>
      %dma_wait3A_93 = tpu.memref_squeeze %dma_wait3A_92 : memref<1x112x128xf32, #tpu.memory_space<vmem>> -> memref<112x128xf32, #tpu.memory_space<vmem>>
      %dma_wait3A_94 = arith.constant 0 : i32
      %dma_wait3A_95 = arith.constant 0 : i32
      %dma_wait3A_96 = tpu.memref_slice %arg4[%dma_wait3A_94, %dma_wait3A_95] : memref<10240x128xf32, #tpu.memory_space<hbm>> -> memref<112x128xf32, #tpu.memory_space<hbm>>
      %dma_wait3A_97 = arith.constant 0 : i32
      %dma_wait3A_98 = arith.constant 0 : i32
      %dma_wait3A_99 = tpu.memref_slice %arg9[%dma_wait3A, %dma_wait3A_97, %dma_wait3A_98] : memref<3x112x128xf32, #tpu.memory_space<vmem>> -> memref<1x112x128xf32, #tpu.memory_space<vmem>>
      %dma_wait3A_100 = tpu.memref_squeeze %dma_wait3A_99 : memref<1x112x128xf32, #tpu.memory_space<vmem>> -> memref<112x128xf32, #tpu.memory_space<vmem>>
      %dma_wait3A_101 = arith.constant 0 : i32
      %dma_wait3A_102 = arith.constant 0 : i32
      %dma_wait3A_103 = tpu.memref_slice %arg4[%dma_wait3A_101, %dma_wait3A_102] : memref<10240x128xf32, #tpu.memory_space<hbm>> -> memref<112x128xf32, #tpu.memory_space<hbm>>
      tpu.wait_dma2 semaphore(%arg10 : memref<!tpu.dma_semaphore, #tpu.memory_space<semaphore_mem>>) src(%dma_wait3A_103 : memref<112x128xf32, #tpu.memory_space<hbm>>) dst(%dma_wait3A_100 : memref<112x128xf32, #tpu.memory_space<vmem>>)
      %run_scoped3A_104 = arith.constant 0 : i32
      %run_scoped3A_105 = arith.constant 0 : i32
      "tpu.region"() ({
        %run_scoped3A_517 = tpu.sem_alloc : memref<!tpu.dma_semaphore, #tpu.memory_space<semaphore_mem>>
        %dma_start3A_518 = arith.constant 0 : i32
        %dma_start3A_519 = arith.constant 0 : i32
        %dma_start3A_520 = tpu.memref_slice %arg9[%run_scoped3A_104, %dma_start3A_518, %dma_start3A_519] : memref<3x112x128xf32, #tpu.memory_space<vmem>> -> memref<1x112x128xf32, #tpu.memory_space<vmem>>
        %dma_start3A_521 = tpu.memref_squeeze %dma_start3A_520 : memref<1x112x128xf32, #tpu.memory_space<vmem>> -> memref<112x128xf32, #tpu.memory_space<vmem>>
        %dma_start3A_522 = arith.constant 0 : i32
        %dma_start3A_523 = tpu.memref_slice %arg8[%run_scoped3A_105, %dma_start3A_522] : memref<16x112xi32, #tpu.memory_space<vmem>> -> memref<1x112xi32, #tpu.memory_space<vmem>>
        %dma_start3A_524 = tpu.memref_squeeze %dma_start3A_523 : memref<1x112xi32, #tpu.memory_space<vmem>> -> memref<112xi32, #tpu.memory_space<vmem>>
        %dma_start3A_525 = arith.constant 0 : i32
        %dma_start3A_526 = arith.constant 0 : i32
        %dma_start3A_527 = tpu.memref_slice %arg6[%dma_start3A_525, %dma_start3A_526] : memref<10240x128xf32, #tpu.memory_space<vmem_shared>> -> memref<10240x128xf32, #tpu.memory_space<vmem_shared>>
        tpu.enqueue_indirect_dma source(%dma_start3A_521 : memref<112x128xf32, #tpu.memory_space<vmem>>) target(%dma_start3A_527 : memref<10240x128xf32, #tpu.memory_space<vmem_shared>>) offsets(%dma_start3A_524 : memref<112xi32, #tpu.memory_space<vmem>>) semaphore(%run_scoped3A_517 : memref<!tpu.dma_semaphore, #tpu.memory_space<semaphore_mem>>) {add = true}
        %dma_wait3A_528 = arith.constant 0 : i32
        %dma_wait3A_529 = arith.constant 0 : i32
        %dma_wait3A_530 = tpu.memref_slice %arg9[%run_scoped3A_104, %dma_wait3A_528, %dma_wait3A_529] : memref<3x112x128xf32, #tpu.memory_space<vmem>> -> memref<1x112x128xf32, #tpu.memory_space<vmem>>
        %dma_wait3A_531 = tpu.memref_squeeze %dma_wait3A_530 : memref<1x112x128xf32, #tpu.memory_space<vmem>> -> memref<112x128xf32, #tpu.memory_space<vmem>>
        %dma_wait3A_532 = arith.constant 0 : i32
        %dma_wait3A_533 = tpu.memref_slice %arg8[%run_scoped3A_105, %dma_wait3A_532] : memref<16x112xi32, #tpu.memory_space<vmem>> -> memref<1x112xi32, #tpu.memory_space<vmem>>
        %dma_wait3A_534 = tpu.memref_squeeze %dma_wait3A_533 : memref<1x112xi32, #tpu.memory_space<vmem>> -> memref<112xi32, #tpu.memory_space<vmem>>
        %dma_wait3A_535 = arith.constant 0 : i32
        %dma_wait3A_536 = arith.constant 0 : i32
        %dma_wait3A_537 = tpu.memref_slice %arg6[%dma_wait3A_535, %dma_wait3A_536] : memref<10240x128xf32, #tpu.memory_space<vmem_shared>> -> memref<10240x128xf32, #tpu.memory_space<vmem_shared>>
        tpu.wait_indirect_dma semaphore(%run_scoped3A_517 : memref<!tpu.dma_semaphore, #tpu.memory_space<semaphore_mem>>) src(%dma_wait3A_531 : memref<112x128xf32, #tpu.memory_space<vmem>>) dst(%dma_wait3A_537 : memref<10240x128xf32, #tpu.memory_space<vmem_shared>>)
        tpu.yield
      }) : () -> ()
      %dma_start3A_106 = arith.constant 3 : i32
      %dma_start3A_107 = arith.constant 0 : i32
      %dma_start3A_108 = arith.constant 0 : i32
      %dma_start3A_109 = arith.constant 0 : i32
      %dma_start3A_110 = tpu.memref_slice %arg9[%dma_start3A_107, %dma_start3A_108, %dma_start3A_109] : memref<3x112x128xf32, #tpu.memory_space<vmem>> -> memref<1x112x128xf32, #tpu.memory_space<vmem>>
      %dma_start3A_111 = tpu.memref_squeeze %dma_start3A_110 : memref<1x112x128xf32, #tpu.memory_space<vmem>> -> memref<112x128xf32, #tpu.memory_space<vmem>>
      %dma_start3A_112 = arith.constant 0 : i32
      %dma_start3A_113 = tpu.memref_slice %arg7[%dma_start3A_106, %dma_start3A_112] : memref<16x112xi32, #tpu.memory_space<vmem>> -> memref<1x112xi32, #tpu.memory_space<vmem>>
      %dma_start3A_114 = tpu.memref_squeeze %dma_start3A_113 : memref<1x112xi32, #tpu.memory_space<vmem>> -> memref<112xi32, #tpu.memory_space<vmem>>
      %dma_start3A_115 = arith.constant 0 : i32
      %dma_start3A_116 = arith.constant 0 : i32
      %dma_start3A_117 = tpu.memref_slice %arg4[%dma_start3A_115, %dma_start3A_116] : memref<10240x128xf32, #tpu.memory_space<hbm>> -> memref<10240x128xf32, #tpu.memory_space<hbm>>
      tpu.enqueue_indirect_dma source(%dma_start3A_117 : memref<10240x128xf32, #tpu.memory_space<hbm>>) target(%dma_start3A_111 : memref<112x128xf32, #tpu.memory_space<vmem>>) offsets(%dma_start3A_114 : memref<112xi32, #tpu.memory_space<vmem>>) semaphore(%arg10 : memref<!tpu.dma_semaphore, #tpu.memory_space<semaphore_mem>>)
      %dma_wait3A_118 = arith.constant 1 : i32
      %dma_wait3A_119 = arith.constant 0 : i32
      %dma_wait3A_120 = arith.constant 0 : i32
      %dma_wait3A_121 = tpu.memref_slice %arg9[%dma_wait3A_118, %dma_wait3A_119, %dma_wait3A_120] : memref<3x112x128xf32, #tpu.memory_space<vmem>> -> memref<1x112x128xf32, #tpu.memory_space<vmem>>
      %dma_wait3A_122 = tpu.memref_squeeze %dma_wait3A_121 : memref<1x112x128xf32, #tpu.memory_space<vmem>> -> memref<112x128xf32, #tpu.memory_space<vmem>>
      %dma_wait3A_123 = arith.constant 0 : i32
      %dma_wait3A_124 = arith.constant 0 : i32
      %dma_wait3A_125 = tpu.memref_slice %arg4[%dma_wait3A_123, %dma_wait3A_124] : memref<10240x128xf32, #tpu.memory_space<hbm>> -> memref<112x128xf32, #tpu.memory_space<hbm>>
      %dma_wait3A_126 = arith.constant 0 : i32
      %dma_wait3A_127 = arith.constant 0 : i32
      %dma_wait3A_128 = tpu.memref_slice %arg9[%dma_wait3A_118, %dma_wait3A_126, %dma_wait3A_127] : memref<3x112x128xf32, #tpu.memory_space<vmem>> -> memref<1x112x128xf32, #tpu.memory_space<vmem>>
      %dma_wait3A_129 = tpu.memref_squeeze %dma_wait3A_128 : memref<1x112x128xf32, #tpu.memory_space<vmem>> -> memref<112x128xf32, #tpu.memory_space<vmem>>
      %dma_wait3A_130 = arith.constant 0 : i32
      %dma_wait3A_131 = arith.constant 0 : i32
      %dma_wait3A_132 = tpu.memref_slice %arg4[%dma_wait3A_130, %dma_wait3A_131] : memref<10240x128xf32, #tpu.memory_space<hbm>> -> memref<112x128xf32, #tpu.memory_space<hbm>>
      tpu.wait_dma2 semaphore(%arg11 : memref<!tpu.dma_semaphore, #tpu.memory_space<semaphore_mem>>) src(%dma_wait3A_132 : memref<112x128xf32, #tpu.memory_space<hbm>>) dst(%dma_wait3A_129 : memref<112x128xf32, #tpu.memory_space<vmem>>)
      %run_scoped3A_133 = arith.constant 1 : i32
      %run_scoped3A_134 = arith.constant 1 : i32
      "tpu.region"() ({
        %run_scoped3A_517 = tpu.sem_alloc : memref<!tpu.dma_semaphore, #tpu.memory_space<semaphore_mem>>
        %dma_start3A_518 = arith.constant 0 : i32
        %dma_start3A_519 = arith.constant 0 : i32
        %dma_start3A_520 = tpu.memref_slice %arg9[%run_scoped3A_133, %dma_start3A_518, %dma_start3A_519] : memref<3x112x128xf32, #tpu.memory_space<vmem>> -> memref<1x112x128xf32, #tpu.memory_space<vmem>>
        %dma_start3A_521 = tpu.memref_squeeze %dma_start3A_520 : memref<1x112x128xf32, #tpu.memory_space<vmem>> -> memref<112x128xf32, #tpu.memory_space<vmem>>
        %dma_start3A_522 = arith.constant 0 : i32
        %dma_start3A_523 = tpu.memref_slice %arg8[%run_scoped3A_134, %dma_start3A_522] : memref<16x112xi32, #tpu.memory_space<vmem>> -> memref<1x112xi32, #tpu.memory_space<vmem>>
        %dma_start3A_524 = tpu.memref_squeeze %dma_start3A_523 : memref<1x112xi32, #tpu.memory_space<vmem>> -> memref<112xi32, #tpu.memory_space<vmem>>
        %dma_start3A_525 = arith.constant 0 : i32
        %dma_start3A_526 = arith.constant 0 : i32
        %dma_start3A_527 = tpu.memref_slice %arg6[%dma_start3A_525, %dma_start3A_526] : memref<10240x128xf32, #tpu.memory_space<vmem_shared>> -> memref<10240x128xf32, #tpu.memory_space<vmem_shared>>
        tpu.enqueue_indirect_dma source(%dma_start3A_521 : memref<112x128xf32, #tpu.memory_space<vmem>>) target(%dma_start3A_527 : memref<10240x128xf32, #tpu.memory_space<vmem_shared>>) offsets(%dma_start3A_524 : memref<112xi32, #tpu.memory_space<vmem>>) semaphore(%run_scoped3A_517 : memref<!tpu.dma_semaphore, #tpu.memory_space<semaphore_mem>>) {add = true}
        %dma_wait3A_528 = arith.constant 0 : i32
        %dma_wait3A_529 = arith.constant 0 : i32
        %dma_wait3A_530 = tpu.memref_slice %arg9[%run_scoped3A_133, %dma_wait3A_528, %dma_wait3A_529] : memref<3x112x128xf32, #tpu.memory_space<vmem>> -> memref<1x112x128xf32, #tpu.memory_space<vmem>>
        %dma_wait3A_531 = tpu.memref_squeeze %dma_wait3A_530 : memref<1x112x128xf32, #tpu.memory_space<vmem>> -> memref<112x128xf32, #tpu.memory_space<vmem>>
        %dma_wait3A_532 = arith.constant 0 : i32
        %dma_wait3A_533 = tpu.memref_slice %arg8[%run_scoped3A_134, %dma_wait3A_532] : memref<16x112xi32, #tpu.memory_space<vmem>> -> memref<1x112xi32, #tpu.memory_space<vmem>>
        %dma_wait3A_534 = tpu.memref_squeeze %dma_wait3A_533 : memref<1x112xi32, #tpu.memory_space<vmem>> -> memref<112xi32, #tpu.memory_space<vmem>>
        %dma_wait3A_535 = arith.constant 0 : i32
        %dma_wait3A_536 = arith.constant 0 : i32
        %dma_wait3A_537 = tpu.memref_slice %arg6[%dma_wait3A_535, %dma_wait3A_536] : memref<10240x128xf32, #tpu.memory_space<vmem_shared>> -> memref<10240x128xf32, #tpu.memory_space<vmem_shared>>
        tpu.wait_indirect_dma semaphore(%run_scoped3A_517 : memref<!tpu.dma_semaphore, #tpu.memory_space<semaphore_mem>>) src(%dma_wait3A_531 : memref<112x128xf32, #tpu.memory_space<vmem>>) dst(%dma_wait3A_537 : memref<10240x128xf32, #tpu.memory_space<vmem_shared>>)
        tpu.yield
      }) : () -> ()
      %dma_start3A_135 = arith.constant 4 : i32
      %dma_start3A_136 = arith.constant 1 : i32
      %dma_start3A_137 = arith.constant 0 : i32
      %dma_start3A_138 = arith.constant 0 : i32
      %dma_start3A_139 = tpu.memref_slice %arg9[%dma_start3A_136, %dma_start3A_137, %dma_start3A_138] : memref<3x112x128xf32, #tpu.memory_space<vmem>> -> memref<1x112x128xf32, #tpu.memory_space<vmem>>
      %dma_start3A_140 = tpu.memref_squeeze %dma_start3A_139 : memref<1x112x128xf32, #tpu.memory_space<vmem>> -> memref<112x128xf32, #tpu.memory_space<vmem>>
      %dma_start3A_141 = arith.constant 0 : i32
      %dma_start3A_142 = tpu.memref_slice %arg7[%dma_start3A_135, %dma_start3A_141] : memref<16x112xi32, #tpu.memory_space<vmem>> -> memref<1x112xi32, #tpu.memory_space<vmem>>
      %dma_start3A_143 = tpu.memref_squeeze %dma_start3A_142 : memref<1x112xi32, #tpu.memory_space<vmem>> -> memref<112xi32, #tpu.memory_space<vmem>>
      %dma_start3A_144 = arith.constant 0 : i32
      %dma_start3A_145 = arith.constant 0 : i32
      %dma_start3A_146 = tpu.memref_slice %arg4[%dma_start3A_144, %dma_start3A_145] : memref<10240x128xf32, #tpu.memory_space<hbm>> -> memref<10240x128xf32, #tpu.memory_space<hbm>>
      tpu.enqueue_indirect_dma source(%dma_start3A_146 : memref<10240x128xf32, #tpu.memory_space<hbm>>) target(%dma_start3A_140 : memref<112x128xf32, #tpu.memory_space<vmem>>) offsets(%dma_start3A_143 : memref<112xi32, #tpu.memory_space<vmem>>) semaphore(%arg11 : memref<!tpu.dma_semaphore, #tpu.memory_space<semaphore_mem>>)
      %dma_wait3A_147 = arith.constant 2 : i32
      %dma_wait3A_148 = arith.constant 0 : i32
      %dma_wait3A_149 = arith.constant 0 : i32
      %dma_wait3A_150 = tpu.memref_slice %arg9[%dma_wait3A_147, %dma_wait3A_148, %dma_wait3A_149] : memref<3x112x128xf32, #tpu.memory_space<vmem>> -> memref<1x112x128xf32, #tpu.memory_space<vmem>>
      %dma_wait3A_151 = tpu.memref_squeeze %dma_wait3A_150 : memref<1x112x128xf32, #tpu.memory_space<vmem>> -> memref<112x128xf32, #tpu.memory_space<vmem>>
      %dma_wait3A_152 = arith.constant 0 : i32
      %dma_wait3A_153 = arith.constant 0 : i32
      %dma_wait3A_154 = tpu.memref_slice %arg4[%dma_wait3A_152, %dma_wait3A_153] : memref<10240x128xf32, #tpu.memory_space<hbm>> -> memref<112x128xf32, #tpu.memory_space<hbm>>
      %dma_wait3A_155 = arith.constant 0 : i32
      %dma_wait3A_156 = arith.constant 0 : i32
      %dma_wait3A_157 = tpu.memref_slice %arg9[%dma_wait3A_147, %dma_wait3A_155, %dma_wait3A_156] : memref<3x112x128xf32, #tpu.memory_space<vmem>> -> memref<1x112x128xf32, #tpu.memory_space<vmem>>
      %dma_wait3A_158 = tpu.memref_squeeze %dma_wait3A_157 : memref<1x112x128xf32, #tpu.memory_space<vmem>> -> memref<112x128xf32, #tpu.memory_space<vmem>>
      %dma_wait3A_159 = arith.constant 0 : i32
      %dma_wait3A_160 = arith.constant 0 : i32
      %dma_wait3A_161 = tpu.memref_slice %arg4[%dma_wait3A_159, %dma_wait3A_160] : memref<10240x128xf32, #tpu.memory_space<hbm>> -> memref<112x128xf32, #tpu.memory_space<hbm>>
      tpu.wait_dma2 semaphore(%arg12 : memref<!tpu.dma_semaphore, #tpu.memory_space<semaphore_mem>>) src(%dma_wait3A_161 : memref<112x128xf32, #tpu.memory_space<hbm>>) dst(%dma_wait3A_158 : memref<112x128xf32, #tpu.memory_space<vmem>>)
      %run_scoped3A_162 = arith.constant 2 : i32
      %run_scoped3A_163 = arith.constant 2 : i32
      "tpu.region"() ({
        %run_scoped3A_517 = tpu.sem_alloc : memref<!tpu.dma_semaphore, #tpu.memory_space<semaphore_mem>>
        %dma_start3A_518 = arith.constant 0 : i32
        %dma_start3A_519 = arith.constant 0 : i32
        %dma_start3A_520 = tpu.memref_slice %arg9[%run_scoped3A_162, %dma_start3A_518, %dma_start3A_519] : memref<3x112x128xf32, #tpu.memory_space<vmem>> -> memref<1x112x128xf32, #tpu.memory_space<vmem>>
        %dma_start3A_521 = tpu.memref_squeeze %dma_start3A_520 : memref<1x112x128xf32, #tpu.memory_space<vmem>> -> memref<112x128xf32, #tpu.memory_space<vmem>>
        %dma_start3A_522 = arith.constant 0 : i32
        %dma_start3A_523 = tpu.memref_slice %arg8[%run_scoped3A_163, %dma_start3A_522] : memref<16x112xi32, #tpu.memory_space<vmem>> -> memref<1x112xi32, #tpu.memory_space<vmem>>
        %dma_start3A_524 = tpu.memref_squeeze %dma_start3A_523 : memref<1x112xi32, #tpu.memory_space<vmem>> -> memref<112xi32, #tpu.memory_space<vmem>>
        %dma_start3A_525 = arith.constant 0 : i32
        %dma_start3A_526 = arith.constant 0 : i32
        %dma_start3A_527 = tpu.memref_slice %arg6[%dma_start3A_525, %dma_start3A_526] : memref<10240x128xf32, #tpu.memory_space<vmem_shared>> -> memref<10240x128xf32, #tpu.memory_space<vmem_shared>>
        tpu.enqueue_indirect_dma source(%dma_start3A_521 : memref<112x128xf32, #tpu.memory_space<vmem>>) target(%dma_start3A_527 : memref<10240x128xf32, #tpu.memory_space<vmem_shared>>) offsets(%dma_start3A_524 : memref<112xi32, #tpu.memory_space<vmem>>) semaphore(%run_scoped3A_517 : memref<!tpu.dma_semaphore, #tpu.memory_space<semaphore_mem>>) {add = true}
        %dma_wait3A_528 = arith.constant 0 : i32
        %dma_wait3A_529 = arith.constant 0 : i32
        %dma_wait3A_530 = tpu.memref_slice %arg9[%run_scoped3A_162, %dma_wait3A_528, %dma_wait3A_529] : memref<3x112x128xf32, #tpu.memory_space<vmem>> -> memref<1x112x128xf32, #tpu.memory_space<vmem>>
        %dma_wait3A_531 = tpu.memref_squeeze %dma_wait3A_530 : memref<1x112x128xf32, #tpu.memory_space<vmem>> -> memref<112x128xf32, #tpu.memory_space<vmem>>
        %dma_wait3A_532 = arith.constant 0 : i32
        %dma_wait3A_533 = tpu.memref_slice %arg8[%run_scoped3A_163, %dma_wait3A_532] : memref<16x112xi32, #tpu.memory_space<vmem>> -> memref<1x112xi32, #tpu.memory_space<vmem>>
        %dma_wait3A_534 = tpu.memref_squeeze %dma_wait3A_533 : memref<1x112xi32, #tpu.memory_space<vmem>> -> memref<112xi32, #tpu.memory_space<vmem>>
        %dma_wait3A_535 = arith.constant 0 : i32
        %dma_wait3A_536 = arith.constant 0 : i32
        %dma_wait3A_537 = tpu.memref_slice %arg6[%dma_wait3A_535, %dma_wait3A_536] : memref<10240x128xf32, #tpu.memory_space<vmem_shared>> -> memref<10240x128xf32, #tpu.memory_space<vmem_shared>>
        tpu.wait_indirect_dma semaphore(%run_scoped3A_517 : memref<!tpu.dma_semaphore, #tpu.memory_space<semaphore_mem>>) src(%dma_wait3A_531 : memref<112x128xf32, #tpu.memory_space<vmem>>) dst(%dma_wait3A_537 : memref<10240x128xf32, #tpu.memory_space<vmem_shared>>)
        tpu.yield
      }) : () -> ()
      %dma_start3A_164 = arith.constant 5 : i32
      %dma_start3A_165 = arith.constant 2 : i32
      %dma_start3A_166 = arith.constant 0 : i32
      %dma_start3A_167 = arith.constant 0 : i32
      %dma_start3A_168 = tpu.memref_slice %arg9[%dma_start3A_165, %dma_start3A_166, %dma_start3A_167] : memref<3x112x128xf32, #tpu.memory_space<vmem>> -> memref<1x112x128xf32, #tpu.memory_space<vmem>>
      %dma_start3A_169 = tpu.memref_squeeze %dma_start3A_168 : memref<1x112x128xf32, #tpu.memory_space<vmem>> -> memref<112x128xf32, #tpu.memory_space<vmem>>
      %dma_start3A_170 = arith.constant 0 : i32
      %dma_start3A_171 = tpu.memref_slice %arg7[%dma_start3A_164, %dma_start3A_170] : memref<16x112xi32, #tpu.memory_space<vmem>> -> memref<1x112xi32, #tpu.memory_space<vmem>>
      %dma_start3A_172 = tpu.memref_squeeze %dma_start3A_171 : memref<1x112xi32, #tpu.memory_space<vmem>> -> memref<112xi32, #tpu.memory_space<vmem>>
      %dma_start3A_173 = arith.constant 0 : i32
      %dma_start3A_174 = arith.constant 0 : i32
      %dma_start3A_175 = tpu.memref_slice %arg4[%dma_start3A_173, %dma_start3A_174] : memref<10240x128xf32, #tpu.memory_space<hbm>> -> memref<10240x128xf32, #tpu.memory_space<hbm>>
      tpu.enqueue_indirect_dma source(%dma_start3A_175 : memref<10240x128xf32, #tpu.memory_space<hbm>>) target(%dma_start3A_169 : memref<112x128xf32, #tpu.memory_space<vmem>>) offsets(%dma_start3A_172 : memref<112xi32, #tpu.memory_space<vmem>>) semaphore(%arg12 : memref<!tpu.dma_semaphore, #tpu.memory_space<semaphore_mem>>)
      %dma_wait3A_176 = arith.constant 0 : i32
      %dma_wait3A_177 = arith.constant 0 : i32
      %dma_wait3A_178 = arith.constant 0 : i32
      %dma_wait3A_179 = tpu.memref_slice %arg9[%dma_wait3A_176, %dma_wait3A_177, %dma_wait3A_178] : memref<3x112x128xf32, #tpu.memory_space<vmem>> -> memref<1x112x128xf32, #tpu.memory_space<vmem>>
      %dma_wait3A_180 = tpu.memref_squeeze %dma_wait3A_179 : memref<1x112x128xf32, #tpu.memory_space<vmem>> -> memref<112x128xf32, #tpu.memory_space<vmem>>
      %dma_wait3A_181 = arith.constant 0 : i32
      %dma_wait3A_182 = arith.constant 0 : i32
      %dma_wait3A_183 = tpu.memref_slice %arg4[%dma_wait3A_181, %dma_wait3A_182] : memref<10240x128xf32, #tpu.memory_space<hbm>> -> memref<112x128xf32, #tpu.memory_space<hbm>>
      %dma_wait3A_184 = arith.constant 0 : i32
      %dma_wait3A_185 = arith.constant 0 : i32
      %dma_wait3A_186 = tpu.memref_slice %arg9[%dma_wait3A_176, %dma_wait3A_184, %dma_wait3A_185] : memref<3x112x128xf32, #tpu.memory_space<vmem>> -> memref<1x112x128xf32, #tpu.memory_space<vmem>>
      %dma_wait3A_187 = tpu.memref_squeeze %dma_wait3A_186 : memref<1x112x128xf32, #tpu.memory_space<vmem>> -> memref<112x128xf32, #tpu.memory_space<vmem>>
      %dma_wait3A_188 = arith.constant 0 : i32
      %dma_wait3A_189 = arith.constant 0 : i32
      %dma_wait3A_190 = tpu.memref_slice %arg4[%dma_wait3A_188, %dma_wait3A_189] : memref<10240x128xf32, #tpu.memory_space<hbm>> -> memref<112x128xf32, #tpu.memory_space<hbm>>
      tpu.wait_dma2 semaphore(%arg10 : memref<!tpu.dma_semaphore, #tpu.memory_space<semaphore_mem>>) src(%dma_wait3A_190 : memref<112x128xf32, #tpu.memory_space<hbm>>) dst(%dma_wait3A_187 : memref<112x128xf32, #tpu.memory_space<vmem>>)
      %run_scoped3A_191 = arith.constant 0 : i32
      %run_scoped3A_192 = arith.constant 3 : i32
      "tpu.region"() ({
        %run_scoped3A_517 = tpu.sem_alloc : memref<!tpu.dma_semaphore, #tpu.memory_space<semaphore_mem>>
        %dma_start3A_518 = arith.constant 0 : i32
        %dma_start3A_519 = arith.constant 0 : i32
        %dma_start3A_520 = tpu.memref_slice %arg9[%run_scoped3A_191, %dma_start3A_518, %dma_start3A_519] : memref<3x112x128xf32, #tpu.memory_space<vmem>> -> memref<1x112x128xf32, #tpu.memory_space<vmem>>
        %dma_start3A_521 = tpu.memref_squeeze %dma_start3A_520 : memref<1x112x128xf32, #tpu.memory_space<vmem>> -> memref<112x128xf32, #tpu.memory_space<vmem>>
        %dma_start3A_522 = arith.constant 0 : i32
        %dma_start3A_523 = tpu.memref_slice %arg8[%run_scoped3A_192, %dma_start3A_522] : memref<16x112xi32, #tpu.memory_space<vmem>> -> memref<1x112xi32, #tpu.memory_space<vmem>>
        %dma_start3A_524 = tpu.memref_squeeze %dma_start3A_523 : memref<1x112xi32, #tpu.memory_space<vmem>> -> memref<112xi32, #tpu.memory_space<vmem>>
        %dma_start3A_525 = arith.constant 0 : i32
        %dma_start3A_526 = arith.constant 0 : i32
        %dma_start3A_527 = tpu.memref_slice %arg6[%dma_start3A_525, %dma_start3A_526] : memref<10240x128xf32, #tpu.memory_space<vmem_shared>> -> memref<10240x128xf32, #tpu.memory_space<vmem_shared>>
        tpu.enqueue_indirect_dma source(%dma_start3A_521 : memref<112x128xf32, #tpu.memory_space<vmem>>) target(%dma_start3A_527 : memref<10240x128xf32, #tpu.memory_space<vmem_shared>>) offsets(%dma_start3A_524 : memref<112xi32, #tpu.memory_space<vmem>>) semaphore(%run_scoped3A_517 : memref<!tpu.dma_semaphore, #tpu.memory_space<semaphore_mem>>) {add = true}
        %dma_wait3A_528 = arith.constant 0 : i32
        %dma_wait3A_529 = arith.constant 0 : i32
        %dma_wait3A_530 = tpu.memref_slice %arg9[%run_scoped3A_191, %dma_wait3A_528, %dma_wait3A_529] : memref<3x112x128xf32, #tpu.memory_space<vmem>> -> memref<1x112x128xf32, #tpu.memory_space<vmem>>
        %dma_wait3A_531 = tpu.memref_squeeze %dma_wait3A_530 : memref<1x112x128xf32, #tpu.memory_space<vmem>> -> memref<112x128xf32, #tpu.memory_space<vmem>>
        %dma_wait3A_532 = arith.constant 0 : i32
        %dma_wait3A_533 = tpu.memref_slice %arg8[%run_scoped3A_192, %dma_wait3A_532] : memref<16x112xi32, #tpu.memory_space<vmem>> -> memref<1x112xi32, #tpu.memory_space<vmem>>
        %dma_wait3A_534 = tpu.memref_squeeze %dma_wait3A_533 : memref<1x112xi32, #tpu.memory_space<vmem>> -> memref<112xi32, #tpu.memory_space<vmem>>
        %dma_wait3A_535 = arith.constant 0 : i32
        %dma_wait3A_536 = arith.constant 0 : i32
        %dma_wait3A_537 = tpu.memref_slice %arg6[%dma_wait3A_535, %dma_wait3A_536] : memref<10240x128xf32, #tpu.memory_space<vmem_shared>> -> memref<10240x128xf32, #tpu.memory_space<vmem_shared>>
        tpu.wait_indirect_dma semaphore(%run_scoped3A_517 : memref<!tpu.dma_semaphore, #tpu.memory_space<semaphore_mem>>) src(%dma_wait3A_531 : memref<112x128xf32, #tpu.memory_space<vmem>>) dst(%dma_wait3A_537 : memref<10240x128xf32, #tpu.memory_space<vmem_shared>>)
        tpu.yield
      }) : () -> ()
      %dma_start3A_193 = arith.constant 6 : i32
      %dma_start3A_194 = arith.constant 0 : i32
      %dma_start3A_195 = arith.constant 0 : i32
      %dma_start3A_196 = arith.constant 0 : i32
      %dma_start3A_197 = tpu.memref_slice %arg9[%dma_start3A_194, %dma_start3A_195, %dma_start3A_196] : memref<3x112x128xf32, #tpu.memory_space<vmem>> -> memref<1x112x128xf32, #tpu.memory_space<vmem>>
      %dma_start3A_198 = tpu.memref_squeeze %dma_start3A_197 : memref<1x112x128xf32, #tpu.memory_space<vmem>> -> memref<112x128xf32, #tpu.memory_space<vmem>>
      %dma_start3A_199 = arith.constant 0 : i32
      %dma_start3A_200 = tpu.memref_slice %arg7[%dma_start3A_193, %dma_start3A_199] : memref<16x112xi32, #tpu.memory_space<vmem>> -> memref<1x112xi32, #tpu.memory_space<vmem>>
      %dma_start3A_201 = tpu.memref_squeeze %dma_start3A_200 : memref<1x112xi32, #tpu.memory_space<vmem>> -> memref<112xi32, #tpu.memory_space<vmem>>
      %dma_start3A_202 = arith.constant 0 : i32
      %dma_start3A_203 = arith.constant 0 : i32
      %dma_start3A_204 = tpu.memref_slice %arg4[%dma_start3A_202, %dma_start3A_203] : memref<10240x128xf32, #tpu.memory_space<hbm>> -> memref<10240x128xf32, #tpu.memory_space<hbm>>
      tpu.enqueue_indirect_dma source(%dma_start3A_204 : memref<10240x128xf32, #tpu.memory_space<hbm>>) target(%dma_start3A_198 : memref<112x128xf32, #tpu.memory_space<vmem>>) offsets(%dma_start3A_201 : memref<112xi32, #tpu.memory_space<vmem>>) semaphore(%arg10 : memref<!tpu.dma_semaphore, #tpu.memory_space<semaphore_mem>>)
      %dma_wait3A_205 = arith.constant 1 : i32
      %dma_wait3A_206 = arith.constant 0 : i32
      %dma_wait3A_207 = arith.constant 0 : i32
      %dma_wait3A_208 = tpu.memref_slice %arg9[%dma_wait3A_205, %dma_wait3A_206, %dma_wait3A_207] : memref<3x112x128xf32, #tpu.memory_space<vmem>> -> memref<1x112x128xf32, #tpu.memory_space<vmem>>
      %dma_wait3A_209 = tpu.memref_squeeze %dma_wait3A_208 : memref<1x112x128xf32, #tpu.memory_space<vmem>> -> memref<112x128xf32, #tpu.memory_space<vmem>>
      %dma_wait3A_210 = arith.constant 0 : i32
      %dma_wait3A_211 = arith.constant 0 : i32
      %dma_wait3A_212 = tpu.memref_slice %arg4[%dma_wait3A_210, %dma_wait3A_211] : memref<10240x128xf32, #tpu.memory_space<hbm>> -> memref<112x128xf32, #tpu.memory_space<hbm>>
      %dma_wait3A_213 = arith.constant 0 : i32
      %dma_wait3A_214 = arith.constant 0 : i32
      %dma_wait3A_215 = tpu.memref_slice %arg9[%dma_wait3A_205, %dma_wait3A_213, %dma_wait3A_214] : memref<3x112x128xf32, #tpu.memory_space<vmem>> -> memref<1x112x128xf32, #tpu.memory_space<vmem>>
      %dma_wait3A_216 = tpu.memref_squeeze %dma_wait3A_215 : memref<1x112x128xf32, #tpu.memory_space<vmem>> -> memref<112x128xf32, #tpu.memory_space<vmem>>
      %dma_wait3A_217 = arith.constant 0 : i32
      %dma_wait3A_218 = arith.constant 0 : i32
      %dma_wait3A_219 = tpu.memref_slice %arg4[%dma_wait3A_217, %dma_wait3A_218] : memref<10240x128xf32, #tpu.memory_space<hbm>> -> memref<112x128xf32, #tpu.memory_space<hbm>>
      tpu.wait_dma2 semaphore(%arg11 : memref<!tpu.dma_semaphore, #tpu.memory_space<semaphore_mem>>) src(%dma_wait3A_219 : memref<112x128xf32, #tpu.memory_space<hbm>>) dst(%dma_wait3A_216 : memref<112x128xf32, #tpu.memory_space<vmem>>)
      %run_scoped3A_220 = arith.constant 1 : i32
      %run_scoped3A_221 = arith.constant 4 : i32
      "tpu.region"() ({
        %run_scoped3A_517 = tpu.sem_alloc : memref<!tpu.dma_semaphore, #tpu.memory_space<semaphore_mem>>
        %dma_start3A_518 = arith.constant 0 : i32
        %dma_start3A_519 = arith.constant 0 : i32
        %dma_start3A_520 = tpu.memref_slice %arg9[%run_scoped3A_220, %dma_start3A_518, %dma_start3A_519] : memref<3x112x128xf32, #tpu.memory_space<vmem>> -> memref<1x112x128xf32, #tpu.memory_space<vmem>>
        %dma_start3A_521 = tpu.memref_squeeze %dma_start3A_520 : memref<1x112x128xf32, #tpu.memory_space<vmem>> -> memref<112x128xf32, #tpu.memory_space<vmem>>
        %dma_start3A_522 = arith.constant 0 : i32
        %dma_start3A_523 = tpu.memref_slice %arg8[%run_scoped3A_221, %dma_start3A_522] : memref<16x112xi32, #tpu.memory_space<vmem>> -> memref<1x112xi32, #tpu.memory_space<vmem>>
        %dma_start3A_524 = tpu.memref_squeeze %dma_start3A_523 : memref<1x112xi32, #tpu.memory_space<vmem>> -> memref<112xi32, #tpu.memory_space<vmem>>
        %dma_start3A_525 = arith.constant 0 : i32
        %dma_start3A_526 = arith.constant 0 : i32
        %dma_start3A_527 = tpu.memref_slice %arg6[%dma_start3A_525, %dma_start3A_526] : memref<10240x128xf32, #tpu.memory_space<vmem_shared>> -> memref<10240x128xf32, #tpu.memory_space<vmem_shared>>
        tpu.enqueue_indirect_dma source(%dma_start3A_521 : memref<112x128xf32, #tpu.memory_space<vmem>>) target(%dma_start3A_527 : memref<10240x128xf32, #tpu.memory_space<vmem_shared>>) offsets(%dma_start3A_524 : memref<112xi32, #tpu.memory_space<vmem>>) semaphore(%run_scoped3A_517 : memref<!tpu.dma_semaphore, #tpu.memory_space<semaphore_mem>>) {add = true}
        %dma_wait3A_528 = arith.constant 0 : i32
        %dma_wait3A_529 = arith.constant 0 : i32
        %dma_wait3A_530 = tpu.memref_slice %arg9[%run_scoped3A_220, %dma_wait3A_528, %dma_wait3A_529] : memref<3x112x128xf32, #tpu.memory_space<vmem>> -> memref<1x112x128xf32, #tpu.memory_space<vmem>>
        %dma_wait3A_531 = tpu.memref_squeeze %dma_wait3A_530 : memref<1x112x128xf32, #tpu.memory_space<vmem>> -> memref<112x128xf32, #tpu.memory_space<vmem>>
        %dma_wait3A_532 = arith.constant 0 : i32
        %dma_wait3A_533 = tpu.memref_slice %arg8[%run_scoped3A_221, %dma_wait3A_532] : memref<16x112xi32, #tpu.memory_space<vmem>> -> memref<1x112xi32, #tpu.memory_space<vmem>>
        %dma_wait3A_534 = tpu.memref_squeeze %dma_wait3A_533 : memref<1x112xi32, #tpu.memory_space<vmem>> -> memref<112xi32, #tpu.memory_space<vmem>>
        %dma_wait3A_535 = arith.constant 0 : i32
        %dma_wait3A_536 = arith.constant 0 : i32
        %dma_wait3A_537 = tpu.memref_slice %arg6[%dma_wait3A_535, %dma_wait3A_536] : memref<10240x128xf32, #tpu.memory_space<vmem_shared>> -> memref<10240x128xf32, #tpu.memory_space<vmem_shared>>
        tpu.wait_indirect_dma semaphore(%run_scoped3A_517 : memref<!tpu.dma_semaphore, #tpu.memory_space<semaphore_mem>>) src(%dma_wait3A_531 : memref<112x128xf32, #tpu.memory_space<vmem>>) dst(%dma_wait3A_537 : memref<10240x128xf32, #tpu.memory_space<vmem_shared>>)
        tpu.yield
      }) : () -> ()
      %dma_start3A_222 = arith.constant 7 : i32
      %dma_start3A_223 = arith.constant 1 : i32
      %dma_start3A_224 = arith.constant 0 : i32
      %dma_start3A_225 = arith.constant 0 : i32
      %dma_start3A_226 = tpu.memref_slice %arg9[%dma_start3A_223, %dma_start3A_224, %dma_start3A_225] : memref<3x112x128xf32, #tpu.memory_space<vmem>> -> memref<1x112x128xf32, #tpu.memory_space<vmem>>
      %dma_start3A_227 = tpu.memref_squeeze %dma_start3A_226 : memref<1x112x128xf32, #tpu.memory_space<vmem>> -> memref<112x128xf32, #tpu.memory_space<vmem>>
      %dma_start3A_228 = arith.constant 0 : i32
      %dma_start3A_229 = tpu.memref_slice %arg7[%dma_start3A_222, %dma_start3A_228] : memref<16x112xi32, #tpu.memory_space<vmem>> -> memref<1x112xi32, #tpu.memory_space<vmem>>
      %dma_start3A_230 = tpu.memref_squeeze %dma_start3A_229 : memref<1x112xi32, #tpu.memory_space<vmem>> -> memref<112xi32, #tpu.memory_space<vmem>>
      %dma_start3A_231 = arith.constant 0 : i32
      %dma_start3A_232 = arith.constant 0 : i32
      %dma_start3A_233 = tpu.memref_slice %arg4[%dma_start3A_231, %dma_start3A_232] : memref<10240x128xf32, #tpu.memory_space<hbm>> -> memref<10240x128xf32, #tpu.memory_space<hbm>>
      tpu.enqueue_indirect_dma source(%dma_start3A_233 : memref<10240x128xf32, #tpu.memory_space<hbm>>) target(%dma_start3A_227 : memref<112x128xf32, #tpu.memory_space<vmem>>) offsets(%dma_start3A_230 : memref<112xi32, #tpu.memory_space<vmem>>) semaphore(%arg11 : memref<!tpu.dma_semaphore, #tpu.memory_space<semaphore_mem>>)
      %dma_wait3A_234 = arith.constant 2 : i32
      %dma_wait3A_235 = arith.constant 0 : i32
      %dma_wait3A_236 = arith.constant 0 : i32
      %dma_wait3A_237 = tpu.memref_slice %arg9[%dma_wait3A_234, %dma_wait3A_235, %dma_wait3A_236] : memref<3x112x128xf32, #tpu.memory_space<vmem>> -> memref<1x112x128xf32, #tpu.memory_space<vmem>>
      %dma_wait3A_238 = tpu.memref_squeeze %dma_wait3A_237 : memref<1x112x128xf32, #tpu.memory_space<vmem>> -> memref<112x128xf32, #tpu.memory_space<vmem>>
      %dma_wait3A_239 = arith.constant 0 : i32
      %dma_wait3A_240 = arith.constant 0 : i32
      %dma_wait3A_241 = tpu.memref_slice %arg4[%dma_wait3A_239, %dma_wait3A_240] : memref<10240x128xf32, #tpu.memory_space<hbm>> -> memref<112x128xf32, #tpu.memory_space<hbm>>
      %dma_wait3A_242 = arith.constant 0 : i32
      %dma_wait3A_243 = arith.constant 0 : i32
      %dma_wait3A_244 = tpu.memref_slice %arg9[%dma_wait3A_234, %dma_wait3A_242, %dma_wait3A_243] : memref<3x112x128xf32, #tpu.memory_space<vmem>> -> memref<1x112x128xf32, #tpu.memory_space<vmem>>
      %dma_wait3A_245 = tpu.memref_squeeze %dma_wait3A_244 : memref<1x112x128xf32, #tpu.memory_space<vmem>> -> memref<112x128xf32, #tpu.memory_space<vmem>>
      %dma_wait3A_246 = arith.constant 0 : i32
      %dma_wait3A_247 = arith.constant 0 : i32
      %dma_wait3A_248 = tpu.memref_slice %arg4[%dma_wait3A_246, %dma_wait3A_247] : memref<10240x128xf32, #tpu.memory_space<hbm>> -> memref<112x128xf32, #tpu.memory_space<hbm>>
      tpu.wait_dma2 semaphore(%arg12 : memref<!tpu.dma_semaphore, #tpu.memory_space<semaphore_mem>>) src(%dma_wait3A_248 : memref<112x128xf32, #tpu.memory_space<hbm>>) dst(%dma_wait3A_245 : memref<112x128xf32, #tpu.memory_space<vmem>>)
      %run_scoped3A_249 = arith.constant 2 : i32
      %run_scoped3A_250 = arith.constant 5 : i32
      "tpu.region"() ({
        %run_scoped3A_517 = tpu.sem_alloc : memref<!tpu.dma_semaphore, #tpu.memory_space<semaphore_mem>>
        %dma_start3A_518 = arith.constant 0 : i32
        %dma_start3A_519 = arith.constant 0 : i32
        %dma_start3A_520 = tpu.memref_slice %arg9[%run_scoped3A_249, %dma_start3A_518, %dma_start3A_519] : memref<3x112x128xf32, #tpu.memory_space<vmem>> -> memref<1x112x128xf32, #tpu.memory_space<vmem>>
        %dma_start3A_521 = tpu.memref_squeeze %dma_start3A_520 : memref<1x112x128xf32, #tpu.memory_space<vmem>> -> memref<112x128xf32, #tpu.memory_space<vmem>>
        %dma_start3A_522 = arith.constant 0 : i32
        %dma_start3A_523 = tpu.memref_slice %arg8[%run_scoped3A_250, %dma_start3A_522] : memref<16x112xi32, #tpu.memory_space<vmem>> -> memref<1x112xi32, #tpu.memory_space<vmem>>
        %dma_start3A_524 = tpu.memref_squeeze %dma_start3A_523 : memref<1x112xi32, #tpu.memory_space<vmem>> -> memref<112xi32, #tpu.memory_space<vmem>>
        %dma_start3A_525 = arith.constant 0 : i32
        %dma_start3A_526 = arith.constant 0 : i32
        %dma_start3A_527 = tpu.memref_slice %arg6[%dma_start3A_525, %dma_start3A_526] : memref<10240x128xf32, #tpu.memory_space<vmem_shared>> -> memref<10240x128xf32, #tpu.memory_space<vmem_shared>>
        tpu.enqueue_indirect_dma source(%dma_start3A_521 : memref<112x128xf32, #tpu.memory_space<vmem>>) target(%dma_start3A_527 : memref<10240x128xf32, #tpu.memory_space<vmem_shared>>) offsets(%dma_start3A_524 : memref<112xi32, #tpu.memory_space<vmem>>) semaphore(%run_scoped3A_517 : memref<!tpu.dma_semaphore, #tpu.memory_space<semaphore_mem>>) {add = true}
        %dma_wait3A_528 = arith.constant 0 : i32
        %dma_wait3A_529 = arith.constant 0 : i32
        %dma_wait3A_530 = tpu.memref_slice %arg9[%run_scoped3A_249, %dma_wait3A_528, %dma_wait3A_529] : memref<3x112x128xf32, #tpu.memory_space<vmem>> -> memref<1x112x128xf32, #tpu.memory_space<vmem>>
        %dma_wait3A_531 = tpu.memref_squeeze %dma_wait3A_530 : memref<1x112x128xf32, #tpu.memory_space<vmem>> -> memref<112x128xf32, #tpu.memory_space<vmem>>
        %dma_wait3A_532 = arith.constant 0 : i32
        %dma_wait3A_533 = tpu.memref_slice %arg8[%run_scoped3A_250, %dma_wait3A_532] : memref<16x112xi32, #tpu.memory_space<vmem>> -> memref<1x112xi32, #tpu.memory_space<vmem>>
        %dma_wait3A_534 = tpu.memref_squeeze %dma_wait3A_533 : memref<1x112xi32, #tpu.memory_space<vmem>> -> memref<112xi32, #tpu.memory_space<vmem>>
        %dma_wait3A_535 = arith.constant 0 : i32
        %dma_wait3A_536 = arith.constant 0 : i32
        %dma_wait3A_537 = tpu.memref_slice %arg6[%dma_wait3A_535, %dma_wait3A_536] : memref<10240x128xf32, #tpu.memory_space<vmem_shared>> -> memref<10240x128xf32, #tpu.memory_space<vmem_shared>>
        tpu.wait_indirect_dma semaphore(%run_scoped3A_517 : memref<!tpu.dma_semaphore, #tpu.memory_space<semaphore_mem>>) src(%dma_wait3A_531 : memref<112x128xf32, #tpu.memory_space<vmem>>) dst(%dma_wait3A_537 : memref<10240x128xf32, #tpu.memory_space<vmem_shared>>)
        tpu.yield
      }) : () -> ()
      %dma_start3A_251 = arith.constant 8 : i32
      %dma_start3A_252 = arith.constant 2 : i32
      %dma_start3A_253 = arith.constant 0 : i32
      %dma_start3A_254 = arith.constant 0 : i32
      %dma_start3A_255 = tpu.memref_slice %arg9[%dma_start3A_252, %dma_start3A_253, %dma_start3A_254] : memref<3x112x128xf32, #tpu.memory_space<vmem>> -> memref<1x112x128xf32, #tpu.memory_space<vmem>>
      %dma_start3A_256 = tpu.memref_squeeze %dma_start3A_255 : memref<1x112x128xf32, #tpu.memory_space<vmem>> -> memref<112x128xf32, #tpu.memory_space<vmem>>
      %dma_start3A_257 = arith.constant 0 : i32
      %dma_start3A_258 = tpu.memref_slice %arg7[%dma_start3A_251, %dma_start3A_257] : memref<16x112xi32, #tpu.memory_space<vmem>> -> memref<1x112xi32, #tpu.memory_space<vmem>>
      %dma_start3A_259 = tpu.memref_squeeze %dma_start3A_258 : memref<1x112xi32, #tpu.memory_space<vmem>> -> memref<112xi32, #tpu.memory_space<vmem>>
      %dma_start3A_260 = arith.constant 0 : i32
      %dma_start3A_261 = arith.constant 0 : i32
      %dma_start3A_262 = tpu.memref_slice %arg4[%dma_start3A_260, %dma_start3A_261] : memref<10240x128xf32, #tpu.memory_space<hbm>> -> memref<10240x128xf32, #tpu.memory_space<hbm>>
      tpu.enqueue_indirect_dma source(%dma_start3A_262 : memref<10240x128xf32, #tpu.memory_space<hbm>>) target(%dma_start3A_256 : memref<112x128xf32, #tpu.memory_space<vmem>>) offsets(%dma_start3A_259 : memref<112xi32, #tpu.memory_space<vmem>>) semaphore(%arg12 : memref<!tpu.dma_semaphore, #tpu.memory_space<semaphore_mem>>)
      %dma_wait3A_263 = arith.constant 0 : i32
      %dma_wait3A_264 = arith.constant 0 : i32
      %dma_wait3A_265 = arith.constant 0 : i32
      %dma_wait3A_266 = tpu.memref_slice %arg9[%dma_wait3A_263, %dma_wait3A_264, %dma_wait3A_265] : memref<3x112x128xf32, #tpu.memory_space<vmem>> -> memref<1x112x128xf32, #tpu.memory_space<vmem>>
      %dma_wait3A_267 = tpu.memref_squeeze %dma_wait3A_266 : memref<1x112x128xf32, #tpu.memory_space<vmem>> -> memref<112x128xf32, #tpu.memory_space<vmem>>
      %dma_wait3A_268 = arith.constant 0 : i32
      %dma_wait3A_269 = arith.constant 0 : i32
      %dma_wait3A_270 = tpu.memref_slice %arg4[%dma_wait3A_268, %dma_wait3A_269] : memref<10240x128xf32, #tpu.memory_space<hbm>> -> memref<112x128xf32, #tpu.memory_space<hbm>>
      %dma_wait3A_271 = arith.constant 0 : i32
      %dma_wait3A_272 = arith.constant 0 : i32
      %dma_wait3A_273 = tpu.memref_slice %arg9[%dma_wait3A_263, %dma_wait3A_271, %dma_wait3A_272] : memref<3x112x128xf32, #tpu.memory_space<vmem>> -> memref<1x112x128xf32, #tpu.memory_space<vmem>>
      %dma_wait3A_274 = tpu.memref_squeeze %dma_wait3A_273 : memref<1x112x128xf32, #tpu.memory_space<vmem>> -> memref<112x128xf32, #tpu.memory_space<vmem>>
      %dma_wait3A_275 = arith.constant 0 : i32
      %dma_wait3A_276 = arith.constant 0 : i32
      %dma_wait3A_277 = tpu.memref_slice %arg4[%dma_wait3A_275, %dma_wait3A_276] : memref<10240x128xf32, #tpu.memory_space<hbm>> -> memref<112x128xf32, #tpu.memory_space<hbm>>
      tpu.wait_dma2 semaphore(%arg10 : memref<!tpu.dma_semaphore, #tpu.memory_space<semaphore_mem>>) src(%dma_wait3A_277 : memref<112x128xf32, #tpu.memory_space<hbm>>) dst(%dma_wait3A_274 : memref<112x128xf32, #tpu.memory_space<vmem>>)
      %run_scoped3A_278 = arith.constant 0 : i32
      %run_scoped3A_279 = arith.constant 6 : i32
      "tpu.region"() ({
        %run_scoped3A_517 = tpu.sem_alloc : memref<!tpu.dma_semaphore, #tpu.memory_space<semaphore_mem>>
        %dma_start3A_518 = arith.constant 0 : i32
        %dma_start3A_519 = arith.constant 0 : i32
        %dma_start3A_520 = tpu.memref_slice %arg9[%run_scoped3A_278, %dma_start3A_518, %dma_start3A_519] : memref<3x112x128xf32, #tpu.memory_space<vmem>> -> memref<1x112x128xf32, #tpu.memory_space<vmem>>
        %dma_start3A_521 = tpu.memref_squeeze %dma_start3A_520 : memref<1x112x128xf32, #tpu.memory_space<vmem>> -> memref<112x128xf32, #tpu.memory_space<vmem>>
        %dma_start3A_522 = arith.constant 0 : i32
        %dma_start3A_523 = tpu.memref_slice %arg8[%run_scoped3A_279, %dma_start3A_522] : memref<16x112xi32, #tpu.memory_space<vmem>> -> memref<1x112xi32, #tpu.memory_space<vmem>>
        %dma_start3A_524 = tpu.memref_squeeze %dma_start3A_523 : memref<1x112xi32, #tpu.memory_space<vmem>> -> memref<112xi32, #tpu.memory_space<vmem>>
        %dma_start3A_525 = arith.constant 0 : i32
        %dma_start3A_526 = arith.constant 0 : i32
        %dma_start3A_527 = tpu.memref_slice %arg6[%dma_start3A_525, %dma_start3A_526] : memref<10240x128xf32, #tpu.memory_space<vmem_shared>> -> memref<10240x128xf32, #tpu.memory_space<vmem_shared>>
        tpu.enqueue_indirect_dma source(%dma_start3A_521 : memref<112x128xf32, #tpu.memory_space<vmem>>) target(%dma_start3A_527 : memref<10240x128xf32, #tpu.memory_space<vmem_shared>>) offsets(%dma_start3A_524 : memref<112xi32, #tpu.memory_space<vmem>>) semaphore(%run_scoped3A_517 : memref<!tpu.dma_semaphore, #tpu.memory_space<semaphore_mem>>) {add = true}
        %dma_wait3A_528 = arith.constant 0 : i32
        %dma_wait3A_529 = arith.constant 0 : i32
        %dma_wait3A_530 = tpu.memref_slice %arg9[%run_scoped3A_278, %dma_wait3A_528, %dma_wait3A_529] : memref<3x112x128xf32, #tpu.memory_space<vmem>> -> memref<1x112x128xf32, #tpu.memory_space<vmem>>
        %dma_wait3A_531 = tpu.memref_squeeze %dma_wait3A_530 : memref<1x112x128xf32, #tpu.memory_space<vmem>> -> memref<112x128xf32, #tpu.memory_space<vmem>>
        %dma_wait3A_532 = arith.constant 0 : i32
        %dma_wait3A_533 = tpu.memref_slice %arg8[%run_scoped3A_279, %dma_wait3A_532] : memref<16x112xi32, #tpu.memory_space<vmem>> -> memref<1x112xi32, #tpu.memory_space<vmem>>
        %dma_wait3A_534 = tpu.memref_squeeze %dma_wait3A_533 : memref<1x112xi32, #tpu.memory_space<vmem>> -> memref<112xi32, #tpu.memory_space<vmem>>
        %dma_wait3A_535 = arith.constant 0 : i32
        %dma_wait3A_536 = arith.constant 0 : i32
        %dma_wait3A_537 = tpu.memref_slice %arg6[%dma_wait3A_535, %dma_wait3A_536] : memref<10240x128xf32, #tpu.memory_space<vmem_shared>> -> memref<10240x128xf32, #tpu.memory_space<vmem_shared>>
        tpu.wait_indirect_dma semaphore(%run_scoped3A_517 : memref<!tpu.dma_semaphore, #tpu.memory_space<semaphore_mem>>) src(%dma_wait3A_531 : memref<112x128xf32, #tpu.memory_space<vmem>>) dst(%dma_wait3A_537 : memref<10240x128xf32, #tpu.memory_space<vmem_shared>>)
        tpu.yield
      }) : () -> ()
      %dma_start3A_280 = arith.constant 9 : i32
      %dma_start3A_281 = arith.constant 0 : i32
      %dma_start3A_282 = arith.constant 0 : i32
      %dma_start3A_283 = arith.constant 0 : i32
      %dma_start3A_284 = tpu.memref_slice %arg9[%dma_start3A_281, %dma_start3A_282, %dma_start3A_283] : memref<3x112x128xf32, #tpu.memory_space<vmem>> -> memref<1x112x128xf32, #tpu.memory_space<vmem>>
      %dma_start3A_285 = tpu.memref_squeeze %dma_start3A_284 : memref<1x112x128xf32, #tpu.memory_space<vmem>> -> memref<112x128xf32, #tpu.memory_space<vmem>>
      %dma_start3A_286 = arith.constant 0 : i32
      %dma_start3A_287 = tpu.memref_slice %arg7[%dma_start3A_280, %dma_start3A_286] : memref<16x112xi32, #tpu.memory_space<vmem>> -> memref<1x112xi32, #tpu.memory_space<vmem>>
      %dma_start3A_288 = tpu.memref_squeeze %dma_start3A_287 : memref<1x112xi32, #tpu.memory_space<vmem>> -> memref<112xi32, #tpu.memory_space<vmem>>
      %dma_start3A_289 = arith.constant 0 : i32
      %dma_start3A_290 = arith.constant 0 : i32
      %dma_start3A_291 = tpu.memref_slice %arg4[%dma_start3A_289, %dma_start3A_290] : memref<10240x128xf32, #tpu.memory_space<hbm>> -> memref<10240x128xf32, #tpu.memory_space<hbm>>
      tpu.enqueue_indirect_dma source(%dma_start3A_291 : memref<10240x128xf32, #tpu.memory_space<hbm>>) target(%dma_start3A_285 : memref<112x128xf32, #tpu.memory_space<vmem>>) offsets(%dma_start3A_288 : memref<112xi32, #tpu.memory_space<vmem>>) semaphore(%arg10 : memref<!tpu.dma_semaphore, #tpu.memory_space<semaphore_mem>>)
      %dma_wait3A_292 = arith.constant 1 : i32
      %dma_wait3A_293 = arith.constant 0 : i32
      %dma_wait3A_294 = arith.constant 0 : i32
      %dma_wait3A_295 = tpu.memref_slice %arg9[%dma_wait3A_292, %dma_wait3A_293, %dma_wait3A_294] : memref<3x112x128xf32, #tpu.memory_space<vmem>> -> memref<1x112x128xf32, #tpu.memory_space<vmem>>
      %dma_wait3A_296 = tpu.memref_squeeze %dma_wait3A_295 : memref<1x112x128xf32, #tpu.memory_space<vmem>> -> memref<112x128xf32, #tpu.memory_space<vmem>>
      %dma_wait3A_297 = arith.constant 0 : i32
      %dma_wait3A_298 = arith.constant 0 : i32
      %dma_wait3A_299 = tpu.memref_slice %arg4[%dma_wait3A_297, %dma_wait3A_298] : memref<10240x128xf32, #tpu.memory_space<hbm>> -> memref<112x128xf32, #tpu.memory_space<hbm>>
      %dma_wait3A_300 = arith.constant 0 : i32
      %dma_wait3A_301 = arith.constant 0 : i32
      %dma_wait3A_302 = tpu.memref_slice %arg9[%dma_wait3A_292, %dma_wait3A_300, %dma_wait3A_301] : memref<3x112x128xf32, #tpu.memory_space<vmem>> -> memref<1x112x128xf32, #tpu.memory_space<vmem>>
      %dma_wait3A_303 = tpu.memref_squeeze %dma_wait3A_302 : memref<1x112x128xf32, #tpu.memory_space<vmem>> -> memref<112x128xf32, #tpu.memory_space<vmem>>
      %dma_wait3A_304 = arith.constant 0 : i32
      %dma_wait3A_305 = arith.constant 0 : i32
      %dma_wait3A_306 = tpu.memref_slice %arg4[%dma_wait3A_304, %dma_wait3A_305] : memref<10240x128xf32, #tpu.memory_space<hbm>> -> memref<112x128xf32, #tpu.memory_space<hbm>>
      tpu.wait_dma2 semaphore(%arg11 : memref<!tpu.dma_semaphore, #tpu.memory_space<semaphore_mem>>) src(%dma_wait3A_306 : memref<112x128xf32, #tpu.memory_space<hbm>>) dst(%dma_wait3A_303 : memref<112x128xf32, #tpu.memory_space<vmem>>)
      %run_scoped3A_307 = arith.constant 1 : i32
      %run_scoped3A_308 = arith.constant 7 : i32
      "tpu.region"() ({
        %run_scoped3A_517 = tpu.sem_alloc : memref<!tpu.dma_semaphore, #tpu.memory_space<semaphore_mem>>
        %dma_start3A_518 = arith.constant 0 : i32
        %dma_start3A_519 = arith.constant 0 : i32
        %dma_start3A_520 = tpu.memref_slice %arg9[%run_scoped3A_307, %dma_start3A_518, %dma_start3A_519] : memref<3x112x128xf32, #tpu.memory_space<vmem>> -> memref<1x112x128xf32, #tpu.memory_space<vmem>>
        %dma_start3A_521 = tpu.memref_squeeze %dma_start3A_520 : memref<1x112x128xf32, #tpu.memory_space<vmem>> -> memref<112x128xf32, #tpu.memory_space<vmem>>
        %dma_start3A_522 = arith.constant 0 : i32
        %dma_start3A_523 = tpu.memref_slice %arg8[%run_scoped3A_308, %dma_start3A_522] : memref<16x112xi32, #tpu.memory_space<vmem>> -> memref<1x112xi32, #tpu.memory_space<vmem>>
        %dma_start3A_524 = tpu.memref_squeeze %dma_start3A_523 : memref<1x112xi32, #tpu.memory_space<vmem>> -> memref<112xi32, #tpu.memory_space<vmem>>
        %dma_start3A_525 = arith.constant 0 : i32
        %dma_start3A_526 = arith.constant 0 : i32
        %dma_start3A_527 = tpu.memref_slice %arg6[%dma_start3A_525, %dma_start3A_526] : memref<10240x128xf32, #tpu.memory_space<vmem_shared>> -> memref<10240x128xf32, #tpu.memory_space<vmem_shared>>
        tpu.enqueue_indirect_dma source(%dma_start3A_521 : memref<112x128xf32, #tpu.memory_space<vmem>>) target(%dma_start3A_527 : memref<10240x128xf32, #tpu.memory_space<vmem_shared>>) offsets(%dma_start3A_524 : memref<112xi32, #tpu.memory_space<vmem>>) semaphore(%run_scoped3A_517 : memref<!tpu.dma_semaphore, #tpu.memory_space<semaphore_mem>>) {add = true}
        %dma_wait3A_528 = arith.constant 0 : i32
        %dma_wait3A_529 = arith.constant 0 : i32
        %dma_wait3A_530 = tpu.memref_slice %arg9[%run_scoped3A_307, %dma_wait3A_528, %dma_wait3A_529] : memref<3x112x128xf32, #tpu.memory_space<vmem>> -> memref<1x112x128xf32, #tpu.memory_space<vmem>>
        %dma_wait3A_531 = tpu.memref_squeeze %dma_wait3A_530 : memref<1x112x128xf32, #tpu.memory_space<vmem>> -> memref<112x128xf32, #tpu.memory_space<vmem>>
        %dma_wait3A_532 = arith.constant 0 : i32
        %dma_wait3A_533 = tpu.memref_slice %arg8[%run_scoped3A_308, %dma_wait3A_532] : memref<16x112xi32, #tpu.memory_space<vmem>> -> memref<1x112xi32, #tpu.memory_space<vmem>>
        %dma_wait3A_534 = tpu.memref_squeeze %dma_wait3A_533 : memref<1x112xi32, #tpu.memory_space<vmem>> -> memref<112xi32, #tpu.memory_space<vmem>>
        %dma_wait3A_535 = arith.constant 0 : i32
        %dma_wait3A_536 = arith.constant 0 : i32
        %dma_wait3A_537 = tpu.memref_slice %arg6[%dma_wait3A_535, %dma_wait3A_536] : memref<10240x128xf32, #tpu.memory_space<vmem_shared>> -> memref<10240x128xf32, #tpu.memory_space<vmem_shared>>
        tpu.wait_indirect_dma semaphore(%run_scoped3A_517 : memref<!tpu.dma_semaphore, #tpu.memory_space<semaphore_mem>>) src(%dma_wait3A_531 : memref<112x128xf32, #tpu.memory_space<vmem>>) dst(%dma_wait3A_537 : memref<10240x128xf32, #tpu.memory_space<vmem_shared>>)
        tpu.yield
      }) : () -> ()
      %dma_start3A_309 = arith.constant 10 : i32
      %dma_start3A_310 = arith.constant 1 : i32
      %dma_start3A_311 = arith.constant 0 : i32
      %dma_start3A_312 = arith.constant 0 : i32
      %dma_start3A_313 = tpu.memref_slice %arg9[%dma_start3A_310, %dma_start3A_311, %dma_start3A_312] : memref<3x112x128xf32, #tpu.memory_space<vmem>> -> memref<1x112x128xf32, #tpu.memory_space<vmem>>
      %dma_start3A_314 = tpu.memref_squeeze %dma_start3A_313 : memref<1x112x128xf32, #tpu.memory_space<vmem>> -> memref<112x128xf32, #tpu.memory_space<vmem>>
      %dma_start3A_315 = arith.constant 0 : i32
      %dma_start3A_316 = tpu.memref_slice %arg7[%dma_start3A_309, %dma_start3A_315] : memref<16x112xi32, #tpu.memory_space<vmem>> -> memref<1x112xi32, #tpu.memory_space<vmem>>
      %dma_start3A_317 = tpu.memref_squeeze %dma_start3A_316 : memref<1x112xi32, #tpu.memory_space<vmem>> -> memref<112xi32, #tpu.memory_space<vmem>>
      %dma_start3A_318 = arith.constant 0 : i32
      %dma_start3A_319 = arith.constant 0 : i32
      %dma_start3A_320 = tpu.memref_slice %arg4[%dma_start3A_318, %dma_start3A_319] : memref<10240x128xf32, #tpu.memory_space<hbm>> -> memref<10240x128xf32, #tpu.memory_space<hbm>>
      tpu.enqueue_indirect_dma source(%dma_start3A_320 : memref<10240x128xf32, #tpu.memory_space<hbm>>) target(%dma_start3A_314 : memref<112x128xf32, #tpu.memory_space<vmem>>) offsets(%dma_start3A_317 : memref<112xi32, #tpu.memory_space<vmem>>) semaphore(%arg11 : memref<!tpu.dma_semaphore, #tpu.memory_space<semaphore_mem>>)
      %dma_wait3A_321 = arith.constant 2 : i32
      %dma_wait3A_322 = arith.constant 0 : i32
      %dma_wait3A_323 = arith.constant 0 : i32
      %dma_wait3A_324 = tpu.memref_slice %arg9[%dma_wait3A_321, %dma_wait3A_322, %dma_wait3A_323] : memref<3x112x128xf32, #tpu.memory_space<vmem>> -> memref<1x112x128xf32, #tpu.memory_space<vmem>>
      %dma_wait3A_325 = tpu.memref_squeeze %dma_wait3A_324 : memref<1x112x128xf32, #tpu.memory_space<vmem>> -> memref<112x128xf32, #tpu.memory_space<vmem>>
      %dma_wait3A_326 = arith.constant 0 : i32
      %dma_wait3A_327 = arith.constant 0 : i32
      %dma_wait3A_328 = tpu.memref_slice %arg4[%dma_wait3A_326, %dma_wait3A_327] : memref<10240x128xf32, #tpu.memory_space<hbm>> -> memref<112x128xf32, #tpu.memory_space<hbm>>
      %dma_wait3A_329 = arith.constant 0 : i32
      %dma_wait3A_330 = arith.constant 0 : i32
      %dma_wait3A_331 = tpu.memref_slice %arg9[%dma_wait3A_321, %dma_wait3A_329, %dma_wait3A_330] : memref<3x112x128xf32, #tpu.memory_space<vmem>> -> memref<1x112x128xf32, #tpu.memory_space<vmem>>
      %dma_wait3A_332 = tpu.memref_squeeze %dma_wait3A_331 : memref<1x112x128xf32, #tpu.memory_space<vmem>> -> memref<112x128xf32, #tpu.memory_space<vmem>>
      %dma_wait3A_333 = arith.constant 0 : i32
      %dma_wait3A_334 = arith.constant 0 : i32
      %dma_wait3A_335 = tpu.memref_slice %arg4[%dma_wait3A_333, %dma_wait3A_334] : memref<10240x128xf32, #tpu.memory_space<hbm>> -> memref<112x128xf32, #tpu.memory_space<hbm>>
      tpu.wait_dma2 semaphore(%arg12 : memref<!tpu.dma_semaphore, #tpu.memory_space<semaphore_mem>>) src(%dma_wait3A_335 : memref<112x128xf32, #tpu.memory_space<hbm>>) dst(%dma_wait3A_332 : memref<112x128xf32, #tpu.memory_space<vmem>>)
      %run_scoped3A_336 = arith.constant 2 : i32
      %run_scoped3A_337 = arith.constant 8 : i32
      "tpu.region"() ({
        %run_scoped3A_517 = tpu.sem_alloc : memref<!tpu.dma_semaphore, #tpu.memory_space<semaphore_mem>>
        %dma_start3A_518 = arith.constant 0 : i32
        %dma_start3A_519 = arith.constant 0 : i32
        %dma_start3A_520 = tpu.memref_slice %arg9[%run_scoped3A_336, %dma_start3A_518, %dma_start3A_519] : memref<3x112x128xf32, #tpu.memory_space<vmem>> -> memref<1x112x128xf32, #tpu.memory_space<vmem>>
        %dma_start3A_521 = tpu.memref_squeeze %dma_start3A_520 : memref<1x112x128xf32, #tpu.memory_space<vmem>> -> memref<112x128xf32, #tpu.memory_space<vmem>>
        %dma_start3A_522 = arith.constant 0 : i32
        %dma_start3A_523 = tpu.memref_slice %arg8[%run_scoped3A_337, %dma_start3A_522] : memref<16x112xi32, #tpu.memory_space<vmem>> -> memref<1x112xi32, #tpu.memory_space<vmem>>
        %dma_start3A_524 = tpu.memref_squeeze %dma_start3A_523 : memref<1x112xi32, #tpu.memory_space<vmem>> -> memref<112xi32, #tpu.memory_space<vmem>>
        %dma_start3A_525 = arith.constant 0 : i32
        %dma_start3A_526 = arith.constant 0 : i32
        %dma_start3A_527 = tpu.memref_slice %arg6[%dma_start3A_525, %dma_start3A_526] : memref<10240x128xf32, #tpu.memory_space<vmem_shared>> -> memref<10240x128xf32, #tpu.memory_space<vmem_shared>>
        tpu.enqueue_indirect_dma source(%dma_start3A_521 : memref<112x128xf32, #tpu.memory_space<vmem>>) target(%dma_start3A_527 : memref<10240x128xf32, #tpu.memory_space<vmem_shared>>) offsets(%dma_start3A_524 : memref<112xi32, #tpu.memory_space<vmem>>) semaphore(%run_scoped3A_517 : memref<!tpu.dma_semaphore, #tpu.memory_space<semaphore_mem>>) {add = true}
        %dma_wait3A_528 = arith.constant 0 : i32
        %dma_wait3A_529 = arith.constant 0 : i32
        %dma_wait3A_530 = tpu.memref_slice %arg9[%run_scoped3A_336, %dma_wait3A_528, %dma_wait3A_529] : memref<3x112x128xf32, #tpu.memory_space<vmem>> -> memref<1x112x128xf32, #tpu.memory_space<vmem>>
        %dma_wait3A_531 = tpu.memref_squeeze %dma_wait3A_530 : memref<1x112x128xf32, #tpu.memory_space<vmem>> -> memref<112x128xf32, #tpu.memory_space<vmem>>
        %dma_wait3A_532 = arith.constant 0 : i32
        %dma_wait3A_533 = tpu.memref_slice %arg8[%run_scoped3A_337, %dma_wait3A_532] : memref<16x112xi32, #tpu.memory_space<vmem>> -> memref<1x112xi32, #tpu.memory_space<vmem>>
        %dma_wait3A_534 = tpu.memref_squeeze %dma_wait3A_533 : memref<1x112xi32, #tpu.memory_space<vmem>> -> memref<112xi32, #tpu.memory_space<vmem>>
        %dma_wait3A_535 = arith.constant 0 : i32
        %dma_wait3A_536 = arith.constant 0 : i32
        %dma_wait3A_537 = tpu.memref_slice %arg6[%dma_wait3A_535, %dma_wait3A_536] : memref<10240x128xf32, #tpu.memory_space<vmem_shared>> -> memref<10240x128xf32, #tpu.memory_space<vmem_shared>>
        tpu.wait_indirect_dma semaphore(%run_scoped3A_517 : memref<!tpu.dma_semaphore, #tpu.memory_space<semaphore_mem>>) src(%dma_wait3A_531 : memref<112x128xf32, #tpu.memory_space<vmem>>) dst(%dma_wait3A_537 : memref<10240x128xf32, #tpu.memory_space<vmem_shared>>)
        tpu.yield
      }) : () -> ()
      %dma_start3A_338 = arith.constant 11 : i32
      %dma_start3A_339 = arith.constant 2 : i32
      %dma_start3A_340 = arith.constant 0 : i32
      %dma_start3A_341 = arith.constant 0 : i32
      %dma_start3A_342 = tpu.memref_slice %arg9[%dma_start3A_339, %dma_start3A_340, %dma_start3A_341] : memref<3x112x128xf32, #tpu.memory_space<vmem>> -> memref<1x112x128xf32, #tpu.memory_space<vmem>>
      %dma_start3A_343 = tpu.memref_squeeze %dma_start3A_342 : memref<1x112x128xf32, #tpu.memory_space<vmem>> -> memref<112x128xf32, #tpu.memory_space<vmem>>
      %dma_start3A_344 = arith.constant 0 : i32
      %dma_start3A_345 = tpu.memref_slice %arg7[%dma_start3A_338, %dma_start3A_344] : memref<16x112xi32, #tpu.memory_space<vmem>> -> memref<1x112xi32, #tpu.memory_space<vmem>>
      %dma_start3A_346 = tpu.memref_squeeze %dma_start3A_345 : memref<1x112xi32, #tpu.memory_space<vmem>> -> memref<112xi32, #tpu.memory_space<vmem>>
      %dma_start3A_347 = arith.constant 0 : i32
      %dma_start3A_348 = arith.constant 0 : i32
      %dma_start3A_349 = tpu.memref_slice %arg4[%dma_start3A_347, %dma_start3A_348] : memref<10240x128xf32, #tpu.memory_space<hbm>> -> memref<10240x128xf32, #tpu.memory_space<hbm>>
      tpu.enqueue_indirect_dma source(%dma_start3A_349 : memref<10240x128xf32, #tpu.memory_space<hbm>>) target(%dma_start3A_343 : memref<112x128xf32, #tpu.memory_space<vmem>>) offsets(%dma_start3A_346 : memref<112xi32, #tpu.memory_space<vmem>>) semaphore(%arg12 : memref<!tpu.dma_semaphore, #tpu.memory_space<semaphore_mem>>)
      %dma_wait3A_350 = arith.constant 0 : i32
      %dma_wait3A_351 = arith.constant 0 : i32
      %dma_wait3A_352 = arith.constant 0 : i32
      %dma_wait3A_353 = tpu.memref_slice %arg9[%dma_wait3A_350, %dma_wait3A_351, %dma_wait3A_352] : memref<3x112x128xf32, #tpu.memory_space<vmem>> -> memref<1x112x128xf32, #tpu.memory_space<vmem>>
      %dma_wait3A_354 = tpu.memref_squeeze %dma_wait3A_353 : memref<1x112x128xf32, #tpu.memory_space<vmem>> -> memref<112x128xf32, #tpu.memory_space<vmem>>
      %dma_wait3A_355 = arith.constant 0 : i32
      %dma_wait3A_356 = arith.constant 0 : i32
      %dma_wait3A_357 = tpu.memref_slice %arg4[%dma_wait3A_355, %dma_wait3A_356] : memref<10240x128xf32, #tpu.memory_space<hbm>> -> memref<112x128xf32, #tpu.memory_space<hbm>>
      %dma_wait3A_358 = arith.constant 0 : i32
      %dma_wait3A_359 = arith.constant 0 : i32
      %dma_wait3A_360 = tpu.memref_slice %arg9[%dma_wait3A_350, %dma_wait3A_358, %dma_wait3A_359] : memref<3x112x128xf32, #tpu.memory_space<vmem>> -> memref<1x112x128xf32, #tpu.memory_space<vmem>>
      %dma_wait3A_361 = tpu.memref_squeeze %dma_wait3A_360 : memref<1x112x128xf32, #tpu.memory_space<vmem>> -> memref<112x128xf32, #tpu.memory_space<vmem>>
      %dma_wait3A_362 = arith.constant 0 : i32
      %dma_wait3A_363 = arith.constant 0 : i32
      %dma_wait3A_364 = tpu.memref_slice %arg4[%dma_wait3A_362, %dma_wait3A_363] : memref<10240x128xf32, #tpu.memory_space<hbm>> -> memref<112x128xf32, #tpu.memory_space<hbm>>
      tpu.wait_dma2 semaphore(%arg10 : memref<!tpu.dma_semaphore, #tpu.memory_space<semaphore_mem>>) src(%dma_wait3A_364 : memref<112x128xf32, #tpu.memory_space<hbm>>) dst(%dma_wait3A_361 : memref<112x128xf32, #tpu.memory_space<vmem>>)
      %run_scoped3A_365 = arith.constant 0 : i32
      %run_scoped3A_366 = arith.constant 9 : i32
      "tpu.region"() ({
        %run_scoped3A_517 = tpu.sem_alloc : memref<!tpu.dma_semaphore, #tpu.memory_space<semaphore_mem>>
        %dma_start3A_518 = arith.constant 0 : i32
        %dma_start3A_519 = arith.constant 0 : i32
        %dma_start3A_520 = tpu.memref_slice %arg9[%run_scoped3A_365, %dma_start3A_518, %dma_start3A_519] : memref<3x112x128xf32, #tpu.memory_space<vmem>> -> memref<1x112x128xf32, #tpu.memory_space<vmem>>
        %dma_start3A_521 = tpu.memref_squeeze %dma_start3A_520 : memref<1x112x128xf32, #tpu.memory_space<vmem>> -> memref<112x128xf32, #tpu.memory_space<vmem>>
        %dma_start3A_522 = arith.constant 0 : i32
        %dma_start3A_523 = tpu.memref_slice %arg8[%run_scoped3A_366, %dma_start3A_522] : memref<16x112xi32, #tpu.memory_space<vmem>> -> memref<1x112xi32, #tpu.memory_space<vmem>>
        %dma_start3A_524 = tpu.memref_squeeze %dma_start3A_523 : memref<1x112xi32, #tpu.memory_space<vmem>> -> memref<112xi32, #tpu.memory_space<vmem>>
        %dma_start3A_525 = arith.constant 0 : i32
        %dma_start3A_526 = arith.constant 0 : i32
        %dma_start3A_527 = tpu.memref_slice %arg6[%dma_start3A_525, %dma_start3A_526] : memref<10240x128xf32, #tpu.memory_space<vmem_shared>> -> memref<10240x128xf32, #tpu.memory_space<vmem_shared>>
        tpu.enqueue_indirect_dma source(%dma_start3A_521 : memref<112x128xf32, #tpu.memory_space<vmem>>) target(%dma_start3A_527 : memref<10240x128xf32, #tpu.memory_space<vmem_shared>>) offsets(%dma_start3A_524 : memref<112xi32, #tpu.memory_space<vmem>>) semaphore(%run_scoped3A_517 : memref<!tpu.dma_semaphore, #tpu.memory_space<semaphore_mem>>) {add = true}
        %dma_wait3A_528 = arith.constant 0 : i32
        %dma_wait3A_529 = arith.constant 0 : i32
        %dma_wait3A_530 = tpu.memref_slice %arg9[%run_scoped3A_365, %dma_wait3A_528, %dma_wait3A_529] : memref<3x112x128xf32, #tpu.memory_space<vmem>> -> memref<1x112x128xf32, #tpu.memory_space<vmem>>
        %dma_wait3A_531 = tpu.memref_squeeze %dma_wait3A_530 : memref<1x112x128xf32, #tpu.memory_space<vmem>> -> memref<112x128xf32, #tpu.memory_space<vmem>>
        %dma_wait3A_532 = arith.constant 0 : i32
        %dma_wait3A_533 = tpu.memref_slice %arg8[%run_scoped3A_366, %dma_wait3A_532] : memref<16x112xi32, #tpu.memory_space<vmem>> -> memref<1x112xi32, #tpu.memory_space<vmem>>
        %dma_wait3A_534 = tpu.memref_squeeze %dma_wait3A_533 : memref<1x112xi32, #tpu.memory_space<vmem>> -> memref<112xi32, #tpu.memory_space<vmem>>
        %dma_wait3A_535 = arith.constant 0 : i32
        %dma_wait3A_536 = arith.constant 0 : i32
        %dma_wait3A_537 = tpu.memref_slice %arg6[%dma_wait3A_535, %dma_wait3A_536] : memref<10240x128xf32, #tpu.memory_space<vmem_shared>> -> memref<10240x128xf32, #tpu.memory_space<vmem_shared>>
        tpu.wait_indirect_dma semaphore(%run_scoped3A_517 : memref<!tpu.dma_semaphore, #tpu.memory_space<semaphore_mem>>) src(%dma_wait3A_531 : memref<112x128xf32, #tpu.memory_space<vmem>>) dst(%dma_wait3A_537 : memref<10240x128xf32, #tpu.memory_space<vmem_shared>>)
        tpu.yield
      }) : () -> ()
      %dma_start3A_367 = arith.constant 12 : i32
      %dma_start3A_368 = arith.constant 0 : i32
      %dma_start3A_369 = arith.constant 0 : i32
      %dma_start3A_370 = arith.constant 0 : i32
      %dma_start3A_371 = tpu.memref_slice %arg9[%dma_start3A_368, %dma_start3A_369, %dma_start3A_370] : memref<3x112x128xf32, #tpu.memory_space<vmem>> -> memref<1x112x128xf32, #tpu.memory_space<vmem>>
      %dma_start3A_372 = tpu.memref_squeeze %dma_start3A_371 : memref<1x112x128xf32, #tpu.memory_space<vmem>> -> memref<112x128xf32, #tpu.memory_space<vmem>>
      %dma_start3A_373 = arith.constant 0 : i32
      %dma_start3A_374 = tpu.memref_slice %arg7[%dma_start3A_367, %dma_start3A_373] : memref<16x112xi32, #tpu.memory_space<vmem>> -> memref<1x112xi32, #tpu.memory_space<vmem>>
      %dma_start3A_375 = tpu.memref_squeeze %dma_start3A_374 : memref<1x112xi32, #tpu.memory_space<vmem>> -> memref<112xi32, #tpu.memory_space<vmem>>
      %dma_start3A_376 = arith.constant 0 : i32
      %dma_start3A_377 = arith.constant 0 : i32
      %dma_start3A_378 = tpu.memref_slice %arg4[%dma_start3A_376, %dma_start3A_377] : memref<10240x128xf32, #tpu.memory_space<hbm>> -> memref<10240x128xf32, #tpu.memory_space<hbm>>
      tpu.enqueue_indirect_dma source(%dma_start3A_378 : memref<10240x128xf32, #tpu.memory_space<hbm>>) target(%dma_start3A_372 : memref<112x128xf32, #tpu.memory_space<vmem>>) offsets(%dma_start3A_375 : memref<112xi32, #tpu.memory_space<vmem>>) semaphore(%arg10 : memref<!tpu.dma_semaphore, #tpu.memory_space<semaphore_mem>>)
      %dma_wait3A_379 = arith.constant 1 : i32
      %dma_wait3A_380 = arith.constant 0 : i32
      %dma_wait3A_381 = arith.constant 0 : i32
      %dma_wait3A_382 = tpu.memref_slice %arg9[%dma_wait3A_379, %dma_wait3A_380, %dma_wait3A_381] : memref<3x112x128xf32, #tpu.memory_space<vmem>> -> memref<1x112x128xf32, #tpu.memory_space<vmem>>
      %dma_wait3A_383 = tpu.memref_squeeze %dma_wait3A_382 : memref<1x112x128xf32, #tpu.memory_space<vmem>> -> memref<112x128xf32, #tpu.memory_space<vmem>>
      %dma_wait3A_384 = arith.constant 0 : i32
      %dma_wait3A_385 = arith.constant 0 : i32
      %dma_wait3A_386 = tpu.memref_slice %arg4[%dma_wait3A_384, %dma_wait3A_385] : memref<10240x128xf32, #tpu.memory_space<hbm>> -> memref<112x128xf32, #tpu.memory_space<hbm>>
      %dma_wait3A_387 = arith.constant 0 : i32
      %dma_wait3A_388 = arith.constant 0 : i32
      %dma_wait3A_389 = tpu.memref_slice %arg9[%dma_wait3A_379, %dma_wait3A_387, %dma_wait3A_388] : memref<3x112x128xf32, #tpu.memory_space<vmem>> -> memref<1x112x128xf32, #tpu.memory_space<vmem>>
      %dma_wait3A_390 = tpu.memref_squeeze %dma_wait3A_389 : memref<1x112x128xf32, #tpu.memory_space<vmem>> -> memref<112x128xf32, #tpu.memory_space<vmem>>
      %dma_wait3A_391 = arith.constant 0 : i32
      %dma_wait3A_392 = arith.constant 0 : i32
      %dma_wait3A_393 = tpu.memref_slice %arg4[%dma_wait3A_391, %dma_wait3A_392] : memref<10240x128xf32, #tpu.memory_space<hbm>> -> memref<112x128xf32, #tpu.memory_space<hbm>>
      tpu.wait_dma2 semaphore(%arg11 : memref<!tpu.dma_semaphore, #tpu.memory_space<semaphore_mem>>) src(%dma_wait3A_393 : memref<112x128xf32, #tpu.memory_space<hbm>>) dst(%dma_wait3A_390 : memref<112x128xf32, #tpu.memory_space<vmem>>)
      %run_scoped3A_394 = arith.constant 1 : i32
      %run_scoped3A_395 = arith.constant 10 : i32
      "tpu.region"() ({
        %run_scoped3A_517 = tpu.sem_alloc : memref<!tpu.dma_semaphore, #tpu.memory_space<semaphore_mem>>
        %dma_start3A_518 = arith.constant 0 : i32
        %dma_start3A_519 = arith.constant 0 : i32
        %dma_start3A_520 = tpu.memref_slice %arg9[%run_scoped3A_394, %dma_start3A_518, %dma_start3A_519] : memref<3x112x128xf32, #tpu.memory_space<vmem>> -> memref<1x112x128xf32, #tpu.memory_space<vmem>>
        %dma_start3A_521 = tpu.memref_squeeze %dma_start3A_520 : memref<1x112x128xf32, #tpu.memory_space<vmem>> -> memref<112x128xf32, #tpu.memory_space<vmem>>
        %dma_start3A_522 = arith.constant 0 : i32
        %dma_start3A_523 = tpu.memref_slice %arg8[%run_scoped3A_395, %dma_start3A_522] : memref<16x112xi32, #tpu.memory_space<vmem>> -> memref<1x112xi32, #tpu.memory_space<vmem>>
        %dma_start3A_524 = tpu.memref_squeeze %dma_start3A_523 : memref<1x112xi32, #tpu.memory_space<vmem>> -> memref<112xi32, #tpu.memory_space<vmem>>
        %dma_start3A_525 = arith.constant 0 : i32
        %dma_start3A_526 = arith.constant 0 : i32
        %dma_start3A_527 = tpu.memref_slice %arg6[%dma_start3A_525, %dma_start3A_526] : memref<10240x128xf32, #tpu.memory_space<vmem_shared>> -> memref<10240x128xf32, #tpu.memory_space<vmem_shared>>
        tpu.enqueue_indirect_dma source(%dma_start3A_521 : memref<112x128xf32, #tpu.memory_space<vmem>>) target(%dma_start3A_527 : memref<10240x128xf32, #tpu.memory_space<vmem_shared>>) offsets(%dma_start3A_524 : memref<112xi32, #tpu.memory_space<vmem>>) semaphore(%run_scoped3A_517 : memref<!tpu.dma_semaphore, #tpu.memory_space<semaphore_mem>>) {add = true}
        %dma_wait3A_528 = arith.constant 0 : i32
        %dma_wait3A_529 = arith.constant 0 : i32
        %dma_wait3A_530 = tpu.memref_slice %arg9[%run_scoped3A_394, %dma_wait3A_528, %dma_wait3A_529] : memref<3x112x128xf32, #tpu.memory_space<vmem>> -> memref<1x112x128xf32, #tpu.memory_space<vmem>>
        %dma_wait3A_531 = tpu.memref_squeeze %dma_wait3A_530 : memref<1x112x128xf32, #tpu.memory_space<vmem>> -> memref<112x128xf32, #tpu.memory_space<vmem>>
        %dma_wait3A_532 = arith.constant 0 : i32
        %dma_wait3A_533 = tpu.memref_slice %arg8[%run_scoped3A_395, %dma_wait3A_532] : memref<16x112xi32, #tpu.memory_space<vmem>> -> memref<1x112xi32, #tpu.memory_space<vmem>>
        %dma_wait3A_534 = tpu.memref_squeeze %dma_wait3A_533 : memref<1x112xi32, #tpu.memory_space<vmem>> -> memref<112xi32, #tpu.memory_space<vmem>>
        %dma_wait3A_535 = arith.constant 0 : i32
        %dma_wait3A_536 = arith.constant 0 : i32
        %dma_wait3A_537 = tpu.memref_slice %arg6[%dma_wait3A_535, %dma_wait3A_536] : memref<10240x128xf32, #tpu.memory_space<vmem_shared>> -> memref<10240x128xf32, #tpu.memory_space<vmem_shared>>
        tpu.wait_indirect_dma semaphore(%run_scoped3A_517 : memref<!tpu.dma_semaphore, #tpu.memory_space<semaphore_mem>>) src(%dma_wait3A_531 : memref<112x128xf32, #tpu.memory_space<vmem>>) dst(%dma_wait3A_537 : memref<10240x128xf32, #tpu.memory_space<vmem_shared>>)
        tpu.yield
      }) : () -> ()
      %dma_start3A_396 = arith.constant 13 : i32
      %dma_start3A_397 = arith.constant 1 : i32
      %dma_start3A_398 = arith.constant 0 : i32
      %dma_start3A_399 = arith.constant 0 : i32
      %dma_start3A_400 = tpu.memref_slice %arg9[%dma_start3A_397, %dma_start3A_398, %dma_start3A_399] : memref<3x112x128xf32, #tpu.memory_space<vmem>> -> memref<1x112x128xf32, #tpu.memory_space<vmem>>
      %dma_start3A_401 = tpu.memref_squeeze %dma_start3A_400 : memref<1x112x128xf32, #tpu.memory_space<vmem>> -> memref<112x128xf32, #tpu.memory_space<vmem>>
      %dma_start3A_402 = arith.constant 0 : i32
      %dma_start3A_403 = tpu.memref_slice %arg7[%dma_start3A_396, %dma_start3A_402] : memref<16x112xi32, #tpu.memory_space<vmem>> -> memref<1x112xi32, #tpu.memory_space<vmem>>
      %dma_start3A_404 = tpu.memref_squeeze %dma_start3A_403 : memref<1x112xi32, #tpu.memory_space<vmem>> -> memref<112xi32, #tpu.memory_space<vmem>>
      %dma_start3A_405 = arith.constant 0 : i32
      %dma_start3A_406 = arith.constant 0 : i32
      %dma_start3A_407 = tpu.memref_slice %arg4[%dma_start3A_405, %dma_start3A_406] : memref<10240x128xf32, #tpu.memory_space<hbm>> -> memref<10240x128xf32, #tpu.memory_space<hbm>>
      tpu.enqueue_indirect_dma source(%dma_start3A_407 : memref<10240x128xf32, #tpu.memory_space<hbm>>) target(%dma_start3A_401 : memref<112x128xf32, #tpu.memory_space<vmem>>) offsets(%dma_start3A_404 : memref<112xi32, #tpu.memory_space<vmem>>) semaphore(%arg11 : memref<!tpu.dma_semaphore, #tpu.memory_space<semaphore_mem>>)
      %dma_wait3A_408 = arith.constant 2 : i32
      %dma_wait3A_409 = arith.constant 0 : i32
      %dma_wait3A_410 = arith.constant 0 : i32
      %dma_wait3A_411 = tpu.memref_slice %arg9[%dma_wait3A_408, %dma_wait3A_409, %dma_wait3A_410] : memref<3x112x128xf32, #tpu.memory_space<vmem>> -> memref<1x112x128xf32, #tpu.memory_space<vmem>>
      %dma_wait3A_412 = tpu.memref_squeeze %dma_wait3A_411 : memref<1x112x128xf32, #tpu.memory_space<vmem>> -> memref<112x128xf32, #tpu.memory_space<vmem>>
      %dma_wait3A_413 = arith.constant 0 : i32
      %dma_wait3A_414 = arith.constant 0 : i32
      %dma_wait3A_415 = tpu.memref_slice %arg4[%dma_wait3A_413, %dma_wait3A_414] : memref<10240x128xf32, #tpu.memory_space<hbm>> -> memref<112x128xf32, #tpu.memory_space<hbm>>
      %dma_wait3A_416 = arith.constant 0 : i32
      %dma_wait3A_417 = arith.constant 0 : i32
      %dma_wait3A_418 = tpu.memref_slice %arg9[%dma_wait3A_408, %dma_wait3A_416, %dma_wait3A_417] : memref<3x112x128xf32, #tpu.memory_space<vmem>> -> memref<1x112x128xf32, #tpu.memory_space<vmem>>
      %dma_wait3A_419 = tpu.memref_squeeze %dma_wait3A_418 : memref<1x112x128xf32, #tpu.memory_space<vmem>> -> memref<112x128xf32, #tpu.memory_space<vmem>>
      %dma_wait3A_420 = arith.constant 0 : i32
      %dma_wait3A_421 = arith.constant 0 : i32
      %dma_wait3A_422 = tpu.memref_slice %arg4[%dma_wait3A_420, %dma_wait3A_421] : memref<10240x128xf32, #tpu.memory_space<hbm>> -> memref<112x128xf32, #tpu.memory_space<hbm>>
      tpu.wait_dma2 semaphore(%arg12 : memref<!tpu.dma_semaphore, #tpu.memory_space<semaphore_mem>>) src(%dma_wait3A_422 : memref<112x128xf32, #tpu.memory_space<hbm>>) dst(%dma_wait3A_419 : memref<112x128xf32, #tpu.memory_space<vmem>>)
      %run_scoped3A_423 = arith.constant 2 : i32
      %run_scoped3A_424 = arith.constant 11 : i32
      "tpu.region"() ({
        %run_scoped3A_517 = tpu.sem_alloc : memref<!tpu.dma_semaphore, #tpu.memory_space<semaphore_mem>>
        %dma_start3A_518 = arith.constant 0 : i32
        %dma_start3A_519 = arith.constant 0 : i32
        %dma_start3A_520 = tpu.memref_slice %arg9[%run_scoped3A_423, %dma_start3A_518, %dma_start3A_519] : memref<3x112x128xf32, #tpu.memory_space<vmem>> -> memref<1x112x128xf32, #tpu.memory_space<vmem>>
        %dma_start3A_521 = tpu.memref_squeeze %dma_start3A_520 : memref<1x112x128xf32, #tpu.memory_space<vmem>> -> memref<112x128xf32, #tpu.memory_space<vmem>>
        %dma_start3A_522 = arith.constant 0 : i32
        %dma_start3A_523 = tpu.memref_slice %arg8[%run_scoped3A_424, %dma_start3A_522] : memref<16x112xi32, #tpu.memory_space<vmem>> -> memref<1x112xi32, #tpu.memory_space<vmem>>
        %dma_start3A_524 = tpu.memref_squeeze %dma_start3A_523 : memref<1x112xi32, #tpu.memory_space<vmem>> -> memref<112xi32, #tpu.memory_space<vmem>>
        %dma_start3A_525 = arith.constant 0 : i32
        %dma_start3A_526 = arith.constant 0 : i32
        %dma_start3A_527 = tpu.memref_slice %arg6[%dma_start3A_525, %dma_start3A_526] : memref<10240x128xf32, #tpu.memory_space<vmem_shared>> -> memref<10240x128xf32, #tpu.memory_space<vmem_shared>>
        tpu.enqueue_indirect_dma source(%dma_start3A_521 : memref<112x128xf32, #tpu.memory_space<vmem>>) target(%dma_start3A_527 : memref<10240x128xf32, #tpu.memory_space<vmem_shared>>) offsets(%dma_start3A_524 : memref<112xi32, #tpu.memory_space<vmem>>) semaphore(%run_scoped3A_517 : memref<!tpu.dma_semaphore, #tpu.memory_space<semaphore_mem>>) {add = true}
        %dma_wait3A_528 = arith.constant 0 : i32
        %dma_wait3A_529 = arith.constant 0 : i32
        %dma_wait3A_530 = tpu.memref_slice %arg9[%run_scoped3A_423, %dma_wait3A_528, %dma_wait3A_529] : memref<3x112x128xf32, #tpu.memory_space<vmem>> -> memref<1x112x128xf32, #tpu.memory_space<vmem>>
        %dma_wait3A_531 = tpu.memref_squeeze %dma_wait3A_530 : memref<1x112x128xf32, #tpu.memory_space<vmem>> -> memref<112x128xf32, #tpu.memory_space<vmem>>
        %dma_wait3A_532 = arith.constant 0 : i32
        %dma_wait3A_533 = tpu.memref_slice %arg8[%run_scoped3A_424, %dma_wait3A_532] : memref<16x112xi32, #tpu.memory_space<vmem>> -> memref<1x112xi32, #tpu.memory_space<vmem>>
        %dma_wait3A_534 = tpu.memref_squeeze %dma_wait3A_533 : memref<1x112xi32, #tpu.memory_space<vmem>> -> memref<112xi32, #tpu.memory_space<vmem>>
        %dma_wait3A_535 = arith.constant 0 : i32
        %dma_wait3A_536 = arith.constant 0 : i32
        %dma_wait3A_537 = tpu.memref_slice %arg6[%dma_wait3A_535, %dma_wait3A_536] : memref<10240x128xf32, #tpu.memory_space<vmem_shared>> -> memref<10240x128xf32, #tpu.memory_space<vmem_shared>>
        tpu.wait_indirect_dma semaphore(%run_scoped3A_517 : memref<!tpu.dma_semaphore, #tpu.memory_space<semaphore_mem>>) src(%dma_wait3A_531 : memref<112x128xf32, #tpu.memory_space<vmem>>) dst(%dma_wait3A_537 : memref<10240x128xf32, #tpu.memory_space<vmem_shared>>)
        tpu.yield
      }) : () -> ()
      %dma_start3A_425 = arith.constant 14 : i32
      %dma_start3A_426 = arith.constant 2 : i32
      %dma_start3A_427 = arith.constant 0 : i32
      %dma_start3A_428 = arith.constant 0 : i32
      %dma_start3A_429 = tpu.memref_slice %arg9[%dma_start3A_426, %dma_start3A_427, %dma_start3A_428] : memref<3x112x128xf32, #tpu.memory_space<vmem>> -> memref<1x112x128xf32, #tpu.memory_space<vmem>>
      %dma_start3A_430 = tpu.memref_squeeze %dma_start3A_429 : memref<1x112x128xf32, #tpu.memory_space<vmem>> -> memref<112x128xf32, #tpu.memory_space<vmem>>
      %dma_start3A_431 = arith.constant 0 : i32
      %dma_start3A_432 = tpu.memref_slice %arg7[%dma_start3A_425, %dma_start3A_431] : memref<16x112xi32, #tpu.memory_space<vmem>> -> memref<1x112xi32, #tpu.memory_space<vmem>>
      %dma_start3A_433 = tpu.memref_squeeze %dma_start3A_432 : memref<1x112xi32, #tpu.memory_space<vmem>> -> memref<112xi32, #tpu.memory_space<vmem>>
      %dma_start3A_434 = arith.constant 0 : i32
      %dma_start3A_435 = arith.constant 0 : i32
      %dma_start3A_436 = tpu.memref_slice %arg4[%dma_start3A_434, %dma_start3A_435] : memref<10240x128xf32, #tpu.memory_space<hbm>> -> memref<10240x128xf32, #tpu.memory_space<hbm>>
      tpu.enqueue_indirect_dma source(%dma_start3A_436 : memref<10240x128xf32, #tpu.memory_space<hbm>>) target(%dma_start3A_430 : memref<112x128xf32, #tpu.memory_space<vmem>>) offsets(%dma_start3A_433 : memref<112xi32, #tpu.memory_space<vmem>>) semaphore(%arg12 : memref<!tpu.dma_semaphore, #tpu.memory_space<semaphore_mem>>)
      %dma_wait3A_437 = arith.constant 0 : i32
      %dma_wait3A_438 = arith.constant 0 : i32
      %dma_wait3A_439 = arith.constant 0 : i32
      %dma_wait3A_440 = tpu.memref_slice %arg9[%dma_wait3A_437, %dma_wait3A_438, %dma_wait3A_439] : memref<3x112x128xf32, #tpu.memory_space<vmem>> -> memref<1x112x128xf32, #tpu.memory_space<vmem>>
      %dma_wait3A_441 = tpu.memref_squeeze %dma_wait3A_440 : memref<1x112x128xf32, #tpu.memory_space<vmem>> -> memref<112x128xf32, #tpu.memory_space<vmem>>
      %dma_wait3A_442 = arith.constant 0 : i32
      %dma_wait3A_443 = arith.constant 0 : i32
      %dma_wait3A_444 = tpu.memref_slice %arg4[%dma_wait3A_442, %dma_wait3A_443] : memref<10240x128xf32, #tpu.memory_space<hbm>> -> memref<112x128xf32, #tpu.memory_space<hbm>>
      %dma_wait3A_445 = arith.constant 0 : i32
      %dma_wait3A_446 = arith.constant 0 : i32
      %dma_wait3A_447 = tpu.memref_slice %arg9[%dma_wait3A_437, %dma_wait3A_445, %dma_wait3A_446] : memref<3x112x128xf32, #tpu.memory_space<vmem>> -> memref<1x112x128xf32, #tpu.memory_space<vmem>>
      %dma_wait3A_448 = tpu.memref_squeeze %dma_wait3A_447 : memref<1x112x128xf32, #tpu.memory_space<vmem>> -> memref<112x128xf32, #tpu.memory_space<vmem>>
      %dma_wait3A_449 = arith.constant 0 : i32
      %dma_wait3A_450 = arith.constant 0 : i32
      %dma_wait3A_451 = tpu.memref_slice %arg4[%dma_wait3A_449, %dma_wait3A_450] : memref<10240x128xf32, #tpu.memory_space<hbm>> -> memref<112x128xf32, #tpu.memory_space<hbm>>
      tpu.wait_dma2 semaphore(%arg10 : memref<!tpu.dma_semaphore, #tpu.memory_space<semaphore_mem>>) src(%dma_wait3A_451 : memref<112x128xf32, #tpu.memory_space<hbm>>) dst(%dma_wait3A_448 : memref<112x128xf32, #tpu.memory_space<vmem>>)
      %run_scoped3A_452 = arith.constant 0 : i32
      %run_scoped3A_453 = arith.constant 12 : i32
      "tpu.region"() ({
        %run_scoped3A_517 = tpu.sem_alloc : memref<!tpu.dma_semaphore, #tpu.memory_space<semaphore_mem>>
        %dma_start3A_518 = arith.constant 0 : i32
        %dma_start3A_519 = arith.constant 0 : i32
        %dma_start3A_520 = tpu.memref_slice %arg9[%run_scoped3A_452, %dma_start3A_518, %dma_start3A_519] : memref<3x112x128xf32, #tpu.memory_space<vmem>> -> memref<1x112x128xf32, #tpu.memory_space<vmem>>
        %dma_start3A_521 = tpu.memref_squeeze %dma_start3A_520 : memref<1x112x128xf32, #tpu.memory_space<vmem>> -> memref<112x128xf32, #tpu.memory_space<vmem>>
        %dma_start3A_522 = arith.constant 0 : i32
        %dma_start3A_523 = tpu.memref_slice %arg8[%run_scoped3A_453, %dma_start3A_522] : memref<16x112xi32, #tpu.memory_space<vmem>> -> memref<1x112xi32, #tpu.memory_space<vmem>>
        %dma_start3A_524 = tpu.memref_squeeze %dma_start3A_523 : memref<1x112xi32, #tpu.memory_space<vmem>> -> memref<112xi32, #tpu.memory_space<vmem>>
        %dma_start3A_525 = arith.constant 0 : i32
        %dma_start3A_526 = arith.constant 0 : i32
        %dma_start3A_527 = tpu.memref_slice %arg6[%dma_start3A_525, %dma_start3A_526] : memref<10240x128xf32, #tpu.memory_space<vmem_shared>> -> memref<10240x128xf32, #tpu.memory_space<vmem_shared>>
        tpu.enqueue_indirect_dma source(%dma_start3A_521 : memref<112x128xf32, #tpu.memory_space<vmem>>) target(%dma_start3A_527 : memref<10240x128xf32, #tpu.memory_space<vmem_shared>>) offsets(%dma_start3A_524 : memref<112xi32, #tpu.memory_space<vmem>>) semaphore(%run_scoped3A_517 : memref<!tpu.dma_semaphore, #tpu.memory_space<semaphore_mem>>) {add = true}
        %dma_wait3A_528 = arith.constant 0 : i32
        %dma_wait3A_529 = arith.constant 0 : i32
        %dma_wait3A_530 = tpu.memref_slice %arg9[%run_scoped3A_452, %dma_wait3A_528, %dma_wait3A_529] : memref<3x112x128xf32, #tpu.memory_space<vmem>> -> memref<1x112x128xf32, #tpu.memory_space<vmem>>
        %dma_wait3A_531 = tpu.memref_squeeze %dma_wait3A_530 : memref<1x112x128xf32, #tpu.memory_space<vmem>> -> memref<112x128xf32, #tpu.memory_space<vmem>>
        %dma_wait3A_532 = arith.constant 0 : i32
        %dma_wait3A_533 = tpu.memref_slice %arg8[%run_scoped3A_453, %dma_wait3A_532] : memref<16x112xi32, #tpu.memory_space<vmem>> -> memref<1x112xi32, #tpu.memory_space<vmem>>
        %dma_wait3A_534 = tpu.memref_squeeze %dma_wait3A_533 : memref<1x112xi32, #tpu.memory_space<vmem>> -> memref<112xi32, #tpu.memory_space<vmem>>
        %dma_wait3A_535 = arith.constant 0 : i32
        %dma_wait3A_536 = arith.constant 0 : i32
        %dma_wait3A_537 = tpu.memref_slice %arg6[%dma_wait3A_535, %dma_wait3A_536] : memref<10240x128xf32, #tpu.memory_space<vmem_shared>> -> memref<10240x128xf32, #tpu.memory_space<vmem_shared>>
        tpu.wait_indirect_dma semaphore(%run_scoped3A_517 : memref<!tpu.dma_semaphore, #tpu.memory_space<semaphore_mem>>) src(%dma_wait3A_531 : memref<112x128xf32, #tpu.memory_space<vmem>>) dst(%dma_wait3A_537 : memref<10240x128xf32, #tpu.memory_space<vmem_shared>>)
        tpu.yield
      }) : () -> ()
      %dma_start3A_454 = arith.constant 15 : i32
      %dma_start3A_455 = arith.constant 0 : i32
      %dma_start3A_456 = arith.constant 0 : i32
      %dma_start3A_457 = arith.constant 0 : i32
      %dma_start3A_458 = tpu.memref_slice %arg9[%dma_start3A_455, %dma_start3A_456, %dma_start3A_457] : memref<3x112x128xf32, #tpu.memory_space<vmem>> -> memref<1x112x128xf32, #tpu.memory_space<vmem>>
      %dma_start3A_459 = tpu.memref_squeeze %dma_start3A_458 : memref<1x112x128xf32, #tpu.memory_space<vmem>> -> memref<112x128xf32, #tpu.memory_space<vmem>>
      %dma_start3A_460 = arith.constant 0 : i32
      %dma_start3A_461 = tpu.memref_slice %arg7[%dma_start3A_454, %dma_start3A_460] : memref<16x112xi32, #tpu.memory_space<vmem>> -> memref<1x112xi32, #tpu.memory_space<vmem>>
      %dma_start3A_462 = tpu.memref_squeeze %dma_start3A_461 : memref<1x112xi32, #tpu.memory_space<vmem>> -> memref<112xi32, #tpu.memory_space<vmem>>
      %dma_start3A_463 = arith.constant 0 : i32
      %dma_start3A_464 = arith.constant 0 : i32
      %dma_start3A_465 = tpu.memref_slice %arg4[%dma_start3A_463, %dma_start3A_464] : memref<10240x128xf32, #tpu.memory_space<hbm>> -> memref<10240x128xf32, #tpu.memory_space<hbm>>
      tpu.enqueue_indirect_dma source(%dma_start3A_465 : memref<10240x128xf32, #tpu.memory_space<hbm>>) target(%dma_start3A_459 : memref<112x128xf32, #tpu.memory_space<vmem>>) offsets(%dma_start3A_462 : memref<112xi32, #tpu.memory_space<vmem>>) semaphore(%arg10 : memref<!tpu.dma_semaphore, #tpu.memory_space<semaphore_mem>>)
      %dma_wait3A_466 = arith.constant 1 : i32
      %dma_wait3A_467 = arith.constant 0 : i32
      %dma_wait3A_468 = arith.constant 0 : i32
      %dma_wait3A_469 = tpu.memref_slice %arg9[%dma_wait3A_466, %dma_wait3A_467, %dma_wait3A_468] : memref<3x112x128xf32, #tpu.memory_space<vmem>> -> memref<1x112x128xf32, #tpu.memory_space<vmem>>
      %dma_wait3A_470 = tpu.memref_squeeze %dma_wait3A_469 : memref<1x112x128xf32, #tpu.memory_space<vmem>> -> memref<112x128xf32, #tpu.memory_space<vmem>>
      %dma_wait3A_471 = arith.constant 0 : i32
      %dma_wait3A_472 = arith.constant 0 : i32
      %dma_wait3A_473 = tpu.memref_slice %arg4[%dma_wait3A_471, %dma_wait3A_472] : memref<10240x128xf32, #tpu.memory_space<hbm>> -> memref<112x128xf32, #tpu.memory_space<hbm>>
      %dma_wait3A_474 = arith.constant 0 : i32
      %dma_wait3A_475 = arith.constant 0 : i32
      %dma_wait3A_476 = tpu.memref_slice %arg9[%dma_wait3A_466, %dma_wait3A_474, %dma_wait3A_475] : memref<3x112x128xf32, #tpu.memory_space<vmem>> -> memref<1x112x128xf32, #tpu.memory_space<vmem>>
      %dma_wait3A_477 = tpu.memref_squeeze %dma_wait3A_476 : memref<1x112x128xf32, #tpu.memory_space<vmem>> -> memref<112x128xf32, #tpu.memory_space<vmem>>
      %dma_wait3A_478 = arith.constant 0 : i32
      %dma_wait3A_479 = arith.constant 0 : i32
      %dma_wait3A_480 = tpu.memref_slice %arg4[%dma_wait3A_478, %dma_wait3A_479] : memref<10240x128xf32, #tpu.memory_space<hbm>> -> memref<112x128xf32, #tpu.memory_space<hbm>>
      tpu.wait_dma2 semaphore(%arg11 : memref<!tpu.dma_semaphore, #tpu.memory_space<semaphore_mem>>) src(%dma_wait3A_480 : memref<112x128xf32, #tpu.memory_space<hbm>>) dst(%dma_wait3A_477 : memref<112x128xf32, #tpu.memory_space<vmem>>)
      %run_scoped3A_481 = arith.constant 1 : i32
      %run_scoped3A_482 = arith.constant 13 : i32
      "tpu.region"() ({
        %run_scoped3A_517 = tpu.sem_alloc : memref<!tpu.dma_semaphore, #tpu.memory_space<semaphore_mem>>
        %dma_start3A_518 = arith.constant 0 : i32
        %dma_start3A_519 = arith.constant 0 : i32
        %dma_start3A_520 = tpu.memref_slice %arg9[%run_scoped3A_481, %dma_start3A_518, %dma_start3A_519] : memref<3x112x128xf32, #tpu.memory_space<vmem>> -> memref<1x112x128xf32, #tpu.memory_space<vmem>>
        %dma_start3A_521 = tpu.memref_squeeze %dma_start3A_520 : memref<1x112x128xf32, #tpu.memory_space<vmem>> -> memref<112x128xf32, #tpu.memory_space<vmem>>
        %dma_start3A_522 = arith.constant 0 : i32
        %dma_start3A_523 = tpu.memref_slice %arg8[%run_scoped3A_482, %dma_start3A_522] : memref<16x112xi32, #tpu.memory_space<vmem>> -> memref<1x112xi32, #tpu.memory_space<vmem>>
        %dma_start3A_524 = tpu.memref_squeeze %dma_start3A_523 : memref<1x112xi32, #tpu.memory_space<vmem>> -> memref<112xi32, #tpu.memory_space<vmem>>
        %dma_start3A_525 = arith.constant 0 : i32
        %dma_start3A_526 = arith.constant 0 : i32
        %dma_start3A_527 = tpu.memref_slice %arg6[%dma_start3A_525, %dma_start3A_526] : memref<10240x128xf32, #tpu.memory_space<vmem_shared>> -> memref<10240x128xf32, #tpu.memory_space<vmem_shared>>
        tpu.enqueue_indirect_dma source(%dma_start3A_521 : memref<112x128xf32, #tpu.memory_space<vmem>>) target(%dma_start3A_527 : memref<10240x128xf32, #tpu.memory_space<vmem_shared>>) offsets(%dma_start3A_524 : memref<112xi32, #tpu.memory_space<vmem>>) semaphore(%run_scoped3A_517 : memref<!tpu.dma_semaphore, #tpu.memory_space<semaphore_mem>>) {add = true}
        %dma_wait3A_528 = arith.constant 0 : i32
        %dma_wait3A_529 = arith.constant 0 : i32
        %dma_wait3A_530 = tpu.memref_slice %arg9[%run_scoped3A_481, %dma_wait3A_528, %dma_wait3A_529] : memref<3x112x128xf32, #tpu.memory_space<vmem>> -> memref<1x112x128xf32, #tpu.memory_space<vmem>>
        %dma_wait3A_531 = tpu.memref_squeeze %dma_wait3A_530 : memref<1x112x128xf32, #tpu.memory_space<vmem>> -> memref<112x128xf32, #tpu.memory_space<vmem>>
        %dma_wait3A_532 = arith.constant 0 : i32
        %dma_wait3A_533 = tpu.memref_slice %arg8[%run_scoped3A_482, %dma_wait3A_532] : memref<16x112xi32, #tpu.memory_space<vmem>> -> memref<1x112xi32, #tpu.memory_space<vmem>>
        %dma_wait3A_534 = tpu.memref_squeeze %dma_wait3A_533 : memref<1x112xi32, #tpu.memory_space<vmem>> -> memref<112xi32, #tpu.memory_space<vmem>>
        %dma_wait3A_535 = arith.constant 0 : i32
        %dma_wait3A_536 = arith.constant 0 : i32
        %dma_wait3A_537 = tpu.memref_slice %arg6[%dma_wait3A_535, %dma_wait3A_536] : memref<10240x128xf32, #tpu.memory_space<vmem_shared>> -> memref<10240x128xf32, #tpu.memory_space<vmem_shared>>
        tpu.wait_indirect_dma semaphore(%run_scoped3A_517 : memref<!tpu.dma_semaphore, #tpu.memory_space<semaphore_mem>>) src(%dma_wait3A_531 : memref<112x128xf32, #tpu.memory_space<vmem>>) dst(%dma_wait3A_537 : memref<10240x128xf32, #tpu.memory_space<vmem_shared>>)
        tpu.yield
      }) : () -> ()
      %dma_wait3A_483 = arith.constant 2 : i32
      %dma_wait3A_484 = arith.constant 0 : i32
      %dma_wait3A_485 = arith.constant 0 : i32
      %dma_wait3A_486 = tpu.memref_slice %arg9[%dma_wait3A_483, %dma_wait3A_484, %dma_wait3A_485] : memref<3x112x128xf32, #tpu.memory_space<vmem>> -> memref<1x112x128xf32, #tpu.memory_space<vmem>>
      %dma_wait3A_487 = tpu.memref_squeeze %dma_wait3A_486 : memref<1x112x128xf32, #tpu.memory_space<vmem>> -> memref<112x128xf32, #tpu.memory_space<vmem>>
      %dma_wait3A_488 = arith.constant 0 : i32
      %dma_wait3A_489 = arith.constant 0 : i32
      %dma_wait3A_490 = tpu.memref_slice %arg4[%dma_wait3A_488, %dma_wait3A_489] : memref<10240x128xf32, #tpu.memory_space<hbm>> -> memref<112x128xf32, #tpu.memory_space<hbm>>
      %dma_wait3A_491 = arith.constant 0 : i32
      %dma_wait3A_492 = arith.constant 0 : i32
      %dma_wait3A_493 = tpu.memref_slice %arg9[%dma_wait3A_483, %dma_wait3A_491, %dma_wait3A_492] : memref<3x112x128xf32, #tpu.memory_space<vmem>> -> memref<1x112x128xf32, #tpu.memory_space<vmem>>
      %dma_wait3A_494 = tpu.memref_squeeze %dma_wait3A_493 : memref<1x112x128xf32, #tpu.memory_space<vmem>> -> memref<112x128xf32, #tpu.memory_space<vmem>>
      %dma_wait3A_495 = arith.constant 0 : i32
      %dma_wait3A_496 = arith.constant 0 : i32
      %dma_wait3A_497 = tpu.memref_slice %arg4[%dma_wait3A_495, %dma_wait3A_496] : memref<10240x128xf32, #tpu.memory_space<hbm>> -> memref<112x128xf32, #tpu.memory_space<hbm>>
      tpu.wait_dma2 semaphore(%arg12 : memref<!tpu.dma_semaphore, #tpu.memory_space<semaphore_mem>>) src(%dma_wait3A_497 : memref<112x128xf32, #tpu.memory_space<hbm>>) dst(%dma_wait3A_494 : memref<112x128xf32, #tpu.memory_space<vmem>>)
      %run_scoped3A_498 = arith.constant 2 : i32
      %run_scoped3A_499 = arith.constant 14 : i32
      "tpu.region"() ({
        %run_scoped3A_517 = tpu.sem_alloc : memref<!tpu.dma_semaphore, #tpu.memory_space<semaphore_mem>>
        %dma_start3A_518 = arith.constant 0 : i32
        %dma_start3A_519 = arith.constant 0 : i32
        %dma_start3A_520 = tpu.memref_slice %arg9[%run_scoped3A_498, %dma_start3A_518, %dma_start3A_519] : memref<3x112x128xf32, #tpu.memory_space<vmem>> -> memref<1x112x128xf32, #tpu.memory_space<vmem>>
        %dma_start3A_521 = tpu.memref_squeeze %dma_start3A_520 : memref<1x112x128xf32, #tpu.memory_space<vmem>> -> memref<112x128xf32, #tpu.memory_space<vmem>>
        %dma_start3A_522 = arith.constant 0 : i32
        %dma_start3A_523 = tpu.memref_slice %arg8[%run_scoped3A_499, %dma_start3A_522] : memref<16x112xi32, #tpu.memory_space<vmem>> -> memref<1x112xi32, #tpu.memory_space<vmem>>
        %dma_start3A_524 = tpu.memref_squeeze %dma_start3A_523 : memref<1x112xi32, #tpu.memory_space<vmem>> -> memref<112xi32, #tpu.memory_space<vmem>>
        %dma_start3A_525 = arith.constant 0 : i32
        %dma_start3A_526 = arith.constant 0 : i32
        %dma_start3A_527 = tpu.memref_slice %arg6[%dma_start3A_525, %dma_start3A_526] : memref<10240x128xf32, #tpu.memory_space<vmem_shared>> -> memref<10240x128xf32, #tpu.memory_space<vmem_shared>>
        tpu.enqueue_indirect_dma source(%dma_start3A_521 : memref<112x128xf32, #tpu.memory_space<vmem>>) target(%dma_start3A_527 : memref<10240x128xf32, #tpu.memory_space<vmem_shared>>) offsets(%dma_start3A_524 : memref<112xi32, #tpu.memory_space<vmem>>) semaphore(%run_scoped3A_517 : memref<!tpu.dma_semaphore, #tpu.memory_space<semaphore_mem>>) {add = true}
        %dma_wait3A_528 = arith.constant 0 : i32
        %dma_wait3A_529 = arith.constant 0 : i32
        %dma_wait3A_530 = tpu.memref_slice %arg9[%run_scoped3A_498, %dma_wait3A_528, %dma_wait3A_529] : memref<3x112x128xf32, #tpu.memory_space<vmem>> -> memref<1x112x128xf32, #tpu.memory_space<vmem>>
        %dma_wait3A_531 = tpu.memref_squeeze %dma_wait3A_530 : memref<1x112x128xf32, #tpu.memory_space<vmem>> -> memref<112x128xf32, #tpu.memory_space<vmem>>
        %dma_wait3A_532 = arith.constant 0 : i32
        %dma_wait3A_533 = tpu.memref_slice %arg8[%run_scoped3A_499, %dma_wait3A_532] : memref<16x112xi32, #tpu.memory_space<vmem>> -> memref<1x112xi32, #tpu.memory_space<vmem>>
        %dma_wait3A_534 = tpu.memref_squeeze %dma_wait3A_533 : memref<1x112xi32, #tpu.memory_space<vmem>> -> memref<112xi32, #tpu.memory_space<vmem>>
        %dma_wait3A_535 = arith.constant 0 : i32
        %dma_wait3A_536 = arith.constant 0 : i32
        %dma_wait3A_537 = tpu.memref_slice %arg6[%dma_wait3A_535, %dma_wait3A_536] : memref<10240x128xf32, #tpu.memory_space<vmem_shared>> -> memref<10240x128xf32, #tpu.memory_space<vmem_shared>>
        tpu.wait_indirect_dma semaphore(%run_scoped3A_517 : memref<!tpu.dma_semaphore, #tpu.memory_space<semaphore_mem>>) src(%dma_wait3A_531 : memref<112x128xf32, #tpu.memory_space<vmem>>) dst(%dma_wait3A_537 : memref<10240x128xf32, #tpu.memory_space<vmem_shared>>)
        tpu.yield
      }) : () -> ()
      %dma_wait3A_500 = arith.constant 0 : i32
      %dma_wait3A_501 = arith.constant 0 : i32
      %dma_wait3A_502 = arith.constant 0 : i32
      %dma_wait3A_503 = tpu.memref_slice %arg9[%dma_wait3A_500, %dma_wait3A_501, %dma_wait3A_502] : memref<3x112x128xf32, #tpu.memory_space<vmem>> -> memref<1x112x128xf32, #tpu.memory_space<vmem>>
      %dma_wait3A_504 = tpu.memref_squeeze %dma_wait3A_503 : memref<1x112x128xf32, #tpu.memory_space<vmem>> -> memref<112x128xf32, #tpu.memory_space<vmem>>
      %dma_wait3A_505 = arith.constant 0 : i32
      %dma_wait3A_506 = arith.constant 0 : i32
      %dma_wait3A_507 = tpu.memref_slice %arg4[%dma_wait3A_505, %dma_wait3A_506] : memref<10240x128xf32, #tpu.memory_space<hbm>> -> memref<112x128xf32, #tpu.memory_space<hbm>>
      %dma_wait3A_508 = arith.constant 0 : i32
      %dma_wait3A_509 = arith.constant 0 : i32
      %dma_wait3A_510 = tpu.memref_slice %arg9[%dma_wait3A_500, %dma_wait3A_508, %dma_wait3A_509] : memref<3x112x128xf32, #tpu.memory_space<vmem>> -> memref<1x112x128xf32, #tpu.memory_space<vmem>>
      %dma_wait3A_511 = tpu.memref_squeeze %dma_wait3A_510 : memref<1x112x128xf32, #tpu.memory_space<vmem>> -> memref<112x128xf32, #tpu.memory_space<vmem>>
      %dma_wait3A_512 = arith.constant 0 : i32
      %dma_wait3A_513 = arith.constant 0 : i32
      %dma_wait3A_514 = tpu.memref_slice %arg4[%dma_wait3A_512, %dma_wait3A_513] : memref<10240x128xf32, #tpu.memory_space<hbm>> -> memref<112x128xf32, #tpu.memory_space<hbm>>
      tpu.wait_dma2 semaphore(%arg10 : memref<!tpu.dma_semaphore, #tpu.memory_space<semaphore_mem>>) src(%dma_wait3A_514 : memref<112x128xf32, #tpu.memory_space<hbm>>) dst(%dma_wait3A_511 : memref<112x128xf32, #tpu.memory_space<vmem>>)
      %run_scoped3A_515 = arith.constant 0 : i32
      %run_scoped3A_516 = arith.constant 15 : i32
      "tpu.region"() ({
        %run_scoped3A_517 = tpu.sem_alloc : memref<!tpu.dma_semaphore, #tpu.memory_space<semaphore_mem>>
        %dma_start3A_518 = arith.constant 0 : i32
        %dma_start3A_519 = arith.constant 0 : i32
        %dma_start3A_520 = tpu.memref_slice %arg9[%run_scoped3A_515, %dma_start3A_518, %dma_start3A_519] : memref<3x112x128xf32, #tpu.memory_space<vmem>> -> memref<1x112x128xf32, #tpu.memory_space<vmem>>
        %dma_start3A_521 = tpu.memref_squeeze %dma_start3A_520 : memref<1x112x128xf32, #tpu.memory_space<vmem>> -> memref<112x128xf32, #tpu.memory_space<vmem>>
        %dma_start3A_522 = arith.constant 0 : i32
        %dma_start3A_523 = tpu.memref_slice %arg8[%run_scoped3A_516, %dma_start3A_522] : memref<16x112xi32, #tpu.memory_space<vmem>> -> memref<1x112xi32, #tpu.memory_space<vmem>>
        %dma_start3A_524 = tpu.memref_squeeze %dma_start3A_523 : memref<1x112xi32, #tpu.memory_space<vmem>> -> memref<112xi32, #tpu.memory_space<vmem>>
        %dma_start3A_525 = arith.constant 0 : i32
        %dma_start3A_526 = arith.constant 0 : i32
        %dma_start3A_527 = tpu.memref_slice %arg6[%dma_start3A_525, %dma_start3A_526] : memref<10240x128xf32, #tpu.memory_space<vmem_shared>> -> memref<10240x128xf32, #tpu.memory_space<vmem_shared>>
        tpu.enqueue_indirect_dma source(%dma_start3A_521 : memref<112x128xf32, #tpu.memory_space<vmem>>) target(%dma_start3A_527 : memref<10240x128xf32, #tpu.memory_space<vmem_shared>>) offsets(%dma_start3A_524 : memref<112xi32, #tpu.memory_space<vmem>>) semaphore(%run_scoped3A_517 : memref<!tpu.dma_semaphore, #tpu.memory_space<semaphore_mem>>) {add = true}
        %dma_wait3A_528 = arith.constant 0 : i32
        %dma_wait3A_529 = arith.constant 0 : i32
        %dma_wait3A_530 = tpu.memref_slice %arg9[%run_scoped3A_515, %dma_wait3A_528, %dma_wait3A_529] : memref<3x112x128xf32, #tpu.memory_space<vmem>> -> memref<1x112x128xf32, #tpu.memory_space<vmem>>
        %dma_wait3A_531 = tpu.memref_squeeze %dma_wait3A_530 : memref<1x112x128xf32, #tpu.memory_space<vmem>> -> memref<112x128xf32, #tpu.memory_space<vmem>>
        %dma_wait3A_532 = arith.constant 0 : i32
        %dma_wait3A_533 = tpu.memref_slice %arg8[%run_scoped3A_516, %dma_wait3A_532] : memref<16x112xi32, #tpu.memory_space<vmem>> -> memref<1x112xi32, #tpu.memory_space<vmem>>
        %dma_wait3A_534 = tpu.memref_squeeze %dma_wait3A_533 : memref<1x112xi32, #tpu.memory_space<vmem>> -> memref<112xi32, #tpu.memory_space<vmem>>
        %dma_wait3A_535 = arith.constant 0 : i32
        %dma_wait3A_536 = arith.constant 0 : i32
        %dma_wait3A_537 = tpu.memref_slice %arg6[%dma_wait3A_535, %dma_wait3A_536] : memref<10240x128xf32, #tpu.memory_space<vmem_shared>> -> memref<10240x128xf32, #tpu.memory_space<vmem_shared>>
        tpu.wait_indirect_dma semaphore(%run_scoped3A_517 : memref<!tpu.dma_semaphore, #tpu.memory_space<semaphore_mem>>) src(%dma_wait3A_531 : memref<112x128xf32, #tpu.memory_space<vmem>>) dst(%dma_wait3A_537 : memref<10240x128xf32, #tpu.memory_space<vmem_shared>>)
        tpu.yield
      }) : () -> ()
    }
    %scan3A_40 = arith.constant 6 : i32
    %barrier3A_41 = arith.constant 0 : index
    tpu.barrier barrier_id(%barrier3A_41)
    %mul3A_42 = arith.constant 640 : i32
    %mul3A_43 = arith.muli %arg1, %mul3A_42 : i32
    %mul3A_44 = arith.constant 640 : i32
    %mul3A_45 = arith.muli %arg1, %mul3A_44 : i32
    "tpu.region"() ({
      %run_scoped3A_46 = tpu.sem_alloc : memref<!tpu.dma_semaphore, #tpu.memory_space<semaphore_mem>>
      %dma_start3A = arith.constant 0 : i32
      %dma_start3A_47 = tpu.memref_slice %arg5[%arg0, %mul3A_45, %dma_start3A] : memref<2x10240x128xf32, #tpu.memory_space<hbm>> -> memref<1x640x128xf32, #tpu.memory_space<hbm>>
      %dma_start3A_48 = tpu.memref_squeeze %dma_start3A_47 : memref<1x640x128xf32, #tpu.memory_space<hbm>> -> memref<640x128xf32, #tpu.memory_space<hbm>>
      %dma_start3A_49 = arith.constant 0 : i32
      %dma_start3A_50 = tpu.memref_slice %arg6[%mul3A_43, %dma_start3A_49] : memref<10240x128xf32, #tpu.memory_space<vmem_shared>> -> memref<640x128xf32, #tpu.memory_space<vmem_shared>>
      tpu.enqueue_dma source(%dma_start3A_50 : memref<640x128xf32, #tpu.memory_space<vmem_shared>>) target(%dma_start3A_48 : memref<640x128xf32, #tpu.memory_space<hbm>>) target_semaphore(%run_scoped3A_46 : memref<!tpu.dma_semaphore, #tpu.memory_space<semaphore_mem>>)
      %dma_wait3A = arith.constant 0 : i32
      %dma_wait3A_51 = tpu.memref_slice %arg5[%arg0, %mul3A_45, %dma_wait3A] : memref<2x10240x128xf32, #tpu.memory_space<hbm>> -> memref<1x640x128xf32, #tpu.memory_space<hbm>>
      %dma_wait3A_52 = tpu.memref_squeeze %dma_wait3A_51 : memref<1x640x128xf32, #tpu.memory_space<hbm>> -> memref<640x128xf32, #tpu.memory_space<hbm>>
      %dma_wait3A_53 = arith.constant 0 : i32
      %dma_wait3A_54 = tpu.memref_slice %arg6[%mul3A_43, %dma_wait3A_53] : memref<10240x128xf32, #tpu.memory_space<vmem_shared>> -> memref<640x128xf32, #tpu.memory_space<vmem_shared>>
      tpu.wait_dma2 semaphore(%run_scoped3A_46 : memref<!tpu.dma_semaphore, #tpu.memory_space<semaphore_mem>>) src(%dma_wait3A_54 : memref<640x128xf32, #tpu.memory_space<vmem_shared>>) dst(%dma_wait3A_52 : memref<640x128xf32, #tpu.memory_space<hbm>>)
      tpu.yield
    }) : () -> ()
    return
  }
}

module attributes {stable_mosaic.version = 14 : i64} {
  func.func @_mm_scale_body(%arg0: i32, %arg1: memref<512x128xf32, #tpu.memory_space<vmem>>, %arg2: memref<128x128xf32, #tpu.memory_space<vmem>>, %arg3: memref<512x1xf32, #tpu.memory_space<vmem>>, %arg4: memref<512x1xf32, #tpu.memory_space<vmem>>, %arg5: memref<512x1xf32, #tpu.memory_space<vmem>>, %arg6: memref<512x128xf32, #tpu.memory_space<vmem>>) attributes {dimension_semantics = [#tpu.dimension_semantics<arbitrary>], iteration_bounds = array<i64: 20>, scalar_prefetch = 0 : i64, scratch_operands = 0 : i64, tpu.core_type = #tpu.core_type<tc>, window_params = [{transform_indices = @transform_0, window_bounds = array<i64: 512, 128>}, {pipeline_mode = #tpu.pipeline_mode<synchronous>, transform_indices = @transform_1, window_bounds = array<i64: 128, 128>}, {transform_indices = @transform_2, window_bounds = array<i64: 512, 1>}, {transform_indices = @transform_3, window_bounds = array<i64: 512, 1>}, {transform_indices = @transform_4, window_bounds = array<i64: 512, 1>}, {transform_indices = @transform_5, window_bounds = array<i64: 512, 128>}]} {
    %get3A = arith.constant 0 : index
    %get3A_0 = arith.constant 0 : index
    %get3A_1 = vector.load %arg1[%get3A, %get3A_0] : memref<512x128xf32, #tpu.memory_space<vmem>>, vector<512x128xf32>
    %get3A_2 = arith.constant 0 : index
    %get3A_3 = arith.constant 0 : index
    %get3A_4 = vector.load %arg2[%get3A_2, %get3A_3] : memref<128x128xf32, #tpu.memory_space<vmem>>, vector<128x128xf32>
    %dot_general3A = arith.constant dense<0.000000e+00> : vector<512x128xf32>
    %dot_general3A_5 = tpu.matmul %get3A_1, %get3A_4, %dot_general3A {dimension_numbers = #tpu.dot_dimension_numbers<[1], [1], [0], [0], [0, 0, 1, 0], [], []>, transpose_lhs_hint = false} : vector<512x128xf32>, vector<128x128xf32>, vector<512x128xf32> -> vector<512x128xf32>
    %get3A_6 = arith.constant 0 : index
    %get3A_7 = arith.constant 0 : index
    %get3A_8 = vector.load %arg3[%get3A_6, %get3A_7] : memref<512x1xf32, #tpu.memory_space<vmem>>, vector<512x1xf32>
    %get3A_9 = arith.constant 0 : index
    %get3A_10 = arith.constant 0 : index
    %get3A_11 = vector.load %arg4[%get3A_9, %get3A_10] : memref<512x1xf32, #tpu.memory_space<vmem>>, vector<512x1xf32>
    %add3A = arith.addf %get3A_8, %get3A_11 : vector<512x1xf32>
    %add3A_12 = arith.constant 1.000000e+00 : f32
    %add3A_13 = vector.broadcast %add3A_12 : f32 to vector<512x1xf32>
    %add3A_14 = arith.addf %add3A, %add3A_13 : vector<512x1xf32>
    %rsqrt3A = math.rsqrt %add3A_14 : vector<512x1xf32>
    %swap3A = arith.constant 0 : index
    %swap3A_15 = arith.constant 0 : index
    %swap3A_16 = vector.load %arg5[%swap3A, %swap3A_15] : memref<512x1xf32, #tpu.memory_space<vmem>>, vector<512x1xf32>
    tpu.vector_store %arg5[%swap3A, %swap3A_15], %rsqrt3A {strides = array<i32>} : memref<512x1xf32, #tpu.memory_space<vmem>>, vector<512x1xf32>,
    %mul3A = vector.broadcast %rsqrt3A : vector<512x1xf32> to vector<512x128xf32>
    %mul3A_17 = arith.mulf %dot_general3A_5, %mul3A : vector<512x128xf32>
    %swap3A_18 = arith.constant 0 : index
    %swap3A_19 = arith.constant 0 : index
    %swap3A_20 = vector.load %arg6[%swap3A_18, %swap3A_19] : memref<512x128xf32, #tpu.memory_space<vmem>>, vector<512x128xf32>
    tpu.vector_store %arg6[%swap3A_18, %swap3A_19], %mul3A_17 {strides = array<i32>} : memref<512x128xf32, #tpu.memory_space<vmem>>, vector<512x128xf32>,
    return
  }
  func.func @transform_0(%arg0: i32) -> (i32, i32) {
    %c0_i32 = arith.constant 0 : i32
    %c0_i32_0 = arith.constant 0 : i32
    return %arg0, %c0_i32 : i32, i32
  }
  func.func @transform_1(%arg0: i32) -> (i32, i32) {
    %c0_i32 = arith.constant 0 : i32
    %c0_i32_0 = arith.constant 0 : i32
    %c0_i32_1 = arith.constant 0 : i32
    return %c0_i32, %c0_i32_0 : i32, i32
  }
  func.func @transform_2(%arg0: i32) -> (i32, i32) {
    %c0_i32 = arith.constant 0 : i32
    %c0_i32_0 = arith.constant 0 : i32
    return %arg0, %c0_i32 : i32, i32
  }
  func.func @transform_3(%arg0: i32) -> (i32, i32) {
    %c0_i32 = arith.constant 0 : i32
    %c0_i32_0 = arith.constant 0 : i32
    return %arg0, %c0_i32 : i32, i32
  }
  func.func @transform_4(%arg0: i32) -> (i32, i32) {
    %c0_i32 = arith.constant 0 : i32
    %c0_i32_0 = arith.constant 0 : i32
    return %arg0, %c0_i32 : i32, i32
  }
  func.func @transform_5(%arg0: i32) -> (i32, i32) {
    %c0_i32 = arith.constant 0 : i32
    %c0_i32_0 = arith.constant 0 : i32
    return %arg0, %c0_i32 : i32, i32
  }
}

module attributes {stable_mosaic.version = 14 : i64} {
  func.func @_layer2_body(%arg0: i32, %arg1: memref<1x512x128xf32, #tpu.memory_space<vmem>>, %arg2: memref<1x512x128xf32, #tpu.memory_space<vmem>>, %arg3: memref<512x128xf32, #tpu.memory_space<vmem>>, %arg4: memref<512x1xf32, #tpu.memory_space<vmem>>, %arg5: memref<1x128xf32, #tpu.memory_space<vmem>>, %arg6: memref<128x128xf32, #tpu.memory_space<vmem>>, %arg7: memref<512x128xf32, #tpu.memory_space<vmem>>) attributes {dimension_semantics = [#tpu.dimension_semantics<arbitrary>], iteration_bounds = array<i64: 20>, scalar_prefetch = 0 : i64, scratch_operands = 0 : i64, tpu.core_type = #tpu.core_type<tc>, window_params = [{transform_indices = @transform_0, window_bounds = array<i64: 1, 512, 128>}, {transform_indices = @transform_1, window_bounds = array<i64: 1, 512, 128>}, {transform_indices = @transform_2, window_bounds = array<i64: 512, 128>}, {transform_indices = @transform_3, window_bounds = array<i64: 512, 1>}, {pipeline_mode = #tpu.pipeline_mode<synchronous>, transform_indices = @transform_4, window_bounds = array<i64: 1, 128>}, {pipeline_mode = #tpu.pipeline_mode<synchronous>, transform_indices = @transform_5, window_bounds = array<i64: 128, 128>}, {transform_indices = @transform_6, window_bounds = array<i64: 512, 128>}]} {
    %get3A = arith.constant 0 : index
    %get3A_0 = arith.constant 0 : index
    %get3A_1 = vector.load %arg4[%get3A, %get3A_0] : memref<512x1xf32, #tpu.memory_space<vmem>>, vector<512x1xf32>
    %get3A_2 = arith.constant 0 : index
    %get3A_3 = arith.constant 0 : index
    %get3A_4 = arith.constant 0 : index
    %get3A_5 = vector.load %arg1[%get3A_2, %get3A_3, %get3A_4] : memref<1x512x128xf32, #tpu.memory_space<vmem>>, vector<1x512x128xf32>
    %get3A_6 = vector.shape_cast %get3A_5 : vector<1x512x128xf32> to vector<512x128xf32>
    %get3A_7 = arith.constant 0 : index
    %get3A_8 = arith.constant 0 : index
    %get3A_9 = arith.constant 0 : index
    %get3A_10 = vector.load %arg2[%get3A_7, %get3A_8, %get3A_9] : memref<1x512x128xf32, #tpu.memory_space<vmem>>, vector<1x512x128xf32>
    %get3A_11 = vector.shape_cast %get3A_10 : vector<1x512x128xf32> to vector<512x128xf32>
    %add3A = arith.addf %get3A_6, %get3A_11 : vector<512x128xf32>
    %get3A_12 = arith.constant 0 : index
    %get3A_13 = arith.constant 0 : index
    %get3A_14 = vector.load %arg3[%get3A_12, %get3A_13] : memref<512x128xf32, #tpu.memory_space<vmem>>, vector<512x128xf32>
    %add3A_15 = arith.addf %add3A, %get3A_14 : vector<512x128xf32>
    %mul3A = vector.broadcast %get3A_1 : vector<512x1xf32> to vector<512x128xf32>
    %mul3A_16 = arith.mulf %mul3A, %add3A_15 : vector<512x128xf32>
    %get3A_17 = arith.constant 0 : index
    %get3A_18 = arith.constant 0 : index
    %get3A_19 = vector.load %arg5[%get3A_17, %get3A_18] : memref<1x128xf32, #tpu.memory_space<vmem>>, vector<1x128xf32>
    %add3A_20 = vector.broadcast %get3A_19 : vector<1x128xf32> to vector<512x128xf32>
    %add3A_21 = arith.addf %mul3A_16, %add3A_20 : vector<512x128xf32>
    %max3A = arith.constant 0.000000e+00 : f32
    %max3A_22 = vector.broadcast %max3A : f32 to vector<512x128xf32>
    %max3A_23 = arith.maximumf %add3A_21, %max3A_22 : vector<512x128xf32>
    %get3A_24 = arith.constant 0 : index
    %get3A_25 = arith.constant 0 : index
    %get3A_26 = vector.load %arg6[%get3A_24, %get3A_25] : memref<128x128xf32, #tpu.memory_space<vmem>>, vector<128x128xf32>
    %dot_general3A = arith.constant dense<0.000000e+00> : vector<512x128xf32>
    %dot_general3A_27 = tpu.matmul %max3A_23, %get3A_26, %dot_general3A {dimension_numbers = #tpu.dot_dimension_numbers<[1], [1], [0], [0], [0, 0, 1, 0], [], []>, transpose_lhs_hint = false} : vector<512x128xf32>, vector<128x128xf32>, vector<512x128xf32> -> vector<512x128xf32>
    %get3A_28 = arith.constant 0 : index
    %get3A_29 = arith.constant 0 : index
    %get3A_30 = vector.load %arg4[%get3A_28, %get3A_29] : memref<512x1xf32, #tpu.memory_space<vmem>>, vector<512x1xf32>
    %mul3A_31 = vector.broadcast %get3A_30 : vector<512x1xf32> to vector<512x128xf32>
    %mul3A_32 = arith.mulf %mul3A_31, %dot_general3A_27 : vector<512x128xf32>
    %swap3A = arith.constant 0 : index
    %swap3A_33 = arith.constant 0 : index
    %swap3A_34 = vector.load %arg7[%swap3A, %swap3A_33] : memref<512x128xf32, #tpu.memory_space<vmem>>, vector<512x128xf32>
    tpu.vector_store %arg7[%swap3A, %swap3A_33], %mul3A_32 {strides = array<i32>} : memref<512x128xf32, #tpu.memory_space<vmem>>, vector<512x128xf32>,
    return
  }
  func.func @transform_0(%arg0: i32) -> (i32, i32, i32) {
    %c0_i32 = arith.constant 0 : i32
    %c0_i32_0 = arith.constant 0 : i32
    %c0_i32_1 = arith.constant 0 : i32
    return %c0_i32, %arg0, %c0_i32_0 : i32, i32, i32
  }
  func.func @transform_1(%arg0: i32) -> (i32, i32, i32) {
    %c1_i32 = arith.constant 1 : i32
    %c0_i32 = arith.constant 0 : i32
    %c0_i32_0 = arith.constant 0 : i32
    return %c1_i32, %arg0, %c0_i32 : i32, i32, i32
  }
  func.func @transform_2(%arg0: i32) -> (i32, i32) {
    %c0_i32 = arith.constant 0 : i32
    %c0_i32_0 = arith.constant 0 : i32
    return %arg0, %c0_i32 : i32, i32
  }
  func.func @transform_3(%arg0: i32) -> (i32, i32) {
    %c0_i32 = arith.constant 0 : i32
    %c0_i32_0 = arith.constant 0 : i32
    return %arg0, %c0_i32 : i32, i32
  }
  func.func @transform_4(%arg0: i32) -> (i32, i32) {
    %c0_i32 = arith.constant 0 : i32
    %c0_i32_0 = arith.constant 0 : i32
    %c0_i32_1 = arith.constant 0 : i32
    return %c0_i32, %c0_i32_0 : i32, i32
  }
  func.func @transform_5(%arg0: i32) -> (i32, i32) {
    %c0_i32 = arith.constant 0 : i32
    %c0_i32_0 = arith.constant 0 : i32
    %c0_i32_1 = arith.constant 0 : i32
    return %c0_i32, %c0_i32_0 : i32, i32
  }
  func.func @transform_6(%arg0: i32) -> (i32, i32) {
    %c0_i32 = arith.constant 0 : i32
    %c0_i32_0 = arith.constant 0 : i32
    return %arg0, %c0_i32 : i32, i32
  }
}

module attributes {stable_mosaic.version = 14 : i64} {
  func.func @_tail_body(%arg0: i32, %arg1: memref<1x512x128xf32, #tpu.memory_space<vmem>>, %arg2: memref<1x512x128xf32, #tpu.memory_space<vmem>>, %arg3: memref<512x128xf32, #tpu.memory_space<vmem>>, %arg4: memref<512x1xf32, #tpu.memory_space<vmem>>, %arg5: memref<1x128xf32, #tpu.memory_space<vmem>>, %arg6: memref<128x128xf32, #tpu.memory_space<vmem>>, %arg7: memref<1x128xf32, #tpu.memory_space<vmem>>, %arg8: memref<10000x128xf32, #tpu.memory_space<vmem>>, %arg9: memref<1x10000xf32, #tpu.memory_space<vmem>>, %arg10: memref<1x10000xf32, #tpu.memory_space<vmem>>, %arg11: memref<1x128xf32, #tpu.memory_space<vmem>>) attributes {dimension_semantics = [#tpu.dimension_semantics<arbitrary>], iteration_bounds = array<i64: 20>, scalar_prefetch = 0 : i64, scratch_operands = 1 : i64, tpu.core_type = #tpu.core_type<tc>, window_params = [{transform_indices = @transform_0, window_bounds = array<i64: 1, 512, 128>}, {transform_indices = @transform_1, window_bounds = array<i64: 1, 512, 128>}, {transform_indices = @transform_2, window_bounds = array<i64: 512, 128>}, {transform_indices = @transform_3, window_bounds = array<i64: 512, 1>}, {pipeline_mode = #tpu.pipeline_mode<synchronous>, transform_indices = @transform_4, window_bounds = array<i64: 1, 128>}, {pipeline_mode = #tpu.pipeline_mode<synchronous>, transform_indices = @transform_5, window_bounds = array<i64: 128, 128>}, {pipeline_mode = #tpu.pipeline_mode<synchronous>, transform_indices = @transform_6, window_bounds = array<i64: 1, 128>}, {pipeline_mode = #tpu.pipeline_mode<synchronous>, transform_indices = @transform_7, window_bounds = array<i64: 10000, 128>}, {pipeline_mode = #tpu.pipeline_mode<synchronous>, transform_indices = @transform_8, window_bounds = array<i64: 1, 10000>}, {pipeline_mode = #tpu.pipeline_mode<synchronous>, transform_indices = @transform_9, window_bounds = array<i64: 1, 10000>}]} {
    %get3A = arith.constant 0 : index
    %get3A_0 = arith.constant 0 : index
    %get3A_1 = vector.load %arg4[%get3A, %get3A_0] : memref<512x1xf32, #tpu.memory_space<vmem>>, vector<512x1xf32>
    %get3A_2 = arith.constant 0 : index
    %get3A_3 = arith.constant 0 : index
    %get3A_4 = arith.constant 0 : index
    %get3A_5 = vector.load %arg1[%get3A_2, %get3A_3, %get3A_4] : memref<1x512x128xf32, #tpu.memory_space<vmem>>, vector<1x512x128xf32>
    %get3A_6 = vector.shape_cast %get3A_5 : vector<1x512x128xf32> to vector<512x128xf32>
    %get3A_7 = arith.constant 0 : index
    %get3A_8 = arith.constant 0 : index
    %get3A_9 = arith.constant 0 : index
    %get3A_10 = vector.load %arg2[%get3A_7, %get3A_8, %get3A_9] : memref<1x512x128xf32, #tpu.memory_space<vmem>>, vector<1x512x128xf32>
    %get3A_11 = vector.shape_cast %get3A_10 : vector<1x512x128xf32> to vector<512x128xf32>
    %add3A = arith.addf %get3A_6, %get3A_11 : vector<512x128xf32>
    %get3A_12 = arith.constant 0 : index
    %get3A_13 = arith.constant 0 : index
    %get3A_14 = vector.load %arg3[%get3A_12, %get3A_13] : memref<512x128xf32, #tpu.memory_space<vmem>>, vector<512x128xf32>
    %add3A_15 = arith.addf %add3A, %get3A_14 : vector<512x128xf32>
    %mul3A = vector.broadcast %get3A_1 : vector<512x1xf32> to vector<512x128xf32>
    %mul3A_16 = arith.mulf %mul3A, %add3A_15 : vector<512x128xf32>
    %get3A_17 = arith.constant 0 : index
    %get3A_18 = arith.constant 0 : index
    %get3A_19 = vector.load %arg5[%get3A_17, %get3A_18] : memref<1x128xf32, #tpu.memory_space<vmem>>, vector<1x128xf32>
    %add3A_20 = vector.broadcast %get3A_19 : vector<1x128xf32> to vector<512x128xf32>
    %add3A_21 = arith.addf %mul3A_16, %add3A_20 : vector<512x128xf32>
    %max3A = arith.constant 0.000000e+00 : f32
    %max3A_22 = vector.broadcast %max3A : f32 to vector<512x128xf32>
    %max3A_23 = arith.maximumf %add3A_21, %max3A_22 : vector<512x128xf32>
    %iota3A = tpu.iota {dimensions = array<i32: 0>} : vector<512x1xi32>
    %mul3A_24 = arith.constant 512 : i32
    %mul3A_25 = arith.muli %arg0, %mul3A_24 : i32
    %add3A_26 = vector.broadcast %mul3A_25 : i32 to vector<512x1xi32>
    %add3A_27 = arith.addi %iota3A, %add3A_26 : vector<512x1xi32>
    %lt3A = arith.constant 10000 : i32
    %lt3A_28 = vector.broadcast %lt3A : i32 to vector<512x1xi32>
    %lt3A_29 = arith.cmpi slt, %add3A_27, %lt3A_28 : vector<512x1xi32>
    %jit3A = arith.constant 0.000000e+00 : f32
    %broadcast_in_dim3A = vector.shape_cast %lt3A_29 : vector<512x1xi1> to vector<512x1xi1>
    %broadcast_in_dim3A_30 = vector.broadcast %broadcast_in_dim3A : vector<512x1xi1> to vector<512x128xi1>
    %broadcast_in_dim3A_31 = vector.broadcast %jit3A : f32 to vector<512x128xf32>
    %select_n3A = arith.select %broadcast_in_dim3A_30, %max3A_23, %broadcast_in_dim3A_31 : vector<512x128xi1>, vector<512x128xf32>
    %eq3A = arith.constant 0 : i32
    %eq3A_32 = arith.cmpi eq, %arg0, %eq3A : i32
    %convert_element_type3A = arith.extui %eq3A_32 : i1 to i32
    %cond3A = arith.constant 0 : i32
    %cond3A_33 = arith.cmpi ne, %convert_element_type3A, %cond3A : i32
    scf.if %cond3A_33 {
      %broadcast_in_dim3A_47 = arith.constant 0.000000e+00 : f32
      %broadcast_in_dim3A_48 = vector.broadcast %broadcast_in_dim3A_47 : f32 to vector<1x128xf32>
      %swap3A_49 = arith.constant 0 : index
      %swap3A_50 = arith.constant 0 : index
      %swap3A_51 = vector.load %arg11[%swap3A_49, %swap3A_50] : memref<1x128xf32, #tpu.memory_space<vmem>>, vector<1x128xf32>
      tpu.vector_store %arg11[%swap3A_49, %swap3A_50], %broadcast_in_dim3A_48 {strides = array<i32>} : memref<1x128xf32, #tpu.memory_space<vmem>>, vector<1x128xf32>,
    } else {
    }
    %get3A_34 = arith.constant 0 : index
    %get3A_35 = arith.constant 0 : index
    %get3A_36 = vector.load %arg11[%get3A_34, %get3A_35] : memref<1x128xf32, #tpu.memory_space<vmem>>, vector<1x128xf32>
    %reduce_sum3A = arith.constant dense<0.000000e+00> : vector<128xf32>
    %reduce_sum3A_37 = vector.multi_reduction <add>, %select_n3A, %reduce_sum3A [0] : vector<512x128xf32> to vector<128xf32>
    %broadcast_in_dim3A_38 = vector.shape_cast %reduce_sum3A_37 : vector<128xf32> to vector<1x128xf32>
    %add3A_39 = arith.addf %get3A_36, %broadcast_in_dim3A_38 : vector<1x128xf32>
    %swap3A = arith.constant 0 : index
    %swap3A_40 = arith.constant 0 : index
    %swap3A_41 = vector.load %arg11[%swap3A, %swap3A_40] : memref<1x128xf32, #tpu.memory_space<vmem>>, vector<1x128xf32>
    tpu.vector_store %arg11[%swap3A, %swap3A_40], %add3A_39 {strides = array<i32>} : memref<1x128xf32, #tpu.memory_space<vmem>>, vector<1x128xf32>,
    %eq3A_42 = arith.constant 19 : i32
    %eq3A_43 = arith.cmpi eq, %arg0, %eq3A_42 : i32
    %convert_element_type3A_44 = arith.extui %eq3A_43 : i1 to i32
    %cond3A_45 = arith.constant 0 : i32
    %cond3A_46 = arith.cmpi ne, %convert_element_type3A_44, %cond3A_45 : i32
    scf.if %cond3A_46 {
      %get3A_47 = arith.constant 0 : index
      %get3A_48 = arith.constant 0 : index
      %get3A_49 = vector.load %arg11[%get3A_47, %get3A_48] : memref<1x128xf32, #tpu.memory_space<vmem>>, vector<1x128xf32>
      %mul3A_50 = arith.constant 9.99999974E-5 : f32
      %mul3A_51 = vector.broadcast %mul3A_50 : f32 to vector<1x128xf32>
      %mul3A_52 = arith.mulf %get3A_49, %mul3A_51 : vector<1x128xf32>
      %get3A_53 = arith.constant 0 : index
      %get3A_54 = arith.constant 0 : index
      %get3A_55 = vector.load %arg6[%get3A_53, %get3A_54] : memref<128x128xf32, #tpu.memory_space<vmem>>, vector<128x128xf32>
      %dot_general3A = arith.constant dense<0.000000e+00> : vector<1x128xf32>
      %dot_general3A_56 = tpu.matmul %mul3A_52, %get3A_55, %dot_general3A {dimension_numbers = #tpu.dot_dimension_numbers<[1], [1], [0], [0], [0, 0, 1, 0], [], []>, transpose_lhs_hint = false} : vector<1x128xf32>, vector<128x128xf32>, vector<1x128xf32> -> vector<1x128xf32>
      %get3A_57 = arith.constant 0 : index
      %get3A_58 = arith.constant 0 : index
      %get3A_59 = vector.load %arg7[%get3A_57, %get3A_58] : memref<1x128xf32, #tpu.memory_space<vmem>>, vector<1x128xf32>
      %add3A_60 = arith.addf %dot_general3A_56, %get3A_59 : vector<1x128xf32>
      %max3A_61 = arith.constant 0.000000e+00 : f32
      %max3A_62 = vector.broadcast %max3A_61 : f32 to vector<1x128xf32>
      %max3A_63 = arith.maximumf %add3A_60, %max3A_62 : vector<1x128xf32>
      %get3A_64 = arith.constant 0 : index
      %get3A_65 = arith.constant 0 : index
      %get3A_66 = vector.load %arg8[%get3A_64, %get3A_65] : memref<10000x128xf32, #tpu.memory_space<vmem>>, vector<10000x128xf32>
      %dot_general3A_67 = arith.constant dense<0.000000e+00> : vector<1x10000xf32>
      %dot_general3A_68 = tpu.matmul %max3A_63, %get3A_66, %dot_general3A_67 {dimension_numbers = #tpu.dot_dimension_numbers<[1], [1], [0], [0], [0, 0, 1, 0], [], []>, transpose_lhs_hint = false} : vector<1x128xf32>, vector<10000x128xf32>, vector<1x10000xf32> -> vector<1x10000xf32>
      %get3A_69 = arith.constant 0 : index
      %get3A_70 = arith.constant 0 : index
      %get3A_71 = vector.load %arg9[%get3A_69, %get3A_70] : memref<1x10000xf32, #tpu.memory_space<vmem>>, vector<1x10000xf32>
      %add3A_72 = arith.addf %dot_general3A_68, %get3A_71 : vector<1x10000xf32>
      %swap3A_73 = arith.constant 0 : index
      %swap3A_74 = arith.constant 0 : index
      %swap3A_75 = vector.load %arg10[%swap3A_73, %swap3A_74] : memref<1x10000xf32, #tpu.memory_space<vmem>>, vector<1x10000xf32>
      tpu.vector_store %arg10[%swap3A_73, %swap3A_74], %add3A_72 {strides = array<i32>} : memref<1x10000xf32, #tpu.memory_space<vmem>>, vector<1x10000xf32>,
    } else {
    }
    return
  }
  func.func @transform_0(%arg0: i32) -> (i32, i32, i32) {
    %c0_i32 = arith.constant 0 : i32
    %c0_i32_0 = arith.constant 0 : i32
    %c0_i32_1 = arith.constant 0 : i32
    return %c0_i32, %arg0, %c0_i32_0 : i32, i32, i32
  }
  func.func @transform_1(%arg0: i32) -> (i32, i32, i32) {
    %c1_i32 = arith.constant 1 : i32
    %c0_i32 = arith.constant 0 : i32
    %c0_i32_0 = arith.constant 0 : i32
    return %c1_i32, %arg0, %c0_i32 : i32, i32, i32
  }
  func.func @transform_2(%arg0: i32) -> (i32, i32) {
    %c0_i32 = arith.constant 0 : i32
    %c0_i32_0 = arith.constant 0 : i32
    return %arg0, %c0_i32 : i32, i32
  }
  func.func @transform_3(%arg0: i32) -> (i32, i32) {
    %c0_i32 = arith.constant 0 : i32
    %c0_i32_0 = arith.constant 0 : i32
    return %arg0, %c0_i32 : i32, i32
  }
  func.func @transform_4(%arg0: i32) -> (i32, i32) {
    %c0_i32 = arith.constant 0 : i32
    %c0_i32_0 = arith.constant 0 : i32
    %c0_i32_1 = arith.constant 0 : i32
    return %c0_i32, %c0_i32_0 : i32, i32
  }
  func.func @transform_5(%arg0: i32) -> (i32, i32) {
    %c0_i32 = arith.constant 0 : i32
    %c0_i32_0 = arith.constant 0 : i32
    %c0_i32_1 = arith.constant 0 : i32
    return %c0_i32, %c0_i32_0 : i32, i32
  }
  func.func @transform_6(%arg0: i32) -> (i32, i32) {
    %c0_i32 = arith.constant 0 : i32
    %c0_i32_0 = arith.constant 0 : i32
    %c0_i32_1 = arith.constant 0 : i32
    return %c0_i32, %c0_i32_0 : i32, i32
  }
  func.func @transform_7(%arg0: i32) -> (i32, i32) {
    %c0_i32 = arith.constant 0 : i32
    %c0_i32_0 = arith.constant 0 : i32
    %c0_i32_1 = arith.constant 0 : i32
    return %c0_i32, %c0_i32_0 : i32, i32
  }
  func.func @transform_8(%arg0: i32) -> (i32, i32) {
    %c0_i32 = arith.constant 0 : i32
    %c0_i32_0 = arith.constant 0 : i32
    %c0_i32_1 = arith.constant 0 : i32
    return %c0_i32, %c0_i32_0 : i32, i32
  }
  func.func @transform_9(%arg0: i32) -> (i32, i32) {
    %c0_i32 = arith.constant 0 : i32
    %c0_i32_0 = arith.constant 0 : i32
    %c0_i32_1 = arith.constant 0 : i32
    return %c0_i32, %c0_i32_0 : i32, i32
  }
}

</mosaic_0001>

<sc_bundles>
// kernel: kernel.11.cloned.1.call-start
scs
__scs_entry_jumppad:
0x0: {  	(pc) =	sbr.rel $0x88, $3  }
0x1: {  	(tag) =	ssettag $0x0;
	lr =	simm.s32 $0x1  }
0x2: {  	[smem:$0x3F97] =	sst lr;
	_ =	strace $0xD0000000  }
0x3: {  	_ = 	snop  }
0x4: {  	_ = 	snop  }
0x5: {  	_ = 	snop  }
0x6: {  	_ = 	snop  }
0x7: {  	_ = 	snop  }
__scs_overlays_trampoline_lowered:
0x8: {  	[smem:$0x3FA6] =	sst s0  }
0x9: {  	[smem:$0x3FA7] =	sst s1  }
0xa: {  	[smem:$0x3FA8] =	sst s2  }
0xb: {  	[smem:$0x3FA9] =	sst s3  }
0xc: {  	[smem:$0x3FAA] =	sst s4  }
0xd: {  	[smem:$0x3FAB] =	sst s5  }
0xe: {  	[smem:$0x3FAC] =	sst s6  }
0xf: {  	[smem:$0x3FAD] =	sst s7  }
0x10: {  	[smem:$0x3FAE] =	sst s8  }
0x11: {  	[smem:$0x3FAF] =	sst s9;
	s0 =	simm.s32 @!p0 $0x0  }
0x12: {  	s1 =	sld [smem:$0x3F95];
	s0 =	simm.s32 @p0 $0x1  }
0x13: {  	[smem:$0x3FB0] =	sst s0;
	s0 =	simm.s32 @!p1 $0x0  }
0x14: {  	s2 =	sld [smem:$0x3F94];
	s0 =	simm.s32 @p1 $0x1  }
0x15: {  	[smem:$0x3FB1] =	sst s0;
	s0 =	simm.s32 @!p2 $0x0  }
0x16: {  	s3 =	sld [smem:$0x3FDB];
	s0 =	simm.s32 @p2 $0x1  }
0x17: {  	s4 =	simm.s32 $0x1BF5;
	[smem:$0x3FB3] =	sst s0  }
0x18: {  	s0 =	sld [smem:$0x3F96];
	_ =	swait.ge [sflag:s4], $0x0  }
0x19: {  	s7 =	sld [smem:$0x3F97]  }
0x1a: {  	s8 =	sadd.s32 $0xFFFFE003, lr  }
0x1b: {  	s9 =	sadd.s32 $0xFFFFFEF7, lr;
	s5 =	simm.s32 $0xFFFFFFFF;
	p2 =	slt.u32 s8, $0xFFFFF086  }
0x1c: {  	p1 =	slt.u32 s9, $0xF7A;
	s5 =	simm.s32 @!p2 $0x0  }
0x1d: {  	s5 =	simm.s32 @p1 $0x1;
	p0 =	seq.s32 s7, s2  }
0x1e: {  	s7 =	smul.u32 @!p0 $0xF7A, s2;
	p2 =	seq.s32 @!p0 s5, $0x0  }
0x1f: {  	s9 =	smul.u32 $0xF7A, s1;
	s8 =	simm.s32 @!p0 $0x1BF5;
	p2 =	por !p2, p0  }
0x20: {  	[sflag:s8] =	ssyncset.s32 @!p0 $0xFFFFF086;
	s6 =	sadd.s32 @!p0 s3, s7;
	s7 =	simm.s32 @!p0 $0x108  }
0x21: {  	s3 =	sadd.s32 s3, s9;
	s6 =	sadd.s32 @!p0 $0x88, s6;
	s7 =	simm.s32 @p2 $0x1082  }
0x22: {  	[simem:s7], [sflag:s8] =	dma.local @!p0 [hbm:s6], $0xF7A  }
0x23: {  	s9 =	sor.u32 $0xD0000000, s2;
	s6 =	simm.s32 $0x108;
	_ =	swait.ge @!p0 [sflag:s8], $0x0  }
0x24: {  	s3 =	sadd.s32 $0x88, s3;
	s6 =	simm.s32 @!p1 $0x1082;
	[sflag:s4] =	ssyncset.s32 $0xFFFFF086  }
0x25: {  	[simem:s6], [sflag:s4] =	dma.local [hbm:s3], $0xF7A  }
0x26: {  	[smem:$0x3F97] =	sst s1;
	(tag) =	ssettag s2;
	_ =	strace s9  }
0x27: {  	s1 =	sld [smem:$0x3FA7]  }
0x28: {  	s2 =	sld [smem:$0x3FA8]  }
0x29: {  	s4 =	sld [smem:$0x3FAA]  }
0x2a: {  	p0 =	seq.s32 s5, $0x0;
	s5 =	sld [smem:$0x3FAB]  }
0x2b: {  	s6 =	sld [smem:$0x3FAC]  }
0x2c: {  	s7 =	sld [smem:$0x3FAD]  }
0x2d: {  	s3 =	simm.s32 $0x108;
	s8 =	sld [smem:$0x3FAE]  }
0x2e: {  	s3 =	simm.s32 @!p0 $0x1082;
	s9 =	sld [smem:$0x3FAF]  }
0x2f: {  	lr =	sadd.s32 s0, s3;
	s0 =	sld [smem:$0x3FA6]  }
0x30: {  	s3 =	sld [smem:$0x3FA9]  }
0x31: {  	[smem:$0x3FB2] =	sst s10  }
0x32: {  	s10 =	sld [smem:$0x3FB0];
	_ =	sdelay $0x3  }
0x33: {  	p0 =	seq.s32 s10, $0x1;
	s10 =	sld [smem:$0x3FB2];
	_ =	sdelay $0x3  }
0x34: {  	[smem:$0x3FB2] =	sst s10  }
0x35: {  	s10 =	sld [smem:$0x3FB1];
	_ =	sdelay $0x3  }
0x36: {  	p1 =	seq.s32 s10, $0x1;
	s10 =	sld [smem:$0x3FB2];
	_ =	sdelay $0x3  }
0x37: {  	[smem:$0x3FB2] =	sst s10  }
0x38: {  	s10 =	sld [smem:$0x3FB3]  }
0x39: {  	_ = 	snop;
	(pc) =	sbr.ind lr, $3  }
0x3a: {  	_ = 	snop  }
0x3b: {  	_ = 	snop  }
0x3c: {  	p2 =	seq.s32 s10, $0x1;
	s10 =	sld [smem:$0x3FB2]  }
0x3d: {  	_ =	shalt  }
0x3e: {  	_ =	shalt  }
0x3f: {  	_ =	shalt  }
0x40: {  	_ =	shalt  }
0x41: {  	_ =	shalt  }
0x42: {  	_ =	shalt  }
0x43: {  	_ =	shalt  }
0x44: {  	_ =	shalt  }
0x45: {  	_ =	shalt  }
0x46: {  	_ =	shalt  }
0x47: {  	_ =	shalt  }
0x48: {  	_ =	shalt  }
0x49: {  	_ =	shalt  }
0x4a: {  	_ =	shalt  }
0x4b: {  	_ =	shalt  }
0x4c: {  	_ =	shalt  }
0x4d: {  	_ =	shalt  }
0x4e: {  	_ =	shalt  }
0x4f: {  	_ =	shalt  }
0x50: {  	_ =	shalt  }
0x51: {  	_ =	shalt  }
0x52: {  	_ =	shalt  }
0x53: {  	_ =	shalt  }
0x54: {  	_ =	shalt  }
0x55: {  	_ =	shalt  }
0x56: {  	_ =	shalt  }
0x57: {  	_ =	shalt  }
0x58: {  	_ =	shalt  }
0x59: {  	_ =	shalt  }
0x5a: {  	_ =	shalt  }
0x5b: {  	_ =	shalt  }
0x5c: {  	_ =	shalt  }
0x5d: {  	_ =	shalt  }
0x5e: {  	_ =	shalt  }
0x5f: {  	_ =	shalt  }
0x60: {  	_ =	shalt  }
0x61: {  	_ =	shalt  }
0x62: {  	_ =	shalt  }
0x63: {  	_ =	shalt  }
0x64: {  	_ =	shalt  }
0x65: {  	_ =	shalt  }
0x66: {  	_ =	shalt  }
0x67: {  	_ =	shalt  }
0x68: {  	_ =	shalt  }
0x69: {  	_ =	shalt  }
0x6a: {  	_ =	shalt  }
0x6b: {  	_ =	shalt  }
0x6c: {  	_ =	shalt  }
0x6d: {  	_ =	shalt  }
0x6e: {  	_ =	shalt  }
0x6f: {  	_ =	shalt  }
0x70: {  	_ =	shalt  }
0x71: {  	_ =	shalt  }
0x72: {  	_ =	shalt  }
0x73: {  	_ =	shalt  }
0x74: {  	_ =	shalt  }
0x75: {  	_ =	shalt  }
0x76: {  	_ =	shalt  }
0x77: {  	_ =	shalt  }
0x78: {  	_ =	shalt  }
0x79: {  	_ =	shalt  }
0x7a: {  	_ =	shalt  }
0x7b: {  	_ =	shalt  }
0x7c: {  	_ =	shalt  }
0x7d: {  	_ =	shalt  }
0x7e: {  	_ =	shalt  }
0x7f: {  	_ =	shalt  }
0x80: {  	_ =	shalt  }
0x81: {  	_ =	shalt  }
0x82: {  	_ =	shalt  }
0x83: {  	_ =	shalt  }
0x84: {  	_ =	shalt  }
0x85: {  	_ =	shalt  }
0x86: {  	_ =	shalt  }
0x87: {  	_ =	shalt  }
.Lfunc_end0:
.L_simem_size_0:
called_computation.1_lowered:
.L_overlay_start_0:
0x88: {  	s2 =	sld [smem:$0x3FD9]  }
0x89: {  	s3 =	sld [smem:$0x3FFE];
	_ =	sdelay $0x1  }
0x8a: {  	s1 =	srdreg.scid  }
0x8b: {  	s0 =	sand.u32 $0x1, s1  }
0x8c: {  	s16 =	sshll.u32 s0, $0xA;
	s2 =	sadd.s32 s3, s2  }
0x8d: {  	s2 =	sadd.s32 s2, s16  }
0x8e: {  	[smem:$0x3FBE] =	sst s2  }
0x8f: {  	_ = 	snop  }
0x90: {  	(tm) =	ssettm $0x1  }
0x91: {  	s17 =	sld [smem:$0x3FFB];
	_ =	sdelay $0x3  }
0x92: {  	_ =	strace s17  }
0x93: {  	s2 =	sld [smem:$0x3FFC];
	_ =	sdelay $0x3  }
0x94: {  	_ =	strace s2  }
0x95: {  	s2 =	sld [smem:$0x3FFD];
	_ =	sdelay $0x3  }
0x96: {  	_ =	strace s2  }
0x97: {  	_ =	strace $0x8FFFFFFF  }
0x98: {  	s18 =	sld [smem:$0x3FDB];
	_ =	sdelay $0x1  }
0x99: {  	s19 =	simm.s32 $_scs_section_size  }
0x9a: {  	s4 =	simm.s32 $_size__tile_overlayer_lowered;
	s5 =	simm.s32 $_tile_overlayer_lowered  }
0x9b: {  	s22 =	simm.s32 $0x1BFF;
	s21 =	sshll.u32 s5, $0x1;
	s2 =	sadd.s32 s19, s18  }
0x9c: {  	s6 =	simm.s32 $0x0;
	s20 =	sshll.u32 s4, $0x1;
	s4 =	sadd.s32 s21, s2  }
0x9d: {  	[timem:s6], [sflag:s22] =	dma.local [hbm:s4], s20  }
0x9e: {  	_ =	swait.ge [sflag:s22], s20  }
0x9f: {  	s3 =	ssub.s32 $0x0, s20;
	[sflag:s22] =	ssyncset.done $0x0  }
0xa0: {  	[sflag:s22] =	ssyncadd.s32 s3;
	_ =	sdelay $0x1  }
0xa1: {  	s23 =	simm.s32 $0x1B8B  }
0xa2: {  	_ =	swait.ge [sflag:s23], $0x1  }
0xa3: {  	[sflag:s23] =	ssyncset.done $0x0  }
0xa4: {  	s25 =	simm.s32 $0x1B8E;
	s24 =	sld [smem:$0x3FFE];
	[sflag:s23] =	ssyncadd.s32 $0xFFFFFFFF  }
0xa5: {  	s26 =	simm.s32 $execute0_lowered;
	[smem:$0x3FD2] =	sst s25  }
0xa6: {  	s4 =	sshll.u32 s26, $0x1;
	_ =	strace $0x80000049;
	[dreg:$0x1] =	wrdreg $0xFFFFFFFF  }
0xa7: {  	s28 =	simm.s32 $_size_execute0_lowered;
	s2 =	sadd.s32 s2, s4;
	[dreg:$0x0] =	wrdreg $0x0  }
0xa8: {  	s4 =	sshll.u32 s28, $0x1;
	[dreg:$0x2] =	wrdreg s2  }
0xa9: {  	[dreg:$0x3] =	wrdreg s4  }
0xaa: {  	[dreg:$0x4] =	wrdreg $0xC0  }
0xab: {  	_ =	task [dreg:s6], $0x5FFFF  }
0xac: {  	[dreg:$0x1] =	wrdreg $0xFFFFFFFF  }
0xad: {  	[dreg:$0x0] =	wrdreg $0x60  }
0xae: {  	[dreg:$0x2] =	wrdreg s24  }
0xaf: {  	[dreg:$0x3] =	wrdreg $0x0  }
0xb0: {  	[dreg:$0x4] =	wrdreg $0x9  }
0xb1: {  	_ =	task.clear_ibuf [dreg:s6], $0x5FFFF;
	_ =	strace $0x90000049  }
0xb2: {  	s29 =	simm.s32 $0x9;
	_ =	strace $0x8000004B  }
0xb3: {  	_ =	swait.ge [sflag:s29], $0x1  }
0xb4: {  	[sflag:s29] =	ssyncadd.s32 $0xFFFFFFFF  }
0xb5: {  	_ =	strace $0x9000004B  }
0xb6: {  	_ =	sfence  }
0xb7: {  	s30 =	sld [smem:$0x0];
	_ =	sdelay $0x2  }
0xb8: {  	s31 =	sshll.u32 s1, $0xD;
	s1 =	sshrl.u32 s1, $0x2  }
0xb9: {  	s3 =	sand.u32 $0x4000, s31;
	s1 =	sadd.s32 s1, s30  }
0xba: {  	s0 =	sor.u32 s3, s0;
	s1 =	sshll.u32 s1, $0x11  }
0xbb: {  	s0 =	sor.u32 s1, s0  }
0xbc: {  	s0 =	sadd.s32 $0x8F2B, s0  }
0xbd: {  	[sflag:s0] =	ssyncadd.remote.s32 $0x1  }
0xbe: {  	_ =	sfence.sel $0xFFFF  }
0xbf: {  	[dreg:$0x0] =	wrdreg $0xFFFFFFFF;
	(pc) =	sbr.abs _section_cstart, $3  }
0xc0: {  	[dreg:$0x1] =	wrdreg $0xFFFFFFFF  }
0xc1: {  	_ =	task.clear_ibuf [dreg:s6], $0x2FFFF;
	_ =	strace $0x9FFFFFFF  }
0xc2: {  	(tm) =	ssettm $0x7FFFFFFF  }
0xc3: {  	_ =	shalt  }
tec
execute0_lowered:
.L_overlay_start_1:
0x0: {  	(tag) =	ssettag $0x1  }
0x1: {  	s0 =	srdreg.scid;
	s1 =	rddreg [dreg:$0x0]  }
0x2: {  	s8 =	stileid.u32;
	s2 =	rddreg [dreg:$0x1];
	s3 =	simm.s32 $0x0  }
0x3: {  	s26 =	simm.s32 $0x14080;
	s9 =	simm.s32 $0x14100;
	s11 =	simm.s32 $0x14180  }
0x4: {  	s13 =	simm.s32 $0x14880;
	s15 =	simm.s32 $0x14200;
	[smem:$0x7FF] =	sst s3  }
0x5: {  	s16 =	simm.s32 $0x14900;
	_ =	strace $0x8000004A;
	[dreg:$0x5] =	wrdreg s26  }
0x6: {  	s17 =	simm.s32 $0x14280;
	s18 =	simm.s32 $0x14980;
	[dreg:$0x6] =	wrdreg s9  }
0x7: {  	s19 =	simm.s32 $0x14300;
	s20 =	simm.s32 $0x14A00;
	[dreg:$0x7] =	wrdreg s11  }
0x8: {  	s28 =	simm.s32 $0x14600;
	s5 =	smul.u32 $0x3000, s8;
	[dreg:$0x8] =	wrdreg s13  }
0x9: {  	s29 =	simm.s32 $0x14D00;
	s6 =	smul.u32 $0x14000, s8;
	[dreg:$0x9] =	wrdreg s15  }
0xa: {  	s0 =	sand.u32 $0x1, s0;
	s8 =	smul.u32 $0x50000, s8;
	[dreg:$0xa] =	wrdreg s16  }
0xb: {  	s30 =	simm.s32 $0x14680;
	s4 =	smul.u32 $0x30000, s0;
	[dreg:$0xb] =	wrdreg s17  }
0xc: {  	s31 =	simm.s32 $0x14D80;
	s21 =	smul.u32 $0x140000, s0;
	[dreg:$0xc] =	wrdreg s18  }
0xd: {  	s0 =	ssub.s32 $0x2, s0;
	s13 =	simm.s32 $0x15000;
	[dreg:$0xd] =	wrdreg s19  }
0xe: {  	s15 =	simm.s32 $0x14000;
	[dreg:$0xe] =	wrdreg s20;
	s16 =	simm.s32 $0x14800  }
0xf: {  	s17 =	simm.s32 $0x70;
	s18 =	simm.s32 $0x18800;
	s19 =	simm.s32 $0x1C000  }
0x10: {  	s20 =	simm.s32 $0x1;
	s26 =	simm.s32 $0x14B80;
	s9 =	simm.s32 $0x14F80  }
0x11: {  	s22 =	sshrl.u32 s0, $0x1;
	s24 =	sshrl.u32 s8, $0x2;
	[dreg:$0x14] =	wrdreg s26  }
0x12: {  	s4 =	sadd.s32 s5, s4;
	s5 =	sadd.s32 s6, s21;
	s6 =	sadd.s32 s24, s2  }
0x13: {  	s26 =	simm.s32 $0x14C80;
	s21 =	simm.s32 $0x14380;
	[dreg:$0x15] =	wrdreg s6  }
0x14: {  	s0 =	ssub.s32 s0, s22;
	s22 =	simm.s32 $0x14A80;
	[dreg:$0xf] =	wrdreg s21  }
0x15: {  	s24 =	simm.s32 $0x14B00;
	s4 =	sshrl.u32 s4, $0x3;
	[dreg:$0x10] =	wrdreg s22  }
0x16: {  	s5 =	sshrl.u32 s5, $0x3;
	s8 =	sadd.s32 $0x3800, s6;
	[dreg:$0x12] =	wrdreg s24  }
0x17: {  	s10 =	sadd.s32 $0x7000, s6;
	s12 =	sadd.s32 $0xA800, s6;
	[dreg:$0x16] =	wrdreg s8  }
0x18: {  	s14 =	sadd.s32 $0xE000, s6;
	s6 =	sadd.s32 $0x11800, s6;
	[dreg:$0x17] =	wrdreg s10  }
0x19: {  	s0 =	smax.u32 s0, $0x1;
	s21 =	simm.s32 $0x2;
	[dreg:$0x18] =	wrdreg s12  }
0x1a: {  	s22 =	simm.s32 $0x3;
	s24 =	simm.s32 $0x14C00;
	[dreg:$0x19] =	wrdreg s14  }
0x1b: {  	s7 =	sadd.s32 s4, s1;
	s4 =	sadd.s32 $0x26A00, s1;
	[dreg:$0x1a] =	wrdreg s6  }
0x1c: {  	s1 =	sadd.s32 s5, s1;
	[dreg:$0x1c] =	wrdreg s0;
	s14 =	simm.s32 $0x4  }
0x1d: {  	s0 =	simm.s32 $0x14E00;
	s6 =	simm.s32 $0x14780;
	s23 =	sadd.s32 $0xEA00, s7  }
0x1e: {  	s8 =	simm.s32 $0x14F00;
	s25 =	sadd.s32 $0x1AA00, s7;
	[dreg:$0x3] =	wrdreg s23  }
0x1f: {  	s10 =	simm.s32 $0x0;
	s1 =	sadd.s32 $0x4EA00, s1;
	[dreg:$0x4] =	wrdreg s25  }
0x20: {  	s7 =	simm.s32 $0x14E80;
	[dreg:$0x1b] =	wrdreg s1;
	s23 =	simm.s32 $0x14400  }
0x21: {  	s25 =	simm.s32 $0x14480;
	s1 =	simm.s32 $0x14700;
	[dreg:$0x11] =	wrdreg s23  }
0x22: {  	v0 =	vimm.f32 $0.0e+00;
	[dreg:$0x13] =	wrdreg s25;
	s23 =	simm.s32 $0x14500;
	s25 =	simm.s32 $0x14580  }
.LBB2_1:
0x23: {  	s11 =	simm.s32 $0x0;
	s12 =	simm.s32 $0x200  }
.LBB2_2:
0x24: {  	p0 =	sne.s32 s12, $0xDE00;
	[tilespmem:s11+$0x15070] =	vst v0  }
0x25: {  	[tilespmem:s11+$0x15000] =	vst v0  }
0x26: {  	[tilespmem:s11+$0x15010] =	vst v0  }
.Ltmp0:
0x27: {  	[tilespmem:s11+$0x15020] =	vst v0;
	(pc) =	sbr.rel @p0 .LBB2_2-.Ltmp0, $4  }
0x28: {  	[tilespmem:s11+$0x15030] =	vst v0  }
0x29: {  	[tilespmem:s11+$0x15040] =	vst v0  }
0x2a: {  	[tilespmem:s11+$0x15050] =	vst v0  }
0x2b: {  	[tilespmem:s11+$0x15060] =	vst v0;
	s11 =	sshra.s32 s12, $0x2;
	s12 =	sadd.s32 $0x200, s12  }
0x2c: {  	[tilespmem:s11+$0x15070] =	vst v0  }
0x2d: {  	[tilespmem:s11+$0x15000] =	vst v0  }
0x2e: {  	[tilespmem:s11+$0x15010] =	vst v0  }
0x2f: {  	[tilespmem:s11+$0x15020] =	vst v0  }
0x30: {  	[tilespmem:s11+$0x15030] =	vst v0  }
0x31: {  	[tilespmem:s11+$0x15040] =	vst v0  }
0x32: {  	[dreg:$0x1d] =	wrdreg s10;
	[tilespmem:s11+$0x15050] =	vst v0  }
0x33: {  	[tilespmem:s11+$0x15060] =	vst v0;
	s5 =	rddreg [dreg:$0x15]  }
0x34: {  	[spmem:s5] =	stream.linear.scatter [tilespmem:s13], [sflag:$0x4], $0x3800, $0x38;
	[tilespmem:$0x1F800] =	vst v63  }
0x35: {  	_ =	swait.ge [sflag:s14], $0x3800  }
0x36: {  	[sflag:s14] =	ssyncset.done $0x0  }
0x37: {  	s11 =	rddreg [dreg:$0x16];
	[sflag:s14] =	ssyncadd.s32 $0xFFFFC800  }
0x38: {  	[spmem:s11] =	stream.linear.scatter [tilespmem:s13], [sflag:$0x4], $0x3800, $0x38;
	[tilespmem:$0x1F800] =	vst v63  }
0x39: {  	_ =	swait.ge [sflag:s14], $0x3800  }
0x3a: {  	[sflag:s14] =	ssyncset.done $0x0  }
0x3b: {  	s12 =	rddreg [dreg:$0x17];
	[sflag:s14] =	ssyncadd.s32 $0xFFFFC800  }
0x3c: {  	[spmem:s12] =	stream.linear.scatter [tilespmem:s13], [sflag:$0x4], $0x3800, $0x38;
	[tilespmem:$0x1F800] =	vst v63  }
0x3d: {  	_ =	swait.ge [sflag:s14], $0x3800  }
0x3e: {  	[sflag:s14] =	ssyncset.done $0x0  }
0x3f: {  	s10 =	rddreg [dreg:$0x18];
	[sflag:s14] =	ssyncadd.s32 $0xFFFFC800  }
0x40: {  	[spmem:s10] =	stream.linear.scatter [tilespmem:s13], [sflag:$0x4], $0x3800, $0x38;
	[tilespmem:$0x1F800] =	vst v63  }
0x41: {  	_ =	swait.ge [sflag:s14], $0x3800  }
0x42: {  	[sflag:s14] =	ssyncset.done $0x0  }
0x43: {  	s11 =	rddreg [dreg:$0x19];
	[sflag:s14] =	ssyncadd.s32 $0xFFFFC800  }
0x44: {  	[spmem:s11] =	stream.linear.scatter [tilespmem:s13], [sflag:$0x4], $0x3800, $0x38;
	[tilespmem:$0x1F800] =	vst v63  }
0x45: {  	_ =	swait.ge [sflag:s14], $0x3800  }
0x46: {  	[sflag:s14] =	ssyncset.done $0x0  }
0x47: {  	s12 =	rddreg [dreg:$0x1a];
	[sflag:s14] =	ssyncadd.s32 $0xFFFFC800  }
0x48: {  	[spmem:s12] =	stream.linear.scatter [tilespmem:s13], [sflag:$0x4], $0x2800, $0x38;
	[tilespmem:$0x1F800] =	vst v63  }
0x49: {  	_ =	swait.ge [sflag:s14], $0x2800  }
0x4a: {  	[sflag:s14] =	ssyncset.done $0x0  }
0x4b: {  	[sflag:s14] =	ssyncadd.s32 $0xFFFFD800  }
0x4c: {  	[bflag:$0x0] =	sbarrier.arrive $0xFFFF  }
0x4d: {  	s10 =	rddreg [dreg:$0x4]  }
0x4e: {  	s5 =	sadd.s32 $0x0, s10  }
0x4f: {  	[tilespmem:s15], [sflag:$0x4] =	stream.linear.gather [hbm4b:s5+s3], $0x800, $0x38;
	[tilespmem:$0x1F800] =	vst v63  }
0x50: {  	_ =	swait.ge [sflag:s14], $0x800  }
0x51: {  	s11 =	rddreg [dreg:$0x3];
	[sflag:s14] =	ssyncset.done $0x0  }
0x52: {  	[sflag:s14] =	ssyncadd.s32 $0xFFFFF800;
	s5 =	sadd.s32 $0x0, s11  }
0x53: {  	[tilespmem:s16], [sflag:$0x4] =	stream.linear.gather [hbm4b:s5+s3], $0x800, $0x38;
	[tilespmem:$0x1F800] =	vst v63  }
0x54: {  	_ =	swait.ge [sflag:s14], $0x800  }
0x55: {  	[sflag:s14] =	ssyncset.done $0x0  }
0x56: {  	[sflag:s14] =	ssyncadd.s32 $0xFFFFF800  }
0x57: {  	[tilespmem:s13], [sflag:$0x1] =	stream.indirect.gather [hbm4b:s4+s17], $0x80, s15, s17, $0xb8;
	[tilespmem:$0x1F800] =	vst v63  }
0x58: {  	s12 =	rddreg [dreg:$0x5]  }
0x59: {  	[tilespmem:s18], [sflag:$0x2] =	stream.indirect.gather [hbm4b:s4+s17], $0x80, s12, s17, $0xb8;
	[tilespmem:$0x1F800] =	vst v63  }
0x5a: {  	s10 =	rddreg [dreg:$0x6]  }
0x5b: {  	[tilespmem:s19], [sflag:$0x3] =	stream.indirect.gather [hbm4b:s4+s17], $0x80, s10, s17, $0xb8;
	[tilespmem:$0x1F800] =	vst v63  }
0x5c: {  	_ =	swait.ge [sflag:s20], $0x3800  }
0x5d: {  	[sflag:s20] =	ssyncset.done $0x0  }
0x5e: {  	[sflag:s20] =	ssyncadd.s32 $0xFFFFC800  }
0x5f: {  	[spmem:s2] =	stream.indirect.scatter.add.f32 [tilespmem:s13], [sflag:$0x4], $0x80, s16, s17, $0xb8;
	[tilespmem:$0x1F800] =	vst v63  }
0x60: {  	_ =	swait.ge [sflag:s14], $0x3800  }
0x61: {  	[sflag:s14] =	ssyncset.done $0x0  }
0x62: {  	s11 =	rddreg [dreg:$0x7];
	[sflag:s14] =	ssyncadd.s32 $0xFFFFC800  }
0x63: {  	[tilespmem:s13], [sflag:$0x1] =	stream.indirect.gather [hbm4b:s4+s17], $0x80, s11, s17, $0xb8;
	[tilespmem:$0x1F800] =	vst v63  }
0x64: {  	_ =	swait.ge [sflag:s21], $0x3800  }
0x65: {  	[sflag:s21] =	ssyncset.done $0x0  }
0x66: {  	s12 =	rddreg [dreg:$0x8];
	[sflag:s21] =	ssyncadd.s32 $0xFFFFC800  }
0x67: {  	[spmem:s2] =	stream.indirect.scatter.add.f32 [tilespmem:s18], [sflag:$0x4], $0x80, s12, s17, $0xb8;
	[tilespmem:$0x1F800] =	vst v63  }
0x68: {  	_ =	swait.ge [sflag:s14], $0x3800  }
0x69: {  	[sflag:s14] =	ssyncset.done $0x0  }
0x6a: {  	s10 =	rddreg [dreg:$0x9];
	[sflag:s14] =	ssyncadd.s32 $0xFFFFC800  }
0x6b: {  	[tilespmem:s18], [sflag:$0x2] =	stream.indirect.gather [hbm4b:s4+s17], $0x80, s10, s17, $0xb8;
	[tilespmem:$0x1F800] =	vst v63  }
0x6c: {  	_ =	swait.ge [sflag:s22], $0x3800  }
0x6d: {  	[sflag:s22] =	ssyncset.done $0x0  }
0x6e: {  	s11 =	rddreg [dreg:$0xa];
	[sflag:s22] =	ssyncadd.s32 $0xFFFFC800  }
0x6f: {  	[spmem:s2] =	stream.indirect.scatter.add.f32 [tilespmem:s19], [sflag:$0x4], $0x80, s11, s17, $0xb8;
	[tilespmem:$0x1F800] =	vst v63  }
0x70: {  	_ =	swait.ge [sflag:s14], $0x3800  }
0x71: {  	[sflag:s14] =	ssyncset.done $0x0  }
0x72: {  	s12 =	rddreg [dreg:$0xb];
	[sflag:s14] =	ssyncadd.s32 $0xFFFFC800  }
0x73: {  	[tilespmem:s19], [sflag:$0x3] =	stream.indirect.gather [hbm4b:s4+s17], $0x80, s12, s17, $0xb8;
	[tilespmem:$0x1F800] =	vst v63  }
0x74: {  	_ =	swait.ge [sflag:s20], $0x3800  }
0x75: {  	[sflag:s20] =	ssyncset.done $0x0  }
0x76: {  	s10 =	rddreg [dreg:$0xc];
	[sflag:s20] =	ssyncadd.s32 $0xFFFFC800  }
0x77: {  	[spmem:s2] =	stream.indirect.scatter.add.f32 [tilespmem:s13], [sflag:$0x4], $0x80, s10, s17, $0xb8;
	[tilespmem:$0x1F800] =	vst v63  }
0x78: {  	_ =	swait.ge [sflag:s14], $0x3800  }
0x79: {  	[sflag:s14] =	ssyncset.done $0x0  }
0x7a: {  	s11 =	rddreg [dreg:$0xd];
	[sflag:s14] =	ssyncadd.s32 $0xFFFFC800  }
0x7b: {  	[tilespmem:s13], [sflag:$0x1] =	stream.indirect.gather [hbm4b:s4+s17], $0x80, s11, s17, $0xb8;
	[tilespmem:$0x1F800] =	vst v63  }
0x7c: {  	_ =	swait.ge [sflag:s21], $0x3800  }
0x7d: {  	[sflag:s21] =	ssyncset.done $0x0  }
0x7e: {  	s12 =	rddreg [dreg:$0xe];
	[sflag:s21] =	ssyncadd.s32 $0xFFFFC800  }
0x7f: {  	[spmem:s2] =	stream.indirect.scatter.add.f32 [tilespmem:s18], [sflag:$0x4], $0x80, s12, s17, $0xb8;
	[tilespmem:$0x1F800] =	vst v63  }
0x80: {  	_ =	swait.ge [sflag:s14], $0x3800  }
0x81: {  	[sflag:s14] =	ssyncset.done $0x0  }
0x82: {  	s10 =	rddreg [dreg:$0xf];
	[sflag:s14] =	ssyncadd.s32 $0xFFFFC800  }
0x83: {  	[tilespmem:s18], [sflag:$0x2] =	stream.indirect.gather [hbm4b:s4+s17], $0x80, s10, s17, $0xb8;
	[tilespmem:$0x1F800] =	vst v63  }
0x84: {  	_ =	swait.ge [sflag:s22], $0x3800  }
0x85: {  	[sflag:s22] =	ssyncset.done $0x0  }
0x86: {  	s11 =	rddreg [dreg:$0x10];
	[sflag:s22] =	ssyncadd.s32 $0xFFFFC800  }
0x87: {  	[spmem:s2] =	stream.indirect.scatter.add.f32 [tilespmem:s19], [sflag:$0x4], $0x80, s11, s17, $0xb8;
	[tilespmem:$0x1F800] =	vst v63  }
0x88: {  	_ =	swait.ge [sflag:s14], $0x3800  }
0x89: {  	[sflag:s14] =	ssyncset.done $0x0  }
0x8a: {  	s12 =	rddreg [dreg:$0x11];
	[sflag:s14] =	ssyncadd.s32 $0xFFFFC800  }
0x8b: {  	[tilespmem:s19], [sflag:$0x3] =	stream.indirect.gather [hbm4b:s4+s17], $0x80, s12, s17, $0xb8;
	[tilespmem:$0x1F800] =	vst v63  }
0x8c: {  	_ =	swait.ge [sflag:s20], $0x3800  }
0x8d: {  	[sflag:s20] =	ssyncset.done $0x0  }
0x8e: {  	s10 =	rddreg [dreg:$0x12];
	[sflag:s20] =	ssyncadd.s32 $0xFFFFC800  }
0x8f: {  	[spmem:s2] =	stream.indirect.scatter.add.f32 [tilespmem:s13], [sflag:$0x4], $0x80, s10, s17, $0xb8;
	[tilespmem:$0x1F800] =	vst v63  }
0x90: {  	_ =	swait.ge [sflag:s14], $0x3800  }
0x91: {  	[sflag:s14] =	ssyncset.done $0x0  }
0x92: {  	s11 =	rddreg [dreg:$0x13];
	[sflag:s14] =	ssyncadd.s32 $0xFFFFC800  }
0x93: {  	[tilespmem:s13], [sflag:$0x1] =	stream.indirect.gather [hbm4b:s4+s17], $0x80, s11, s17, $0xb8;
	[tilespmem:$0x1F800] =	vst v63  }
0x94: {  	_ =	swait.ge [sflag:s21], $0x3800  }
0x95: {  	[sflag:s21] =	ssyncset.done $0x0  }
0x96: {  	s12 =	rddreg [dreg:$0x14];
	[sflag:s21] =	ssyncadd.s32 $0xFFFFC800  }
0x97: {  	[spmem:s2] =	stream.indirect.scatter.add.f32 [tilespmem:s18], [sflag:$0x4], $0x80, s12, s17, $0xb8;
	[tilespmem:$0x1F800] =	vst v63  }
0x98: {  	_ =	swait.ge [sflag:s14], $0x3800  }
0x99: {  	[sflag:s14] =	ssyncset.done $0x0  }
0x9a: {  	[sflag:s14] =	ssyncadd.s32 $0xFFFFC800  }
0x9b: {  	[tilespmem:s18], [sflag:$0x2] =	stream.indirect.gather [hbm4b:s4+s17], $0x80, s23, s17, $0xb8;
	[tilespmem:$0x1F800] =	vst v63  }
0x9c: {  	_ =	swait.ge [sflag:s22], $0x3800  }
0x9d: {  	[sflag:s22] =	ssyncset.done $0x0  }
0x9e: {  	[sflag:s22] =	ssyncadd.s32 $0xFFFFC800  }
0x9f: {  	[spmem:s2] =	stream.indirect.scatter.add.f32 [tilespmem:s19], [sflag:$0x4], $0x80, s24, s17, $0xb8;
	[tilespmem:$0x1F800] =	vst v63  }
0xa0: {  	_ =	swait.ge [sflag:s14], $0x3800  }
0xa1: {  	[sflag:s14] =	ssyncset.done $0x0  }
0xa2: {  	[sflag:s14] =	ssyncadd.s32 $0xFFFFC800  }
0xa3: {  	[tilespmem:s19], [sflag:$0x3] =	stream.indirect.gather [hbm4b:s4+s17], $0x80, s25, s17, $0xb8;
	[tilespmem:$0x1F800] =	vst v63  }
0xa4: {  	_ =	swait.ge [sflag:s20], $0x3800  }
0xa5: {  	[sflag:s20] =	ssyncset.done $0x0  }
0xa6: {  	[sflag:s20] =	ssyncadd.s32 $0xFFFFC800  }
0xa7: {  	[spmem:s2] =	stream.indirect.scatter.add.f32 [tilespmem:s13], [sflag:$0x4], $0x80, s26, s17, $0xb8;
	[tilespmem:$0x1F800] =	vst v63  }
0xa8: {  	_ =	swait.ge [sflag:s14], $0x3800  }
0xa9: {  	[sflag:s14] =	ssyncset.done $0x0  }
0xaa: {  	[sflag:s14] =	ssyncadd.s32 $0xFFFFC800  }
0xab: {  	[tilespmem:s13], [sflag:$0x1] =	stream.indirect.gather [hbm4b:s4+s17], $0x80, s28, s17, $0xb8;
	[tilespmem:$0x1F800] =	vst v63  }
0xac: {  	_ =	swait.ge [sflag:s21], $0x3800  }
0xad: {  	[sflag:s21] =	ssyncset.done $0x0  }
0xae: {  	[sflag:s21] =	ssyncadd.s32 $0xFFFFC800  }
0xaf: {  	[spmem:s2] =	stream.indirect.scatter.add.f32 [tilespmem:s18], [sflag:$0x4], $0x80, s29, s17, $0xb8;
	[tilespmem:$0x1F800] =	vst v63  }
0xb0: {  	_ =	swait.ge [sflag:s14], $0x3800  }
0xb1: {  	[sflag:s14] =	ssyncset.done $0x0  }
0xb2: {  	[sflag:s14] =	ssyncadd.s32 $0xFFFFC800  }
0xb3: {  	[tilespmem:s18], [sflag:$0x2] =	stream.indirect.gather [hbm4b:s4+s17], $0x80, s30, s17, $0xb8;
	[tilespmem:$0x1F800] =	vst v63  }
0xb4: {  	_ =	swait.ge [sflag:s22], $0x3800  }
0xb5: {  	[sflag:s22] =	ssyncset.done $0x0  }
0xb6: {  	[sflag:s22] =	ssyncadd.s32 $0xFFFFC800  }
0xb7: {  	[spmem:s2] =	stream.indirect.scatter.add.f32 [tilespmem:s19], [sflag:$0x4], $0x80, s31, s17, $0xb8;
	[tilespmem:$0x1F800] =	vst v63  }
0xb8: {  	_ =	swait.ge [sflag:s14], $0x3800  }
0xb9: {  	[sflag:s14] =	ssyncset.done $0x0  }
0xba: {  	[sflag:s14] =	ssyncadd.s32 $0xFFFFC800  }
0xbb: {  	[tilespmem:s19], [sflag:$0x3] =	stream.indirect.gather [hbm4b:s4+s17], $0x80, s1, s17, $0xb8;
	[tilespmem:$0x1F800] =	vst v63  }
0xbc: {  	_ =	swait.ge [sflag:s20], $0x3800  }
0xbd: {  	[sflag:s20] =	ssyncset.done $0x0  }
0xbe: {  	[sflag:s20] =	ssyncadd.s32 $0xFFFFC800  }
0xbf: {  	[spmem:s2] =	stream.indirect.scatter.add.f32 [tilespmem:s13], [sflag:$0x4], $0x80, s0, s17, $0xb8;
	[tilespmem:$0x1F800] =	vst v63  }
0xc0: {  	_ =	swait.ge [sflag:s14], $0x3800  }
0xc1: {  	[sflag:s14] =	ssyncset.done $0x0  }
0xc2: {  	[sflag:s14] =	ssyncadd.s32 $0xFFFFC800  }
0xc3: {  	[tilespmem:s13], [sflag:$0x1] =	stream.indirect.gather [hbm4b:s4+s17], $0x80, s6, s17, $0xb8;
	[tilespmem:$0x1F800] =	vst v63  }
0xc4: {  	_ =	swait.ge [sflag:s21], $0x3800  }
0xc5: {  	[sflag:s21] =	ssyncset.done $0x0  }
0xc6: {  	[sflag:s21] =	ssyncadd.s32 $0xFFFFC800  }
0xc7: {  	[spmem:s2] =	stream.indirect.scatter.add.f32 [tilespmem:s18], [sflag:$0x4], $0x80, s7, s17, $0xb8;
	[tilespmem:$0x1F800] =	vst v63  }
0xc8: {  	_ =	swait.ge [sflag:s14], $0x3800  }
0xc9: {  	[sflag:s14] =	ssyncset.done $0x0  }
0xca: {  	[sflag:s14] =	ssyncadd.s32 $0xFFFFC800  }
0xcb: {  	_ =	swait.ge [sflag:s22], $0x3800  }
0xcc: {  	[sflag:s22] =	ssyncset.done $0x0  }
0xcd: {  	[sflag:s22] =	ssyncadd.s32 $0xFFFFC800  }
0xce: {  	[spmem:s2] =	stream.indirect.scatter.add.f32 [tilespmem:s19], [sflag:$0x4], $0x80, s8, s17, $0xb8;
	[tilespmem:$0x1F800] =	vst v63  }
0xcf: {  	_ =	swait.ge [sflag:s14], $0x3800  }
0xd0: {  	[sflag:s14] =	ssyncset.done $0x0  }
0xd1: {  	[sflag:s14] =	ssyncadd.s32 $0xFFFFC800  }
0xd2: {  	_ =	swait.ge [sflag:s20], $0x3800  }
0xd3: {  	[sflag:s20] =	ssyncset.done $0x0  }
0xd4: {  	[sflag:s20] =	ssyncadd.s32 $0xFFFFC800  }
0xd5: {  	[spmem:s2] =	stream.indirect.scatter.add.f32 [tilespmem:s13], [sflag:$0x4], $0x80, s9, s17, $0xb8;
	[tilespmem:$0x1F800] =	vst v63  }
0xd6: {  	s11 =	simm.s32 $0x100;
	_ =	swait.ge [sflag:s14], $0x3800  }
0xd7: {  	s12 =	simm.s32 $0x200;
	s5 =	rddreg [dreg:$0x4];
	[sflag:s14] =	ssyncset.done $0x0  }
.LBB2_4:
0xd8: {  	[sflag:s14] =	ssyncadd.s32 $0xFFFFC800;
	s5 =	sadd.s32 s11, s5  }
0xd9: {  	[tilespmem:s15], [sflag:$0x4] =	stream.linear.gather [hbm4b:s5+s3], $0x800, $0x38;
	[tilespmem:$0x1F800] =	vst v63  }
0xda: {  	_ =	swait.ge [sflag:s14], $0x800  }
0xdb: {  	s5 =	rddreg [dreg:$0x3];
	[sflag:s14] =	ssyncset.done $0x0  }
0xdc: {  	[sflag:s14] =	ssyncadd.s32 $0xFFFFF800;
	s5 =	sadd.s32 s11, s5  }
0xdd: {  	[tilespmem:s16], [sflag:$0x4] =	stream.linear.gather [hbm4b:s5+s3], $0x800, $0x38;
	[tilespmem:$0x1F800] =	vst v63  }
0xde: {  	_ =	swait.ge [sflag:s14], $0x800  }
0xdf: {  	[sflag:s14] =	ssyncset.done $0x0  }
0xe0: {  	[sflag:s14] =	ssyncadd.s32 $0xFFFFF800  }
0xe1: {  	[tilespmem:s13], [sflag:$0x1] =	stream.indirect.gather [hbm4b:s4+s17], $0x80, s15, s17, $0xb8;
	[tilespmem:$0x1F800] =	vst v63  }
0xe2: {  	s10 =	smov.u32 s12;
	s5 =	rddreg [dreg:$0x5]  }
0xe3: {  	[tilespmem:s18], [sflag:$0x2] =	stream.indirect.gather [hbm4b:s4+s17], $0x80, s5, s17, $0xb8;
	[tilespmem:$0x1F800] =	vst v63  }
0xe4: {  	s11 =	smov.u32 s10;
	s10 =	rddreg [dreg:$0x6]  }
0xe5: {  	[tilespmem:s19], [sflag:$0x3] =	stream.indirect.gather [hbm4b:s4+s17], $0x80, s10, s17, $0xb8;
	[tilespmem:$0x1F800] =	vst v63  }
0xe6: {  	_ =	swait.ge [sflag:s20], $0x3800  }
0xe7: {  	[sflag:s20] =	ssyncset.done $0x0  }
0xe8: {  	[sflag:s20] =	ssyncadd.s32 $0xFFFFC800  }
0xe9: {  	[spmem:s2] =	stream.indirect.scatter.add.f32 [tilespmem:s13], [sflag:$0x4], $0x80, s16, s17, $0xb8;
	[tilespmem:$0x1F800] =	vst v63  }
0xea: {  	_ =	swait.ge [sflag:s14], $0x3800  }
0xeb: {  	[sflag:s14] =	ssyncset.done $0x0  }
0xec: {  	s10 =	rddreg [dreg:$0x7];
	[sflag:s14] =	ssyncadd.s32 $0xFFFFC800  }
0xed: {  	[tilespmem:s13], [sflag:$0x1] =	stream.indirect.gather [hbm4b:s4+s17], $0x80, s10, s17, $0xb8;
	[tilespmem:$0x1F800] =	vst v63  }
0xee: {  	_ =	swait.ge [sflag:s21], $0x3800  }
0xef: {  	[sflag:s21] =	ssyncset.done $0x0  }
0xf0: {  	s10 =	rddreg [dreg:$0x8];
	[sflag:s21] =	ssyncadd.s32 $0xFFFFC800  }
0xf1: {  	[spmem:s2] =	stream.indirect.scatter.add.f32 [tilespmem:s18], [sflag:$0x4], $0x80, s10, s17, $0xb8;
	[tilespmem:$0x1F800] =	vst v63  }
0xf2: {  	_ =	swait.ge [sflag:s14], $0x3800  }
0xf3: {  	[sflag:s14] =	ssyncset.done $0x0  }
0xf4: {  	s10 =	rddreg [dreg:$0x9];
	[sflag:s14] =	ssyncadd.s32 $0xFFFFC800  }
0xf5: {  	[tilespmem:s18], [sflag:$0x2] =	stream.indirect.gather [hbm4b:s4+s17], $0x80, s10, s17, $0xb8;
	[tilespmem:$0x1F800] =	vst v63  }
0xf6: {  	_ =	swait.ge [sflag:s22], $0x3800  }
0xf7: {  	[sflag:s22] =	ssyncset.done $0x0  }
0xf8: {  	s10 =	rddreg [dreg:$0xa];
	[sflag:s22] =	ssyncadd.s32 $0xFFFFC800  }
0xf9: {  	[spmem:s2] =	stream.indirect.scatter.add.f32 [tilespmem:s19], [sflag:$0x4], $0x80, s10, s17, $0xb8;
	[tilespmem:$0x1F800] =	vst v63  }
0xfa: {  	_ =	swait.ge [sflag:s14], $0x3800  }
0xfb: {  	[sflag:s14] =	ssyncset.done $0x0  }
0xfc: {  	s10 =	rddreg [dreg:$0xb];
	[sflag:s14] =	ssyncadd.s32 $0xFFFFC800  }
0xfd: {  	[tilespmem:s19], [sflag:$0x3] =	stream.indirect.gather [hbm4b:s4+s17], $0x80, s10, s17, $0xb8;
	[tilespmem:$0x1F800] =	vst v63  }
0xfe: {  	_ =	swait.ge [sflag:s20], $0x3800  }
0xff: {  	[sflag:s20] =	ssyncset.done $0x0  }
0x100: {  	s10 =	rddreg [dreg:$0xc];
	[sflag:s20] =	ssyncadd.s32 $0xFFFFC800  }
0x101: {  	[spmem:s2] =	stream.indirect.scatter.add.f32 [tilespmem:s13], [sflag:$0x4], $0x80, s10, s17, $0xb8;
	[tilespmem:$0x1F800] =	vst v63  }
0x102: {  	_ =	swait.ge [sflag:s14], $0x3800  }
0x103: {  	[sflag:s14] =	ssyncset.done $0x0  }
0x104: {  	s10 =	rddreg [dreg:$0xd];
	[sflag:s14] =	ssyncadd.s32 $0xFFFFC800  }
0x105: {  	[tilespmem:s13], [sflag:$0x1] =	stream.indirect.gather [hbm4b:s4+s17], $0x80, s10, s17, $0xb8;
	[tilespmem:$0x1F800] =	vst v63  }
0x106: {  	_ =	swait.ge [sflag:s21], $0x3800  }
0x107: {  	[sflag:s21] =	ssyncset.done $0x0  }
0x108: {  	s10 =	rddreg [dreg:$0xe];
	[sflag:s21] =	ssyncadd.s32 $0xFFFFC800  }
0x109: {  	[spmem:s2] =	stream.indirect.scatter.add.f32 [tilespmem:s18], [sflag:$0x4], $0x80, s10, s17, $0xb8;
	[tilespmem:$0x1F800] =	vst v63  }
0x10a: {  	_ =	swait.ge [sflag:s14], $0x3800  }
0x10b: {  	[sflag:s14] =	ssyncset.done $0x0  }
0x10c: {  	s10 =	rddreg [dreg:$0xf];
	[sflag:s14] =	ssyncadd.s32 $0xFFFFC800  }
0x10d: {  	[tilespmem:s18], [sflag:$0x2] =	stream.indirect.gather [hbm4b:s4+s17], $0x80, s10, s17, $0xb8;
	[tilespmem:$0x1F800] =	vst v63  }
0x10e: {  	_ =	swait.ge [sflag:s22], $0x3800  }
0x10f: {  	[sflag:s22] =	ssyncset.done $0x0  }
0x110: {  	s10 =	rddreg [dreg:$0x10];
	[sflag:s22] =	ssyncadd.s32 $0xFFFFC800  }
0x111: {  	[spmem:s2] =	stream.indirect.scatter.add.f32 [tilespmem:s19], [sflag:$0x4], $0x80, s10, s17, $0xb8;
	[tilespmem:$0x1F800] =	vst v63  }
0x112: {  	_ =	swait.ge [sflag:s14], $0x3800  }
0x113: {  	[sflag:s14] =	ssyncset.done $0x0  }
0x114: {  	s10 =	rddreg [dreg:$0x11];
	[sflag:s14] =	ssyncadd.s32 $0xFFFFC800  }
0x115: {  	[tilespmem:s19], [sflag:$0x3] =	stream.indirect.gather [hbm4b:s4+s17], $0x80, s10, s17, $0xb8;
	[tilespmem:$0x1F800] =	vst v63  }
0x116: {  	_ =	swait.ge [sflag:s20], $0x3800  }
0x117: {  	[sflag:s20] =	ssyncset.done $0x0  }
0x118: {  	s10 =	rddreg [dreg:$0x12];
	[sflag:s20] =	ssyncadd.s32 $0xFFFFC800  }
0x119: {  	[spmem:s2] =	stream.indirect.scatter.add.f32 [tilespmem:s13], [sflag:$0x4], $0x80, s10, s17, $0xb8;
	[tilespmem:$0x1F800] =	vst v63  }
0x11a: {  	_ =	swait.ge [sflag:s14], $0x3800  }
0x11b: {  	[sflag:s14] =	ssyncset.done $0x0  }
0x11c: {  	s10 =	rddreg [dreg:$0x13];
	[sflag:s14] =	ssyncadd.s32 $0xFFFFC800  }
0x11d: {  	[tilespmem:s13], [sflag:$0x1] =	stream.indirect.gather [hbm4b:s4+s17], $0x80, s10, s17, $0xb8;
	[tilespmem:$0x1F800] =	vst v63  }
0x11e: {  	_ =	swait.ge [sflag:s21], $0x3800  }
0x11f: {  	[sflag:s21] =	ssyncset.done $0x0  }
0x120: {  	s10 =	rddreg [dreg:$0x14];
	[sflag:s21] =	ssyncadd.s32 $0xFFFFC800  }
0x121: {  	[spmem:s2] =	stream.indirect.scatter.add.f32 [tilespmem:s18], [sflag:$0x4], $0x80, s10, s17, $0xb8;
	[tilespmem:$0x1F800] =	vst v63  }
0x122: {  	_ =	swait.ge [sflag:s14], $0x3800  }
0x123: {  	[sflag:s14] =	ssyncset.done $0x0  }
0x124: {  	[sflag:s14] =	ssyncadd.s32 $0xFFFFC800  }
0x125: {  	[tilespmem:s18], [sflag:$0x2] =	stream.indirect.gather [hbm4b:s4+s17], $0x80, s23, s17, $0xb8;
	[tilespmem:$0x1F800] =	vst v63  }
0x126: {  	_ =	swait.ge [sflag:s22], $0x3800  }
0x127: {  	[sflag:s22] =	ssyncset.done $0x0  }
0x128: {  	[sflag:s22] =	ssyncadd.s32 $0xFFFFC800  }
0x129: {  	[spmem:s2] =	stream.indirect.scatter.add.f32 [tilespmem:s19], [sflag:$0x4], $0x80, s24, s17, $0xb8;
	[tilespmem:$0x1F800] =	vst v63  }
0x12a: {  	_ =	swait.ge [sflag:s14], $0x3800  }
0x12b: {  	[sflag:s14] =	ssyncset.done $0x0  }
0x12c: {  	[sflag:s14] =	ssyncadd.s32 $0xFFFFC800  }
0x12d: {  	[tilespmem:s19], [sflag:$0x3] =	stream.indirect.gather [hbm4b:s4+s17], $0x80, s25, s17, $0xb8;
	[tilespmem:$0x1F800] =	vst v63  }
0x12e: {  	_ =	swait.ge [sflag:s20], $0x3800  }
0x12f: {  	[sflag:s20] =	ssyncset.done $0x0  }
0x130: {  	[sflag:s20] =	ssyncadd.s32 $0xFFFFC800  }
0x131: {  	[spmem:s2] =	stream.indirect.scatter.add.f32 [tilespmem:s13], [sflag:$0x4], $0x80, s26, s17, $0xb8;
	[tilespmem:$0x1F800] =	vst v63  }
0x132: {  	_ =	swait.ge [sflag:s14], $0x3800  }
0x133: {  	[sflag:s14] =	ssyncset.done $0x0  }
0x134: {  	[sflag:s14] =	ssyncadd.s32 $0xFFFFC800  }
0x135: {  	[tilespmem:s13], [sflag:$0x1] =	stream.indirect.gather [hbm4b:s4+s17], $0x80, s28, s17, $0xb8;
	[tilespmem:$0x1F800] =	vst v63  }
0x136: {  	_ =	swait.ge [sflag:s21], $0x3800  }
0x137: {  	[sflag:s21] =	ssyncset.done $0x0  }
0x138: {  	[sflag:s21] =	ssyncadd.s32 $0xFFFFC800  }
0x139: {  	[spmem:s2] =	stream.indirect.scatter.add.f32 [tilespmem:s18], [sflag:$0x4], $0x80, s29, s17, $0xb8;
	[tilespmem:$0x1F800] =	vst v63  }
0x13a: {  	_ =	swait.ge [sflag:s14], $0x3800  }
0x13b: {  	[sflag:s14] =	ssyncset.done $0x0  }
0x13c: {  	[sflag:s14] =	ssyncadd.s32 $0xFFFFC800  }
0x13d: {  	[tilespmem:s18], [sflag:$0x2] =	stream.indirect.gather [hbm4b:s4+s17], $0x80, s30, s17, $0xb8;
	[tilespmem:$0x1F800] =	vst v63  }
0x13e: {  	_ =	swait.ge [sflag:s22], $0x3800  }
0x13f: {  	[sflag:s22] =	ssyncset.done $0x0  }
0x140: {  	[sflag:s22] =	ssyncadd.s32 $0xFFFFC800  }
0x141: {  	[spmem:s2] =	stream.indirect.scatter.add.f32 [tilespmem:s19], [sflag:$0x4], $0x80, s31, s17, $0xb8;
	[tilespmem:$0x1F800] =	vst v63  }
0x142: {  	_ =	swait.ge [sflag:s14], $0x3800  }
0x143: {  	[sflag:s14] =	ssyncset.done $0x0  }
0x144: {  	[sflag:s14] =	ssyncadd.s32 $0xFFFFC800  }
0x145: {  	[tilespmem:s19], [sflag:$0x3] =	stream.indirect.gather [hbm4b:s4+s17], $0x80, s1, s17, $0xb8;
	[tilespmem:$0x1F800] =	vst v63  }
0x146: {  	_ =	swait.ge [sflag:s20], $0x3800  }
0x147: {  	[sflag:s20] =	ssyncset.done $0x0  }
0x148: {  	[sflag:s20] =	ssyncadd.s32 $0xFFFFC800  }
0x149: {  	[spmem:s2] =	stream.indirect.scatter.add.f32 [tilespmem:s13], [sflag:$0x4], $0x80, s0, s17, $0xb8;
	[tilespmem:$0x1F800] =	vst v63  }
0x14a: {  	_ =	swait.ge [sflag:s14], $0x3800  }
0x14b: {  	[sflag:s14] =	ssyncset.done $0x0  }
0x14c: {  	[sflag:s14] =	ssyncadd.s32 $0xFFFFC800  }
0x14d: {  	[tilespmem:s13], [sflag:$0x1] =	stream.indirect.gather [hbm4b:s4+s17], $0x80, s6, s17, $0xb8;
	[tilespmem:$0x1F800] =	vst v63  }
0x14e: {  	_ =	swait.ge [sflag:s21], $0x3800  }
0x14f: {  	[sflag:s21] =	ssyncset.done $0x0  }
0x150: {  	[sflag:s21] =	ssyncadd.s32 $0xFFFFC800  }
0x151: {  	[spmem:s2] =	stream.indirect.scatter.add.f32 [tilespmem:s18], [sflag:$0x4], $0x80, s7, s17, $0xb8;
	[tilespmem:$0x1F800] =	vst v63  }
0x152: {  	_ =	swait.ge [sflag:s14], $0x3800  }
0x153: {  	[sflag:s14] =	ssyncset.done $0x0  }
0x154: {  	[sflag:s14] =	ssyncadd.s32 $0xFFFFC800  }
0x155: {  	_ =	swait.ge [sflag:s22], $0x3800  }
0x156: {  	[sflag:s22] =	ssyncset.done $0x0  }
0x157: {  	[sflag:s22] =	ssyncadd.s32 $0xFFFFC800  }
0x158: {  	[spmem:s2] =	stream.indirect.scatter.add.f32 [tilespmem:s19], [sflag:$0x4], $0x80, s8, s17, $0xb8;
	[tilespmem:$0x1F800] =	vst v63  }
0x159: {  	_ =	swait.ge [sflag:s14], $0x3800  }
0x15a: {  	[sflag:s14] =	ssyncset.done $0x0  }
0x15b: {  	[sflag:s14] =	ssyncadd.s32 $0xFFFFC800  }
0x15c: {  	p0 =	sne.s32 s12, $0x500;
	_ =	swait.ge [sflag:s20], $0x3800  }
.Ltmp1:
0x15d: {  	[sflag:s20] =	ssyncset.done $0x0;
	(pc) =	sbr.rel @p0 .LBB2_4-.Ltmp1, $4  }
0x15e: {  	[sflag:s20] =	ssyncadd.s32 $0xFFFFC800  }
0x15f: {  	[spmem:s2] =	stream.indirect.scatter.add.f32 [tilespmem:s13], [sflag:$0x4], $0x80, s9, s17, $0xb8;
	[tilespmem:$0x1F800] =	vst v63  }
0x160: {  	_ =	swait.ge [sflag:s14], $0x3800  }
0x161: {  	s12 =	sadd.s32 $0x100, s12;
	s5 =	rddreg [dreg:$0x4];
	[sflag:s14] =	ssyncset.done $0x0  }
0x162: {  	[sflag:s14] =	ssyncadd.s32 $0xFFFFC800;
	s5 =	sadd.s32 s11, s5  }
0x163: {  	[tilespmem:s15], [sflag:$0x4] =	stream.linear.gather [hbm4b:s5+s3], $0x800, $0x38;
	[tilespmem:$0x1F800] =	vst v63  }
0x164: {  	_ =	swait.ge [sflag:s14], $0x800  }
0x165: {  	s10 =	rddreg [dreg:$0x3];
	[sflag:s14] =	ssyncset.done $0x0  }
0x166: {  	[sflag:s14] =	ssyncadd.s32 $0xFFFFF800;
	s5 =	sadd.s32 s11, s10  }
0x167: {  	[tilespmem:s16], [sflag:$0x4] =	stream.linear.gather [hbm4b:s5+s3], $0x800, $0x38;
	[tilespmem:$0x1F800] =	vst v63  }
0x168: {  	_ =	swait.ge [sflag:s14], $0x800  }
0x169: {  	[sflag:s14] =	ssyncset.done $0x0  }
0x16a: {  	[sflag:s14] =	ssyncadd.s32 $0xFFFFF800  }
0x16b: {  	[tilespmem:s13], [sflag:$0x1] =	stream.indirect.gather [hbm4b:s4+s17], $0x80, s15, s17, $0xb8;
	[tilespmem:$0x1F800] =	vst v63  }
0x16c: {  	s12 =	rddreg [dreg:$0x5]  }
0x16d: {  	[tilespmem:s18], [sflag:$0x2] =	stream.indirect.gather [hbm4b:s4+s17], $0x80, s12, s17, $0xb8;
	[tilespmem:$0x1F800] =	vst v63  }
0x16e: {  	s10 =	rddreg [dreg:$0x6]  }
0x16f: {  	[tilespmem:s19], [sflag:$0x3] =	stream.indirect.gather [hbm4b:s4+s17], $0x80, s10, s17, $0xb8;
	[tilespmem:$0x1F800] =	vst v63  }
0x170: {  	_ =	swait.ge [sflag:s20], $0x3800  }
0x171: {  	[sflag:s20] =	ssyncset.done $0x0  }
0x172: {  	[sflag:s20] =	ssyncadd.s32 $0xFFFFC800  }
0x173: {  	[spmem:s2] =	stream.indirect.scatter.add.f32 [tilespmem:s13], [sflag:$0x4], $0x80, s16, s17, $0xb8;
	[tilespmem:$0x1F800] =	vst v63  }
0x174: {  	_ =	swait.ge [sflag:s14], $0x3800  }
0x175: {  	[sflag:s14] =	ssyncset.done $0x0  }
0x176: {  	s11 =	rddreg [dreg:$0x7];
	[sflag:s14] =	ssyncadd.s32 $0xFFFFC800  }
0x177: {  	[tilespmem:s13], [sflag:$0x1] =	stream.indirect.gather [hbm4b:s4+s17], $0x80, s11, s17, $0xb8;
	[tilespmem:$0x1F800] =	vst v63  }
0x178: {  	_ =	swait.ge [sflag:s21], $0x3800  }
0x179: {  	[sflag:s21] =	ssyncset.done $0x0  }
0x17a: {  	s12 =	rddreg [dreg:$0x8];
	[sflag:s21] =	ssyncadd.s32 $0xFFFFC800  }
0x17b: {  	[spmem:s2] =	stream.indirect.scatter.add.f32 [tilespmem:s18], [sflag:$0x4], $0x80, s12, s17, $0xb8;
	[tilespmem:$0x1F800] =	vst v63  }
0x17c: {  	_ =	swait.ge [sflag:s14], $0x3800  }
0x17d: {  	[sflag:s14] =	ssyncset.done $0x0  }
0x17e: {  	s10 =	rddreg [dreg:$0x9];
	[sflag:s14] =	ssyncadd.s32 $0xFFFFC800  }
0x17f: {  	[tilespmem:s18], [sflag:$0x2] =	stream.indirect.gather [hbm4b:s4+s17], $0x80, s10, s17, $0xb8;
	[tilespmem:$0x1F800] =	vst v63  }
0x180: {  	_ =	swait.ge [sflag:s22], $0x3800  }
0x181: {  	[sflag:s22] =	ssyncset.done $0x0  }
0x182: {  	s11 =	rddreg [dreg:$0xa];
	[sflag:s22] =	ssyncadd.s32 $0xFFFFC800  }
0x183: {  	[spmem:s2] =	stream.indirect.scatter.add.f32 [tilespmem:s19], [sflag:$0x4], $0x80, s11, s17, $0xb8;
	[tilespmem:$0x1F800] =	vst v63  }
0x184: {  	_ =	swait.ge [sflag:s14], $0x3800  }
0x185: {  	[sflag:s14] =	ssyncset.done $0x0  }
0x186: {  	s12 =	rddreg [dreg:$0xb];
	[sflag:s14] =	ssyncadd.s32 $0xFFFFC800  }
0x187: {  	[tilespmem:s19], [sflag:$0x3] =	stream.indirect.gather [hbm4b:s4+s17], $0x80, s12, s17, $0xb8;
	[tilespmem:$0x1F800] =	vst v63  }
0x188: {  	_ =	swait.ge [sflag:s20], $0x3800  }
0x189: {  	[sflag:s20] =	ssyncset.done $0x0  }
0x18a: {  	s10 =	rddreg [dreg:$0xc];
	[sflag:s20] =	ssyncadd.s32 $0xFFFFC800  }
0x18b: {  	[spmem:s2] =	stream.indirect.scatter.add.f32 [tilespmem:s13], [sflag:$0x4], $0x80, s10, s17, $0xb8;
	[tilespmem:$0x1F800] =	vst v63  }
0x18c: {  	_ =	swait.ge [sflag:s14], $0x3800  }
0x18d: {  	[sflag:s14] =	ssyncset.done $0x0  }
0x18e: {  	s11 =	rddreg [dreg:$0xd];
	[sflag:s14] =	ssyncadd.s32 $0xFFFFC800  }
0x18f: {  	[tilespmem:s13], [sflag:$0x1] =	stream.indirect.gather [hbm4b:s4+s17], $0x80, s11, s17, $0xb8;
	[tilespmem:$0x1F800] =	vst v63  }
0x190: {  	_ =	swait.ge [sflag:s21], $0x3800  }
0x191: {  	[sflag:s21] =	ssyncset.done $0x0  }
0x192: {  	s12 =	rddreg [dreg:$0xe];
	[sflag:s21] =	ssyncadd.s32 $0xFFFFC800  }
0x193: {  	[spmem:s2] =	stream.indirect.scatter.add.f32 [tilespmem:s18], [sflag:$0x4], $0x80, s12, s17, $0xb8;
	[tilespmem:$0x1F800] =	vst v63  }
0x194: {  	_ =	swait.ge [sflag:s14], $0x3800  }
0x195: {  	[sflag:s14] =	ssyncset.done $0x0  }
0x196: {  	s10 =	rddreg [dreg:$0xf];
	[sflag:s14] =	ssyncadd.s32 $0xFFFFC800  }
0x197: {  	[tilespmem:s18], [sflag:$0x2] =	stream.indirect.gather [hbm4b:s4+s17], $0x80, s10, s17, $0xb8;
	[tilespmem:$0x1F800] =	vst v63  }
0x198: {  	_ =	swait.ge [sflag:s22], $0x3800  }
0x199: {  	[sflag:s22] =	ssyncset.done $0x0  }
0x19a: {  	s11 =	rddreg [dreg:$0x10];
	[sflag:s22] =	ssyncadd.s32 $0xFFFFC800  }
0x19b: {  	[spmem:s2] =	stream.indirect.scatter.add.f32 [tilespmem:s19], [sflag:$0x4], $0x80, s11, s17, $0xb8;
	[tilespmem:$0x1F800] =	vst v63  }
0x19c: {  	_ =	swait.ge [sflag:s14], $0x3800  }
0x19d: {  	[sflag:s14] =	ssyncset.done $0x0  }
0x19e: {  	s12 =	rddreg [dreg:$0x11];
	[sflag:s14] =	ssyncadd.s32 $0xFFFFC800  }
0x19f: {  	[tilespmem:s19], [sflag:$0x3] =	stream.indirect.gather [hbm4b:s4+s17], $0x80, s12, s17, $0xb8;
	[tilespmem:$0x1F800] =	vst v63  }
0x1a0: {  	_ =	swait.ge [sflag:s20], $0x3800  }
0x1a1: {  	[sflag:s20] =	ssyncset.done $0x0  }
0x1a2: {  	s10 =	rddreg [dreg:$0x12];
	[sflag:s20] =	ssyncadd.s32 $0xFFFFC800  }
0x1a3: {  	[spmem:s2] =	stream.indirect.scatter.add.f32 [tilespmem:s13], [sflag:$0x4], $0x80, s10, s17, $0xb8;
	[tilespmem:$0x1F800] =	vst v63  }
0x1a4: {  	_ =	swait.ge [sflag:s14], $0x3800  }
0x1a5: {  	[sflag:s14] =	ssyncset.done $0x0  }
0x1a6: {  	s11 =	rddreg [dreg:$0x13];
	[sflag:s14] =	ssyncadd.s32 $0xFFFFC800  }
0x1a7: {  	[tilespmem:s13], [sflag:$0x1] =	stream.indirect.gather [hbm4b:s4+s17], $0x80, s11, s17, $0xb8;
	[tilespmem:$0x1F800] =	vst v63  }
0x1a8: {  	_ =	swait.ge [sflag:s21], $0x3800  }
0x1a9: {  	[sflag:s21] =	ssyncset.done $0x0  }
0x1aa: {  	s12 =	rddreg [dreg:$0x14];
	[sflag:s21] =	ssyncadd.s32 $0xFFFFC800  }
0x1ab: {  	[spmem:s2] =	stream.indirect.scatter.add.f32 [tilespmem:s18], [sflag:$0x4], $0x80, s12, s17, $0xb8;
	[tilespmem:$0x1F800] =	vst v63  }
0x1ac: {  	_ =	swait.ge [sflag:s14], $0x3800  }
0x1ad: {  	[sflag:s14] =	ssyncset.done $0x0  }
0x1ae: {  	[sflag:s14] =	ssyncadd.s32 $0xFFFFC800  }
0x1af: {  	[tilespmem:s18], [sflag:$0x2] =	stream.indirect.gather [hbm4b:s4+s17], $0x80, s23, s17, $0xb8;
	[tilespmem:$0x1F800] =	vst v63  }
0x1b0: {  	_ =	swait.ge [sflag:s22], $0x3800  }
0x1b1: {  	[sflag:s22] =	ssyncset.done $0x0  }
0x1b2: {  	[sflag:s22] =	ssyncadd.s32 $0xFFFFC800  }
0x1b3: {  	[spmem:s2] =	stream.indirect.scatter.add.f32 [tilespmem:s19], [sflag:$0x4], $0x80, s24, s17, $0xb8;
	[tilespmem:$0x1F800] =	vst v63  }
0x1b4: {  	_ =	swait.ge [sflag:s14], $0x3800  }
0x1b5: {  	[sflag:s14] =	ssyncset.done $0x0  }
0x1b6: {  	[sflag:s14] =	ssyncadd.s32 $0xFFFFC800  }
0x1b7: {  	[tilespmem:s19], [sflag:$0x3] =	stream.indirect.gather [hbm4b:s4+s17], $0x80, s25, s17, $0xb8;
	[tilespmem:$0x1F800] =	vst v63  }
0x1b8: {  	_ =	swait.ge [sflag:s20], $0x3800  }
0x1b9: {  	[sflag:s20] =	ssyncset.done $0x0  }
0x1ba: {  	[sflag:s20] =	ssyncadd.s32 $0xFFFFC800  }
0x1bb: {  	[spmem:s2] =	stream.indirect.scatter.add.f32 [tilespmem:s13], [sflag:$0x4], $0x80, s26, s17, $0xb8;
	[tilespmem:$0x1F800] =	vst v63  }
0x1bc: {  	_ =	swait.ge [sflag:s14], $0x3800  }
0x1bd: {  	[sflag:s14] =	ssyncset.done $0x0  }
0x1be: {  	[sflag:s14] =	ssyncadd.s32 $0xFFFFC800  }
0x1bf: {  	[tilespmem:s13], [sflag:$0x1] =	stream.indirect.gather [hbm4b:s4+s17], $0x80, s28, s17, $0xb8;
	[tilespmem:$0x1F800] =	vst v63  }
0x1c0: {  	_ =	swait.ge [sflag:s21], $0x3800  }
0x1c1: {  	[sflag:s21] =	ssyncset.done $0x0  }
0x1c2: {  	[sflag:s21] =	ssyncadd.s32 $0xFFFFC800  }
0x1c3: {  	[spmem:s2] =	stream.indirect.scatter.add.f32 [tilespmem:s18], [sflag:$0x4], $0x80, s29, s17, $0xb8;
	[tilespmem:$0x1F800] =	vst v63  }
0x1c4: {  	_ =	swait.ge [sflag:s14], $0x3800  }
0x1c5: {  	[sflag:s14] =	ssyncset.done $0x0  }
0x1c6: {  	[sflag:s14] =	ssyncadd.s32 $0xFFFFC800  }
0x1c7: {  	[tilespmem:s18], [sflag:$0x2] =	stream.indirect.gather [hbm4b:s4+s17], $0x80, s30, s17, $0xb8;
	[tilespmem:$0x1F800] =	vst v63  }
0x1c8: {  	_ =	swait.ge [sflag:s22], $0x3800  }
0x1c9: {  	[sflag:s22] =	ssyncset.done $0x0  }
0x1ca: {  	[sflag:s22] =	ssyncadd.s32 $0xFFFFC800  }
0x1cb: {  	[spmem:s2] =	stream.indirect.scatter.add.f32 [tilespmem:s19], [sflag:$0x4], $0x80, s31, s17, $0xb8;
	[tilespmem:$0x1F800] =	vst v63  }
0x1cc: {  	_ =	swait.ge [sflag:s14], $0x3800  }
0x1cd: {  	[sflag:s14] =	ssyncset.done $0x0  }
0x1ce: {  	[sflag:s14] =	ssyncadd.s32 $0xFFFFC800  }
0x1cf: {  	[tilespmem:s19], [sflag:$0x3] =	stream.indirect.gather [hbm4b:s4+s17], $0x80, s1, s17, $0xb8;
	[tilespmem:$0x1F800] =	vst v63  }
0x1d0: {  	_ =	swait.ge [sflag:s20], $0x3800  }
0x1d1: {  	[sflag:s20] =	ssyncset.done $0x0  }
0x1d2: {  	[sflag:s20] =	ssyncadd.s32 $0xFFFFC800  }
0x1d3: {  	[spmem:s2] =	stream.indirect.scatter.add.f32 [tilespmem:s13], [sflag:$0x4], $0x80, s0, s17, $0xb8;
	[tilespmem:$0x1F800] =	vst v63  }
0x1d4: {  	_ =	swait.ge [sflag:s14], $0x3800  }
0x1d5: {  	[sflag:s14] =	ssyncset.done $0x0  }
0x1d6: {  	[sflag:s14] =	ssyncadd.s32 $0xFFFFC800  }
0x1d7: {  	[tilespmem:s13], [sflag:$0x1] =	stream.indirect.gather [hbm4b:s4+s17], $0x80, s6, s17, $0xb8;
	[tilespmem:$0x1F800] =	vst v63  }
0x1d8: {  	_ =	swait.ge [sflag:s21], $0x3800  }
0x1d9: {  	[sflag:s21] =	ssyncset.done $0x0  }
0x1da: {  	[sflag:s21] =	ssyncadd.s32 $0xFFFFC800  }
0x1db: {  	[spmem:s2] =	stream.indirect.scatter.add.f32 [tilespmem:s18], [sflag:$0x4], $0x80, s7, s17, $0xb8;
	[tilespmem:$0x1F800] =	vst v63  }
0x1dc: {  	_ =	swait.ge [sflag:s14], $0x3800  }
0x1dd: {  	[sflag:s14] =	ssyncset.done $0x0  }
0x1de: {  	[sflag:s14] =	ssyncadd.s32 $0xFFFFC800  }
0x1df: {  	_ =	swait.ge [sflag:s22], $0x3800  }
0x1e0: {  	[sflag:s22] =	ssyncset.done $0x0  }
0x1e1: {  	[sflag:s22] =	ssyncadd.s32 $0xFFFFC800  }
0x1e2: {  	[spmem:s2] =	stream.indirect.scatter.add.f32 [tilespmem:s19], [sflag:$0x4], $0x80, s8, s17, $0xb8;
	[tilespmem:$0x1F800] =	vst v63  }
0x1e3: {  	_ =	swait.ge [sflag:s14], $0x3800  }
0x1e4: {  	[sflag:s14] =	ssyncset.done $0x0  }
0x1e5: {  	[sflag:s14] =	ssyncadd.s32 $0xFFFFC800  }
0x1e6: {  	_ =	swait.ge [sflag:s20], $0x3800  }
0x1e7: {  	[sflag:s20] =	ssyncset.done $0x0  }
0x1e8: {  	[sflag:s20] =	ssyncadd.s32 $0xFFFFC800  }
0x1e9: {  	[spmem:s2] =	stream.indirect.scatter.add.f32 [tilespmem:s13], [sflag:$0x4], $0x80, s9, s17, $0xb8;
	[tilespmem:$0x1F800] =	vst v63  }
0x1ea: {  	_ =	swait.ge [sflag:s14], $0x3800  }
0x1eb: {  	[sflag:s14] =	ssyncset.done $0x0  }
0x1ec: {  	[sflag:s14] =	ssyncadd.s32 $0xFFFFC800  }
0x1ed: {  	s10 =	stileid.u32;
	[bflag:$0x0] =	sbarrier.arrive $0xFFFF  }
0x1ee: {  	s5 =	sshll.u32 s10, $0x6;
	s11 =	rddreg [dreg:$0x15]  }
0x1ef: {  	s5 =	sor.u32 $0x1C04, s5;
	s12 =	rddreg [dreg:$0x1b];
	s10 =	sshrl.u32 s11, $0x3  }
0x1f0: {  	[hbm:s12], [sflag:s5] =	dma.local [spmem:s10], $0x2800  }
0x1f1: {  	_ =	swait.ge [sflag:s14], $0x2800  }
0x1f2: {  	s11 =	rddreg [dreg:$0x1d]  }
0x1f3: {  	s12 =	rddreg [dreg:$0x1c];
	s10 =	sadd.s32 $0x1, s11  }
0x1f4: {  	p0 =	sne.s32 s10, s12  }
.Ltmp2:
0x1f5: {  	_ = 	snop;
	(pc) =	sbr.rel @p0 .LBB2_1-.Ltmp2, $3  }
0x1f6: {  	_ =	sdelay $0x1  }
0x1f7: {  	[sflag:s14] =	ssyncset.done $0x0  }
0x1f8: {  	[sflag:s14] =	ssyncadd.s32 $0xFFFFD800  }
0x1f9: {  	_ =	sfence.sel $0x180000  }
0x1fa: {  	[bflag:$0x0] =	sbarrier.arrive $0xFFFF  }
0x1fb: {  	_ =	strace $0x9000004A  }
0x1fc: {  	s0 =	stileid.u32;
	[bflag:$0x2] =	sbarrier.arrive $0xFFFF  }
0x1fd: {  	p0 =	sne.s32 s0, $0x0;
	s0 =	rddreg [dreg:$0x2]  }
0x1fe: {  	s0 =	sadd.s32 @!p0 $0x100000, s0  }
0x1ff: {  	[sflag:s0] =	ssyncadd.tile.s32 @!p0 $0x1;
	_ =	shalt  }
.Lfunc_end2:
_tile_overlayer_lowered:
.L_overlay_start_2:
0x200: {  	(tag) =	ssettag $0x2  }
0x201: {  	s0 =	rddreg [dreg:$0x0];
	s2 =	stileid.u32  }
0x202: {  	s1 =	rddreg [dreg:$0x1];
	p0 =	sne.s32 s2, $0x0  }
0x203: {  	s3 =	rddreg [dreg:$0x2];
	[bflag:$0x3] =	sbarrier.arrive $0xFFFF;
	s2 =	simm.s32 @!p0 $0x1C04  }
0x204: {  	[timem:s3], [sflag:s2] =	dma.local @!p0 [hbm:s0], s1  }
0x205: {  	s0 =	simm.s32 @!p0 $0x4  }
0x206: {  	_ =	swait.ge @!p0 [sflag:s0], s1  }
0x207: {  	s1 =	ssub.s32 @!p0 $0x0, s1;
	[sflag:s0] =	ssyncset.done @!p0 $0x0  }
0x208: {  	[sflag:s0] =	ssyncadd.s32 @!p0 s1  }
0x209: {  	[bflag:$0x3] =	sbarrier.arrive $0xFFFF  }
0x20a: {  	_ =	shalt  }

// kernel: kernel.14.cloned.1.call-start
scs
__scs_entry_jumppad:
0x0: {  	(pc) =	sbr.rel $0x88, $3  }
0x1: {  	(tag) =	ssettag $0x0;
	lr =	simm.s32 $0x1  }
0x2: {  	[smem:$0x3F97] =	sst lr;
	_ =	strace $0xD0000000  }
0x3: {  	_ = 	snop  }
0x4: {  	_ = 	snop  }
0x5: {  	_ = 	snop  }
0x6: {  	_ = 	snop  }
0x7: {  	_ = 	snop  }
__scs_overlays_trampoline_lowered:
0x8: {  	[smem:$0x3FA6] =	sst s0  }
0x9: {  	[smem:$0x3FA7] =	sst s1  }
0xa: {  	[smem:$0x3FA8] =	sst s2  }
0xb: {  	[smem:$0x3FA9] =	sst s3  }
0xc: {  	[smem:$0x3FAA] =	sst s4  }
0xd: {  	[smem:$0x3FAB] =	sst s5  }
0xe: {  	[smem:$0x3FAC] =	sst s6  }
0xf: {  	[smem:$0x3FAD] =	sst s7  }
0x10: {  	[smem:$0x3FAE] =	sst s8  }
0x11: {  	[smem:$0x3FAF] =	sst s9;
	s0 =	simm.s32 @!p0 $0x0  }
0x12: {  	s1 =	sld [smem:$0x3F95];
	s0 =	simm.s32 @p0 $0x1  }
0x13: {  	[smem:$0x3FB0] =	sst s0;
	s0 =	simm.s32 @!p1 $0x0  }
0x14: {  	s2 =	sld [smem:$0x3F94];
	s0 =	simm.s32 @p1 $0x1  }
0x15: {  	[smem:$0x3FB1] =	sst s0;
	s0 =	simm.s32 @!p2 $0x0  }
0x16: {  	s3 =	sld [smem:$0x3FDB];
	s0 =	simm.s32 @p2 $0x1  }
0x17: {  	s4 =	simm.s32 $0x1BF5;
	[smem:$0x3FB3] =	sst s0  }
0x18: {  	s0 =	sld [smem:$0x3F96];
	_ =	swait.ge [sflag:s4], $0x0  }
0x19: {  	s7 =	sld [smem:$0x3F97]  }
0x1a: {  	s8 =	sadd.s32 $0xFFFFE003, lr  }
0x1b: {  	s9 =	sadd.s32 $0xFFFFFEF7, lr;
	s5 =	simm.s32 $0xFFFFFFFF;
	p2 =	slt.u32 s8, $0xFFFFF086  }
0x1c: {  	p1 =	slt.u32 s9, $0xF7A;
	s5 =	simm.s32 @!p2 $0x0  }
0x1d: {  	s5 =	simm.s32 @p1 $0x1;
	p0 =	seq.s32 s7, s2  }
0x1e: {  	s7 =	smul.u32 @!p0 $0xF7A, s2;
	p2 =	seq.s32 @!p0 s5, $0x0  }
0x1f: {  	s9 =	smul.u32 $0xF7A, s1;
	s8 =	simm.s32 @!p0 $0x1BF5;
	p2 =	por !p2, p0  }
0x20: {  	[sflag:s8] =	ssyncset.s32 @!p0 $0xFFFFF086;
	s6 =	sadd.s32 @!p0 s3, s7;
	s7 =	simm.s32 @!p0 $0x108  }
0x21: {  	s3 =	sadd.s32 s3, s9;
	s6 =	sadd.s32 @!p0 $0x88, s6;
	s7 =	simm.s32 @p2 $0x1082  }
0x22: {  	[simem:s7], [sflag:s8] =	dma.local @!p0 [hbm:s6], $0xF7A  }
0x23: {  	s9 =	sor.u32 $0xD0000000, s2;
	s6 =	simm.s32 $0x108;
	_ =	swait.ge @!p0 [sflag:s8], $0x0  }
0x24: {  	s3 =	sadd.s32 $0x88, s3;
	s6 =	simm.s32 @!p1 $0x1082;
	[sflag:s4] =	ssyncset.s32 $0xFFFFF086  }
0x25: {  	[simem:s6], [sflag:s4] =	dma.local [hbm:s3], $0xF7A  }
0x26: {  	[smem:$0x3F97] =	sst s1;
	(tag) =	ssettag s2;
	_ =	strace s9  }
0x27: {  	s1 =	sld [smem:$0x3FA7]  }
0x28: {  	s2 =	sld [smem:$0x3FA8]  }
0x29: {  	s4 =	sld [smem:$0x3FAA]  }
0x2a: {  	p0 =	seq.s32 s5, $0x0;
	s5 =	sld [smem:$0x3FAB]  }
0x2b: {  	s6 =	sld [smem:$0x3FAC]  }
0x2c: {  	s7 =	sld [smem:$0x3FAD]  }
0x2d: {  	s3 =	simm.s32 $0x108;
	s8 =	sld [smem:$0x3FAE]  }
0x2e: {  	s3 =	simm.s32 @!p0 $0x1082;
	s9 =	sld [smem:$0x3FAF]  }
0x2f: {  	lr =	sadd.s32 s0, s3;
	s0 =	sld [smem:$0x3FA6]  }
0x30: {  	s3 =	sld [smem:$0x3FA9]  }
0x31: {  	[smem:$0x3FB2] =	sst s10  }
0x32: {  	s10 =	sld [smem:$0x3FB0];
	_ =	sdelay $0x3  }
0x33: {  	p0 =	seq.s32 s10, $0x1;
	s10 =	sld [smem:$0x3FB2];
	_ =	sdelay $0x3  }
0x34: {  	[smem:$0x3FB2] =	sst s10  }
0x35: {  	s10 =	sld [smem:$0x3FB1];
	_ =	sdelay $0x3  }
0x36: {  	p1 =	seq.s32 s10, $0x1;
	s10 =	sld [smem:$0x3FB2];
	_ =	sdelay $0x3  }
0x37: {  	[smem:$0x3FB2] =	sst s10  }
0x38: {  	s10 =	sld [smem:$0x3FB3]  }
0x39: {  	_ = 	snop;
	(pc) =	sbr.ind lr, $3  }
0x3a: {  	_ = 	snop  }
0x3b: {  	_ = 	snop  }
0x3c: {  	p2 =	seq.s32 s10, $0x1;
	s10 =	sld [smem:$0x3FB2]  }
0x3d: {  	_ =	shalt  }
0x3e: {  	_ =	shalt  }
0x3f: {  	_ =	shalt  }
0x40: {  	_ =	shalt  }
0x41: {  	_ =	shalt  }
0x42: {  	_ =	shalt  }
0x43: {  	_ =	shalt  }
0x44: {  	_ =	shalt  }
0x45: {  	_ =	shalt  }
0x46: {  	_ =	shalt  }
0x47: {  	_ =	shalt  }
0x48: {  	_ =	shalt  }
0x49: {  	_ =	shalt  }
0x4a: {  	_ =	shalt  }
0x4b: {  	_ =	shalt  }
0x4c: {  	_ =	shalt  }
0x4d: {  	_ =	shalt  }
0x4e: {  	_ =	shalt  }
0x4f: {  	_ =	shalt  }
0x50: {  	_ =	shalt  }
0x51: {  	_ =	shalt  }
0x52: {  	_ =	shalt  }
0x53: {  	_ =	shalt  }
0x54: {  	_ =	shalt  }
0x55: {  	_ =	shalt  }
0x56: {  	_ =	shalt  }
0x57: {  	_ =	shalt  }
0x58: {  	_ =	shalt  }
0x59: {  	_ =	shalt  }
0x5a: {  	_ =	shalt  }
0x5b: {  	_ =	shalt  }
0x5c: {  	_ =	shalt  }
0x5d: {  	_ =	shalt  }
0x5e: {  	_ =	shalt  }
0x5f: {  	_ =	shalt  }
0x60: {  	_ =	shalt  }
0x61: {  	_ =	shalt  }
0x62: {  	_ =	shalt  }
0x63: {  	_ =	shalt  }
0x64: {  	_ =	shalt  }
0x65: {  	_ =	shalt  }
0x66: {  	_ =	shalt  }
0x67: {  	_ =	shalt  }
0x68: {  	_ =	shalt  }
0x69: {  	_ =	shalt  }
0x6a: {  	_ =	shalt  }
0x6b: {  	_ =	shalt  }
0x6c: {  	_ =	shalt  }
0x6d: {  	_ =	shalt  }
0x6e: {  	_ =	shalt  }
0x6f: {  	_ =	shalt  }
0x70: {  	_ =	shalt  }
0x71: {  	_ =	shalt  }
0x72: {  	_ =	shalt  }
0x73: {  	_ =	shalt  }
0x74: {  	_ =	shalt  }
0x75: {  	_ =	shalt  }
0x76: {  	_ =	shalt  }
0x77: {  	_ =	shalt  }
0x78: {  	_ =	shalt  }
0x79: {  	_ =	shalt  }
0x7a: {  	_ =	shalt  }
0x7b: {  	_ =	shalt  }
0x7c: {  	_ =	shalt  }
0x7d: {  	_ =	shalt  }
0x7e: {  	_ =	shalt  }
0x7f: {  	_ =	shalt  }
0x80: {  	_ =	shalt  }
0x81: {  	_ =	shalt  }
0x82: {  	_ =	shalt  }
0x83: {  	_ =	shalt  }
0x84: {  	_ =	shalt  }
0x85: {  	_ =	shalt  }
0x86: {  	_ =	shalt  }
0x87: {  	_ =	shalt  }
.Lfunc_end0:
.L_simem_size_0:
called_computation.2_lowered:
.L_overlay_start_0:
0x88: {  	s2 =	sld [smem:$0x3FD9]  }
0x89: {  	s3 =	sld [smem:$0x3FFE];
	_ =	sdelay $0x1  }
0x8a: {  	s1 =	srdreg.scid  }
0x8b: {  	s0 =	sand.u32 $0x1, s1  }
0x8c: {  	s16 =	sshll.u32 s0, $0xA;
	s2 =	sadd.s32 s3, s2  }
0x8d: {  	s2 =	sadd.s32 s2, s16  }
0x8e: {  	[smem:$0x3FBE] =	sst s2  }
0x8f: {  	_ = 	snop  }
0x90: {  	(tm) =	ssettm $0x1  }
0x91: {  	s17 =	sld [smem:$0x3FFB];
	_ =	sdelay $0x3  }
0x92: {  	_ =	strace s17  }
0x93: {  	s2 =	sld [smem:$0x3FFC];
	_ =	sdelay $0x3  }
0x94: {  	_ =	strace s2  }
0x95: {  	s2 =	sld [smem:$0x3FFD];
	_ =	sdelay $0x3  }
0x96: {  	_ =	strace s2  }
0x97: {  	_ =	strace $0x8FFFFFFF  }
0x98: {  	s18 =	sld [smem:$0x3FDB];
	_ =	sdelay $0x1  }
0x99: {  	s19 =	simm.s32 $_scs_section_size  }
0x9a: {  	s4 =	simm.s32 $_size__tile_overlayer_lowered;
	s5 =	simm.s32 $_tile_overlayer_lowered  }
0x9b: {  	s22 =	simm.s32 $0x1BFF;
	s21 =	sshll.u32 s5, $0x1;
	s2 =	sadd.s32 s19, s18  }
0x9c: {  	s6 =	simm.s32 $0x0;
	s20 =	sshll.u32 s4, $0x1;
	s4 =	sadd.s32 s21, s2  }
0x9d: {  	[timem:s6], [sflag:s22] =	dma.local [hbm:s4], s20  }
0x9e: {  	_ =	swait.ge [sflag:s22], s20  }
0x9f: {  	s3 =	ssub.s32 $0x0, s20;
	[sflag:s22] =	ssyncset.done $0x0  }
0xa0: {  	[sflag:s22] =	ssyncadd.s32 s3;
	_ =	sdelay $0x1  }
0xa1: {  	s23 =	simm.s32 $0x1B8B  }
0xa2: {  	_ =	swait.ge [sflag:s23], $0x1  }
0xa3: {  	[sflag:s23] =	ssyncset.done $0x0  }
0xa4: {  	s25 =	simm.s32 $0x1B8E;
	s24 =	sld [smem:$0x3FFE];
	[sflag:s23] =	ssyncadd.s32 $0xFFFFFFFF  }
0xa5: {  	s26 =	simm.s32 $execute0_lowered;
	[smem:$0x3FD2] =	sst s25  }
0xa6: {  	s4 =	sshll.u32 s26, $0x1;
	_ =	strace $0x8000004C;
	[dreg:$0x1] =	wrdreg $0xFFFFFFFF  }
0xa7: {  	s28 =	simm.s32 $_size_execute0_lowered;
	s2 =	sadd.s32 s2, s4;
	[dreg:$0x0] =	wrdreg $0x0  }
0xa8: {  	s4 =	sshll.u32 s28, $0x1;
	[dreg:$0x2] =	wrdreg s2  }
0xa9: {  	[dreg:$0x3] =	wrdreg s4  }
0xaa: {  	[dreg:$0x4] =	wrdreg $0xC0  }
0xab: {  	_ =	task [dreg:s6], $0x5FFFF  }
0xac: {  	[dreg:$0x1] =	wrdreg $0xFFFFFFFF  }
0xad: {  	[dreg:$0x0] =	wrdreg $0x60  }
0xae: {  	[dreg:$0x2] =	wrdreg s24  }
0xaf: {  	[dreg:$0x3] =	wrdreg $0x0  }
0xb0: {  	[dreg:$0x4] =	wrdreg $0x9  }
0xb1: {  	_ =	task.clear_ibuf [dreg:s6], $0x5FFFF;
	_ =	strace $0x9000004C  }
0xb2: {  	s29 =	simm.s32 $0x9;
	_ =	strace $0x8000004E  }
0xb3: {  	_ =	swait.ge [sflag:s29], $0x1  }
0xb4: {  	[sflag:s29] =	ssyncadd.s32 $0xFFFFFFFF  }
0xb5: {  	_ =	strace $0x9000004E  }
0xb6: {  	_ =	sfence  }
0xb7: {  	s30 =	sld [smem:$0x0];
	_ =	sdelay $0x2  }
0xb8: {  	s31 =	sshll.u32 s1, $0xD;
	s1 =	sshrl.u32 s1, $0x2  }
0xb9: {  	s3 =	sand.u32 $0x4000, s31;
	s1 =	sadd.s32 s1, s30  }
0xba: {  	s0 =	sor.u32 s3, s0;
	s1 =	sshll.u32 s1, $0x11  }
0xbb: {  	s0 =	sor.u32 s1, s0  }
0xbc: {  	s0 =	sadd.s32 $0x8F2B, s0  }
0xbd: {  	[sflag:s0] =	ssyncadd.remote.s32 $0x1  }
0xbe: {  	_ =	sfence.sel $0xFFFF  }
0xbf: {  	[dreg:$0x0] =	wrdreg $0xFFFFFFFF;
	(pc) =	sbr.abs _section_cstart, $3  }
0xc0: {  	[dreg:$0x1] =	wrdreg $0xFFFFFFFF  }
0xc1: {  	_ =	task.clear_ibuf [dreg:s6], $0x2FFFF;
	_ =	strace $0x9FFFFFFF  }
0xc2: {  	(tm) =	ssettm $0x7FFFFFFF  }
0xc3: {  	_ =	shalt  }
tec
execute0_lowered:
.L_overlay_start_1:
0x0: {  	(tag) =	ssettag $0x1  }
0x1: {  	s0 =	srdreg.scid;
	s1 =	rddreg [dreg:$0x0]  }
0x2: {  	s8 =	stileid.u32;
	s2 =	rddreg [dreg:$0x1];
	s3 =	simm.s32 $0x0  }
0x3: {  	s26 =	simm.s32 $0x14080;
	s9 =	simm.s32 $0x14100;
	s11 =	simm.s32 $0x14180  }
0x4: {  	s13 =	simm.s32 $0x14880;
	s15 =	simm.s32 $0x14200;
	[smem:$0x7FF] =	sst s3  }
0x5: {  	s16 =	simm.s32 $0x14900;
	_ =	strace $0x8000004D;
	[dreg:$0x5] =	wrdreg s26  }
0x6: {  	s17 =	simm.s32 $0x14280;
	s18 =	simm.s32 $0x14980;
	[dreg:$0x6] =	wrdreg s9  }
0x7: {  	s19 =	simm.s32 $0x14300;
	s20 =	simm.s32 $0x14A00;
	[dreg:$0x7] =	wrdreg s11  }
0x8: {  	s28 =	simm.s32 $0x14600;
	s5 =	smul.u32 $0x3000, s8;
	[dreg:$0x8] =	wrdreg s13  }
0x9: {  	s29 =	simm.s32 $0x14D00;
	s6 =	smul.u32 $0x14000, s8;
	[dreg:$0x9] =	wrdreg s15  }
0xa: {  	s0 =	sand.u32 $0x1, s0;
	s8 =	smul.u32 $0x50000, s8;
	[dreg:$0xa] =	wrdreg s16  }
0xb: {  	s30 =	simm.s32 $0x14680;
	s4 =	smul.u32 $0x30000, s0;
	[dreg:$0xb] =	wrdreg s17  }
0xc: {  	s31 =	simm.s32 $0x14D80;
	s21 =	smul.u32 $0x140000, s0;
	[dreg:$0xc] =	wrdreg s18  }
0xd: {  	s0 =	ssub.s32 $0x2, s0;
	s13 =	simm.s32 $0x15000;
	[dreg:$0xd] =	wrdreg s19  }
0xe: {  	s15 =	simm.s32 $0x14000;
	[dreg:$0xe] =	wrdreg s20;
	s16 =	simm.s32 $0x14800  }
0xf: {  	s17 =	simm.s32 $0x70;
	s18 =	simm.s32 $0x18800;
	s19 =	simm.s32 $0x1C000  }
0x10: {  	s20 =	simm.s32 $0x1;
	s26 =	simm.s32 $0x14B80;
	s9 =	simm.s32 $0x14F80  }
0x11: {  	s22 =	sshrl.u32 s0, $0x1;
	s24 =	sshrl.u32 s8, $0x2;
	[dreg:$0x14] =	wrdreg s26  }
0x12: {  	s4 =	sadd.s32 s5, s4;
	s5 =	sadd.s32 s6, s21;
	s6 =	sadd.s32 s24, s2  }
0x13: {  	s26 =	simm.s32 $0x14C80;
	s21 =	simm.s32 $0x14380;
	[dreg:$0x15] =	wrdreg s6  }
0x14: {  	s0 =	ssub.s32 s0, s22;
	s22 =	simm.s32 $0x14A80;
	[dreg:$0xf] =	wrdreg s21  }
0x15: {  	s24 =	simm.s32 $0x14B00;
	s4 =	sshrl.u32 s4, $0x3;
	[dreg:$0x10] =	wrdreg s22  }
0x16: {  	s5 =	sshrl.u32 s5, $0x3;
	s8 =	sadd.s32 $0x3800, s6;
	[dreg:$0x12] =	wrdreg s24  }
0x17: {  	s10 =	sadd.s32 $0x7000, s6;
	s12 =	sadd.s32 $0xA800, s6;
	[dreg:$0x16] =	wrdreg s8  }
0x18: {  	s14 =	sadd.s32 $0xE000, s6;
	s6 =	sadd.s32 $0x11800, s6;
	[dreg:$0x17] =	wrdreg s10  }
0x19: {  	s0 =	smax.u32 s0, $0x1;
	s21 =	simm.s32 $0x2;
	[dreg:$0x18] =	wrdreg s12  }
0x1a: {  	s22 =	simm.s32 $0x3;
	s24 =	simm.s32 $0x14C00;
	[dreg:$0x19] =	wrdreg s14  }
0x1b: {  	s7 =	sadd.s32 s4, s1;
	s4 =	sadd.s32 $0x26A00, s1;
	[dreg:$0x1a] =	wrdreg s6  }
0x1c: {  	s1 =	sadd.s32 s5, s1;
	[dreg:$0x1c] =	wrdreg s0;
	s14 =	simm.s32 $0x4  }
0x1d: {  	s0 =	simm.s32 $0x14E00;
	s6 =	simm.s32 $0x14780;
	s23 =	sadd.s32 $0xEA00, s7  }
0x1e: {  	s8 =	simm.s32 $0x14F00;
	s25 =	sadd.s32 $0x1AA00, s7;
	[dreg:$0x3] =	wrdreg s23  }
0x1f: {  	s10 =	simm.s32 $0x0;
	s1 =	sadd.s32 $0x4EA00, s1;
	[dreg:$0x4] =	wrdreg s25  }
0x20: {  	s7 =	simm.s32 $0x14E80;
	[dreg:$0x1b] =	wrdreg s1;
	s23 =	simm.s32 $0x14400  }
0x21: {  	s25 =	simm.s32 $0x14480;
	s1 =	simm.s32 $0x14700;
	[dreg:$0x11] =	wrdreg s23  }
0x22: {  	v0 =	vimm.f32 $0.0e+00;
	[dreg:$0x13] =	wrdreg s25;
	s23 =	simm.s32 $0x14500;
	s25 =	simm.s32 $0x14580  }
.LBB2_1:
0x23: {  	s11 =	simm.s32 $0x0;
	s12 =	simm.s32 $0x200  }
.LBB2_2:
0x24: {  	p0 =	sne.s32 s12, $0xDE00;
	[tilespmem:s11+$0x15070] =	vst v0  }
0x25: {  	[tilespmem:s11+$0x15000] =	vst v0  }
0x26: {  	[tilespmem:s11+$0x15010] =	vst v0  }
.Ltmp0:
0x27: {  	[tilespmem:s11+$0x15020] =	vst v0;
	(pc) =	sbr.rel @p0 .LBB2_2-.Ltmp0, $4  }
0x28: {  	[tilespmem:s11+$0x15030] =	vst v0  }
0x29: {  	[tilespmem:s11+$0x15040] =	vst v0  }
0x2a: {  	[tilespmem:s11+$0x15050] =	vst v0  }
0x2b: {  	[tilespmem:s11+$0x15060] =	vst v0;
	s11 =	sshra.s32 s12, $0x2;
	s12 =	sadd.s32 $0x200, s12  }
0x2c: {  	[tilespmem:s11+$0x15070] =	vst v0  }
0x2d: {  	[tilespmem:s11+$0x15000] =	vst v0  }
0x2e: {  	[tilespmem:s11+$0x15010] =	vst v0  }
0x2f: {  	[tilespmem:s11+$0x15020] =	vst v0  }
0x30: {  	[tilespmem:s11+$0x15030] =	vst v0  }
0x31: {  	[tilespmem:s11+$0x15040] =	vst v0  }
0x32: {  	[dreg:$0x1d] =	wrdreg s10;
	[tilespmem:s11+$0x15050] =	vst v0  }
0x33: {  	[tilespmem:s11+$0x15060] =	vst v0;
	s5 =	rddreg [dreg:$0x15]  }
0x34: {  	[spmem:s5] =	stream.linear.scatter [tilespmem:s13], [sflag:$0x4], $0x3800, $0x38;
	[tilespmem:$0x1F800] =	vst v63  }
0x35: {  	_ =	swait.ge [sflag:s14], $0x3800  }
0x36: {  	[sflag:s14] =	ssyncset.done $0x0  }
0x37: {  	s11 =	rddreg [dreg:$0x16];
	[sflag:s14] =	ssyncadd.s32 $0xFFFFC800  }
0x38: {  	[spmem:s11] =	stream.linear.scatter [tilespmem:s13], [sflag:$0x4], $0x3800, $0x38;
	[tilespmem:$0x1F800] =	vst v63  }
0x39: {  	_ =	swait.ge [sflag:s14], $0x3800  }
0x3a: {  	[sflag:s14] =	ssyncset.done $0x0  }
0x3b: {  	s12 =	rddreg [dreg:$0x17];
	[sflag:s14] =	ssyncadd.s32 $0xFFFFC800  }
0x3c: {  	[spmem:s12] =	stream.linear.scatter [tilespmem:s13], [sflag:$0x4], $0x3800, $0x38;
	[tilespmem:$0x1F800] =	vst v63  }
0x3d: {  	_ =	swait.ge [sflag:s14], $0x3800  }
0x3e: {  	[sflag:s14] =	ssyncset.done $0x0  }
0x3f: {  	s10 =	rddreg [dreg:$0x18];
	[sflag:s14] =	ssyncadd.s32 $0xFFFFC800  }
0x40: {  	[spmem:s10] =	stream.linear.scatter [tilespmem:s13], [sflag:$0x4], $0x3800, $0x38;
	[tilespmem:$0x1F800] =	vst v63  }
0x41: {  	_ =	swait.ge [sflag:s14], $0x3800  }
0x42: {  	[sflag:s14] =	ssyncset.done $0x0  }
0x43: {  	s11 =	rddreg [dreg:$0x19];
	[sflag:s14] =	ssyncadd.s32 $0xFFFFC800  }
0x44: {  	[spmem:s11] =	stream.linear.scatter [tilespmem:s13], [sflag:$0x4], $0x3800, $0x38;
	[tilespmem:$0x1F800] =	vst v63  }
0x45: {  	_ =	swait.ge [sflag:s14], $0x3800  }
0x46: {  	[sflag:s14] =	ssyncset.done $0x0  }
0x47: {  	s12 =	rddreg [dreg:$0x1a];
	[sflag:s14] =	ssyncadd.s32 $0xFFFFC800  }
0x48: {  	[spmem:s12] =	stream.linear.scatter [tilespmem:s13], [sflag:$0x4], $0x2800, $0x38;
	[tilespmem:$0x1F800] =	vst v63  }
0x49: {  	_ =	swait.ge [sflag:s14], $0x2800  }
0x4a: {  	[sflag:s14] =	ssyncset.done $0x0  }
0x4b: {  	[sflag:s14] =	ssyncadd.s32 $0xFFFFD800  }
0x4c: {  	[bflag:$0x0] =	sbarrier.arrive $0xFFFF  }
0x4d: {  	s10 =	rddreg [dreg:$0x4]  }
0x4e: {  	s5 =	sadd.s32 $0x0, s10  }
0x4f: {  	[tilespmem:s15], [sflag:$0x4] =	stream.linear.gather [hbm4b:s5+s3], $0x800, $0x38;
	[tilespmem:$0x1F800] =	vst v63  }
0x50: {  	_ =	swait.ge [sflag:s14], $0x800  }
0x51: {  	s11 =	rddreg [dreg:$0x3];
	[sflag:s14] =	ssyncset.done $0x0  }
0x52: {  	[sflag:s14] =	ssyncadd.s32 $0xFFFFF800;
	s5 =	sadd.s32 $0x0, s11  }
0x53: {  	[tilespmem:s16], [sflag:$0x4] =	stream.linear.gather [hbm4b:s5+s3], $0x800, $0x38;
	[tilespmem:$0x1F800] =	vst v63  }
0x54: {  	_ =	swait.ge [sflag:s14], $0x800  }
0x55: {  	[sflag:s14] =	ssyncset.done $0x0  }
0x56: {  	[sflag:s14] =	ssyncadd.s32 $0xFFFFF800  }
0x57: {  	[tilespmem:s13], [sflag:$0x1] =	stream.indirect.gather [hbm4b:s4+s17], $0x80, s15, s17, $0xb8;
	[tilespmem:$0x1F800] =	vst v63  }
0x58: {  	s12 =	rddreg [dreg:$0x5]  }
0x59: {  	[tilespmem:s18], [sflag:$0x2] =	stream.indirect.gather [hbm4b:s4+s17], $0x80, s12, s17, $0xb8;
	[tilespmem:$0x1F800] =	vst v63  }
0x5a: {  	s10 =	rddreg [dreg:$0x6]  }
0x5b: {  	[tilespmem:s19], [sflag:$0x3] =	stream.indirect.gather [hbm4b:s4+s17], $0x80, s10, s17, $0xb8;
	[tilespmem:$0x1F800] =	vst v63  }
0x5c: {  	_ =	swait.ge [sflag:s20], $0x3800  }
0x5d: {  	[sflag:s20] =	ssyncset.done $0x0  }
0x5e: {  	[sflag:s20] =	ssyncadd.s32 $0xFFFFC800  }
0x5f: {  	[spmem:s2] =	stream.indirect.scatter.add.f32 [tilespmem:s13], [sflag:$0x4], $0x80, s16, s17, $0xb8;
	[tilespmem:$0x1F800] =	vst v63  }
0x60: {  	_ =	swait.ge [sflag:s14], $0x3800  }
0x61: {  	[sflag:s14] =	ssyncset.done $0x0  }
0x62: {  	s11 =	rddreg [dreg:$0x7];
	[sflag:s14] =	ssyncadd.s32 $0xFFFFC800  }
0x63: {  	[tilespmem:s13], [sflag:$0x1] =	stream.indirect.gather [hbm4b:s4+s17], $0x80, s11, s17, $0xb8;
	[tilespmem:$0x1F800] =	vst v63  }
0x64: {  	_ =	swait.ge [sflag:s21], $0x3800  }
0x65: {  	[sflag:s21] =	ssyncset.done $0x0  }
0x66: {  	s12 =	rddreg [dreg:$0x8];
	[sflag:s21] =	ssyncadd.s32 $0xFFFFC800  }
0x67: {  	[spmem:s2] =	stream.indirect.scatter.add.f32 [tilespmem:s18], [sflag:$0x4], $0x80, s12, s17, $0xb8;
	[tilespmem:$0x1F800] =	vst v63  }
0x68: {  	_ =	swait.ge [sflag:s14], $0x3800  }
0x69: {  	[sflag:s14] =	ssyncset.done $0x0  }
0x6a: {  	s10 =	rddreg [dreg:$0x9];
	[sflag:s14] =	ssyncadd.s32 $0xFFFFC800  }
0x6b: {  	[tilespmem:s18], [sflag:$0x2] =	stream.indirect.gather [hbm4b:s4+s17], $0x80, s10, s17, $0xb8;
	[tilespmem:$0x1F800] =	vst v63  }
0x6c: {  	_ =	swait.ge [sflag:s22], $0x3800  }
0x6d: {  	[sflag:s22] =	ssyncset.done $0x0  }
0x6e: {  	s11 =	rddreg [dreg:$0xa];
	[sflag:s22] =	ssyncadd.s32 $0xFFFFC800  }
0x6f: {  	[spmem:s2] =	stream.indirect.scatter.add.f32 [tilespmem:s19], [sflag:$0x4], $0x80, s11, s17, $0xb8;
	[tilespmem:$0x1F800] =	vst v63  }
0x70: {  	_ =	swait.ge [sflag:s14], $0x3800  }
0x71: {  	[sflag:s14] =	ssyncset.done $0x0  }
0x72: {  	s12 =	rddreg [dreg:$0xb];
	[sflag:s14] =	ssyncadd.s32 $0xFFFFC800  }
0x73: {  	[tilespmem:s19], [sflag:$0x3] =	stream.indirect.gather [hbm4b:s4+s17], $0x80, s12, s17, $0xb8;
	[tilespmem:$0x1F800] =	vst v63  }
0x74: {  	_ =	swait.ge [sflag:s20], $0x3800  }
0x75: {  	[sflag:s20] =	ssyncset.done $0x0  }
0x76: {  	s10 =	rddreg [dreg:$0xc];
	[sflag:s20] =	ssyncadd.s32 $0xFFFFC800  }
0x77: {  	[spmem:s2] =	stream.indirect.scatter.add.f32 [tilespmem:s13], [sflag:$0x4], $0x80, s10, s17, $0xb8;
	[tilespmem:$0x1F800] =	vst v63  }
0x78: {  	_ =	swait.ge [sflag:s14], $0x3800  }
0x79: {  	[sflag:s14] =	ssyncset.done $0x0  }
0x7a: {  	s11 =	rddreg [dreg:$0xd];
	[sflag:s14] =	ssyncadd.s32 $0xFFFFC800  }
0x7b: {  	[tilespmem:s13], [sflag:$0x1] =	stream.indirect.gather [hbm4b:s4+s17], $0x80, s11, s17, $0xb8;
	[tilespmem:$0x1F800] =	vst v63  }
0x7c: {  	_ =	swait.ge [sflag:s21], $0x3800  }
0x7d: {  	[sflag:s21] =	ssyncset.done $0x0  }
0x7e: {  	s12 =	rddreg [dreg:$0xe];
	[sflag:s21] =	ssyncadd.s32 $0xFFFFC800  }
0x7f: {  	[spmem:s2] =	stream.indirect.scatter.add.f32 [tilespmem:s18], [sflag:$0x4], $0x80, s12, s17, $0xb8;
	[tilespmem:$0x1F800] =	vst v63  }
0x80: {  	_ =	swait.ge [sflag:s14], $0x3800  }
0x81: {  	[sflag:s14] =	ssyncset.done $0x0  }
0x82: {  	s10 =	rddreg [dreg:$0xf];
	[sflag:s14] =	ssyncadd.s32 $0xFFFFC800  }
0x83: {  	[tilespmem:s18], [sflag:$0x2] =	stream.indirect.gather [hbm4b:s4+s17], $0x80, s10, s17, $0xb8;
	[tilespmem:$0x1F800] =	vst v63  }
0x84: {  	_ =	swait.ge [sflag:s22], $0x3800  }
0x85: {  	[sflag:s22] =	ssyncset.done $0x0  }
0x86: {  	s11 =	rddreg [dreg:$0x10];
	[sflag:s22] =	ssyncadd.s32 $0xFFFFC800  }
0x87: {  	[spmem:s2] =	stream.indirect.scatter.add.f32 [tilespmem:s19], [sflag:$0x4], $0x80, s11, s17, $0xb8;
	[tilespmem:$0x1F800] =	vst v63  }
0x88: {  	_ =	swait.ge [sflag:s14], $0x3800  }
0x89: {  	[sflag:s14] =	ssyncset.done $0x0  }
0x8a: {  	s12 =	rddreg [dreg:$0x11];
	[sflag:s14] =	ssyncadd.s32 $0xFFFFC800  }
0x8b: {  	[tilespmem:s19], [sflag:$0x3] =	stream.indirect.gather [hbm4b:s4+s17], $0x80, s12, s17, $0xb8;
	[tilespmem:$0x1F800] =	vst v63  }
0x8c: {  	_ =	swait.ge [sflag:s20], $0x3800  }
0x8d: {  	[sflag:s20] =	ssyncset.done $0x0  }
0x8e: {  	s10 =	rddreg [dreg:$0x12];
	[sflag:s20] =	ssyncadd.s32 $0xFFFFC800  }
0x8f: {  	[spmem:s2] =	stream.indirect.scatter.add.f32 [tilespmem:s13], [sflag:$0x4], $0x80, s10, s17, $0xb8;
	[tilespmem:$0x1F800] =	vst v63  }
0x90: {  	_ =	swait.ge [sflag:s14], $0x3800  }
0x91: {  	[sflag:s14] =	ssyncset.done $0x0  }
0x92: {  	s11 =	rddreg [dreg:$0x13];
	[sflag:s14] =	ssyncadd.s32 $0xFFFFC800  }
0x93: {  	[tilespmem:s13], [sflag:$0x1] =	stream.indirect.gather [hbm4b:s4+s17], $0x80, s11, s17, $0xb8;
	[tilespmem:$0x1F800] =	vst v63  }
0x94: {  	_ =	swait.ge [sflag:s21], $0x3800  }
0x95: {  	[sflag:s21] =	ssyncset.done $0x0  }
0x96: {  	s12 =	rddreg [dreg:$0x14];
	[sflag:s21] =	ssyncadd.s32 $0xFFFFC800  }
0x97: {  	[spmem:s2] =	stream.indirect.scatter.add.f32 [tilespmem:s18], [sflag:$0x4], $0x80, s12, s17, $0xb8;
	[tilespmem:$0x1F800] =	vst v63  }
0x98: {  	_ =	swait.ge [sflag:s14], $0x3800  }
0x99: {  	[sflag:s14] =	ssyncset.done $0x0  }
0x9a: {  	[sflag:s14] =	ssyncadd.s32 $0xFFFFC800  }
0x9b: {  	[tilespmem:s18], [sflag:$0x2] =	stream.indirect.gather [hbm4b:s4+s17], $0x80, s23, s17, $0xb8;
	[tilespmem:$0x1F800] =	vst v63  }
0x9c: {  	_ =	swait.ge [sflag:s22], $0x3800  }
0x9d: {  	[sflag:s22] =	ssyncset.done $0x0  }
0x9e: {  	[sflag:s22] =	ssyncadd.s32 $0xFFFFC800  }
0x9f: {  	[spmem:s2] =	stream.indirect.scatter.add.f32 [tilespmem:s19], [sflag:$0x4], $0x80, s24, s17, $0xb8;
	[tilespmem:$0x1F800] =	vst v63  }
0xa0: {  	_ =	swait.ge [sflag:s14], $0x3800  }
0xa1: {  	[sflag:s14] =	ssyncset.done $0x0  }
0xa2: {  	[sflag:s14] =	ssyncadd.s32 $0xFFFFC800  }
0xa3: {  	[tilespmem:s19], [sflag:$0x3] =	stream.indirect.gather [hbm4b:s4+s17], $0x80, s25, s17, $0xb8;
	[tilespmem:$0x1F800] =	vst v63  }
0xa4: {  	_ =	swait.ge [sflag:s20], $0x3800  }
0xa5: {  	[sflag:s20] =	ssyncset.done $0x0  }
0xa6: {  	[sflag:s20] =	ssyncadd.s32 $0xFFFFC800  }
0xa7: {  	[spmem:s2] =	stream.indirect.scatter.add.f32 [tilespmem:s13], [sflag:$0x4], $0x80, s26, s17, $0xb8;
	[tilespmem:$0x1F800] =	vst v63  }
0xa8: {  	_ =	swait.ge [sflag:s14], $0x3800  }
0xa9: {  	[sflag:s14] =	ssyncset.done $0x0  }
0xaa: {  	[sflag:s14] =	ssyncadd.s32 $0xFFFFC800  }
0xab: {  	[tilespmem:s13], [sflag:$0x1] =	stream.indirect.gather [hbm4b:s4+s17], $0x80, s28, s17, $0xb8;
	[tilespmem:$0x1F800] =	vst v63  }
0xac: {  	_ =	swait.ge [sflag:s21], $0x3800  }
0xad: {  	[sflag:s21] =	ssyncset.done $0x0  }
0xae: {  	[sflag:s21] =	ssyncadd.s32 $0xFFFFC800  }
0xaf: {  	[spmem:s2] =	stream.indirect.scatter.add.f32 [tilespmem:s18], [sflag:$0x4], $0x80, s29, s17, $0xb8;
	[tilespmem:$0x1F800] =	vst v63  }
0xb0: {  	_ =	swait.ge [sflag:s14], $0x3800  }
0xb1: {  	[sflag:s14] =	ssyncset.done $0x0  }
0xb2: {  	[sflag:s14] =	ssyncadd.s32 $0xFFFFC800  }
0xb3: {  	[tilespmem:s18], [sflag:$0x2] =	stream.indirect.gather [hbm4b:s4+s17], $0x80, s30, s17, $0xb8;
	[tilespmem:$0x1F800] =	vst v63  }
0xb4: {  	_ =	swait.ge [sflag:s22], $0x3800  }
0xb5: {  	[sflag:s22] =	ssyncset.done $0x0  }
0xb6: {  	[sflag:s22] =	ssyncadd.s32 $0xFFFFC800  }
0xb7: {  	[spmem:s2] =	stream.indirect.scatter.add.f32 [tilespmem:s19], [sflag:$0x4], $0x80, s31, s17, $0xb8;
	[tilespmem:$0x1F800] =	vst v63  }
0xb8: {  	_ =	swait.ge [sflag:s14], $0x3800  }
0xb9: {  	[sflag:s14] =	ssyncset.done $0x0  }
0xba: {  	[sflag:s14] =	ssyncadd.s32 $0xFFFFC800  }
0xbb: {  	[tilespmem:s19], [sflag:$0x3] =	stream.indirect.gather [hbm4b:s4+s17], $0x80, s1, s17, $0xb8;
	[tilespmem:$0x1F800] =	vst v63  }
0xbc: {  	_ =	swait.ge [sflag:s20], $0x3800  }
0xbd: {  	[sflag:s20] =	ssyncset.done $0x0  }
0xbe: {  	[sflag:s20] =	ssyncadd.s32 $0xFFFFC800  }
0xbf: {  	[spmem:s2] =	stream.indirect.scatter.add.f32 [tilespmem:s13], [sflag:$0x4], $0x80, s0, s17, $0xb8;
	[tilespmem:$0x1F800] =	vst v63  }
0xc0: {  	_ =	swait.ge [sflag:s14], $0x3800  }
0xc1: {  	[sflag:s14] =	ssyncset.done $0x0  }
0xc2: {  	[sflag:s14] =	ssyncadd.s32 $0xFFFFC800  }
0xc3: {  	[tilespmem:s13], [sflag:$0x1] =	stream.indirect.gather [hbm4b:s4+s17], $0x80, s6, s17, $0xb8;
	[tilespmem:$0x1F800] =	vst v63  }
0xc4: {  	_ =	swait.ge [sflag:s21], $0x3800  }
0xc5: {  	[sflag:s21] =	ssyncset.done $0x0  }
0xc6: {  	[sflag:s21] =	ssyncadd.s32 $0xFFFFC800  }
0xc7: {  	[spmem:s2] =	stream.indirect.scatter.add.f32 [tilespmem:s18], [sflag:$0x4], $0x80, s7, s17, $0xb8;
	[tilespmem:$0x1F800] =	vst v63  }
0xc8: {  	_ =	swait.ge [sflag:s14], $0x3800  }
0xc9: {  	[sflag:s14] =	ssyncset.done $0x0  }
0xca: {  	[sflag:s14] =	ssyncadd.s32 $0xFFFFC800  }
0xcb: {  	_ =	swait.ge [sflag:s22], $0x3800  }
0xcc: {  	[sflag:s22] =	ssyncset.done $0x0  }
0xcd: {  	[sflag:s22] =	ssyncadd.s32 $0xFFFFC800  }
0xce: {  	[spmem:s2] =	stream.indirect.scatter.add.f32 [tilespmem:s19], [sflag:$0x4], $0x80, s8, s17, $0xb8;
	[tilespmem:$0x1F800] =	vst v63  }
0xcf: {  	_ =	swait.ge [sflag:s14], $0x3800  }
0xd0: {  	[sflag:s14] =	ssyncset.done $0x0  }
0xd1: {  	[sflag:s14] =	ssyncadd.s32 $0xFFFFC800  }
0xd2: {  	_ =	swait.ge [sflag:s20], $0x3800  }
0xd3: {  	[sflag:s20] =	ssyncset.done $0x0  }
0xd4: {  	[sflag:s20] =	ssyncadd.s32 $0xFFFFC800  }
0xd5: {  	[spmem:s2] =	stream.indirect.scatter.add.f32 [tilespmem:s13], [sflag:$0x4], $0x80, s9, s17, $0xb8;
	[tilespmem:$0x1F800] =	vst v63  }
0xd6: {  	s11 =	simm.s32 $0x100;
	_ =	swait.ge [sflag:s14], $0x3800  }
0xd7: {  	s12 =	simm.s32 $0x200;
	s5 =	rddreg [dreg:$0x4];
	[sflag:s14] =	ssyncset.done $0x0  }
.LBB2_4:
0xd8: {  	[sflag:s14] =	ssyncadd.s32 $0xFFFFC800;
	s5 =	sadd.s32 s11, s5  }
0xd9: {  	[tilespmem:s15], [sflag:$0x4] =	stream.linear.gather [hbm4b:s5+s3], $0x800, $0x38;
	[tilespmem:$0x1F800] =	vst v63  }
0xda: {  	_ =	swait.ge [sflag:s14], $0x800  }
0xdb: {  	s5 =	rddreg [dreg:$0x3];
	[sflag:s14] =	ssyncset.done $0x0  }
0xdc: {  	[sflag:s14] =	ssyncadd.s32 $0xFFFFF800;
	s5 =	sadd.s32 s11, s5  }
0xdd: {  	[tilespmem:s16], [sflag:$0x4] =	stream.linear.gather [hbm4b:s5+s3], $0x800, $0x38;
	[tilespmem:$0x1F800] =	vst v63  }
0xde: {  	_ =	swait.ge [sflag:s14], $0x800  }
0xdf: {  	[sflag:s14] =	ssyncset.done $0x0  }
0xe0: {  	[sflag:s14] =	ssyncadd.s32 $0xFFFFF800  }
0xe1: {  	[tilespmem:s13], [sflag:$0x1] =	stream.indirect.gather [hbm4b:s4+s17], $0x80, s15, s17, $0xb8;
	[tilespmem:$0x1F800] =	vst v63  }
0xe2: {  	s10 =	smov.u32 s12;
	s5 =	rddreg [dreg:$0x5]  }
0xe3: {  	[tilespmem:s18], [sflag:$0x2] =	stream.indirect.gather [hbm4b:s4+s17], $0x80, s5, s17, $0xb8;
	[tilespmem:$0x1F800] =	vst v63  }
0xe4: {  	s11 =	smov.u32 s10;
	s10 =	rddreg [dreg:$0x6]  }
0xe5: {  	[tilespmem:s19], [sflag:$0x3] =	stream.indirect.gather [hbm4b:s4+s17], $0x80, s10, s17, $0xb8;
	[tilespmem:$0x1F800] =	vst v63  }
0xe6: {  	_ =	swait.ge [sflag:s20], $0x3800  }
0xe7: {  	[sflag:s20] =	ssyncset.done $0x0  }
0xe8: {  	[sflag:s20] =	ssyncadd.s32 $0xFFFFC800  }
0xe9: {  	[spmem:s2] =	stream.indirect.scatter.add.f32 [tilespmem:s13], [sflag:$0x4], $0x80, s16, s17, $0xb8;
	[tilespmem:$0x1F800] =	vst v63  }
0xea: {  	_ =	swait.ge [sflag:s14], $0x3800  }
0xeb: {  	[sflag:s14] =	ssyncset.done $0x0  }
0xec: {  	s10 =	rddreg [dreg:$0x7];
	[sflag:s14] =	ssyncadd.s32 $0xFFFFC800  }
0xed: {  	[tilespmem:s13], [sflag:$0x1] =	stream.indirect.gather [hbm4b:s4+s17], $0x80, s10, s17, $0xb8;
	[tilespmem:$0x1F800] =	vst v63  }
0xee: {  	_ =	swait.ge [sflag:s21], $0x3800  }
0xef: {  	[sflag:s21] =	ssyncset.done $0x0  }
0xf0: {  	s10 =	rddreg [dreg:$0x8];
	[sflag:s21] =	ssyncadd.s32 $0xFFFFC800  }
0xf1: {  	[spmem:s2] =	stream.indirect.scatter.add.f32 [tilespmem:s18], [sflag:$0x4], $0x80, s10, s17, $0xb8;
	[tilespmem:$0x1F800] =	vst v63  }
0xf2: {  	_ =	swait.ge [sflag:s14], $0x3800  }
0xf3: {  	[sflag:s14] =	ssyncset.done $0x0  }
0xf4: {  	s10 =	rddreg [dreg:$0x9];
	[sflag:s14] =	ssyncadd.s32 $0xFFFFC800  }
0xf5: {  	[tilespmem:s18], [sflag:$0x2] =	stream.indirect.gather [hbm4b:s4+s17], $0x80, s10, s17, $0xb8;
	[tilespmem:$0x1F800] =	vst v63  }
0xf6: {  	_ =	swait.ge [sflag:s22], $0x3800  }
0xf7: {  	[sflag:s22] =	ssyncset.done $0x0  }
0xf8: {  	s10 =	rddreg [dreg:$0xa];
	[sflag:s22] =	ssyncadd.s32 $0xFFFFC800  }
0xf9: {  	[spmem:s2] =	stream.indirect.scatter.add.f32 [tilespmem:s19], [sflag:$0x4], $0x80, s10, s17, $0xb8;
	[tilespmem:$0x1F800] =	vst v63  }
0xfa: {  	_ =	swait.ge [sflag:s14], $0x3800  }
0xfb: {  	[sflag:s14] =	ssyncset.done $0x0  }
0xfc: {  	s10 =	rddreg [dreg:$0xb];
	[sflag:s14] =	ssyncadd.s32 $0xFFFFC800  }
0xfd: {  	[tilespmem:s19], [sflag:$0x3] =	stream.indirect.gather [hbm4b:s4+s17], $0x80, s10, s17, $0xb8;
	[tilespmem:$0x1F800] =	vst v63  }
0xfe: {  	_ =	swait.ge [sflag:s20], $0x3800  }
0xff: {  	[sflag:s20] =	ssyncset.done $0x0  }
0x100: {  	s10 =	rddreg [dreg:$0xc];
	[sflag:s20] =	ssyncadd.s32 $0xFFFFC800  }
0x101: {  	[spmem:s2] =	stream.indirect.scatter.add.f32 [tilespmem:s13], [sflag:$0x4], $0x80, s10, s17, $0xb8;
	[tilespmem:$0x1F800] =	vst v63  }
0x102: {  	_ =	swait.ge [sflag:s14], $0x3800  }
0x103: {  	[sflag:s14] =	ssyncset.done $0x0  }
0x104: {  	s10 =	rddreg [dreg:$0xd];
	[sflag:s14] =	ssyncadd.s32 $0xFFFFC800  }
0x105: {  	[tilespmem:s13], [sflag:$0x1] =	stream.indirect.gather [hbm4b:s4+s17], $0x80, s10, s17, $0xb8;
	[tilespmem:$0x1F800] =	vst v63  }
0x106: {  	_ =	swait.ge [sflag:s21], $0x3800  }
0x107: {  	[sflag:s21] =	ssyncset.done $0x0  }
0x108: {  	s10 =	rddreg [dreg:$0xe];
	[sflag:s21] =	ssyncadd.s32 $0xFFFFC800  }
0x109: {  	[spmem:s2] =	stream.indirect.scatter.add.f32 [tilespmem:s18], [sflag:$0x4], $0x80, s10, s17, $0xb8;
	[tilespmem:$0x1F800] =	vst v63  }
0x10a: {  	_ =	swait.ge [sflag:s14], $0x3800  }
0x10b: {  	[sflag:s14] =	ssyncset.done $0x0  }
0x10c: {  	s10 =	rddreg [dreg:$0xf];
	[sflag:s14] =	ssyncadd.s32 $0xFFFFC800  }
0x10d: {  	[tilespmem:s18], [sflag:$0x2] =	stream.indirect.gather [hbm4b:s4+s17], $0x80, s10, s17, $0xb8;
	[tilespmem:$0x1F800] =	vst v63  }
0x10e: {  	_ =	swait.ge [sflag:s22], $0x3800  }
0x10f: {  	[sflag:s22] =	ssyncset.done $0x0  }
0x110: {  	s10 =	rddreg [dreg:$0x10];
	[sflag:s22] =	ssyncadd.s32 $0xFFFFC800  }
0x111: {  	[spmem:s2] =	stream.indirect.scatter.add.f32 [tilespmem:s19], [sflag:$0x4], $0x80, s10, s17, $0xb8;
	[tilespmem:$0x1F800] =	vst v63  }
0x112: {  	_ =	swait.ge [sflag:s14], $0x3800  }
0x113: {  	[sflag:s14] =	ssyncset.done $0x0  }
0x114: {  	s10 =	rddreg [dreg:$0x11];
	[sflag:s14] =	ssyncadd.s32 $0xFFFFC800  }
0x115: {  	[tilespmem:s19], [sflag:$0x3] =	stream.indirect.gather [hbm4b:s4+s17], $0x80, s10, s17, $0xb8;
	[tilespmem:$0x1F800] =	vst v63  }
0x116: {  	_ =	swait.ge [sflag:s20], $0x3800  }
0x117: {  	[sflag:s20] =	ssyncset.done $0x0  }
0x118: {  	s10 =	rddreg [dreg:$0x12];
	[sflag:s20] =	ssyncadd.s32 $0xFFFFC800  }
0x119: {  	[spmem:s2] =	stream.indirect.scatter.add.f32 [tilespmem:s13], [sflag:$0x4], $0x80, s10, s17, $0xb8;
	[tilespmem:$0x1F800] =	vst v63  }
0x11a: {  	_ =	swait.ge [sflag:s14], $0x3800  }
0x11b: {  	[sflag:s14] =	ssyncset.done $0x0  }
0x11c: {  	s10 =	rddreg [dreg:$0x13];
	[sflag:s14] =	ssyncadd.s32 $0xFFFFC800  }
0x11d: {  	[tilespmem:s13], [sflag:$0x1] =	stream.indirect.gather [hbm4b:s4+s17], $0x80, s10, s17, $0xb8;
	[tilespmem:$0x1F800] =	vst v63  }
0x11e: {  	_ =	swait.ge [sflag:s21], $0x3800  }
0x11f: {  	[sflag:s21] =	ssyncset.done $0x0  }
0x120: {  	s10 =	rddreg [dreg:$0x14];
	[sflag:s21] =	ssyncadd.s32 $0xFFFFC800  }
0x121: {  	[spmem:s2] =	stream.indirect.scatter.add.f32 [tilespmem:s18], [sflag:$0x4], $0x80, s10, s17, $0xb8;
	[tilespmem:$0x1F800] =	vst v63  }
0x122: {  	_ =	swait.ge [sflag:s14], $0x3800  }
0x123: {  	[sflag:s14] =	ssyncset.done $0x0  }
0x124: {  	[sflag:s14] =	ssyncadd.s32 $0xFFFFC800  }
0x125: {  	[tilespmem:s18], [sflag:$0x2] =	stream.indirect.gather [hbm4b:s4+s17], $0x80, s23, s17, $0xb8;
	[tilespmem:$0x1F800] =	vst v63  }
0x126: {  	_ =	swait.ge [sflag:s22], $0x3800  }
0x127: {  	[sflag:s22] =	ssyncset.done $0x0  }
0x128: {  	[sflag:s22] =	ssyncadd.s32 $0xFFFFC800  }
0x129: {  	[spmem:s2] =	stream.indirect.scatter.add.f32 [tilespmem:s19], [sflag:$0x4], $0x80, s24, s17, $0xb8;
	[tilespmem:$0x1F800] =	vst v63  }
0x12a: {  	_ =	swait.ge [sflag:s14], $0x3800  }
0x12b: {  	[sflag:s14] =	ssyncset.done $0x0  }
0x12c: {  	[sflag:s14] =	ssyncadd.s32 $0xFFFFC800  }
0x12d: {  	[tilespmem:s19], [sflag:$0x3] =	stream.indirect.gather [hbm4b:s4+s17], $0x80, s25, s17, $0xb8;
	[tilespmem:$0x1F800] =	vst v63  }
0x12e: {  	_ =	swait.ge [sflag:s20], $0x3800  }
0x12f: {  	[sflag:s20] =	ssyncset.done $0x0  }
0x130: {  	[sflag:s20] =	ssyncadd.s32 $0xFFFFC800  }
0x131: {  	[spmem:s2] =	stream.indirect.scatter.add.f32 [tilespmem:s13], [sflag:$0x4], $0x80, s26, s17, $0xb8;
	[tilespmem:$0x1F800] =	vst v63  }
0x132: {  	_ =	swait.ge [sflag:s14], $0x3800  }
0x133: {  	[sflag:s14] =	ssyncset.done $0x0  }
0x134: {  	[sflag:s14] =	ssyncadd.s32 $0xFFFFC800  }
0x135: {  	[tilespmem:s13], [sflag:$0x1] =	stream.indirect.gather [hbm4b:s4+s17], $0x80, s28, s17, $0xb8;
	[tilespmem:$0x1F800] =	vst v63  }
0x136: {  	_ =	swait.ge [sflag:s21], $0x3800  }
0x137: {  	[sflag:s21] =	ssyncset.done $0x0  }
0x138: {  	[sflag:s21] =	ssyncadd.s32 $0xFFFFC800  }
0x139: {  	[spmem:s2] =	stream.indirect.scatter.add.f32 [tilespmem:s18], [sflag:$0x4], $0x80, s29, s17, $0xb8;
	[tilespmem:$0x1F800] =	vst v63  }
0x13a: {  	_ =	swait.ge [sflag:s14], $0x3800  }
0x13b: {  	[sflag:s14] =	ssyncset.done $0x0  }
0x13c: {  	[sflag:s14] =	ssyncadd.s32 $0xFFFFC800  }
0x13d: {  	[tilespmem:s18], [sflag:$0x2] =	stream.indirect.gather [hbm4b:s4+s17], $0x80, s30, s17, $0xb8;
	[tilespmem:$0x1F800] =	vst v63  }
0x13e: {  	_ =	swait.ge [sflag:s22], $0x3800  }
0x13f: {  	[sflag:s22] =	ssyncset.done $0x0  }
0x140: {  	[sflag:s22] =	ssyncadd.s32 $0xFFFFC800  }
0x141: {  	[spmem:s2] =	stream.indirect.scatter.add.f32 [tilespmem:s19], [sflag:$0x4], $0x80, s31, s17, $0xb8;
	[tilespmem:$0x1F800] =	vst v63  }
0x142: {  	_ =	swait.ge [sflag:s14], $0x3800  }
0x143: {  	[sflag:s14] =	ssyncset.done $0x0  }
0x144: {  	[sflag:s14] =	ssyncadd.s32 $0xFFFFC800  }
0x145: {  	[tilespmem:s19], [sflag:$0x3] =	stream.indirect.gather [hbm4b:s4+s17], $0x80, s1, s17, $0xb8;
	[tilespmem:$0x1F800] =	vst v63  }
0x146: {  	_ =	swait.ge [sflag:s20], $0x3800  }
0x147: {  	[sflag:s20] =	ssyncset.done $0x0  }
0x148: {  	[sflag:s20] =	ssyncadd.s32 $0xFFFFC800  }
0x149: {  	[spmem:s2] =	stream.indirect.scatter.add.f32 [tilespmem:s13], [sflag:$0x4], $0x80, s0, s17, $0xb8;
	[tilespmem:$0x1F800] =	vst v63  }
0x14a: {  	_ =	swait.ge [sflag:s14], $0x3800  }
0x14b: {  	[sflag:s14] =	ssyncset.done $0x0  }
0x14c: {  	[sflag:s14] =	ssyncadd.s32 $0xFFFFC800  }
0x14d: {  	[tilespmem:s13], [sflag:$0x1] =	stream.indirect.gather [hbm4b:s4+s17], $0x80, s6, s17, $0xb8;
	[tilespmem:$0x1F800] =	vst v63  }
0x14e: {  	_ =	swait.ge [sflag:s21], $0x3800  }
0x14f: {  	[sflag:s21] =	ssyncset.done $0x0  }
0x150: {  	[sflag:s21] =	ssyncadd.s32 $0xFFFFC800  }
0x151: {  	[spmem:s2] =	stream.indirect.scatter.add.f32 [tilespmem:s18], [sflag:$0x4], $0x80, s7, s17, $0xb8;
	[tilespmem:$0x1F800] =	vst v63  }
0x152: {  	_ =	swait.ge [sflag:s14], $0x3800  }
0x153: {  	[sflag:s14] =	ssyncset.done $0x0  }
0x154: {  	[sflag:s14] =	ssyncadd.s32 $0xFFFFC800  }
0x155: {  	_ =	swait.ge [sflag:s22], $0x3800  }
0x156: {  	[sflag:s22] =	ssyncset.done $0x0  }
0x157: {  	[sflag:s22] =	ssyncadd.s32 $0xFFFFC800  }
0x158: {  	[spmem:s2] =	stream.indirect.scatter.add.f32 [tilespmem:s19], [sflag:$0x4], $0x80, s8, s17, $0xb8;
	[tilespmem:$0x1F800] =	vst v63  }
0x159: {  	_ =	swait.ge [sflag:s14], $0x3800  }
0x15a: {  	[sflag:s14] =	ssyncset.done $0x0  }
0x15b: {  	[sflag:s14] =	ssyncadd.s32 $0xFFFFC800  }
0x15c: {  	p0 =	sne.s32 s12, $0x500;
	_ =	swait.ge [sflag:s20], $0x3800  }
.Ltmp1:
0x15d: {  	[sflag:s20] =	ssyncset.done $0x0;
	(pc) =	sbr.rel @p0 .LBB2_4-.Ltmp1, $4  }
0x15e: {  	[sflag:s20] =	ssyncadd.s32 $0xFFFFC800  }
0x15f: {  	[spmem:s2] =	stream.indirect.scatter.add.f32 [tilespmem:s13], [sflag:$0x4], $0x80, s9, s17, $0xb8;
	[tilespmem:$0x1F800] =	vst v63  }
0x160: {  	_ =	swait.ge [sflag:s14], $0x3800  }
0x161: {  	s12 =	sadd.s32 $0x100, s12;
	s5 =	rddreg [dreg:$0x4];
	[sflag:s14] =	ssyncset.done $0x0  }
0x162: {  	[sflag:s14] =	ssyncadd.s32 $0xFFFFC800;
	s5 =	sadd.s32 s11, s5  }
0x163: {  	[tilespmem:s15], [sflag:$0x4] =	stream.linear.gather [hbm4b:s5+s3], $0x800, $0x38;
	[tilespmem:$0x1F800] =	vst v63  }
0x164: {  	_ =	swait.ge [sflag:s14], $0x800  }
0x165: {  	s10 =	rddreg [dreg:$0x3];
	[sflag:s14] =	ssyncset.done $0x0  }
0x166: {  	[sflag:s14] =	ssyncadd.s32 $0xFFFFF800;
	s5 =	sadd.s32 s11, s10  }
0x167: {  	[tilespmem:s16], [sflag:$0x4] =	stream.linear.gather [hbm4b:s5+s3], $0x800, $0x38;
	[tilespmem:$0x1F800] =	vst v63  }
0x168: {  	_ =	swait.ge [sflag:s14], $0x800  }
0x169: {  	[sflag:s14] =	ssyncset.done $0x0  }
0x16a: {  	[sflag:s14] =	ssyncadd.s32 $0xFFFFF800  }
0x16b: {  	[tilespmem:s13], [sflag:$0x1] =	stream.indirect.gather [hbm4b:s4+s17], $0x80, s15, s17, $0xb8;
	[tilespmem:$0x1F800] =	vst v63  }
0x16c: {  	s12 =	rddreg [dreg:$0x5]  }
0x16d: {  	[tilespmem:s18], [sflag:$0x2] =	stream.indirect.gather [hbm4b:s4+s17], $0x80, s12, s17, $0xb8;
	[tilespmem:$0x1F800] =	vst v63  }
0x16e: {  	s10 =	rddreg [dreg:$0x6]  }
0x16f: {  	[tilespmem:s19], [sflag:$0x3] =	stream.indirect.gather [hbm4b:s4+s17], $0x80, s10, s17, $0xb8;
	[tilespmem:$0x1F800] =	vst v63  }
0x170: {  	_ =	swait.ge [sflag:s20], $0x3800  }
0x171: {  	[sflag:s20] =	ssyncset.done $0x0  }
0x172: {  	[sflag:s20] =	ssyncadd.s32 $0xFFFFC800  }
0x173: {  	[spmem:s2] =	stream.indirect.scatter.add.f32 [tilespmem:s13], [sflag:$0x4], $0x80, s16, s17, $0xb8;
	[tilespmem:$0x1F800] =	vst v63  }
0x174: {  	_ =	swait.ge [sflag:s14], $0x3800  }
0x175: {  	[sflag:s14] =	ssyncset.done $0x0  }
0x176: {  	s11 =	rddreg [dreg:$0x7];
	[sflag:s14] =	ssyncadd.s32 $0xFFFFC800  }
0x177: {  	[tilespmem:s13], [sflag:$0x1] =	stream.indirect.gather [hbm4b:s4+s17], $0x80, s11, s17, $0xb8;
	[tilespmem:$0x1F800] =	vst v63  }
0x178: {  	_ =	swait.ge [sflag:s21], $0x3800  }
0x179: {  	[sflag:s21] =	ssyncset.done $0x0  }
0x17a: {  	s12 =	rddreg [dreg:$0x8];
	[sflag:s21] =	ssyncadd.s32 $0xFFFFC800  }
0x17b: {  	[spmem:s2] =	stream.indirect.scatter.add.f32 [tilespmem:s18], [sflag:$0x4], $0x80, s12, s17, $0xb8;
	[tilespmem:$0x1F800] =	vst v63  }
0x17c: {  	_ =	swait.ge [sflag:s14], $0x3800  }
0x17d: {  	[sflag:s14] =	ssyncset.done $0x0  }
0x17e: {  	s10 =	rddreg [dreg:$0x9];
	[sflag:s14] =	ssyncadd.s32 $0xFFFFC800  }
0x17f: {  	[tilespmem:s18], [sflag:$0x2] =	stream.indirect.gather [hbm4b:s4+s17], $0x80, s10, s17, $0xb8;
	[tilespmem:$0x1F800] =	vst v63  }
0x180: {  	_ =	swait.ge [sflag:s22], $0x3800  }
0x181: {  	[sflag:s22] =	ssyncset.done $0x0  }
0x182: {  	s11 =	rddreg [dreg:$0xa];
	[sflag:s22] =	ssyncadd.s32 $0xFFFFC800  }
0x183: {  	[spmem:s2] =	stream.indirect.scatter.add.f32 [tilespmem:s19], [sflag:$0x4], $0x80, s11, s17, $0xb8;
	[tilespmem:$0x1F800] =	vst v63  }
0x184: {  	_ =	swait.ge [sflag:s14], $0x3800  }
0x185: {  	[sflag:s14] =	ssyncset.done $0x0  }
0x186: {  	s12 =	rddreg [dreg:$0xb];
	[sflag:s14] =	ssyncadd.s32 $0xFFFFC800  }
0x187: {  	[tilespmem:s19], [sflag:$0x3] =	stream.indirect.gather [hbm4b:s4+s17], $0x80, s12, s17, $0xb8;
	[tilespmem:$0x1F800] =	vst v63  }
0x188: {  	_ =	swait.ge [sflag:s20], $0x3800  }
0x189: {  	[sflag:s20] =	ssyncset.done $0x0  }
0x18a: {  	s10 =	rddreg [dreg:$0xc];
	[sflag:s20] =	ssyncadd.s32 $0xFFFFC800  }
0x18b: {  	[spmem:s2] =	stream.indirect.scatter.add.f32 [tilespmem:s13], [sflag:$0x4], $0x80, s10, s17, $0xb8;
	[tilespmem:$0x1F800] =	vst v63  }
0x18c: {  	_ =	swait.ge [sflag:s14], $0x3800  }
0x18d: {  	[sflag:s14] =	ssyncset.done $0x0  }
0x18e: {  	s11 =	rddreg [dreg:$0xd];
	[sflag:s14] =	ssyncadd.s32 $0xFFFFC800  }
0x18f: {  	[tilespmem:s13], [sflag:$0x1] =	stream.indirect.gather [hbm4b:s4+s17], $0x80, s11, s17, $0xb8;
	[tilespmem:$0x1F800] =	vst v63  }
0x190: {  	_ =	swait.ge [sflag:s21], $0x3800  }
0x191: {  	[sflag:s21] =	ssyncset.done $0x0  }
0x192: {  	s12 =	rddreg [dreg:$0xe];
	[sflag:s21] =	ssyncadd.s32 $0xFFFFC800  }
0x193: {  	[spmem:s2] =	stream.indirect.scatter.add.f32 [tilespmem:s18], [sflag:$0x4], $0x80, s12, s17, $0xb8;
	[tilespmem:$0x1F800] =	vst v63  }
0x194: {  	_ =	swait.ge [sflag:s14], $0x3800  }
0x195: {  	[sflag:s14] =	ssyncset.done $0x0  }
0x196: {  	s10 =	rddreg [dreg:$0xf];
	[sflag:s14] =	ssyncadd.s32 $0xFFFFC800  }
0x197: {  	[tilespmem:s18], [sflag:$0x2] =	stream.indirect.gather [hbm4b:s4+s17], $0x80, s10, s17, $0xb8;
	[tilespmem:$0x1F800] =	vst v63  }
0x198: {  	_ =	swait.ge [sflag:s22], $0x3800  }
0x199: {  	[sflag:s22] =	ssyncset.done $0x0  }
0x19a: {  	s11 =	rddreg [dreg:$0x10];
	[sflag:s22] =	ssyncadd.s32 $0xFFFFC800  }
0x19b: {  	[spmem:s2] =	stream.indirect.scatter.add.f32 [tilespmem:s19], [sflag:$0x4], $0x80, s11, s17, $0xb8;
	[tilespmem:$0x1F800] =	vst v63  }
0x19c: {  	_ =	swait.ge [sflag:s14], $0x3800  }
0x19d: {  	[sflag:s14] =	ssyncset.done $0x0  }
0x19e: {  	s12 =	rddreg [dreg:$0x11];
	[sflag:s14] =	ssyncadd.s32 $0xFFFFC800  }
0x19f: {  	[tilespmem:s19], [sflag:$0x3] =	stream.indirect.gather [hbm4b:s4+s17], $0x80, s12, s17, $0xb8;
	[tilespmem:$0x1F800] =	vst v63  }
0x1a0: {  	_ =	swait.ge [sflag:s20], $0x3800  }
0x1a1: {  	[sflag:s20] =	ssyncset.done $0x0  }
0x1a2: {  	s10 =	rddreg [dreg:$0x12];
	[sflag:s20] =	ssyncadd.s32 $0xFFFFC800  }
0x1a3: {  	[spmem:s2] =	stream.indirect.scatter.add.f32 [tilespmem:s13], [sflag:$0x4], $0x80, s10, s17, $0xb8;
	[tilespmem:$0x1F800] =	vst v63  }
0x1a4: {  	_ =	swait.ge [sflag:s14], $0x3800  }
0x1a5: {  	[sflag:s14] =	ssyncset.done $0x0  }
0x1a6: {  	s11 =	rddreg [dreg:$0x13];
	[sflag:s14] =	ssyncadd.s32 $0xFFFFC800  }
0x1a7: {  	[tilespmem:s13], [sflag:$0x1] =	stream.indirect.gather [hbm4b:s4+s17], $0x80, s11, s17, $0xb8;
	[tilespmem:$0x1F800] =	vst v63  }
0x1a8: {  	_ =	swait.ge [sflag:s21], $0x3800  }
0x1a9: {  	[sflag:s21] =	ssyncset.done $0x0  }
0x1aa: {  	s12 =	rddreg [dreg:$0x14];
	[sflag:s21] =	ssyncadd.s32 $0xFFFFC800  }
0x1ab: {  	[spmem:s2] =	stream.indirect.scatter.add.f32 [tilespmem:s18], [sflag:$0x4], $0x80, s12, s17, $0xb8;
	[tilespmem:$0x1F800] =	vst v63  }
0x1ac: {  	_ =	swait.ge [sflag:s14], $0x3800  }
0x1ad: {  	[sflag:s14] =	ssyncset.done $0x0  }
0x1ae: {  	[sflag:s14] =	ssyncadd.s32 $0xFFFFC800  }
0x1af: {  	[tilespmem:s18], [sflag:$0x2] =	stream.indirect.gather [hbm4b:s4+s17], $0x80, s23, s17, $0xb8;
	[tilespmem:$0x1F800] =	vst v63  }
0x1b0: {  	_ =	swait.ge [sflag:s22], $0x3800  }
0x1b1: {  	[sflag:s22] =	ssyncset.done $0x0  }
0x1b2: {  	[sflag:s22] =	ssyncadd.s32 $0xFFFFC800  }
0x1b3: {  	[spmem:s2] =	stream.indirect.scatter.add.f32 [tilespmem:s19], [sflag:$0x4], $0x80, s24, s17, $0xb8;
	[tilespmem:$0x1F800] =	vst v63  }
0x1b4: {  	_ =	swait.ge [sflag:s14], $0x3800  }
0x1b5: {  	[sflag:s14] =	ssyncset.done $0x0  }
0x1b6: {  	[sflag:s14] =	ssyncadd.s32 $0xFFFFC800  }
0x1b7: {  	[tilespmem:s19], [sflag:$0x3] =	stream.indirect.gather [hbm4b:s4+s17], $0x80, s25, s17, $0xb8;
	[tilespmem:$0x1F800] =	vst v63  }
0x1b8: {  	_ =	swait.ge [sflag:s20], $0x3800  }
0x1b9: {  	[sflag:s20] =	ssyncset.done $0x0  }
0x1ba: {  	[sflag:s20] =	ssyncadd.s32 $0xFFFFC800  }
0x1bb: {  	[spmem:s2] =	stream.indirect.scatter.add.f32 [tilespmem:s13], [sflag:$0x4], $0x80, s26, s17, $0xb8;
	[tilespmem:$0x1F800] =	vst v63  }
0x1bc: {  	_ =	swait.ge [sflag:s14], $0x3800  }
0x1bd: {  	[sflag:s14] =	ssyncset.done $0x0  }
0x1be: {  	[sflag:s14] =	ssyncadd.s32 $0xFFFFC800  }
0x1bf: {  	[tilespmem:s13], [sflag:$0x1] =	stream.indirect.gather [hbm4b:s4+s17], $0x80, s28, s17, $0xb8;
	[tilespmem:$0x1F800] =	vst v63  }
0x1c0: {  	_ =	swait.ge [sflag:s21], $0x3800  }
0x1c1: {  	[sflag:s21] =	ssyncset.done $0x0  }
0x1c2: {  	[sflag:s21] =	ssyncadd.s32 $0xFFFFC800  }
0x1c3: {  	[spmem:s2] =	stream.indirect.scatter.add.f32 [tilespmem:s18], [sflag:$0x4], $0x80, s29, s17, $0xb8;
	[tilespmem:$0x1F800] =	vst v63  }
0x1c4: {  	_ =	swait.ge [sflag:s14], $0x3800  }
0x1c5: {  	[sflag:s14] =	ssyncset.done $0x0  }
0x1c6: {  	[sflag:s14] =	ssyncadd.s32 $0xFFFFC800  }
0x1c7: {  	[tilespmem:s18], [sflag:$0x2] =	stream.indirect.gather [hbm4b:s4+s17], $0x80, s30, s17, $0xb8;
	[tilespmem:$0x1F800] =	vst v63  }
0x1c8: {  	_ =	swait.ge [sflag:s22], $0x3800  }
0x1c9: {  	[sflag:s22] =	ssyncset.done $0x0  }
0x1ca: {  	[sflag:s22] =	ssyncadd.s32 $0xFFFFC800  }
0x1cb: {  	[spmem:s2] =	stream.indirect.scatter.add.f32 [tilespmem:s19], [sflag:$0x4], $0x80, s31, s17, $0xb8;
	[tilespmem:$0x1F800] =	vst v63  }
0x1cc: {  	_ =	swait.ge [sflag:s14], $0x3800  }
0x1cd: {  	[sflag:s14] =	ssyncset.done $0x0  }
0x1ce: {  	[sflag:s14] =	ssyncadd.s32 $0xFFFFC800  }
0x1cf: {  	[tilespmem:s19], [sflag:$0x3] =	stream.indirect.gather [hbm4b:s4+s17], $0x80, s1, s17, $0xb8;
	[tilespmem:$0x1F800] =	vst v63  }
0x1d0: {  	_ =	swait.ge [sflag:s20], $0x3800  }
0x1d1: {  	[sflag:s20] =	ssyncset.done $0x0  }
0x1d2: {  	[sflag:s20] =	ssyncadd.s32 $0xFFFFC800  }
0x1d3: {  	[spmem:s2] =	stream.indirect.scatter.add.f32 [tilespmem:s13], [sflag:$0x4], $0x80, s0, s17, $0xb8;
	[tilespmem:$0x1F800] =	vst v63  }
0x1d4: {  	_ =	swait.ge [sflag:s14], $0x3800  }
0x1d5: {  	[sflag:s14] =	ssyncset.done $0x0  }
0x1d6: {  	[sflag:s14] =	ssyncadd.s32 $0xFFFFC800  }
0x1d7: {  	[tilespmem:s13], [sflag:$0x1] =	stream.indirect.gather [hbm4b:s4+s17], $0x80, s6, s17, $0xb8;
	[tilespmem:$0x1F800] =	vst v63  }
0x1d8: {  	_ =	swait.ge [sflag:s21], $0x3800  }
0x1d9: {  	[sflag:s21] =	ssyncset.done $0x0  }
0x1da: {  	[sflag:s21] =	ssyncadd.s32 $0xFFFFC800  }
0x1db: {  	[spmem:s2] =	stream.indirect.scatter.add.f32 [tilespmem:s18], [sflag:$0x4], $0x80, s7, s17, $0xb8;
	[tilespmem:$0x1F800] =	vst v63  }
0x1dc: {  	_ =	swait.ge [sflag:s14], $0x3800  }
0x1dd: {  	[sflag:s14] =	ssyncset.done $0x0  }
0x1de: {  	[sflag:s14] =	ssyncadd.s32 $0xFFFFC800  }
0x1df: {  	_ =	swait.ge [sflag:s22], $0x3800  }
0x1e0: {  	[sflag:s22] =	ssyncset.done $0x0  }
0x1e1: {  	[sflag:s22] =	ssyncadd.s32 $0xFFFFC800  }
0x1e2: {  	[spmem:s2] =	stream.indirect.scatter.add.f32 [tilespmem:s19], [sflag:$0x4], $0x80, s8, s17, $0xb8;
	[tilespmem:$0x1F800] =	vst v63  }
0x1e3: {  	_ =	swait.ge [sflag:s14], $0x3800  }
0x1e4: {  	[sflag:s14] =	ssyncset.done $0x0  }
0x1e5: {  	[sflag:s14] =	ssyncadd.s32 $0xFFFFC800  }
0x1e6: {  	_ =	swait.ge [sflag:s20], $0x3800  }
0x1e7: {  	[sflag:s20] =	ssyncset.done $0x0  }
0x1e8: {  	[sflag:s20] =	ssyncadd.s32 $0xFFFFC800  }
0x1e9: {  	[spmem:s2] =	stream.indirect.scatter.add.f32 [tilespmem:s13], [sflag:$0x4], $0x80, s9, s17, $0xb8;
	[tilespmem:$0x1F800] =	vst v63  }
0x1ea: {  	_ =	swait.ge [sflag:s14], $0x3800  }
0x1eb: {  	[sflag:s14] =	ssyncset.done $0x0  }
0x1ec: {  	[sflag:s14] =	ssyncadd.s32 $0xFFFFC800  }
0x1ed: {  	s10 =	stileid.u32;
	[bflag:$0x0] =	sbarrier.arrive $0xFFFF  }
0x1ee: {  	s5 =	sshll.u32 s10, $0x6;
	s11 =	rddreg [dreg:$0x15]  }
0x1ef: {  	s5 =	sor.u32 $0x1C04, s5;
	s12 =	rddreg [dreg:$0x1b];
	s10 =	sshrl.u32 s11, $0x3  }
0x1f0: {  	[hbm:s12], [sflag:s5] =	dma.local [spmem:s10], $0x2800  }
0x1f1: {  	_ =	swait.ge [sflag:s14], $0x2800  }
0x1f2: {  	s11 =	rddreg [dreg:$0x1d]  }
0x1f3: {  	s12 =	rddreg [dreg:$0x1c];
	s10 =	sadd.s32 $0x1, s11  }
0x1f4: {  	p0 =	sne.s32 s10, s12  }
.Ltmp2:
0x1f5: {  	_ = 	snop;
	(pc) =	sbr.rel @p0 .LBB2_1-.Ltmp2, $3  }
0x1f6: {  	_ =	sdelay $0x1  }
0x1f7: {  	[sflag:s14] =	ssyncset.done $0x0  }
0x1f8: {  	[sflag:s14] =	ssyncadd.s32 $0xFFFFD800  }
0x1f9: {  	_ =	sfence.sel $0x180000  }
0x1fa: {  	[bflag:$0x0] =	sbarrier.arrive $0xFFFF  }
0x1fb: {  	_ =	strace $0x9000004D  }
0x1fc: {  	s0 =	stileid.u32;
	[bflag:$0x2] =	sbarrier.arrive $0xFFFF  }
0x1fd: {  	p0 =	sne.s32 s0, $0x0;
	s0 =	rddreg [dreg:$0x2]  }
0x1fe: {  	s0 =	sadd.s32 @!p0 $0x100000, s0  }
0x1ff: {  	[sflag:s0] =	ssyncadd.tile.s32 @!p0 $0x1;
	_ =	shalt  }
.Lfunc_end2:
_tile_overlayer_lowered:
.L_overlay_start_2:
0x200: {  	(tag) =	ssettag $0x2  }
0x201: {  	s0 =	rddreg [dreg:$0x0];
	s2 =	stileid.u32  }
0x202: {  	s1 =	rddreg [dreg:$0x1];
	p0 =	sne.s32 s2, $0x0  }
0x203: {  	s3 =	rddreg [dreg:$0x2];
	[bflag:$0x3] =	sbarrier.arrive $0xFFFF;
	s2 =	simm.s32 @!p0 $0x1C04  }
0x204: {  	[timem:s3], [sflag:s2] =	dma.local @!p0 [hbm:s0], s1  }
0x205: {  	s0 =	simm.s32 @!p0 $0x4  }
0x206: {  	_ =	swait.ge @!p0 [sflag:s0], s1  }
0x207: {  	s1 =	ssub.s32 @!p0 $0x0, s1;
	[sflag:s0] =	ssyncset.done @!p0 $0x0  }
0x208: {  	[sflag:s0] =	ssyncadd.s32 @!p0 s1  }
0x209: {  	[bflag:$0x3] =	sbarrier.arrive $0xFFFF  }
0x20a: {  	_ =	shalt  }

// kernel: kernel.8.cloned.1.call-start
scs
__scs_entry_jumppad:
0x0: {  	(pc) =	sbr.rel $0x88, $3  }
0x1: {  	(tag) =	ssettag $0x0;
	lr =	simm.s32 $0x1  }
0x2: {  	[smem:$0x3F97] =	sst lr;
	_ =	strace $0xD0000000  }
0x3: {  	_ = 	snop  }
0x4: {  	_ = 	snop  }
0x5: {  	_ = 	snop  }
0x6: {  	_ = 	snop  }
0x7: {  	_ = 	snop  }
__scs_overlays_trampoline_lowered:
0x8: {  	[smem:$0x3FA6] =	sst s0  }
0x9: {  	[smem:$0x3FA7] =	sst s1  }
0xa: {  	[smem:$0x3FA8] =	sst s2  }
0xb: {  	[smem:$0x3FA9] =	sst s3  }
0xc: {  	[smem:$0x3FAA] =	sst s4  }
0xd: {  	[smem:$0x3FAB] =	sst s5  }
0xe: {  	[smem:$0x3FAC] =	sst s6  }
0xf: {  	[smem:$0x3FAD] =	sst s7  }
0x10: {  	[smem:$0x3FAE] =	sst s8  }
0x11: {  	[smem:$0x3FAF] =	sst s9;
	s0 =	simm.s32 @!p0 $0x0  }
0x12: {  	s1 =	sld [smem:$0x3F95];
	s0 =	simm.s32 @p0 $0x1  }
0x13: {  	[smem:$0x3FB0] =	sst s0;
	s0 =	simm.s32 @!p1 $0x0  }
0x14: {  	s2 =	sld [smem:$0x3F94];
	s0 =	simm.s32 @p1 $0x1  }
0x15: {  	[smem:$0x3FB1] =	sst s0;
	s0 =	simm.s32 @!p2 $0x0  }
0x16: {  	s3 =	sld [smem:$0x3FDB];
	s0 =	simm.s32 @p2 $0x1  }
0x17: {  	s4 =	simm.s32 $0x1BF5;
	[smem:$0x3FB3] =	sst s0  }
0x18: {  	s0 =	sld [smem:$0x3F96];
	_ =	swait.ge [sflag:s4], $0x0  }
0x19: {  	s7 =	sld [smem:$0x3F97]  }
0x1a: {  	s8 =	sadd.s32 $0xFFFFE003, lr  }
0x1b: {  	s9 =	sadd.s32 $0xFFFFFEF7, lr;
	s5 =	simm.s32 $0xFFFFFFFF;
	p2 =	slt.u32 s8, $0xFFFFF086  }
0x1c: {  	p1 =	slt.u32 s9, $0xF7A;
	s5 =	simm.s32 @!p2 $0x0  }
0x1d: {  	s5 =	simm.s32 @p1 $0x1;
	p0 =	seq.s32 s7, s2  }
0x1e: {  	s7 =	smul.u32 @!p0 $0xF7A, s2;
	p2 =	seq.s32 @!p0 s5, $0x0  }
0x1f: {  	s9 =	smul.u32 $0xF7A, s1;
	s8 =	simm.s32 @!p0 $0x1BF5;
	p2 =	por !p2, p0  }
0x20: {  	[sflag:s8] =	ssyncset.s32 @!p0 $0xFFFFF086;
	s6 =	sadd.s32 @!p0 s3, s7;
	s7 =	simm.s32 @!p0 $0x108  }
0x21: {  	s3 =	sadd.s32 s3, s9;
	s6 =	sadd.s32 @!p0 $0x88, s6;
	s7 =	simm.s32 @p2 $0x1082  }
0x22: {  	[simem:s7], [sflag:s8] =	dma.local @!p0 [hbm:s6], $0xF7A  }
0x23: {  	s9 =	sor.u32 $0xD0000000, s2;
	s6 =	simm.s32 $0x108;
	_ =	swait.ge @!p0 [sflag:s8], $0x0  }
0x24: {  	s3 =	sadd.s32 $0x88, s3;
	s6 =	simm.s32 @!p1 $0x1082;
	[sflag:s4] =	ssyncset.s32 $0xFFFFF086  }
0x25: {  	[simem:s6], [sflag:s4] =	dma.local [hbm:s3], $0xF7A  }
0x26: {  	[smem:$0x3F97] =	sst s1;
	(tag) =	ssettag s2;
	_ =	strace s9  }
0x27: {  	s1 =	sld [smem:$0x3FA7]  }
0x28: {  	s2 =	sld [smem:$0x3FA8]  }
0x29: {  	s4 =	sld [smem:$0x3FAA]  }
0x2a: {  	p0 =	seq.s32 s5, $0x0;
	s5 =	sld [smem:$0x3FAB]  }
0x2b: {  	s6 =	sld [smem:$0x3FAC]  }
0x2c: {  	s7 =	sld [smem:$0x3FAD]  }
0x2d: {  	s3 =	simm.s32 $0x108;
	s8 =	sld [smem:$0x3FAE]  }
0x2e: {  	s3 =	simm.s32 @!p0 $0x1082;
	s9 =	sld [smem:$0x3FAF]  }
0x2f: {  	lr =	sadd.s32 s0, s3;
	s0 =	sld [smem:$0x3FA6]  }
0x30: {  	s3 =	sld [smem:$0x3FA9]  }
0x31: {  	[smem:$0x3FB2] =	sst s10  }
0x32: {  	s10 =	sld [smem:$0x3FB0];
	_ =	sdelay $0x3  }
0x33: {  	p0 =	seq.s32 s10, $0x1;
	s10 =	sld [smem:$0x3FB2];
	_ =	sdelay $0x3  }
0x34: {  	[smem:$0x3FB2] =	sst s10  }
0x35: {  	s10 =	sld [smem:$0x3FB1];
	_ =	sdelay $0x3  }
0x36: {  	p1 =	seq.s32 s10, $0x1;
	s10 =	sld [smem:$0x3FB2];
	_ =	sdelay $0x3  }
0x37: {  	[smem:$0x3FB2] =	sst s10  }
0x38: {  	s10 =	sld [smem:$0x3FB3]  }
0x39: {  	_ = 	snop;
	(pc) =	sbr.ind lr, $3  }
0x3a: {  	_ = 	snop  }
0x3b: {  	_ = 	snop  }
0x3c: {  	p2 =	seq.s32 s10, $0x1;
	s10 =	sld [smem:$0x3FB2]  }
0x3d: {  	_ =	shalt  }
0x3e: {  	_ =	shalt  }
0x3f: {  	_ =	shalt  }
0x40: {  	_ =	shalt  }
0x41: {  	_ =	shalt  }
0x42: {  	_ =	shalt  }
0x43: {  	_ =	shalt  }
0x44: {  	_ =	shalt  }
0x45: {  	_ =	shalt  }
0x46: {  	_ =	shalt  }
0x47: {  	_ =	shalt  }
0x48: {  	_ =	shalt  }
0x49: {  	_ =	shalt  }
0x4a: {  	_ =	shalt  }
0x4b: {  	_ =	shalt  }
0x4c: {  	_ =	shalt  }
0x4d: {  	_ =	shalt  }
0x4e: {  	_ =	shalt  }
0x4f: {  	_ =	shalt  }
0x50: {  	_ =	shalt  }
0x51: {  	_ =	shalt  }
0x52: {  	_ =	shalt  }
0x53: {  	_ =	shalt  }
0x54: {  	_ =	shalt  }
0x55: {  	_ =	shalt  }
0x56: {  	_ =	shalt  }
0x57: {  	_ =	shalt  }
0x58: {  	_ =	shalt  }
0x59: {  	_ =	shalt  }
0x5a: {  	_ =	shalt  }
0x5b: {  	_ =	shalt  }
0x5c: {  	_ =	shalt  }
0x5d: {  	_ =	shalt  }
0x5e: {  	_ =	shalt  }
0x5f: {  	_ =	shalt  }
0x60: {  	_ =	shalt  }
0x61: {  	_ =	shalt  }
0x62: {  	_ =	shalt  }
0x63: {  	_ =	shalt  }
0x64: {  	_ =	shalt  }
0x65: {  	_ =	shalt  }
0x66: {  	_ =	shalt  }
0x67: {  	_ =	shalt  }
0x68: {  	_ =	shalt  }
0x69: {  	_ =	shalt  }
0x6a: {  	_ =	shalt  }
0x6b: {  	_ =	shalt  }
0x6c: {  	_ =	shalt  }
0x6d: {  	_ =	shalt  }
0x6e: {  	_ =	shalt  }
0x6f: {  	_ =	shalt  }
0x70: {  	_ =	shalt  }
0x71: {  	_ =	shalt  }
0x72: {  	_ =	shalt  }
0x73: {  	_ =	shalt  }
0x74: {  	_ =	shalt  }
0x75: {  	_ =	shalt  }
0x76: {  	_ =	shalt  }
0x77: {  	_ =	shalt  }
0x78: {  	_ =	shalt  }
0x79: {  	_ =	shalt  }
0x7a: {  	_ =	shalt  }
0x7b: {  	_ =	shalt  }
0x7c: {  	_ =	shalt  }
0x7d: {  	_ =	shalt  }
0x7e: {  	_ =	shalt  }
0x7f: {  	_ =	shalt  }
0x80: {  	_ =	shalt  }
0x81: {  	_ =	shalt  }
0x82: {  	_ =	shalt  }
0x83: {  	_ =	shalt  }
0x84: {  	_ =	shalt  }
0x85: {  	_ =	shalt  }
0x86: {  	_ =	shalt  }
0x87: {  	_ =	shalt  }
.Lfunc_end0:
.L_simem_size_0:
called_computation_lowered:
.L_overlay_start_0:
0x88: {  	s2 =	sld [smem:$0x3FD9]  }
0x89: {  	s3 =	sld [smem:$0x3FFE];
	_ =	sdelay $0x1  }
0x8a: {  	s1 =	srdreg.scid  }
0x8b: {  	s0 =	sand.u32 $0x1, s1  }
0x8c: {  	s16 =	sshll.u32 s0, $0xA;
	s2 =	sadd.s32 s3, s2  }
0x8d: {  	s2 =	sadd.s32 s2, s16  }
0x8e: {  	[smem:$0x3FBE] =	sst s2  }
0x8f: {  	_ = 	snop  }
0x90: {  	(tm) =	ssettm $0x1  }
0x91: {  	s17 =	sld [smem:$0x3FFB];
	_ =	sdelay $0x3  }
0x92: {  	_ =	strace s17  }
0x93: {  	s2 =	sld [smem:$0x3FFC];
	_ =	sdelay $0x3  }
0x94: {  	_ =	strace s2  }
0x95: {  	s2 =	sld [smem:$0x3FFD];
	_ =	sdelay $0x3  }
0x96: {  	_ =	strace s2  }
0x97: {  	_ =	strace $0x8FFFFFFF  }
0x98: {  	s18 =	sld [smem:$0x3FDB];
	_ =	sdelay $0x1  }
0x99: {  	s19 =	simm.s32 $_scs_section_size  }
0x9a: {  	s4 =	simm.s32 $_size__tile_overlayer_lowered;
	s5 =	simm.s32 $_tile_overlayer_lowered  }
0x9b: {  	s22 =	simm.s32 $0x1BFF;
	s21 =	sshll.u32 s5, $0x1;
	s2 =	sadd.s32 s19, s18  }
0x9c: {  	s6 =	simm.s32 $0x0;
	s20 =	sshll.u32 s4, $0x1;
	s4 =	sadd.s32 s21, s2  }
0x9d: {  	[timem:s6], [sflag:s22] =	dma.local [hbm:s4], s20  }
0x9e: {  	_ =	swait.ge [sflag:s22], s20  }
0x9f: {  	s3 =	ssub.s32 $0x0, s20;
	[sflag:s22] =	ssyncset.done $0x0  }
0xa0: {  	[sflag:s22] =	ssyncadd.s32 s3;
	_ =	sdelay $0x1  }
0xa1: {  	s23 =	simm.s32 $0x1B8B  }
0xa2: {  	_ =	swait.ge [sflag:s23], $0x1  }
0xa3: {  	[sflag:s23] =	ssyncset.done $0x0  }
0xa4: {  	s25 =	simm.s32 $0x1B8E;
	s24 =	sld [smem:$0x3FFE];
	[sflag:s23] =	ssyncadd.s32 $0xFFFFFFFF  }
0xa5: {  	s26 =	simm.s32 $execute0_lowered;
	[smem:$0x3FD2] =	sst s25  }
0xa6: {  	s4 =	sshll.u32 s26, $0x1;
	_ =	strace $0x80000046;
	[dreg:$0x1] =	wrdreg $0xFFFFFFFF  }
0xa7: {  	s28 =	simm.s32 $_size_execute0_lowered;
	s2 =	sadd.s32 s2, s4;
	[dreg:$0x0] =	wrdreg $0x0  }
0xa8: {  	s4 =	sshll.u32 s28, $0x1;
	[dreg:$0x2] =	wrdreg s2  }
0xa9: {  	[dreg:$0x3] =	wrdreg s4  }
0xaa: {  	[dreg:$0x4] =	wrdreg $0xC0  }
0xab: {  	_ =	task [dreg:s6], $0x5FFFF  }
0xac: {  	[dreg:$0x1] =	wrdreg $0xFFFFFFFF  }
0xad: {  	[dreg:$0x0] =	wrdreg $0x60  }
0xae: {  	[dreg:$0x2] =	wrdreg s24  }
0xaf: {  	[dreg:$0x3] =	wrdreg $0x0  }
0xb0: {  	[dreg:$0x4] =	wrdreg $0x9  }
0xb1: {  	_ =	task.clear_ibuf [dreg:s6], $0x5FFFF;
	_ =	strace $0x90000046  }
0xb2: {  	s29 =	simm.s32 $0x9;
	_ =	strace $0x80000048  }
0xb3: {  	_ =	swait.ge [sflag:s29], $0x1  }
0xb4: {  	[sflag:s29] =	ssyncadd.s32 $0xFFFFFFFF  }
0xb5: {  	_ =	strace $0x90000048  }
0xb6: {  	_ =	sfence  }
0xb7: {  	s30 =	sld [smem:$0x0];
	_ =	sdelay $0x2  }
0xb8: {  	s31 =	sshll.u32 s1, $0xD;
	s1 =	sshrl.u32 s1, $0x2  }
0xb9: {  	s3 =	sand.u32 $0x4000, s31;
	s1 =	sadd.s32 s1, s30  }
0xba: {  	s0 =	sor.u32 s3, s0;
	s1 =	sshll.u32 s1, $0x11  }
0xbb: {  	s0 =	sor.u32 s1, s0  }
0xbc: {  	s0 =	sadd.s32 $0x8F2B, s0  }
0xbd: {  	[sflag:s0] =	ssyncadd.remote.s32 $0x1  }
0xbe: {  	_ =	sfence.sel $0xFFFF  }
0xbf: {  	[dreg:$0x0] =	wrdreg $0xFFFFFFFF;
	(pc) =	sbr.abs _section_cstart, $3  }
0xc0: {  	[dreg:$0x1] =	wrdreg $0xFFFFFFFF  }
0xc1: {  	_ =	task.clear_ibuf [dreg:s6], $0x2FFFF;
	_ =	strace $0x9FFFFFFF  }
0xc2: {  	(tm) =	ssettm $0x7FFFFFFF  }
0xc3: {  	_ =	shalt  }
tec
execute0_lowered:
.L_overlay_start_1:
0x0: {  	(tag) =	ssettag $0x1  }
0x1: {  	s0 =	srdreg.scid;
	s4 =	rddreg [dreg:$0x0]  }
0x2: {  	s5 =	rddreg [dreg:$0x1];
	s2 =	simm.s32 $0x0;
	s11 =	simm.s32 $0x80  }
0x3: {  	s12 =	simm.s32 $0x400;
	s13 =	simm.s32 $0x1400;
	s14 =	simm.s32 $0x14000  }
0x4: {  	s15 =	simm.s32 $0x7A00;
	s16 =	simm.s32 $0x100;
	s17 =	simm.s32 $0xA200  }
0x5: {  	s3 =	sand.u32 $0x1, s0;
	s0 =	stileid.u32;
	[smem:$0x7FF] =	sst s2  }
0x6: {  	s1 =	sshll.u32 s3, $0x4;
	s7 =	smul.u32 $0x500, s0;
	s8 =	sshll.u32 s3, $0x7  }
0x7: {  	s26 =	sshrl.u32 s0, $0x3;
	s3 =	ssub.s32 $0x2, s3;
	s9 =	smul.u32 $0x5000, s0  }
0x8: {  	s29 =	sshll.u32 s0, $0x7;
	s6 =	sor.u32 s0, s1;
	s1 =	rddreg [dreg:$0x2]  }
0x9: {  	_ =	strace $0x80000047;
	s28 =	sshrl.u32 s3, $0x1;
	s6 =	smul.u32 $0x540, s6  }
0xa: {  	s31 =	sand.u32 $0x380, s29;
	s7 =	sor.u32 s8, s7;
	s8 =	smul.u32 $0x50000, s26  }
0xb: {  	s10 =	ssub.s32 s3, s28;
	s9 =	sshrl.u32 s9, $0x2;
	s7 =	sshrl.u32 s7, $0x3  }
0xc: {  	s6 =	sadd.s32 s6, s4;
	s7 =	sadd.s32 s7, s4;
	s30 =	sshrl.u32 s8, $0x2  }
0xd: {  	s8 =	simm.s32 $0x5000;
	s4 =	sadd.s32 s30, s5;
	s3 =	sadd.s32 $0x3800, s6  }
0xe: {  	s5 =	sadd.s32 s9, s5;
	s6 =	sadd.s32 $0xE000, s7;
	s7 =	smax.u32 s10, $0x1  }
0xf: {  	v0 =	vimm.f32 $0.0e+00;
	v1 =	vimm.f32 $1.000000000e+00;
	s9 =	simm.s32 $0x1;
	s10 =	simm.s32 $0x2800;
	s4 =	sadd.s32 s31, s4  }
.LBB2_1:
0x10: {  	s18 =	simm.s32 $0x40;
	s19 =	simm.s32 $0x0  }
.LBB2_2:
0x11: {  	p0 =	sne.s32 s18, $0x9FC0;
	[tilespmem:s19+$0x2800] =	vst v0;
	s19 =	smov.u32 s18;
	s18 =	sadd.s32 $0x40, s18  }
.Ltmp0:
0x12: {  	(pc) =	sbr.rel @p0 .LBB2_2-.Ltmp0, $2  }
0x13: {  	_ =	sdelay $0x2  }
0x14: {  	s19 =	sshra.s32 s19, $0x2  }
0x15: {  	[tilespmem:s19+$0x2800] =	vst v0;
	s18 =	simm.s32 $0x0  }
0x16: {  	[tilespmem:s8], [sflag:$0x1] =	stream.linear.gather [hbm4b:s3+s18], $0x2A00, $0x38;
	[tilespmem:$0xA480] =	vst v63  }
0x17: {  	_ =	swait.ge [sflag:s9], $0x2A00  }
0x18: {  	[sflag:s9] =	ssyncset.done $0x0  }
0x19: {  	s19 =	simm.s32 $0x0;
	s18 =	simm.s32 $0x40;
	[sflag:s9] =	ssyncadd.s32 $0xFFFFD600  }
.LBB2_4:
0x1a: {  	p0 =	sne.s32 s18, $0xA7C0;
	v2 =	vld [tilespmem:s19+$0x5000];
	_ =	sdelay $0x3  }
.Ltmp1:
0x1b: {  	(pc) =	sbr.rel @p0 .LBB2_4-.Ltmp1, $2  }
0x1c: {  	_ =	sdelay $0x2  }
0x1d: {  	s19 =	sshra.s32 s18, $0x2;
	s18 =	sadd.s32 $0x40, s18;
	[tilespmem:v2+s10+$0x0] =	vst.idx.add.f32.msk $0xffff, v1  }
0x1e: {  	v2 =	vld [tilespmem:s19+$0x5000];
	_ =	sdelay $0x7  }
0x1f: {  	[tilespmem:v2+s10+$0x0] =	vst.idx.add.f32.msk $0xffff, v1  }
0x20: {  	[spmem:s4] =	stream.strided.scatter [tilespmem:s10], [sflag:$0x1], $0x2800, s12, s11, $0x38;
	[tilespmem:$0xA480] =	vst v63  }
0x21: {  	_ =	swait.ge [sflag:s9], $0x2800  }
0x22: {  	[sflag:s9] =	ssyncset.done $0x0  }
0x23: {  	[sflag:s9] =	ssyncadd.s32 $0xFFFFD800  }
0x24: {  	[bflag:$0x0] =	sbarrier.arrive $0xFFFF  }
0x25: {  	[tilespmem:s15], [sflag:$0x1] =	stream.strided.gather [spmem:s5], $0x2800, s14, s13, $0x38;
	[tilespmem:$0xA480] =	vst v63  }
0x26: {  	s18 =	simm.s32 $0x0;
	_ =	swait.ge [sflag:s9], $0x2800  }
0x27: {  	s31 =	sand.u32 $0x70, s18;
	s18 =	sand.u32 $0x1C00, s18;
	[sflag:s9] =	ssyncset.done $0x0  }
0x28: {  	s18 =	sor.u32 s31, s18;
	[sflag:s9] =	ssyncadd.s32 $0xFFFFD800  }
0x29: {  	v2 =	vld [tilespmem:s18+$0x7A00];
	_ =	sdelay $0x1  }
0x2a: {  	v3 =	vld [tilespmem:s18+$0x7A80];
	_ =	sdelay $0x1  }
0x2b: {  	v4 =	vld [tilespmem:s18+$0x7B00]  }
0x2c: {  	v2 =	vadd.f32 $0.0e+00, v2  }
0x2d: {  	v5 =	vld [tilespmem:s18+$0x7B80]  }
0x2e: {  	v2 =	vadd.f32 v3, v2  }
0x2f: {  	v3 =	vld [tilespmem:s18+$0x7C00]  }
0x30: {  	v2 =	vadd.f32 v4, v2  }
0x31: {  	v56 =	vld [tilespmem:s18+$0x7C80]  }
0x32: {  	v2 =	vadd.f32 v5, v2  }
0x33: {  	v57 =	vld [tilespmem:s18+$0x7D00]  }
0x34: {  	v2 =	vadd.f32 v3, v2  }
0x35: {  	v3 =	vld [tilespmem:s18+$0x7D80]  }
0x36: {  	v2 =	vadd.f32 v56, v2  }
0x37: {  	v58 =	vld [tilespmem:s18+$0x8E00]  }
0x38: {  	v2 =	vadd.f32 v57, v2  }
0x39: {  	v59 =	vld [tilespmem:s18+$0x8E80]  }
0x3a: {  	v2 =	vadd.f32 v3, v2  }
0x3b: {  	v3 =	vld [tilespmem:s18+$0x8F00]  }
0x3c: {  	v2 =	vadd.f32 v58, v2  }
0x3d: {  	v60 =	vld [tilespmem:s18+$0x8F80]  }
0x3e: {  	v2 =	vadd.f32 v59, v2  }
0x3f: {  	v61 =	vld [tilespmem:s18+$0x9000]  }
0x40: {  	v2 =	vadd.f32 v3, v2  }
0x41: {  	v3 =	vld [tilespmem:s18+$0x9080]  }
0x42: {  	v2 =	vadd.f32 v60, v2  }
0x43: {  	v62 =	vld [tilespmem:s18+$0x9100]  }
0x44: {  	v2 =	vadd.f32 v61, v2  }
0x45: {  	v63 =	vld [tilespmem:s18+$0x9180]  }
0x46: {  	v2 =	vadd.f32 v3, v2;
	_ =	sdelay $0x1  }
0x47: {  	v2 =	vadd.f32 v62, v2  }
0x48: {  	s20 =	simm.s32 $0x10  }
0x49: {  	s19 =	simm.s32 $0x80;
	s21 =	sand.u32 $0x70, s20;
	v2 =	vadd.f32 v63, v2  }
0x4a: {  	s22 =	sand.u32 $0x1C00, s19;
	s20 =	simm.s32 $0x20;
	s18 =	simm.s32 $0xA200  }
.LBB2_6:
0x4b: {  	p0 =	sne.s32 s20, $0x270;
	s21 =	sor.u32 s21, s22;
	[tilespmem:s18+$0x0] =	vst v2  }
0x4c: {  	v2 =	vld [tilespmem:s21+$0x7A00];
	_ =	sdelay $0x1  }
0x4d: {  	v3 =	vld [tilespmem:s21+$0x7A80];
	_ =	sdelay $0x1  }
0x4e: {  	v4 =	vld [tilespmem:s21+$0x7B00]  }
0x4f: {  	v2 =	vadd.f32 $0.0e+00, v2  }
0x50: {  	v5 =	vld [tilespmem:s21+$0x7B80]  }
0x51: {  	v2 =	vadd.f32 v3, v2  }
0x52: {  	v3 =	vld [tilespmem:s21+$0x7C00]  }
0x53: {  	v2 =	vadd.f32 v4, v2  }
0x54: {  	v4 =	vld [tilespmem:s21+$0x7C80]  }
0x55: {  	v2 =	vadd.f32 v5, v2  }
0x56: {  	v5 =	vld [tilespmem:s21+$0x7D00]  }
0x57: {  	v2 =	vadd.f32 v3, v2  }
0x58: {  	v3 =	vld [tilespmem:s21+$0x7D80]  }
0x59: {  	v2 =	vadd.f32 v4, v2  }
0x5a: {  	v4 =	vld [tilespmem:s21+$0x8E00]  }
0x5b: {  	v2 =	vadd.f32 v5, v2  }
0x5c: {  	v5 =	vld [tilespmem:s21+$0x8E80]  }
0x5d: {  	v2 =	vadd.f32 v3, v2  }
0x5e: {  	v3 =	vld [tilespmem:s21+$0x8F00]  }
0x5f: {  	v2 =	vadd.f32 v4, v2  }
0x60: {  	v4 =	vld [tilespmem:s21+$0x8F80]  }
0x61: {  	v2 =	vadd.f32 v5, v2  }
0x62: {  	v5 =	vld [tilespmem:s21+$0x9000]  }
0x63: {  	v2 =	vadd.f32 v3, v2  }
0x64: {  	v3 =	vld [tilespmem:s21+$0x9080]  }
0x65: {  	v2 =	vadd.f32 v4, v2  }
0x66: {  	v4 =	vld [tilespmem:s21+$0x9100]  }
0x67: {  	v2 =	vadd.f32 v5, v2  }
0x68: {  	v5 =	vld [tilespmem:s21+$0x9180]  }
0x69: {  	v2 =	vadd.f32 v3, v2  }
.Ltmp2:
0x6a: {  	(pc) =	sbr.rel @p0 .LBB2_6-.Ltmp2, $3  }
0x6b: {  	v2 =	vadd.f32 v4, v2;
	_ =	sdelay $0x1  }
0x6c: {  	s19 =	sadd.s32 $0x80, s19;
	s18 =	sadd.s32 $0x10, s18;
	v2 =	vadd.f32 v5, v2  }
0x6d: {  	s22 =	sand.u32 $0x1C00, s19;
	s21 =	sand.u32 $0x70, s20;
	s20 =	sadd.s32 $0x10, s20  }
0x6e: {  	s19 =	sor.u32 s21, s22;
	[tilespmem:s18+$0x0] =	vst v2  }
0x6f: {  	v2 =	vld [tilespmem:s19+$0x7A00];
	_ =	sdelay $0x1  }
0x70: {  	v3 =	vld [tilespmem:s19+$0x7A80];
	_ =	sdelay $0x1  }
0x71: {  	v4 =	vld [tilespmem:s19+$0x7B00]  }
0x72: {  	v2 =	vadd.f32 $0.0e+00, v2  }
0x73: {  	v5 =	vld [tilespmem:s19+$0x7B80]  }
0x74: {  	v2 =	vadd.f32 v3, v2  }
0x75: {  	v3 =	vld [tilespmem:s19+$0x7C00]  }
0x76: {  	v2 =	vadd.f32 v4, v2  }
0x77: {  	v56 =	vld [tilespmem:s19+$0x7C80]  }
0x78: {  	v2 =	vadd.f32 v5, v2  }
0x79: {  	v57 =	vld [tilespmem:s19+$0x7D00]  }
0x7a: {  	v2 =	vadd.f32 v3, v2  }
0x7b: {  	v3 =	vld [tilespmem:s19+$0x7D80]  }
0x7c: {  	v2 =	vadd.f32 v56, v2  }
0x7d: {  	v58 =	vld [tilespmem:s19+$0x8E00]  }
0x7e: {  	v2 =	vadd.f32 v57, v2  }
0x7f: {  	v59 =	vld [tilespmem:s19+$0x8E80]  }
0x80: {  	v2 =	vadd.f32 v3, v2  }
0x81: {  	v3 =	vld [tilespmem:s19+$0x8F00]  }
0x82: {  	v2 =	vadd.f32 v58, v2  }
0x83: {  	v60 =	vld [tilespmem:s19+$0x8F80]  }
0x84: {  	v2 =	vadd.f32 v59, v2  }
0x85: {  	v61 =	vld [tilespmem:s19+$0x9000]  }
0x86: {  	v2 =	vadd.f32 v3, v2  }
0x87: {  	v3 =	vld [tilespmem:s19+$0x9080]  }
0x88: {  	v2 =	vadd.f32 v60, v2  }
0x89: {  	v62 =	vld [tilespmem:s19+$0x9100]  }
0x8a: {  	v2 =	vadd.f32 v61, v2  }
0x8b: {  	v63 =	vld [tilespmem:s19+$0x9180]  }
0x8c: {  	v2 =	vadd.f32 v3, v2;
	_ =	sdelay $0x1  }
0x8d: {  	v2 =	vadd.f32 v62, v2;
	_ =	sdelay $0x1  }
0x8e: {  	s2 =	sadd.s32 $0x1, s2;
	v2 =	vadd.f32 v63, v2  }
0x8f: {  	s31 =	sadd.s32 $0x10, s18;
	p0 =	sne.s32 s2, s7  }
.Ltmp3:
0x90: {  	[tilespmem:s31+$0x0] =	vst v2;
	(pc) =	sbr.rel @p0 .LBB2_1-.Ltmp3, $4  }
0x91: {  	[hbm4b:s6+s11] =	stream.strided.scatter [tilespmem:s17], [sflag:$0x1], $0x280, s16, s11, $0x38;
	[tilespmem:$0xA480] =	vst v63  }
0x92: {  	_ =	swait.ge [sflag:s9], $0x280  }
0x93: {  	[sflag:s9] =	ssyncset.done $0x0  }
0x94: {  	[sflag:s9] =	ssyncadd.s32 $0xFFFFFD80  }
0x95: {  	_ =	sfence.sel $0x180000  }
0x96: {  	[bflag:$0x0] =	sbarrier.arrive $0xFFFF  }
0x97: {  	p0 =	sne.s32 s0, $0x0;
	_ =	strace $0x90000047  }
0x98: {  	s0 =	sadd.s32 @!p0 $0x100000, s1;
	[bflag:$0x2] =	sbarrier.arrive $0xFFFF  }
0x99: {  	[sflag:s0] =	ssyncadd.tile.s32 @!p0 $0x1;
	_ =	shalt  }
.Lfunc_end2:
_tile_overlayer_lowered:
.L_overlay_start_2:
0x9a: {  	(tag) =	ssettag $0x2  }
0x9b: {  	s0 =	rddreg [dreg:$0x0];
	s2 =	stileid.u32  }
0x9c: {  	s1 =	rddreg [dreg:$0x1];
	p0 =	sne.s32 s2, $0x0  }
0x9d: {  	s3 =	rddreg [dreg:$0x2];
	[bflag:$0x3] =	sbarrier.arrive $0xFFFF;
	s2 =	simm.s32 @!p0 $0x1C01  }
0x9e: {  	[timem:s3], [sflag:s2] =	dma.local @!p0 [hbm:s0], s1  }
0x9f: {  	s0 =	simm.s32 @!p0 $0x1  }
0xa0: {  	_ =	swait.ge @!p0 [sflag:s0], s1  }
0xa1: {  	s1 =	ssub.s32 @!p0 $0x0, s1;
	[sflag:s0] =	ssyncset.done @!p0 $0x0  }
0xa2: {  	[sflag:s0] =	ssyncadd.s32 @!p0 s1  }
0xa3: {  	[bflag:$0x3] =	sbarrier.arrive $0xFFFF  }
0xa4: {  	_ =	shalt  }

</sc_bundles>
